<compile_context>
chip_gen: v7x
topology: tpu7x:2x2x1
jax: 0.10.2.dev20260603
libtpu: 0.0.44.dev20260713+nightly
codegen_flags: <defaults>
</compile_context>

<pallas_src>
import functools

import jax
import jax.numpy as jnp
from jax import lax
from jax.experimental import pallas as pl
from jax.experimental.pallas import tpu as pltpu
from jax.experimental.pallas import tpu_sc as plsc

VOCAB = 1000000
EMB = 32
BATCH = 16384
NC, NS = 2, 16
NW = NC * NS
VPW = 32768
SLAB = 1024
ROUNDS = -(-VPW // SLAB)
CLAMP = 999040
RING = 6
OUTR = BATCH + 16
SENT = 1 << 20


def _popcnt(msk):
    return plsc.all_reduce_population_count(msk)[0]


def _gather_body(uid_hbm, mid_hbm, utab_hbm, mtab_hbm, uout_hbm, mout_hbm,
                 ids_v, mypos_v, pos_v, slab0_v, slab1_v, stag_v, idxr_v,
                 sems, ssems):
    wid = lax.axis_index("s") * NC + lax.axis_index("c")
    lanes = lax.iota(jnp.int32, 16)
    zero16 = jnp.zeros((16,), jnp.float32)

    def zbody(i, c):
        stag_v[i >> 7, (i >> 3) & 15, pl.ds((i & 7) * 16, 16)] = zero16
        return c

    lax.fori_loop(0, RING * 16 * 8, zbody, 0)
    lo = wid * VPW

    for ids_hbm, tab_hbm, out_hbm in ((uid_hbm, utab_hbm, uout_hbm),
                                      (mid_hbm, mtab_hbm, mout_hbm)):
        pltpu.sync_copy(ids_hbm, ids_v.at[pl.ds(0, BATCH)])
        ids_v[pl.ds(BATCH, 16)] = jnp.full((16,), SENT, jnp.int32)

        def prefilter(c, cnt):
            r = ids_v[pl.ds(c * 16, 16)]
            msk = (r >= lo) & (r < lo + VPW)
            plsc.store_compressed(mypos_v.at[pl.ds(cnt, 16)], lanes + c * 16, mask=msk)
            return cnt + _popcnt(msk)

        mycnt = lax.fori_loop(0, BATCH // 16, prefilter, 0)
        mypos_v[pl.ds(mycnt, 16)] = jnp.full((16,), BATCH, jnp.int32)

        cini = pl.multiple_of(jnp.minimum(lo, CLAMP), 128)
        pltpu.async_copy(tab_hbm.at[:, pl.ds(cini, SLAB)], slab0_v,
                         ssems.at[0])

        def do_round(rd, fired, slab_v, nxt_v, sidx):
            c0 = pl.multiple_of(jnp.minimum(lo + rd * SLAB, CLAMP), 128)
            pltpu.make_async_copy(tab_hbm.at[:, pl.ds(0, SLAB)],
                                  slab_v, ssems.at[sidx]).wait()

            @pl.when(rd + 1 < ROUNDS)
            def _():
                cn = pl.multiple_of(
                    jnp.minimum(lo + (rd + 1) * SLAB, CLAMP), 128)
                pltpu.async_copy(tab_hbm.at[:, pl.ds(cn, SLAB)],
                                 nxt_v, ssems.at[1 - sidx])

            def scan(c, cnt):
                pos16 = mypos_v[pl.ds(c * 16, 16)]
                ids16 = plsc.load_gather(ids_v, [pos16])
                msk = (ids16 >= c0) & (ids16 < c0 + SLAB)
                plsc.store_compressed(pos_v.at[pl.ds(cnt, 16)], pos16, mask=msk)
                return cnt + _popcnt(msk)

            mcnt = lax.fori_loop(0, (mycnt + 15) >> 4, scan, 0)
            pos_v[pl.ds(mcnt, 16)] = jnp.full((16,), BATCH, jnp.int32)

            def grp(g, fired2):
                slot = fired2 % RING

                @pl.when(fired2 >= RING)
                def _():
                    pltpu.make_async_copy(
                        stag_v.at[slot], out_hbm.at[idxr_v.at[slot]],
                        sems.at[slot]).wait()

                pos16 = pos_v[pl.ds(g * 16, 16)]
                ids16 = plsc.load_gather(ids_v, [pos16])
                loc = jnp.clip(ids16 - c0, 0, SLAB - 1)
                slotv = jnp.full((16,), slot, jnp.int32)
                for k in range(EMB):
                    kv = jnp.full((16,), k, jnp.int32)
                    vals = plsc.load_gather(slab_v, [kv, loc])
                    plsc.store_scatter(stag_v, [slotv, lanes, kv], vals)
                idxr_v[slot] = pos16
                pltpu.async_copy(stag_v.at[slot], out_hbm.at[idxr_v.at[slot]],
                                 sems.at[slot])
                return fired2 + 1

            return lax.fori_loop(0, (mcnt + 15) >> 4, grp, fired)

        def pair_body(p, fired):
            fired = do_round(2 * p, fired, slab0_v, slab1_v, 0)
            fired = do_round(2 * p + 1, fired, slab1_v, slab0_v, 1)
            return fired

        fired = lax.fori_loop(0, ROUNDS // 2, pair_body, 0)

        def drain(i, c):
            pltpu.make_async_copy(stag_v.at[i], out_hbm.at[idxr_v.at[i]],
                                  sems.at[i]).wait()
            return c

        lax.fori_loop(0, jnp.minimum(fired, RING), drain, 0)


_gather = functools.partial(
    pl.kernel,
    out_type=(jax.ShapeDtypeStruct((OUTR, 128), jnp.float32),
              jax.ShapeDtypeStruct((OUTR, 128), jnp.float32)),
    mesh=plsc.VectorSubcoreMesh(core_axis_name="c", subcore_axis_name="s"),
    scratch_types=[
        pltpu.VMEM((BATCH + 16,), jnp.int32),
        pltpu.VMEM((BATCH + 16,), jnp.int32),
        pltpu.VMEM((BATCH + 16,), jnp.int32),
        pltpu.VMEM((EMB, SLAB), jnp.float32),
        pltpu.VMEM((EMB, SLAB), jnp.float32),
        pltpu.VMEM((RING, 16, 128), jnp.float32),
        pltpu.VMEM((RING, 16), jnp.int32),
        pltpu.SemaphoreType.DMA((RING,)),
        pltpu.SemaphoreType.DMA((2,)),
    ],
    compiler_params=pltpu.CompilerParams(needs_layout_passes=False,
                                         disable_bounds_checks=True),
)(_gather_body)


ROWS = 2048


def _mlp_body(u_ref, m_ref, w1u_ref, w1m_ref, b1_ref, w2_ref, b2_ref,
              w3_ref, b3_ref, o_ref):
    h1 = jnp.dot(u_ref[...], w1u_ref[...], preferred_element_type=jnp.float32)
    h1 = h1 + jnp.dot(m_ref[...], w1m_ref[...], preferred_element_type=jnp.float32)
    h1 = jnp.maximum(h1 + b1_ref[...], 0.0)
    h2 = jnp.maximum(
        jnp.dot(h1, w2_ref[...], preferred_element_type=jnp.float32) + b2_ref[...],
        0.0)
    o_ref[...] = (jnp.dot(h2, w3_ref[...], preferred_element_type=jnp.float32)
                  + b3_ref[...])


def _mlp(u_pad, m_pad, w1u, w1m, b1r, w2, b2r, w3, b3r):
    full = lambda s: pl.BlockSpec(s, lambda i: (0, 0))
    return pl.pallas_call(
        _mlp_body,
        grid=(BATCH // ROWS,),
        in_specs=[
            pl.BlockSpec((ROWS, 128), lambda i: (i, 0)),
            pl.BlockSpec((ROWS, 128), lambda i: (i, 0)),
            full(w1u.shape), full(w1m.shape), full(b1r.shape),
            full(w2.shape), full(b2r.shape), full(w3.shape), full(b3r.shape),
        ],
        out_specs=pl.BlockSpec((ROWS, 1), lambda i: (i, 0)),
        out_shape=jax.ShapeDtypeStruct((BATCH, 1), jnp.float32),
    )(u_pad, m_pad, w1u, w1m, b1r, w2, b2r, w3, b3r)


def kernel(user_id, movie_title, user_table, movie_table, W1, b1, W2, b2, W3, b3):
    uid = jnp.reshape(user_id, (BATCH,)).astype(jnp.int32)
    mid = jnp.reshape(movie_title, (BATCH,)).astype(jnp.int32)
    u_pad, m_pad = _gather(uid, mid, user_table.T, movie_table.T)
    w1u = jnp.pad(W1[:EMB], ((0, 128 - EMB), (0, 0)))
    w1m = jnp.pad(W1[EMB:], ((0, 128 - EMB), (0, 0)))
    return _mlp(u_pad, m_pad, w1u, w1m, b1.reshape(1, -1),
                W2, b2.reshape(1, -1), W3, b3.reshape(1, -1))

# --- scband reference (transcript-rebuilt; emitter-appended) ---
"""Pipeline reference for scband-ranking-model-52853867544633 (READ-ONLY COPY).

The authoritative reference and input builder live on the scoring server;
editing this copy changes nothing except your own understanding.
"""

import jax, jax.numpy as jnp
import numpy as np

VOCAB = 1000000
EMB = 32
BATCH = 16384

def setup_inputs(seed: int = 0) -> dict:
    key = jax.random.key(seed)
    ks = jax.random.split(key, 10)
    user_id = jax.random.randint(ks[0], (BATCH,), 0, VOCAB)
    movie_title = jax.random.randint(ks[1], (BATCH,), 0, VOCAB)
    user_table = jax.random.normal(ks[2], (VOCAB, EMB), dtype=jnp.float32) * 0.05
    movie_table = jax.random.normal(ks[3], (VOCAB, EMB), dtype=jnp.float32) * 0.05
    W1 = jax.random.normal(ks[4], (2 * EMB, 256), dtype=jnp.float32) * (1.0 / np.sqrt(2 * EMB))
    b1 = jnp.zeros((256,), dtype=jnp.float32)
    W2 = jax.random.normal(ks[5], (256, 64), dtype=jnp.float32) * (1.0 / np.sqrt(256))
    b2 = jnp.zeros((64,), dtype=jnp.float32)
    W3 = jax.random.normal(ks[6], (64, 1), dtype=jnp.float32) * (1.0 / np.sqrt(64))
    b3 = jnp.zeros((1,), dtype=jnp.float32)
    return {"user_id": user_id, "movie_title": movie_title,
            "user_table": user_table, "movie_table": movie_table,
            "W1": W1, "b1": b1, "W2": W2, "b2": b2, "W3": W3, "b3": b3}

def reference(user_id, movie_title, user_table, movie_table, W1, b1, W2, b2, W3, b3):
    user_id = jnp.reshape(user_id, (-1,))
    movie_title = jnp.reshape(movie_title, (-1,))
    user_embedding = jnp.take(user_table, user_id, axis=0)
    movie_embedding = jnp.take(movie_table, movie_title, axis=0)
    emb_vec = jnp.concatenate([user_embedding, movie_embedding], axis=1)
    h = jax.nn.relu(emb_vec @ W1 + b1)
    h = jax.nn.relu(h @ W2 + b2)
    out = h @ W3 + b3
    return out

if __name__ == "__main__":
    import jax
    _d = setup_inputs()
    print(jax.jit(kernel)(*tuple(_d.values())))

</pallas_src>

<mosaic_0001>
#map = affine_map<(d0, d1) -> (0)>
#map1 = affine_map<(d0, d1) -> (0, 0)>
module attributes {stable_mosaic.version = 14 : i64} {
  func.func @_gather_body(%arg0: i32, %arg1: i32, %arg2: memref<16384xi32, #tpu.memory_space<hbm>>, %arg3: memref<16384xi32, #tpu.memory_space<hbm>>, %arg4: memref<32x1000000xf32, #tpu.memory_space<hbm>>, %arg5: memref<32x1000000xf32, #tpu.memory_space<hbm>>, %arg6: memref<16400x128xf32, #tpu.memory_space<hbm>>, %arg7: memref<16400x128xf32, #tpu.memory_space<hbm>>, %arg8: memref<16400xi32, #tpu.memory_space<vmem>>, %arg9: memref<16400xi32, #tpu.memory_space<vmem>>, %arg10: memref<16400xi32, #tpu.memory_space<vmem>>, %arg11: memref<32x1024xf32, #tpu.memory_space<vmem>>, %arg12: memref<32x1024xf32, #tpu.memory_space<vmem>>, %arg13: memref<6x16x128xf32, #tpu.memory_space<vmem>>, %arg14: memref<6x16xi32, #tpu.memory_space<vmem>>, %arg15: memref<6x!tpu.dma_semaphore, #tpu.memory_space<semaphore_mem>>, %arg16: memref<2x!tpu.dma_semaphore, #tpu.memory_space<semaphore_mem>>) attributes {dimension_semantics = [#tpu.dimension_semantics<core_parallel>, #tpu.dimension_semantics<subcore_parallel>], iteration_bounds = array<i64: 2, 16>, scalar_prefetch = 0 : i64, scratch_operands = 9 : i64, tpu.core_type = #tpu.core_type<sc_vector_subcore>, window_params = [{transform_indices = #map}, {transform_indices = #map}, {transform_indices = #map1}, {transform_indices = #map1}, {transform_indices = #map1}, {transform_indices = #map1}]} {
    %mul3A = arith.constant 2 : i32
    %mul3A_0 = arith.muli %arg1, %mul3A : i32
    %add3A = arith.addi %mul3A_0, %arg0 : i32
    %iota3A = tpu.iota {dimensions = array<i32: 0>} : vector<16xi32>
    %broadcast_in_dim3A = arith.constant 0.000000e+00 : f32
    %broadcast_in_dim3A_1 = vector.broadcast %broadcast_in_dim3A : f32 to vector<16xf32>
    %scan3A = arith.constant 0 : i32
    %scan3A_2 = arith.constant 0 : i32
    %scan3A_3 = arith.constant 768 : i32
    %scan3A_4 = arith.addi %scan3A_2, %scan3A_3 : i32
    %scan3A_5 = arith.constant 1 : i32
    scf.for %scan3A_92 = %scan3A_2 to %scan3A_4 step %scan3A_5  : i32 {
      %shift_right_arithmetic3A = arith.constant 7 : i32
      %shift_right_arithmetic3A_93 = arith.shrsi %scan3A_92, %shift_right_arithmetic3A : i32
      %shift_right_arithmetic3A_94 = arith.constant 3 : i32
      %shift_right_arithmetic3A_95 = arith.shrsi %scan3A_92, %shift_right_arithmetic3A_94 : i32
      %and3A = arith.constant 15 : i32
      %and3A_96 = arith.andi %shift_right_arithmetic3A_95, %and3A : i32
      %and3A_97 = arith.constant 7 : i32
      %and3A_98 = arith.andi %scan3A_92, %and3A_97 : i32
      %mul3A_99 = arith.constant 16 : i32
      %mul3A_100 = arith.muli %and3A_98, %mul3A_99 : i32
      %swap3A_101 = arith.index_cast %shift_right_arithmetic3A_93 : i32 to index
      %swap3A_102 = arith.index_cast %and3A_96 : i32 to index
      %swap3A_103 = arith.index_cast %mul3A_100 : i32 to index
      %swap3A_104 = tpu.vector_load %arg13[%swap3A_101, %swap3A_102, %swap3A_103] {strides = array<i32>} : memref<6x16x128xf32, #tpu.memory_space<vmem>>, vector<16xf32>,
      tpu.vector_store %arg13[%swap3A_101, %swap3A_102, %swap3A_103], %broadcast_in_dim3A_1 {strides = array<i32>} : memref<6x16x128xf32, #tpu.memory_space<vmem>>, vector<16xf32>,
    }
    %scan3A_6 = arith.constant 768 : i32
    %mul3A_7 = arith.constant 32768 : i32
    %mul3A_8 = arith.muli %add3A, %mul3A_7 : i32
    "tpu.region"() ({
      %run_scoped3A = tpu.sem_alloc : memref<!tpu.dma_semaphore, #tpu.memory_space<semaphore_mem>>
      %dma_start3A_92 = arith.constant 0 : i32
      %dma_start3A_93 = tpu.memref_slice %arg8[%dma_start3A_92] : memref<16400xi32, #tpu.memory_space<vmem>> -> memref<16384xi32, #tpu.memory_space<vmem>>
      %dma_start3A_94 = arith.constant 0 : i32
      %dma_start3A_95 = tpu.memref_slice %arg8[%dma_start3A_94] : memref<16400xi32, #tpu.memory_space<vmem>> -> memref<16384xi32, #tpu.memory_space<vmem>>
      tpu.enqueue_dma source(%arg2 : memref<16384xi32, #tpu.memory_space<hbm>>) target(%dma_start3A_95 : memref<16384xi32, #tpu.memory_space<vmem>>) target_semaphore(%run_scoped3A : memref<!tpu.dma_semaphore, #tpu.memory_space<semaphore_mem>>)
      %dma_wait3A = arith.constant 0 : i32
      %dma_wait3A_96 = tpu.memref_slice %arg8[%dma_wait3A] : memref<16400xi32, #tpu.memory_space<vmem>> -> memref<16384xi32, #tpu.memory_space<vmem>>
      %dma_wait3A_97 = arith.constant 0 : i32
      %dma_wait3A_98 = tpu.memref_slice %arg8[%dma_wait3A_97] : memref<16400xi32, #tpu.memory_space<vmem>> -> memref<16384xi32, #tpu.memory_space<vmem>>
      tpu.wait_dma2 semaphore(%run_scoped3A : memref<!tpu.dma_semaphore, #tpu.memory_space<semaphore_mem>>) src(%arg2 : memref<16384xi32, #tpu.memory_space<hbm>>) dst(%dma_wait3A_98 : memref<16384xi32, #tpu.memory_space<vmem>>)
      tpu.yield
    }) : () -> ()
    %broadcast_in_dim3A_9 = arith.constant 1048576 : i32
    %broadcast_in_dim3A_10 = vector.broadcast %broadcast_in_dim3A_9 : i32 to vector<16xi32>
    %swap3A = arith.constant 16384 : index
    %swap3A_11 = tpu.vector_load %arg8[%swap3A] {strides = array<i32>} : memref<16400xi32, #tpu.memory_space<vmem>>, vector<16xi32>,
    tpu.vector_store %arg8[%swap3A], %broadcast_in_dim3A_10 {strides = array<i32>} : memref<16400xi32, #tpu.memory_space<vmem>>, vector<16xi32>,
    %scan3A_12 = arith.constant 0 : i32
    %scan3A_13 = arith.constant 0 : i32
    %scan3A_14 = arith.constant 1024 : i32
    %scan3A_15 = arith.addi %scan3A_13, %scan3A_14 : i32
    %scan3A_16 = arith.constant 1 : i32
    %scan3A_17 = scf.for %scan3A_92 = %scan3A_13 to %scan3A_15 step %scan3A_16 iter_args(%scan3A_93 = %scan3A_12) -> (i32)  : i32 {
      %mul3A_94 = arith.constant 16 : i32
      %mul3A_95 = arith.muli %scan3A_92, %mul3A_94 : i32
      %get3A = arith.index_cast %mul3A_95 : i32 to index
      %get3A_96 = tpu.vector_load %arg8[%get3A] {strides = array<i32>} : memref<16400xi32, #tpu.memory_space<vmem>>, vector<16xi32>,
      %ge3A = vector.broadcast %mul3A_8 : i32 to vector<16xi32>
      %ge3A_97 = arith.cmpi sge, %get3A_96, %ge3A : vector<16xi32>
      %add3A_98 = arith.constant 32768 : i32
      %add3A_99 = arith.addi %mul3A_8, %add3A_98 : i32
      %lt3A = vector.broadcast %add3A_99 : i32 to vector<16xi32>
      %lt3A_100 = arith.cmpi slt, %get3A_96, %lt3A : vector<16xi32>
      %and3A = arith.andi %ge3A_97, %lt3A_100 : vector<16xi1>
      %mul3A_101 = arith.constant 16 : i32
      %mul3A_102 = arith.muli %scan3A_92, %mul3A_101 : i32
      %add3A_103 = vector.broadcast %mul3A_102 : i32 to vector<16xi32>
      %add3A_104 = arith.addi %iota3A, %add3A_103 : vector<16xi32>
      %swap3A_105 = arith.index_cast %scan3A_93 : i32 to index
      %swap3A_106 = tpu.vector_load %arg9[%swap3A_105] masked %and3A {strides = array<i32>} : memref<16400xi32, #tpu.memory_space<vmem>>, vector<16xi32>, vector<16xi1>
      tpu.vector_store %arg9[%swap3A_105], %add3A_104 masked %and3A {strides = array<i32>} : memref<16400xi32, #tpu.memory_space<vmem>>, vector<16xi32>, vector<16xi1>
      %all_reduce_population_count3A = tpu.all_reduce %and3A {dim = 0 : i64, kind = #tpu.reduction_kind<sum>} : vector<16xi1> -> vector<16xi32>
      %slice3A = vector.extract_strided_slice %all_reduce_population_count3A {offsets = [0], sizes = [1], strides = [1]} : vector<16xi32> to vector<1xi32>
      %squeeze3A = vector.extract %slice3A[0] : i32 from vector<1xi32>
      %add3A_107 = arith.addi %scan3A_93, %squeeze3A : i32
      scf.yield %add3A_107 : i32
    }
    %scan3A_18 = arith.constant 1024 : i32
    %broadcast_in_dim3A_19 = arith.constant 16384 : i32
    %broadcast_in_dim3A_20 = vector.broadcast %broadcast_in_dim3A_19 : i32 to vector<16xi32>
    %swap3A_21 = arith.index_cast %scan3A_17 : i32 to index
    %swap3A_22 = tpu.vector_load %arg9[%swap3A_21] {strides = array<i32>} : memref<16400xi32, #tpu.memory_space<vmem>>, vector<16xi32>,
    tpu.vector_store %arg9[%swap3A_21], %broadcast_in_dim3A_20 {strides = array<i32>} : memref<16400xi32, #tpu.memory_space<vmem>>, vector<16xi32>,
    %min3A = arith.constant 999040 : i32
    %min3A_23 = arith.minsi %mul3A_8, %min3A : i32
    %multiple_of3A = tpu.assume_multiple %min3A_23, 128 : i32
    %dma_start3A = arith.constant 0 : i32
    %dma_start3A_24 = arith.constant 0 : i32
    %dma_start3A_25 = tpu.memref_slice %arg4[%dma_start3A_24, %multiple_of3A] : memref<32x1000000xf32, #tpu.memory_space<hbm>> -> memref<32x1024xf32, #tpu.memory_space<hbm>>
    %dma_start3A_26 = tpu.memref_slice %arg16[%dma_start3A] : memref<2x!tpu.dma_semaphore, #tpu.memory_space<semaphore_mem>> -> memref<1x!tpu.dma_semaphore, #tpu.memory_space<semaphore_mem>>
    %dma_start3A_27 = tpu.memref_squeeze %dma_start3A_26 : memref<1x!tpu.dma_semaphore, #tpu.memory_space<semaphore_mem>> -> memref<!tpu.dma_semaphore, #tpu.memory_space<semaphore_mem>>
    %dma_start3A_28 = arith.constant 0 : i32
    %dma_start3A_29 = tpu.memref_slice %arg4[%dma_start3A_28, %multiple_of3A] : memref<32x1000000xf32, #tpu.memory_space<hbm>> -> memref<32x1024xf32, #tpu.memory_space<hbm>>
    tpu.enqueue_dma source(%dma_start3A_29 : memref<32x1024xf32, #tpu.memory_space<hbm>>) target(%arg11 : memref<32x1024xf32, #tpu.memory_space<vmem>>) target_semaphore(%dma_start3A_27 : memref<!tpu.dma_semaphore, #tpu.memory_space<semaphore_mem>>)
    %scan3A_30 = arith.constant 0 : i32
    %scan3A_31 = arith.constant 0 : i32
    %scan3A_32 = arith.constant 16 : i32
    %scan3A_33 = arith.addi %scan3A_31, %scan3A_32 : i32
    %scan3A_34 = arith.constant 1 : i32
    %scan3A_35 = scf.for %scan3A_92 = %scan3A_31 to %scan3A_33 step %scan3A_34 iter_args(%scan3A_93 = %scan3A_30) -> (i32)  : i32 {
      %mul3A_94 = arith.constant 2 : i32
      %mul3A_95 = arith.muli %mul3A_94, %scan3A_92 : i32
      %mul3A_96 = arith.constant 1024 : i32
      %mul3A_97 = arith.muli %mul3A_95, %mul3A_96 : i32
      %add3A_98 = arith.addi %mul3A_8, %mul3A_97 : i32
      %min3A_99 = arith.constant 999040 : i32
      %min3A_100 = arith.minsi %add3A_98, %min3A_99 : i32
      %multiple_of3A_101 = tpu.assume_multiple %min3A_100, 128 : i32
      %dma_wait3A = arith.constant 0 : i32
      %dma_wait3A_102 = arith.constant 0 : i32
      %dma_wait3A_103 = arith.constant 0 : i32
      %dma_wait3A_104 = tpu.memref_slice %arg4[%dma_wait3A_102, %dma_wait3A_103] : memref<32x1000000xf32, #tpu.memory_space<hbm>> -> memref<32x1024xf32, #tpu.memory_space<hbm>>
      %dma_wait3A_105 = tpu.memref_slice %arg16[%dma_wait3A] : memref<2x!tpu.dma_semaphore, #tpu.memory_space<semaphore_mem>> -> memref<1x!tpu.dma_semaphore, #tpu.memory_space<semaphore_mem>>
      %dma_wait3A_106 = tpu.memref_squeeze %dma_wait3A_105 : memref<1x!tpu.dma_semaphore, #tpu.memory_space<semaphore_mem>> -> memref<!tpu.dma_semaphore, #tpu.memory_space<semaphore_mem>>
      %dma_wait3A_107 = arith.constant 0 : i32
      %dma_wait3A_108 = arith.constant 0 : i32
      %dma_wait3A_109 = tpu.memref_slice %arg4[%dma_wait3A_107, %dma_wait3A_108] : memref<32x1000000xf32, #tpu.memory_space<hbm>> -> memref<32x1024xf32, #tpu.memory_space<hbm>>
      tpu.wait_dma2 semaphore(%dma_wait3A_106 : memref<!tpu.dma_semaphore, #tpu.memory_space<semaphore_mem>>) src(%dma_wait3A_109 : memref<32x1024xf32, #tpu.memory_space<hbm>>) dst(%arg11 : memref<32x1024xf32, #tpu.memory_space<vmem>>)
      %add3A_110 = arith.constant 1 : i32
      %add3A_111 = arith.addi %mul3A_95, %add3A_110 : i32
      %lt3A = arith.constant 32 : i32
      %lt3A_112 = arith.cmpi slt, %add3A_111, %lt3A : i32
      %convert_element_type3A = arith.extui %lt3A_112 : i1 to i32
      %cond3A = arith.constant 0 : i32
      %cond3A_113 = arith.cmpi ne, %convert_element_type3A, %cond3A : i32
      scf.if %cond3A_113 {
        %add3A_209 = arith.constant 1 : i32
        %add3A_210 = arith.addi %mul3A_95, %add3A_209 : i32
        %mul3A_211 = arith.constant 1024 : i32
        %mul3A_212 = arith.muli %add3A_210, %mul3A_211 : i32
        %add3A_213 = arith.addi %mul3A_8, %mul3A_212 : i32
        %min3A_214 = arith.constant 999040 : i32
        %min3A_215 = arith.minsi %add3A_213, %min3A_214 : i32
        %multiple_of3A_216 = tpu.assume_multiple %min3A_215, 128 : i32
        %dma_start3A_217 = arith.constant 1 : i32
        %dma_start3A_218 = arith.constant 0 : i32
        %dma_start3A_219 = tpu.memref_slice %arg4[%dma_start3A_218, %multiple_of3A_216] : memref<32x1000000xf32, #tpu.memory_space<hbm>> -> memref<32x1024xf32, #tpu.memory_space<hbm>>
        %dma_start3A_220 = tpu.memref_slice %arg16[%dma_start3A_217] : memref<2x!tpu.dma_semaphore, #tpu.memory_space<semaphore_mem>> -> memref<1x!tpu.dma_semaphore, #tpu.memory_space<semaphore_mem>>
        %dma_start3A_221 = tpu.memref_squeeze %dma_start3A_220 : memref<1x!tpu.dma_semaphore, #tpu.memory_space<semaphore_mem>> -> memref<!tpu.dma_semaphore, #tpu.memory_space<semaphore_mem>>
        %dma_start3A_222 = arith.constant 0 : i32
        %dma_start3A_223 = tpu.memref_slice %arg4[%dma_start3A_222, %multiple_of3A_216] : memref<32x1000000xf32, #tpu.memory_space<hbm>> -> memref<32x1024xf32, #tpu.memory_space<hbm>>
        tpu.enqueue_dma source(%dma_start3A_223 : memref<32x1024xf32, #tpu.memory_space<hbm>>) target(%arg12 : memref<32x1024xf32, #tpu.memory_space<vmem>>) target_semaphore(%dma_start3A_221 : memref<!tpu.dma_semaphore, #tpu.memory_space<semaphore_mem>>)
      } else {
      }
      %add3A_114 = arith.constant 15 : i32
      %add3A_115 = arith.addi %scan3A_17, %add3A_114 : i32
      %shift_right_arithmetic3A = arith.constant 4 : i32
      %shift_right_arithmetic3A_116 = arith.shrsi %add3A_115, %shift_right_arithmetic3A : i32
      %while3A_117 = arith.constant 0 : i32
      %while3A_118 = arith.constant 0 : i32
      %while3A_119 = arith.subi %shift_right_arithmetic3A_116, %while3A_117 : i32
      %while3A_120 = arith.addi %while3A_117, %while3A_119 : i32
      %while3A_121 = arith.constant 1 : i32
      %while3A_122 = arith.divsi %while3A_119, %while3A_121 : i32
      %while3A_123 = arith.muli %while3A_122, %while3A_121 : i32
      %while3A_124 = arith.addi %while3A_117, %while3A_123 : i32
      %while3A_125 = arith.constant 1 : i32
      %while3A_126 = scf.for %while3A_209 = %while3A_117 to %while3A_124 step %while3A_125 iter_args(%while3A_210 = %while3A_118) -> (i32)  : i32 {
        %mul3A_211 = arith.constant 16 : i32
        %mul3A_212 = arith.muli %while3A_209, %mul3A_211 : i32
        %get3A = arith.index_cast %mul3A_212 : i32 to index
        %get3A_213 = tpu.vector_load %arg9[%get3A] {strides = array<i32>} : memref<16400xi32, #tpu.memory_space<vmem>>, vector<16xi32>,
        %gather3A = tpu.vector_load_idx %arg8[%get3A_213] : memref<16400xi32, #tpu.memory_space<vmem>>[vector<16xi32>], vector<16xi32>,
        %ge3A = vector.broadcast %multiple_of3A_101 : i32 to vector<16xi32>
        %ge3A_214 = arith.cmpi sge, %gather3A, %ge3A : vector<16xi32>
        %add3A_215 = arith.constant 1024 : i32
        %add3A_216 = arith.addi %multiple_of3A_101, %add3A_215 : i32
        %lt3A_217 = vector.broadcast %add3A_216 : i32 to vector<16xi32>
        %lt3A_218 = arith.cmpi slt, %gather3A, %lt3A_217 : vector<16xi32>
        %and3A = arith.andi %ge3A_214, %lt3A_218 : vector<16xi1>
        %swap3A_219 = arith.index_cast %while3A_210 : i32 to index
        %swap3A_220 = tpu.vector_load %arg10[%swap3A_219] masked %and3A {strides = array<i32>} : memref<16400xi32, #tpu.memory_space<vmem>>, vector<16xi32>, vector<16xi1>
        tpu.vector_store %arg10[%swap3A_219], %get3A_213 masked %and3A {strides = array<i32>} : memref<16400xi32, #tpu.memory_space<vmem>>, vector<16xi32>, vector<16xi1>
        %all_reduce_population_count3A = tpu.all_reduce %and3A {dim = 0 : i64, kind = #tpu.reduction_kind<sum>} : vector<16xi1> -> vector<16xi32>
        %slice3A = vector.extract_strided_slice %all_reduce_population_count3A {offsets = [0], sizes = [1], strides = [1]} : vector<16xi32> to vector<1xi32>
        %squeeze3A = vector.extract %slice3A[0] : i32 from vector<1xi32>
        %add3A_221 = arith.addi %while3A_210, %squeeze3A : i32
        scf.yield %add3A_221 : i32
      }
      %while3A_127 = arith.constant 1 : i32
      %while3A_128 = scf.for %while3A_209 = %while3A_124 to %while3A_120 step %while3A_127 iter_args(%while3A_210 = %while3A_126) -> (i32)  : i32 {
        %mul3A_211 = arith.constant 16 : i32
        %mul3A_212 = arith.muli %while3A_209, %mul3A_211 : i32
        %get3A = arith.index_cast %mul3A_212 : i32 to index
        %get3A_213 = tpu.vector_load %arg9[%get3A] {strides = array<i32>} : memref<16400xi32, #tpu.memory_space<vmem>>, vector<16xi32>,
        %gather3A = tpu.vector_load_idx %arg8[%get3A_213] : memref<16400xi32, #tpu.memory_space<vmem>>[vector<16xi32>], vector<16xi32>,
        %ge3A = vector.broadcast %multiple_of3A_101 : i32 to vector<16xi32>
        %ge3A_214 = arith.cmpi sge, %gather3A, %ge3A : vector<16xi32>
        %add3A_215 = arith.constant 1024 : i32
        %add3A_216 = arith.addi %multiple_of3A_101, %add3A_215 : i32
        %lt3A_217 = vector.broadcast %add3A_216 : i32 to vector<16xi32>
        %lt3A_218 = arith.cmpi slt, %gather3A, %lt3A_217 : vector<16xi32>
        %and3A = arith.andi %ge3A_214, %lt3A_218 : vector<16xi1>
        %swap3A_219 = arith.index_cast %while3A_210 : i32 to index
        %swap3A_220 = tpu.vector_load %arg10[%swap3A_219] masked %and3A {strides = array<i32>} : memref<16400xi32, #tpu.memory_space<vmem>>, vector<16xi32>, vector<16xi1>
        tpu.vector_store %arg10[%swap3A_219], %get3A_213 masked %and3A {strides = array<i32>} : memref<16400xi32, #tpu.memory_space<vmem>>, vector<16xi32>, vector<16xi1>
        %all_reduce_population_count3A = tpu.all_reduce %and3A {dim = 0 : i64, kind = #tpu.reduction_kind<sum>} : vector<16xi1> -> vector<16xi32>
        %slice3A = vector.extract_strided_slice %all_reduce_population_count3A {offsets = [0], sizes = [1], strides = [1]} : vector<16xi32> to vector<1xi32>
        %squeeze3A = vector.extract %slice3A[0] : i32 from vector<1xi32>
        %add3A_221 = arith.addi %while3A_210, %squeeze3A : i32
        scf.yield %add3A_221 : i32
      }
      %broadcast_in_dim3A_129 = arith.constant 16384 : i32
      %broadcast_in_dim3A_130 = vector.broadcast %broadcast_in_dim3A_129 : i32 to vector<16xi32>
      %swap3A_131 = arith.index_cast %while3A_128 : i32 to index
      %swap3A_132 = tpu.vector_load %arg10[%swap3A_131] {strides = array<i32>} : memref<16400xi32, #tpu.memory_space<vmem>>, vector<16xi32>,
      tpu.vector_store %arg10[%swap3A_131], %broadcast_in_dim3A_130 {strides = array<i32>} : memref<16400xi32, #tpu.memory_space<vmem>>, vector<16xi32>,
      %add3A_133 = arith.constant 15 : i32
      %add3A_134 = arith.addi %while3A_128, %add3A_133 : i32
      %shift_right_arithmetic3A_135 = arith.constant 4 : i32
      %shift_right_arithmetic3A_136 = arith.shrsi %add3A_134, %shift_right_arithmetic3A_135 : i32
      %while3A_137 = arith.constant 0 : i32
      %while3A_138 = arith.subi %shift_right_arithmetic3A_136, %while3A_137 : i32
      %while3A_139 = arith.addi %while3A_137, %while3A_138 : i32
      %while3A_140 = arith.constant 1 : i32
      %while3A_141 = arith.divsi %while3A_138, %while3A_140 : i32
      %while3A_142 = arith.muli %while3A_141, %while3A_140 : i32
      %while3A_143 = arith.addi %while3A_137, %while3A_142 : i32
      %while3A_144 = arith.constant 1 : i32
      %while3A_145 = scf.for %while3A_209 = %while3A_137 to %while3A_143 step %while3A_144 iter_args(%while3A_210 = %scan3A_93) -> (i32)  : i32 {
        %jit3A = arith.constant 6 : i32
        %eq3A = arith.constant 0 : i32
        %eq3A_211 = arith.cmpi eq, %jit3A, %eq3A : i32
        %jit3A_212 = arith.constant 1 : i32
        %select_n3A = arith.select %eq3A_211, %jit3A_212, %jit3A : i32
        %rem3A = arith.remsi %while3A_210, %select_n3A : i32
        %ne3A = arith.constant 0 : i32
        %ne3A_213 = arith.cmpi ne, %rem3A, %ne3A : i32
        %lt3A_214 = arith.constant 0 : i32
        %lt3A_215 = arith.cmpi slt, %rem3A, %lt3A_214 : i32
        %lt3A_216 = arith.constant 0 : i32
        %lt3A_217 = arith.cmpi slt, %select_n3A, %lt3A_216 : i32
        %ne3A_218 = arith.xori %lt3A_215, %lt3A_217 : i1
        %and3A = arith.andi %ne3A_218, %ne3A_213 : i1
        %add3A_219 = arith.addi %rem3A, %select_n3A : i32
        %select_n3A_220 = arith.select %and3A, %add3A_219, %rem3A : i32
        %ge3A = arith.constant 6 : i32
        %ge3A_221 = arith.cmpi sge, %while3A_210, %ge3A : i32
        %convert_element_type3A_222 = arith.extui %ge3A_221 : i1 to i32
        %cond3A_223 = arith.constant 0 : i32
        %cond3A_224 = arith.cmpi ne, %convert_element_type3A_222, %cond3A_223 : i32
        scf.if %cond3A_224 {
          %dma_wait3A_348 = arith.constant 0 : i32
          %dma_wait3A_349 = arith.constant 0 : i32
          %dma_wait3A_350 = tpu.memref_slice %arg13[%select_n3A_220, %dma_wait3A_348, %dma_wait3A_349] : memref<6x16x128xf32, #tpu.memory_space<vmem>> -> memref<1x16x128xf32, #tpu.memory_space<vmem>>
          %dma_wait3A_351 = tpu.memref_squeeze %dma_wait3A_350 : memref<1x16x128xf32, #tpu.memory_space<vmem>> -> memref<16x128xf32, #tpu.memory_space<vmem>>
          %dma_wait3A_352 = arith.constant 0 : i32
          %dma_wait3A_353 = tpu.memref_slice %arg14[%select_n3A_220, %dma_wait3A_352] : memref<6x16xi32, #tpu.memory_space<vmem>> -> memref<1x16xi32, #tpu.memory_space<vmem>>
          %dma_wait3A_354 = tpu.memref_squeeze %dma_wait3A_353 : memref<1x16xi32, #tpu.memory_space<vmem>> -> memref<16xi32, #tpu.memory_space<vmem>>
          %dma_wait3A_355 = arith.constant 0 : i32
          %dma_wait3A_356 = arith.constant 0 : i32
          %dma_wait3A_357 = tpu.memref_slice %arg6[%dma_wait3A_355, %dma_wait3A_356] : memref<16400x128xf32, #tpu.memory_space<hbm>> -> memref<16400x128xf32, #tpu.memory_space<hbm>>
          %dma_wait3A_358 = tpu.memref_slice %arg15[%select_n3A_220] : memref<6x!tpu.dma_semaphore, #tpu.memory_space<semaphore_mem>> -> memref<1x!tpu.dma_semaphore, #tpu.memory_space<semaphore_mem>>
          %dma_wait3A_359 = tpu.memref_squeeze %dma_wait3A_358 : memref<1x!tpu.dma_semaphore, #tpu.memory_space<semaphore_mem>> -> memref<!tpu.dma_semaphore, #tpu.memory_space<semaphore_mem>>
          tpu.wait_indirect_dma semaphore(%dma_wait3A_359 : memref<!tpu.dma_semaphore, #tpu.memory_space<semaphore_mem>>) src(%dma_wait3A_351 : memref<16x128xf32, #tpu.memory_space<vmem>>) dst(%dma_wait3A_357 : memref<16400x128xf32, #tpu.memory_space<hbm>>)
        } else {
        }
        %mul3A_225 = arith.constant 16 : i32
        %mul3A_226 = arith.muli %while3A_209, %mul3A_225 : i32
        %get3A = arith.index_cast %mul3A_226 : i32 to index
        %get3A_227 = tpu.vector_load %arg10[%get3A] {strides = array<i32>} : memref<16400xi32, #tpu.memory_space<vmem>>, vector<16xi32>,
        %gather3A = tpu.vector_load_idx %arg8[%get3A_227] : memref<16400xi32, #tpu.memory_space<vmem>>[vector<16xi32>], vector<16xi32>,
        %sub3A = vector.broadcast %multiple_of3A_101 : i32 to vector<16xi32>
        %sub3A_228 = arith.subi %gather3A, %sub3A : vector<16xi32>
        %jit3A_229 = arith.constant 0 : i32
        %jit3A_230 = arith.constant 1023 : i32
        %max3A = vector.broadcast %jit3A_229 : i32 to vector<16xi32>
        %max3A_231 = arith.maxsi %max3A, %sub3A_228 : vector<16xi32>
        %min3A_232 = vector.broadcast %jit3A_230 : i32 to vector<16xi32>
        %min3A_233 = arith.minsi %min3A_232, %max3A_231 : vector<16xi32>
        %broadcast_in_dim3A_234 = vector.broadcast %select_n3A_220 : i32 to vector<16xi32>
        %broadcast_in_dim3A_235 = arith.constant 0 : i32
        %broadcast_in_dim3A_236 = vector.broadcast %broadcast_in_dim3A_235 : i32 to vector<16xi32>
        %gather3A_237 = tpu.vector_load_idx %arg11[%broadcast_in_dim3A_236, %min3A_233] : memref<32x1024xf32, #tpu.memory_space<vmem>>[vector<16xi32>, vector<16xi32>], vector<16xf32>,
        tpu.vector_store_idx %arg13[%broadcast_in_dim3A_234, %iota3A, %broadcast_in_dim3A_236], %gather3A_237 : memref<6x16x128xf32, #tpu.memory_space<vmem>>[vector<16xi32>, vector<16xi32>, vector<16xi32>], vector<16xf32>,
        %broadcast_in_dim3A_238 = arith.constant 1 : i32
        %broadcast_in_dim3A_239 = vector.broadcast %broadcast_in_dim3A_238 : i32 to vector<16xi32>
        %gather3A_240 = tpu.vector_load_idx %arg11[%broadcast_in_dim3A_239, %min3A_233] : memref<32x1024xf32, #tpu.memory_space<vmem>>[vector<16xi32>, vector<16xi32>], vector<16xf32>,
        tpu.vector_store_idx %arg13[%broadcast_in_dim3A_234, %iota3A, %broadcast_in_dim3A_239], %gather3A_240 : memref<6x16x128xf32, #tpu.memory_space<vmem>>[vector<16xi32>, vector<16xi32>, vector<16xi32>], vector<16xf32>,
        %broadcast_in_dim3A_241 = arith.constant 2 : i32
        %broadcast_in_dim3A_242 = vector.broadcast %broadcast_in_dim3A_241 : i32 to vector<16xi32>
        %gather3A_243 = tpu.vector_load_idx %arg11[%broadcast_in_dim3A_242, %min3A_233] : memref<32x1024xf32, #tpu.memory_space<vmem>>[vector<16xi32>, vector<16xi32>], vector<16xf32>,
        tpu.vector_store_idx %arg13[%broadcast_in_dim3A_234, %iota3A, %broadcast_in_dim3A_242], %gather3A_243 : memref<6x16x128xf32, #tpu.memory_space<vmem>>[vector<16xi32>, vector<16xi32>, vector<16xi32>], vector<16xf32>,
        %broadcast_in_dim3A_244 = arith.constant 3 : i32
        %broadcast_in_dim3A_245 = vector.broadcast %broadcast_in_dim3A_244 : i32 to vector<16xi32>
        %gather3A_246 = tpu.vector_load_idx %arg11[%broadcast_in_dim3A_245, %min3A_233] : memref<32x1024xf32, #tpu.memory_space<vmem>>[vector<16xi32>, vector<16xi32>], vector<16xf32>,
        tpu.vector_store_idx %arg13[%broadcast_in_dim3A_234, %iota3A, %broadcast_in_dim3A_245], %gather3A_246 : memref<6x16x128xf32, #tpu.memory_space<vmem>>[vector<16xi32>, vector<16xi32>, vector<16xi32>], vector<16xf32>,
        %broadcast_in_dim3A_247 = arith.constant 4 : i32
        %broadcast_in_dim3A_248 = vector.broadcast %broadcast_in_dim3A_247 : i32 to vector<16xi32>
        %gather3A_249 = tpu.vector_load_idx %arg11[%broadcast_in_dim3A_248, %min3A_233] : memref<32x1024xf32, #tpu.memory_space<vmem>>[vector<16xi32>, vector<16xi32>], vector<16xf32>,
        tpu.vector_store_idx %arg13[%broadcast_in_dim3A_234, %iota3A, %broadcast_in_dim3A_248], %gather3A_249 : memref<6x16x128xf32, #tpu.memory_space<vmem>>[vector<16xi32>, vector<16xi32>, vector<16xi32>], vector<16xf32>,
        %broadcast_in_dim3A_250 = arith.constant 5 : i32
        %broadcast_in_dim3A_251 = vector.broadcast %broadcast_in_dim3A_250 : i32 to vector<16xi32>
        %gather3A_252 = tpu.vector_load_idx %arg11[%broadcast_in_dim3A_251, %min3A_233] : memref<32x1024xf32, #tpu.memory_space<vmem>>[vector<16xi32>, vector<16xi32>], vector<16xf32>,
        tpu.vector_store_idx %arg13[%broadcast_in_dim3A_234, %iota3A, %broadcast_in_dim3A_251], %gather3A_252 : memref<6x16x128xf32, #tpu.memory_space<vmem>>[vector<16xi32>, vector<16xi32>, vector<16xi32>], vector<16xf32>,
        %broadcast_in_dim3A_253 = arith.constant 6 : i32
        %broadcast_in_dim3A_254 = vector.broadcast %broadcast_in_dim3A_253 : i32 to vector<16xi32>
        %gather3A_255 = tpu.vector_load_idx %arg11[%broadcast_in_dim3A_254, %min3A_233] : memref<32x1024xf32, #tpu.memory_space<vmem>>[vector<16xi32>, vector<16xi32>], vector<16xf32>,
        tpu.vector_store_idx %arg13[%broadcast_in_dim3A_234, %iota3A, %broadcast_in_dim3A_254], %gather3A_255 : memref<6x16x128xf32, #tpu.memory_space<vmem>>[vector<16xi32>, vector<16xi32>, vector<16xi32>], vector<16xf32>,
        %broadcast_in_dim3A_256 = arith.constant 7 : i32
        %broadcast_in_dim3A_257 = vector.broadcast %broadcast_in_dim3A_256 : i32 to vector<16xi32>
        %gather3A_258 = tpu.vector_load_idx %arg11[%broadcast_in_dim3A_257, %min3A_233] : memref<32x1024xf32, #tpu.memory_space<vmem>>[vector<16xi32>, vector<16xi32>], vector<16xf32>,
        tpu.vector_store_idx %arg13[%broadcast_in_dim3A_234, %iota3A, %broadcast_in_dim3A_257], %gather3A_258 : memref<6x16x128xf32, #tpu.memory_space<vmem>>[vector<16xi32>, vector<16xi32>, vector<16xi32>], vector<16xf32>,
        %broadcast_in_dim3A_259 = arith.constant 8 : i32
        %broadcast_in_dim3A_260 = vector.broadcast %broadcast_in_dim3A_259 : i32 to vector<16xi32>
        %gather3A_261 = tpu.vector_load_idx %arg11[%broadcast_in_dim3A_260, %min3A_233] : memref<32x1024xf32, #tpu.memory_space<vmem>>[vector<16xi32>, vector<16xi32>], vector<16xf32>,
        tpu.vector_store_idx %arg13[%broadcast_in_dim3A_234, %iota3A, %broadcast_in_dim3A_260], %gather3A_261 : memref<6x16x128xf32, #tpu.memory_space<vmem>>[vector<16xi32>, vector<16xi32>, vector<16xi32>], vector<16xf32>,
        %broadcast_in_dim3A_262 = arith.constant 9 : i32
        %broadcast_in_dim3A_263 = vector.broadcast %broadcast_in_dim3A_262 : i32 to vector<16xi32>
        %gather3A_264 = tpu.vector_load_idx %arg11[%broadcast_in_dim3A_263, %min3A_233] : memref<32x1024xf32, #tpu.memory_space<vmem>>[vector<16xi32>, vector<16xi32>], vector<16xf32>,
        tpu.vector_store_idx %arg13[%broadcast_in_dim3A_234, %iota3A, %broadcast_in_dim3A_263], %gather3A_264 : memref<6x16x128xf32, #tpu.memory_space<vmem>>[vector<16xi32>, vector<16xi32>, vector<16xi32>], vector<16xf32>,
        %broadcast_in_dim3A_265 = arith.constant 10 : i32
        %broadcast_in_dim3A_266 = vector.broadcast %broadcast_in_dim3A_265 : i32 to vector<16xi32>
        %gather3A_267 = tpu.vector_load_idx %arg11[%broadcast_in_dim3A_266, %min3A_233] : memref<32x1024xf32, #tpu.memory_space<vmem>>[vector<16xi32>, vector<16xi32>], vector<16xf32>,
        tpu.vector_store_idx %arg13[%broadcast_in_dim3A_234, %iota3A, %broadcast_in_dim3A_266], %gather3A_267 : memref<6x16x128xf32, #tpu.memory_space<vmem>>[vector<16xi32>, vector<16xi32>, vector<16xi32>], vector<16xf32>,
        %broadcast_in_dim3A_268 = arith.constant 11 : i32
        %broadcast_in_dim3A_269 = vector.broadcast %broadcast_in_dim3A_268 : i32 to vector<16xi32>
        %gather3A_270 = tpu.vector_load_idx %arg11[%broadcast_in_dim3A_269, %min3A_233] : memref<32x1024xf32, #tpu.memory_space<vmem>>[vector<16xi32>, vector<16xi32>], vector<16xf32>,
        tpu.vector_store_idx %arg13[%broadcast_in_dim3A_234, %iota3A, %broadcast_in_dim3A_269], %gather3A_270 : memref<6x16x128xf32, #tpu.memory_space<vmem>>[vector<16xi32>, vector<16xi32>, vector<16xi32>], vector<16xf32>,
        %broadcast_in_dim3A_271 = arith.constant 12 : i32
        %broadcast_in_dim3A_272 = vector.broadcast %broadcast_in_dim3A_271 : i32 to vector<16xi32>
        %gather3A_273 = tpu.vector_load_idx %arg11[%broadcast_in_dim3A_272, %min3A_233] : memref<32x1024xf32, #tpu.memory_space<vmem>>[vector<16xi32>, vector<16xi32>], vector<16xf32>,
        tpu.vector_store_idx %arg13[%broadcast_in_dim3A_234, %iota3A, %broadcast_in_dim3A_272], %gather3A_273 : memref<6x16x128xf32, #tpu.memory_space<vmem>>[vector<16xi32>, vector<16xi32>, vector<16xi32>], vector<16xf32>,
        %broadcast_in_dim3A_274 = arith.constant 13 : i32
        %broadcast_in_dim3A_275 = vector.broadcast %broadcast_in_dim3A_274 : i32 to vector<16xi32>
        %gather3A_276 = tpu.vector_load_idx %arg11[%broadcast_in_dim3A_275, %min3A_233] : memref<32x1024xf32, #tpu.memory_space<vmem>>[vector<16xi32>, vector<16xi32>], vector<16xf32>,
        tpu.vector_store_idx %arg13[%broadcast_in_dim3A_234, %iota3A, %broadcast_in_dim3A_275], %gather3A_276 : memref<6x16x128xf32, #tpu.memory_space<vmem>>[vector<16xi32>, vector<16xi32>, vector<16xi32>], vector<16xf32>,
        %broadcast_in_dim3A_277 = arith.constant 14 : i32
        %broadcast_in_dim3A_278 = vector.broadcast %broadcast_in_dim3A_277 : i32 to vector<16xi32>
        %gather3A_279 = tpu.vector_load_idx %arg11[%broadcast_in_dim3A_278, %min3A_233] : memref<32x1024xf32, #tpu.memory_space<vmem>>[vector<16xi32>, vector<16xi32>], vector<16xf32>,
        tpu.vector_store_idx %arg13[%broadcast_in_dim3A_234, %iota3A, %broadcast_in_dim3A_278], %gather3A_279 : memref<6x16x128xf32, #tpu.memory_space<vmem>>[vector<16xi32>, vector<16xi32>, vector<16xi32>], vector<16xf32>,
        %broadcast_in_dim3A_280 = arith.constant 15 : i32
        %broadcast_in_dim3A_281 = vector.broadcast %broadcast_in_dim3A_280 : i32 to vector<16xi32>
        %gather3A_282 = tpu.vector_load_idx %arg11[%broadcast_in_dim3A_281, %min3A_233] : memref<32x1024xf32, #tpu.memory_space<vmem>>[vector<16xi32>, vector<16xi32>], vector<16xf32>,
        tpu.vector_store_idx %arg13[%broadcast_in_dim3A_234, %iota3A, %broadcast_in_dim3A_281], %gather3A_282 : memref<6x16x128xf32, #tpu.memory_space<vmem>>[vector<16xi32>, vector<16xi32>, vector<16xi32>], vector<16xf32>,
        %broadcast_in_dim3A_283 = arith.constant 16 : i32
        %broadcast_in_dim3A_284 = vector.broadcast %broadcast_in_dim3A_283 : i32 to vector<16xi32>
        %gather3A_285 = tpu.vector_load_idx %arg11[%broadcast_in_dim3A_284, %min3A_233] : memref<32x1024xf32, #tpu.memory_space<vmem>>[vector<16xi32>, vector<16xi32>], vector<16xf32>,
        tpu.vector_store_idx %arg13[%broadcast_in_dim3A_234, %iota3A, %broadcast_in_dim3A_284], %gather3A_285 : memref<6x16x128xf32, #tpu.memory_space<vmem>>[vector<16xi32>, vector<16xi32>, vector<16xi32>], vector<16xf32>,
        %broadcast_in_dim3A_286 = arith.constant 17 : i32
        %broadcast_in_dim3A_287 = vector.broadcast %broadcast_in_dim3A_286 : i32 to vector<16xi32>
        %gather3A_288 = tpu.vector_load_idx %arg11[%broadcast_in_dim3A_287, %min3A_233] : memref<32x1024xf32, #tpu.memory_space<vmem>>[vector<16xi32>, vector<16xi32>], vector<16xf32>,
        tpu.vector_store_idx %arg13[%broadcast_in_dim3A_234, %iota3A, %broadcast_in_dim3A_287], %gather3A_288 : memref<6x16x128xf32, #tpu.memory_space<vmem>>[vector<16xi32>, vector<16xi32>, vector<16xi32>], vector<16xf32>,
        %broadcast_in_dim3A_289 = arith.constant 18 : i32
        %broadcast_in_dim3A_290 = vector.broadcast %broadcast_in_dim3A_289 : i32 to vector<16xi32>
        %gather3A_291 = tpu.vector_load_idx %arg11[%broadcast_in_dim3A_290, %min3A_233] : memref<32x1024xf32, #tpu.memory_space<vmem>>[vector<16xi32>, vector<16xi32>], vector<16xf32>,
        tpu.vector_store_idx %arg13[%broadcast_in_dim3A_234, %iota3A, %broadcast_in_dim3A_290], %gather3A_291 : memref<6x16x128xf32, #tpu.memory_space<vmem>>[vector<16xi32>, vector<16xi32>, vector<16xi32>], vector<16xf32>,
        %broadcast_in_dim3A_292 = arith.constant 19 : i32
        %broadcast_in_dim3A_293 = vector.broadcast %broadcast_in_dim3A_292 : i32 to vector<16xi32>
        %gather3A_294 = tpu.vector_load_idx %arg11[%broadcast_in_dim3A_293, %min3A_233] : memref<32x1024xf32, #tpu.memory_space<vmem>>[vector<16xi32>, vector<16xi32>], vector<16xf32>,
        tpu.vector_store_idx %arg13[%broadcast_in_dim3A_234, %iota3A, %broadcast_in_dim3A_293], %gather3A_294 : memref<6x16x128xf32, #tpu.memory_space<vmem>>[vector<16xi32>, vector<16xi32>, vector<16xi32>], vector<16xf32>,
        %broadcast_in_dim3A_295 = arith.constant 20 : i32
        %broadcast_in_dim3A_296 = vector.broadcast %broadcast_in_dim3A_295 : i32 to vector<16xi32>
        %gather3A_297 = tpu.vector_load_idx %arg11[%broadcast_in_dim3A_296, %min3A_233] : memref<32x1024xf32, #tpu.memory_space<vmem>>[vector<16xi32>, vector<16xi32>], vector<16xf32>,
        tpu.vector_store_idx %arg13[%broadcast_in_dim3A_234, %iota3A, %broadcast_in_dim3A_296], %gather3A_297 : memref<6x16x128xf32, #tpu.memory_space<vmem>>[vector<16xi32>, vector<16xi32>, vector<16xi32>], vector<16xf32>,
        %broadcast_in_dim3A_298 = arith.constant 21 : i32
        %broadcast_in_dim3A_299 = vector.broadcast %broadcast_in_dim3A_298 : i32 to vector<16xi32>
        %gather3A_300 = tpu.vector_load_idx %arg11[%broadcast_in_dim3A_299, %min3A_233] : memref<32x1024xf32, #tpu.memory_space<vmem>>[vector<16xi32>, vector<16xi32>], vector<16xf32>,
        tpu.vector_store_idx %arg13[%broadcast_in_dim3A_234, %iota3A, %broadcast_in_dim3A_299], %gather3A_300 : memref<6x16x128xf32, #tpu.memory_space<vmem>>[vector<16xi32>, vector<16xi32>, vector<16xi32>], vector<16xf32>,
        %broadcast_in_dim3A_301 = arith.constant 22 : i32
        %broadcast_in_dim3A_302 = vector.broadcast %broadcast_in_dim3A_301 : i32 to vector<16xi32>
        %gather3A_303 = tpu.vector_load_idx %arg11[%broadcast_in_dim3A_302, %min3A_233] : memref<32x1024xf32, #tpu.memory_space<vmem>>[vector<16xi32>, vector<16xi32>], vector<16xf32>,
        tpu.vector_store_idx %arg13[%broadcast_in_dim3A_234, %iota3A, %broadcast_in_dim3A_302], %gather3A_303 : memref<6x16x128xf32, #tpu.memory_space<vmem>>[vector<16xi32>, vector<16xi32>, vector<16xi32>], vector<16xf32>,
        %broadcast_in_dim3A_304 = arith.constant 23 : i32
        %broadcast_in_dim3A_305 = vector.broadcast %broadcast_in_dim3A_304 : i32 to vector<16xi32>
        %gather3A_306 = tpu.vector_load_idx %arg11[%broadcast_in_dim3A_305, %min3A_233] : memref<32x1024xf32, #tpu.memory_space<vmem>>[vector<16xi32>, vector<16xi32>], vector<16xf32>,
        tpu.vector_store_idx %arg13[%broadcast_in_dim3A_234, %iota3A, %broadcast_in_dim3A_305], %gather3A_306 : memref<6x16x128xf32, #tpu.memory_space<vmem>>[vector<16xi32>, vector<16xi32>, vector<16xi32>], vector<16xf32>,
        %broadcast_in_dim3A_307 = arith.constant 24 : i32
        %broadcast_in_dim3A_308 = vector.broadcast %broadcast_in_dim3A_307 : i32 to vector<16xi32>
        %gather3A_309 = tpu.vector_load_idx %arg11[%broadcast_in_dim3A_308, %min3A_233] : memref<32x1024xf32, #tpu.memory_space<vmem>>[vector<16xi32>, vector<16xi32>], vector<16xf32>,
        tpu.vector_store_idx %arg13[%broadcast_in_dim3A_234, %iota3A, %broadcast_in_dim3A_308], %gather3A_309 : memref<6x16x128xf32, #tpu.memory_space<vmem>>[vector<16xi32>, vector<16xi32>, vector<16xi32>], vector<16xf32>,
        %broadcast_in_dim3A_310 = arith.constant 25 : i32
        %broadcast_in_dim3A_311 = vector.broadcast %broadcast_in_dim3A_310 : i32 to vector<16xi32>
        %gather3A_312 = tpu.vector_load_idx %arg11[%broadcast_in_dim3A_311, %min3A_233] : memref<32x1024xf32, #tpu.memory_space<vmem>>[vector<16xi32>, vector<16xi32>], vector<16xf32>,
        tpu.vector_store_idx %arg13[%broadcast_in_dim3A_234, %iota3A, %broadcast_in_dim3A_311], %gather3A_312 : memref<6x16x128xf32, #tpu.memory_space<vmem>>[vector<16xi32>, vector<16xi32>, vector<16xi32>], vector<16xf32>,
        %broadcast_in_dim3A_313 = arith.constant 26 : i32
        %broadcast_in_dim3A_314 = vector.broadcast %broadcast_in_dim3A_313 : i32 to vector<16xi32>
        %gather3A_315 = tpu.vector_load_idx %arg11[%broadcast_in_dim3A_314, %min3A_233] : memref<32x1024xf32, #tpu.memory_space<vmem>>[vector<16xi32>, vector<16xi32>], vector<16xf32>,
        tpu.vector_store_idx %arg13[%broadcast_in_dim3A_234, %iota3A, %broadcast_in_dim3A_314], %gather3A_315 : memref<6x16x128xf32, #tpu.memory_space<vmem>>[vector<16xi32>, vector<16xi32>, vector<16xi32>], vector<16xf32>,
        %broadcast_in_dim3A_316 = arith.constant 27 : i32
        %broadcast_in_dim3A_317 = vector.broadcast %broadcast_in_dim3A_316 : i32 to vector<16xi32>
        %gather3A_318 = tpu.vector_load_idx %arg11[%broadcast_in_dim3A_317, %min3A_233] : memref<32x1024xf32, #tpu.memory_space<vmem>>[vector<16xi32>, vector<16xi32>], vector<16xf32>,
        tpu.vector_store_idx %arg13[%broadcast_in_dim3A_234, %iota3A, %broadcast_in_dim3A_317], %gather3A_318 : memref<6x16x128xf32, #tpu.memory_space<vmem>>[vector<16xi32>, vector<16xi32>, vector<16xi32>], vector<16xf32>,
        %broadcast_in_dim3A_319 = arith.constant 28 : i32
        %broadcast_in_dim3A_320 = vector.broadcast %broadcast_in_dim3A_319 : i32 to vector<16xi32>
        %gather3A_321 = tpu.vector_load_idx %arg11[%broadcast_in_dim3A_320, %min3A_233] : memref<32x1024xf32, #tpu.memory_space<vmem>>[vector<16xi32>, vector<16xi32>], vector<16xf32>,
        tpu.vector_store_idx %arg13[%broadcast_in_dim3A_234, %iota3A, %broadcast_in_dim3A_320], %gather3A_321 : memref<6x16x128xf32, #tpu.memory_space<vmem>>[vector<16xi32>, vector<16xi32>, vector<16xi32>], vector<16xf32>,
        %broadcast_in_dim3A_322 = arith.constant 29 : i32
        %broadcast_in_dim3A_323 = vector.broadcast %broadcast_in_dim3A_322 : i32 to vector<16xi32>
        %gather3A_324 = tpu.vector_load_idx %arg11[%broadcast_in_dim3A_323, %min3A_233] : memref<32x1024xf32, #tpu.memory_space<vmem>>[vector<16xi32>, vector<16xi32>], vector<16xf32>,
        tpu.vector_store_idx %arg13[%broadcast_in_dim3A_234, %iota3A, %broadcast_in_dim3A_323], %gather3A_324 : memref<6x16x128xf32, #tpu.memory_space<vmem>>[vector<16xi32>, vector<16xi32>, vector<16xi32>], vector<16xf32>,
        %broadcast_in_dim3A_325 = arith.constant 30 : i32
        %broadcast_in_dim3A_326 = vector.broadcast %broadcast_in_dim3A_325 : i32 to vector<16xi32>
        %gather3A_327 = tpu.vector_load_idx %arg11[%broadcast_in_dim3A_326, %min3A_233] : memref<32x1024xf32, #tpu.memory_space<vmem>>[vector<16xi32>, vector<16xi32>], vector<16xf32>,
        tpu.vector_store_idx %arg13[%broadcast_in_dim3A_234, %iota3A, %broadcast_in_dim3A_326], %gather3A_327 : memref<6x16x128xf32, #tpu.memory_space<vmem>>[vector<16xi32>, vector<16xi32>, vector<16xi32>], vector<16xf32>,
        %broadcast_in_dim3A_328 = arith.constant 31 : i32
        %broadcast_in_dim3A_329 = vector.broadcast %broadcast_in_dim3A_328 : i32 to vector<16xi32>
        %gather3A_330 = tpu.vector_load_idx %arg11[%broadcast_in_dim3A_329, %min3A_233] : memref<32x1024xf32, #tpu.memory_space<vmem>>[vector<16xi32>, vector<16xi32>], vector<16xf32>,
        tpu.vector_store_idx %arg13[%broadcast_in_dim3A_234, %iota3A, %broadcast_in_dim3A_329], %gather3A_330 : memref<6x16x128xf32, #tpu.memory_space<vmem>>[vector<16xi32>, vector<16xi32>, vector<16xi32>], vector<16xf32>,
        %swap3A_331 = arith.index_cast %select_n3A_220 : i32 to index
        %swap3A_332 = arith.constant 0 : index
        %swap3A_333 = tpu.vector_load %arg14[%swap3A_331, %swap3A_332] {strides = array<i32>} : memref<6x16xi32, #tpu.memory_space<vmem>>, vector<16xi32>,
        tpu.vector_store %arg14[%swap3A_331, %swap3A_332], %get3A_227 {strides = array<i32>} : memref<6x16xi32, #tpu.memory_space<vmem>>, vector<16xi32>,
        %dma_start3A_334 = arith.constant 0 : i32
        %dma_start3A_335 = arith.constant 0 : i32
        %dma_start3A_336 = tpu.memref_slice %arg13[%select_n3A_220, %dma_start3A_334, %dma_start3A_335] : memref<6x16x128xf32, #tpu.memory_space<vmem>> -> memref<1x16x128xf32, #tpu.memory_space<vmem>>
        %dma_start3A_337 = tpu.memref_squeeze %dma_start3A_336 : memref<1x16x128xf32, #tpu.memory_space<vmem>> -> memref<16x128xf32, #tpu.memory_space<vmem>>
        %dma_start3A_338 = arith.constant 0 : i32
        %dma_start3A_339 = tpu.memref_slice %arg14[%select_n3A_220, %dma_start3A_338] : memref<6x16xi32, #tpu.memory_space<vmem>> -> memref<1x16xi32, #tpu.memory_space<vmem>>
        %dma_start3A_340 = tpu.memref_squeeze %dma_start3A_339 : memref<1x16xi32, #tpu.memory_space<vmem>> -> memref<16xi32, #tpu.memory_space<vmem>>
        %dma_start3A_341 = arith.constant 0 : i32
        %dma_start3A_342 = arith.constant 0 : i32
        %dma_start3A_343 = tpu.memref_slice %arg6[%dma_start3A_341, %dma_start3A_342] : memref<16400x128xf32, #tpu.memory_space<hbm>> -> memref<16400x128xf32, #tpu.memory_space<hbm>>
        %dma_start3A_344 = tpu.memref_slice %arg15[%select_n3A_220] : memref<6x!tpu.dma_semaphore, #tpu.memory_space<semaphore_mem>> -> memref<1x!tpu.dma_semaphore, #tpu.memory_space<semaphore_mem>>
        %dma_start3A_345 = tpu.memref_squeeze %dma_start3A_344 : memref<1x!tpu.dma_semaphore, #tpu.memory_space<semaphore_mem>> -> memref<!tpu.dma_semaphore, #tpu.memory_space<semaphore_mem>>
        tpu.enqueue_indirect_dma source(%dma_start3A_337 : memref<16x128xf32, #tpu.memory_space<vmem>>) target(%dma_start3A_343 : memref<16400x128xf32, #tpu.memory_space<hbm>>) offsets(%dma_start3A_340 : memref<16xi32, #tpu.memory_space<vmem>>) semaphore(%dma_start3A_345 : memref<!tpu.dma_semaphore, #tpu.memory_space<semaphore_mem>>)
        %add3A_346 = arith.constant 1 : i32
        %add3A_347 = arith.addi %while3A_210, %add3A_346 : i32
        scf.yield %add3A_347 : i32
      }
      %while3A_146 = arith.constant 1 : i32
      %while3A_147 = scf.for %while3A_209 = %while3A_143 to %while3A_139 step %while3A_146 iter_args(%while3A_210 = %while3A_145) -> (i32)  : i32 {
        %jit3A = arith.constant 6 : i32
        %eq3A = arith.constant 0 : i32
        %eq3A_211 = arith.cmpi eq, %jit3A, %eq3A : i32
        %jit3A_212 = arith.constant 1 : i32
        %select_n3A = arith.select %eq3A_211, %jit3A_212, %jit3A : i32
        %rem3A = arith.remsi %while3A_210, %select_n3A : i32
        %ne3A = arith.constant 0 : i32
        %ne3A_213 = arith.cmpi ne, %rem3A, %ne3A : i32
        %lt3A_214 = arith.constant 0 : i32
        %lt3A_215 = arith.cmpi slt, %rem3A, %lt3A_214 : i32
        %lt3A_216 = arith.constant 0 : i32
        %lt3A_217 = arith.cmpi slt, %select_n3A, %lt3A_216 : i32
        %ne3A_218 = arith.xori %lt3A_215, %lt3A_217 : i1
        %and3A = arith.andi %ne3A_218, %ne3A_213 : i1
        %add3A_219 = arith.addi %rem3A, %select_n3A : i32
        %select_n3A_220 = arith.select %and3A, %add3A_219, %rem3A : i32
        %ge3A = arith.constant 6 : i32
        %ge3A_221 = arith.cmpi sge, %while3A_210, %ge3A : i32
        %convert_element_type3A_222 = arith.extui %ge3A_221 : i1 to i32
        %cond3A_223 = arith.constant 0 : i32
        %cond3A_224 = arith.cmpi ne, %convert_element_type3A_222, %cond3A_223 : i32
        scf.if %cond3A_224 {
          %dma_wait3A_348 = arith.constant 0 : i32
          %dma_wait3A_349 = arith.constant 0 : i32
          %dma_wait3A_350 = tpu.memref_slice %arg13[%select_n3A_220, %dma_wait3A_348, %dma_wait3A_349] : memref<6x16x128xf32, #tpu.memory_space<vmem>> -> memref<1x16x128xf32, #tpu.memory_space<vmem>>
          %dma_wait3A_351 = tpu.memref_squeeze %dma_wait3A_350 : memref<1x16x128xf32, #tpu.memory_space<vmem>> -> memref<16x128xf32, #tpu.memory_space<vmem>>
          %dma_wait3A_352 = arith.constant 0 : i32
          %dma_wait3A_353 = tpu.memref_slice %arg14[%select_n3A_220, %dma_wait3A_352] : memref<6x16xi32, #tpu.memory_space<vmem>> -> memref<1x16xi32, #tpu.memory_space<vmem>>
          %dma_wait3A_354 = tpu.memref_squeeze %dma_wait3A_353 : memref<1x16xi32, #tpu.memory_space<vmem>> -> memref<16xi32, #tpu.memory_space<vmem>>
          %dma_wait3A_355 = arith.constant 0 : i32
          %dma_wait3A_356 = arith.constant 0 : i32
          %dma_wait3A_357 = tpu.memref_slice %arg6[%dma_wait3A_355, %dma_wait3A_356] : memref<16400x128xf32, #tpu.memory_space<hbm>> -> memref<16400x128xf32, #tpu.memory_space<hbm>>
          %dma_wait3A_358 = tpu.memref_slice %arg15[%select_n3A_220] : memref<6x!tpu.dma_semaphore, #tpu.memory_space<semaphore_mem>> -> memref<1x!tpu.dma_semaphore, #tpu.memory_space<semaphore_mem>>
          %dma_wait3A_359 = tpu.memref_squeeze %dma_wait3A_358 : memref<1x!tpu.dma_semaphore, #tpu.memory_space<semaphore_mem>> -> memref<!tpu.dma_semaphore, #tpu.memory_space<semaphore_mem>>
          tpu.wait_indirect_dma semaphore(%dma_wait3A_359 : memref<!tpu.dma_semaphore, #tpu.memory_space<semaphore_mem>>) src(%dma_wait3A_351 : memref<16x128xf32, #tpu.memory_space<vmem>>) dst(%dma_wait3A_357 : memref<16400x128xf32, #tpu.memory_space<hbm>>)
        } else {
        }
        %mul3A_225 = arith.constant 16 : i32
        %mul3A_226 = arith.muli %while3A_209, %mul3A_225 : i32
        %get3A = arith.index_cast %mul3A_226 : i32 to index
        %get3A_227 = tpu.vector_load %arg10[%get3A] {strides = array<i32>} : memref<16400xi32, #tpu.memory_space<vmem>>, vector<16xi32>,
        %gather3A = tpu.vector_load_idx %arg8[%get3A_227] : memref<16400xi32, #tpu.memory_space<vmem>>[vector<16xi32>], vector<16xi32>,
        %sub3A = vector.broadcast %multiple_of3A_101 : i32 to vector<16xi32>
        %sub3A_228 = arith.subi %gather3A, %sub3A : vector<16xi32>
        %jit3A_229 = arith.constant 0 : i32
        %jit3A_230 = arith.constant 1023 : i32
        %max3A = vector.broadcast %jit3A_229 : i32 to vector<16xi32>
        %max3A_231 = arith.maxsi %max3A, %sub3A_228 : vector<16xi32>
        %min3A_232 = vector.broadcast %jit3A_230 : i32 to vector<16xi32>
        %min3A_233 = arith.minsi %min3A_232, %max3A_231 : vector<16xi32>
        %broadcast_in_dim3A_234 = vector.broadcast %select_n3A_220 : i32 to vector<16xi32>
        %broadcast_in_dim3A_235 = arith.constant 0 : i32
        %broadcast_in_dim3A_236 = vector.broadcast %broadcast_in_dim3A_235 : i32 to vector<16xi32>
        %gather3A_237 = tpu.vector_load_idx %arg11[%broadcast_in_dim3A_236, %min3A_233] : memref<32x1024xf32, #tpu.memory_space<vmem>>[vector<16xi32>, vector<16xi32>], vector<16xf32>,
        tpu.vector_store_idx %arg13[%broadcast_in_dim3A_234, %iota3A, %broadcast_in_dim3A_236], %gather3A_237 : memref<6x16x128xf32, #tpu.memory_space<vmem>>[vector<16xi32>, vector<16xi32>, vector<16xi32>], vector<16xf32>,
        %broadcast_in_dim3A_238 = arith.constant 1 : i32
        %broadcast_in_dim3A_239 = vector.broadcast %broadcast_in_dim3A_238 : i32 to vector<16xi32>
        %gather3A_240 = tpu.vector_load_idx %arg11[%broadcast_in_dim3A_239, %min3A_233] : memref<32x1024xf32, #tpu.memory_space<vmem>>[vector<16xi32>, vector<16xi32>], vector<16xf32>,
        tpu.vector_store_idx %arg13[%broadcast_in_dim3A_234, %iota3A, %broadcast_in_dim3A_239], %gather3A_240 : memref<6x16x128xf32, #tpu.memory_space<vmem>>[vector<16xi32>, vector<16xi32>, vector<16xi32>], vector<16xf32>,
        %broadcast_in_dim3A_241 = arith.constant 2 : i32
        %broadcast_in_dim3A_242 = vector.broadcast %broadcast_in_dim3A_241 : i32 to vector<16xi32>
        %gather3A_243 = tpu.vector_load_idx %arg11[%broadcast_in_dim3A_242, %min3A_233] : memref<32x1024xf32, #tpu.memory_space<vmem>>[vector<16xi32>, vector<16xi32>], vector<16xf32>,
        tpu.vector_store_idx %arg13[%broadcast_in_dim3A_234, %iota3A, %broadcast_in_dim3A_242], %gather3A_243 : memref<6x16x128xf32, #tpu.memory_space<vmem>>[vector<16xi32>, vector<16xi32>, vector<16xi32>], vector<16xf32>,
        %broadcast_in_dim3A_244 = arith.constant 3 : i32
        %broadcast_in_dim3A_245 = vector.broadcast %broadcast_in_dim3A_244 : i32 to vector<16xi32>
        %gather3A_246 = tpu.vector_load_idx %arg11[%broadcast_in_dim3A_245, %min3A_233] : memref<32x1024xf32, #tpu.memory_space<vmem>>[vector<16xi32>, vector<16xi32>], vector<16xf32>,
        tpu.vector_store_idx %arg13[%broadcast_in_dim3A_234, %iota3A, %broadcast_in_dim3A_245], %gather3A_246 : memref<6x16x128xf32, #tpu.memory_space<vmem>>[vector<16xi32>, vector<16xi32>, vector<16xi32>], vector<16xf32>,
        %broadcast_in_dim3A_247 = arith.constant 4 : i32
        %broadcast_in_dim3A_248 = vector.broadcast %broadcast_in_dim3A_247 : i32 to vector<16xi32>
        %gather3A_249 = tpu.vector_load_idx %arg11[%broadcast_in_dim3A_248, %min3A_233] : memref<32x1024xf32, #tpu.memory_space<vmem>>[vector<16xi32>, vector<16xi32>], vector<16xf32>,
        tpu.vector_store_idx %arg13[%broadcast_in_dim3A_234, %iota3A, %broadcast_in_dim3A_248], %gather3A_249 : memref<6x16x128xf32, #tpu.memory_space<vmem>>[vector<16xi32>, vector<16xi32>, vector<16xi32>], vector<16xf32>,
        %broadcast_in_dim3A_250 = arith.constant 5 : i32
        %broadcast_in_dim3A_251 = vector.broadcast %broadcast_in_dim3A_250 : i32 to vector<16xi32>
        %gather3A_252 = tpu.vector_load_idx %arg11[%broadcast_in_dim3A_251, %min3A_233] : memref<32x1024xf32, #tpu.memory_space<vmem>>[vector<16xi32>, vector<16xi32>], vector<16xf32>,
        tpu.vector_store_idx %arg13[%broadcast_in_dim3A_234, %iota3A, %broadcast_in_dim3A_251], %gather3A_252 : memref<6x16x128xf32, #tpu.memory_space<vmem>>[vector<16xi32>, vector<16xi32>, vector<16xi32>], vector<16xf32>,
        %broadcast_in_dim3A_253 = arith.constant 6 : i32
        %broadcast_in_dim3A_254 = vector.broadcast %broadcast_in_dim3A_253 : i32 to vector<16xi32>
        %gather3A_255 = tpu.vector_load_idx %arg11[%broadcast_in_dim3A_254, %min3A_233] : memref<32x1024xf32, #tpu.memory_space<vmem>>[vector<16xi32>, vector<16xi32>], vector<16xf32>,
        tpu.vector_store_idx %arg13[%broadcast_in_dim3A_234, %iota3A, %broadcast_in_dim3A_254], %gather3A_255 : memref<6x16x128xf32, #tpu.memory_space<vmem>>[vector<16xi32>, vector<16xi32>, vector<16xi32>], vector<16xf32>,
        %broadcast_in_dim3A_256 = arith.constant 7 : i32
        %broadcast_in_dim3A_257 = vector.broadcast %broadcast_in_dim3A_256 : i32 to vector<16xi32>
        %gather3A_258 = tpu.vector_load_idx %arg11[%broadcast_in_dim3A_257, %min3A_233] : memref<32x1024xf32, #tpu.memory_space<vmem>>[vector<16xi32>, vector<16xi32>], vector<16xf32>,
        tpu.vector_store_idx %arg13[%broadcast_in_dim3A_234, %iota3A, %broadcast_in_dim3A_257], %gather3A_258 : memref<6x16x128xf32, #tpu.memory_space<vmem>>[vector<16xi32>, vector<16xi32>, vector<16xi32>], vector<16xf32>,
        %broadcast_in_dim3A_259 = arith.constant 8 : i32
        %broadcast_in_dim3A_260 = vector.broadcast %broadcast_in_dim3A_259 : i32 to vector<16xi32>
        %gather3A_261 = tpu.vector_load_idx %arg11[%broadcast_in_dim3A_260, %min3A_233] : memref<32x1024xf32, #tpu.memory_space<vmem>>[vector<16xi32>, vector<16xi32>], vector<16xf32>,
        tpu.vector_store_idx %arg13[%broadcast_in_dim3A_234, %iota3A, %broadcast_in_dim3A_260], %gather3A_261 : memref<6x16x128xf32, #tpu.memory_space<vmem>>[vector<16xi32>, vector<16xi32>, vector<16xi32>], vector<16xf32>,
        %broadcast_in_dim3A_262 = arith.constant 9 : i32
        %broadcast_in_dim3A_263 = vector.broadcast %broadcast_in_dim3A_262 : i32 to vector<16xi32>
        %gather3A_264 = tpu.vector_load_idx %arg11[%broadcast_in_dim3A_263, %min3A_233] : memref<32x1024xf32, #tpu.memory_space<vmem>>[vector<16xi32>, vector<16xi32>], vector<16xf32>,
        tpu.vector_store_idx %arg13[%broadcast_in_dim3A_234, %iota3A, %broadcast_in_dim3A_263], %gather3A_264 : memref<6x16x128xf32, #tpu.memory_space<vmem>>[vector<16xi32>, vector<16xi32>, vector<16xi32>], vector<16xf32>,
        %broadcast_in_dim3A_265 = arith.constant 10 : i32
        %broadcast_in_dim3A_266 = vector.broadcast %broadcast_in_dim3A_265 : i32 to vector<16xi32>
        %gather3A_267 = tpu.vector_load_idx %arg11[%broadcast_in_dim3A_266, %min3A_233] : memref<32x1024xf32, #tpu.memory_space<vmem>>[vector<16xi32>, vector<16xi32>], vector<16xf32>,
        tpu.vector_store_idx %arg13[%broadcast_in_dim3A_234, %iota3A, %broadcast_in_dim3A_266], %gather3A_267 : memref<6x16x128xf32, #tpu.memory_space<vmem>>[vector<16xi32>, vector<16xi32>, vector<16xi32>], vector<16xf32>,
        %broadcast_in_dim3A_268 = arith.constant 11 : i32
        %broadcast_in_dim3A_269 = vector.broadcast %broadcast_in_dim3A_268 : i32 to vector<16xi32>
        %gather3A_270 = tpu.vector_load_idx %arg11[%broadcast_in_dim3A_269, %min3A_233] : memref<32x1024xf32, #tpu.memory_space<vmem>>[vector<16xi32>, vector<16xi32>], vector<16xf32>,
        tpu.vector_store_idx %arg13[%broadcast_in_dim3A_234, %iota3A, %broadcast_in_dim3A_269], %gather3A_270 : memref<6x16x128xf32, #tpu.memory_space<vmem>>[vector<16xi32>, vector<16xi32>, vector<16xi32>], vector<16xf32>,
        %broadcast_in_dim3A_271 = arith.constant 12 : i32
        %broadcast_in_dim3A_272 = vector.broadcast %broadcast_in_dim3A_271 : i32 to vector<16xi32>
        %gather3A_273 = tpu.vector_load_idx %arg11[%broadcast_in_dim3A_272, %min3A_233] : memref<32x1024xf32, #tpu.memory_space<vmem>>[vector<16xi32>, vector<16xi32>], vector<16xf32>,
        tpu.vector_store_idx %arg13[%broadcast_in_dim3A_234, %iota3A, %broadcast_in_dim3A_272], %gather3A_273 : memref<6x16x128xf32, #tpu.memory_space<vmem>>[vector<16xi32>, vector<16xi32>, vector<16xi32>], vector<16xf32>,
        %broadcast_in_dim3A_274 = arith.constant 13 : i32
        %broadcast_in_dim3A_275 = vector.broadcast %broadcast_in_dim3A_274 : i32 to vector<16xi32>
        %gather3A_276 = tpu.vector_load_idx %arg11[%broadcast_in_dim3A_275, %min3A_233] : memref<32x1024xf32, #tpu.memory_space<vmem>>[vector<16xi32>, vector<16xi32>], vector<16xf32>,
        tpu.vector_store_idx %arg13[%broadcast_in_dim3A_234, %iota3A, %broadcast_in_dim3A_275], %gather3A_276 : memref<6x16x128xf32, #tpu.memory_space<vmem>>[vector<16xi32>, vector<16xi32>, vector<16xi32>], vector<16xf32>,
        %broadcast_in_dim3A_277 = arith.constant 14 : i32
        %broadcast_in_dim3A_278 = vector.broadcast %broadcast_in_dim3A_277 : i32 to vector<16xi32>
        %gather3A_279 = tpu.vector_load_idx %arg11[%broadcast_in_dim3A_278, %min3A_233] : memref<32x1024xf32, #tpu.memory_space<vmem>>[vector<16xi32>, vector<16xi32>], vector<16xf32>,
        tpu.vector_store_idx %arg13[%broadcast_in_dim3A_234, %iota3A, %broadcast_in_dim3A_278], %gather3A_279 : memref<6x16x128xf32, #tpu.memory_space<vmem>>[vector<16xi32>, vector<16xi32>, vector<16xi32>], vector<16xf32>,
        %broadcast_in_dim3A_280 = arith.constant 15 : i32
        %broadcast_in_dim3A_281 = vector.broadcast %broadcast_in_dim3A_280 : i32 to vector<16xi32>
        %gather3A_282 = tpu.vector_load_idx %arg11[%broadcast_in_dim3A_281, %min3A_233] : memref<32x1024xf32, #tpu.memory_space<vmem>>[vector<16xi32>, vector<16xi32>], vector<16xf32>,
        tpu.vector_store_idx %arg13[%broadcast_in_dim3A_234, %iota3A, %broadcast_in_dim3A_281], %gather3A_282 : memref<6x16x128xf32, #tpu.memory_space<vmem>>[vector<16xi32>, vector<16xi32>, vector<16xi32>], vector<16xf32>,
        %broadcast_in_dim3A_283 = arith.constant 16 : i32
        %broadcast_in_dim3A_284 = vector.broadcast %broadcast_in_dim3A_283 : i32 to vector<16xi32>
        %gather3A_285 = tpu.vector_load_idx %arg11[%broadcast_in_dim3A_284, %min3A_233] : memref<32x1024xf32, #tpu.memory_space<vmem>>[vector<16xi32>, vector<16xi32>], vector<16xf32>,
        tpu.vector_store_idx %arg13[%broadcast_in_dim3A_234, %iota3A, %broadcast_in_dim3A_284], %gather3A_285 : memref<6x16x128xf32, #tpu.memory_space<vmem>>[vector<16xi32>, vector<16xi32>, vector<16xi32>], vector<16xf32>,
        %broadcast_in_dim3A_286 = arith.constant 17 : i32
        %broadcast_in_dim3A_287 = vector.broadcast %broadcast_in_dim3A_286 : i32 to vector<16xi32>
        %gather3A_288 = tpu.vector_load_idx %arg11[%broadcast_in_dim3A_287, %min3A_233] : memref<32x1024xf32, #tpu.memory_space<vmem>>[vector<16xi32>, vector<16xi32>], vector<16xf32>,
        tpu.vector_store_idx %arg13[%broadcast_in_dim3A_234, %iota3A, %broadcast_in_dim3A_287], %gather3A_288 : memref<6x16x128xf32, #tpu.memory_space<vmem>>[vector<16xi32>, vector<16xi32>, vector<16xi32>], vector<16xf32>,
        %broadcast_in_dim3A_289 = arith.constant 18 : i32
        %broadcast_in_dim3A_290 = vector.broadcast %broadcast_in_dim3A_289 : i32 to vector<16xi32>
        %gather3A_291 = tpu.vector_load_idx %arg11[%broadcast_in_dim3A_290, %min3A_233] : memref<32x1024xf32, #tpu.memory_space<vmem>>[vector<16xi32>, vector<16xi32>], vector<16xf32>,
        tpu.vector_store_idx %arg13[%broadcast_in_dim3A_234, %iota3A, %broadcast_in_dim3A_290], %gather3A_291 : memref<6x16x128xf32, #tpu.memory_space<vmem>>[vector<16xi32>, vector<16xi32>, vector<16xi32>], vector<16xf32>,
        %broadcast_in_dim3A_292 = arith.constant 19 : i32
        %broadcast_in_dim3A_293 = vector.broadcast %broadcast_in_dim3A_292 : i32 to vector<16xi32>
        %gather3A_294 = tpu.vector_load_idx %arg11[%broadcast_in_dim3A_293, %min3A_233] : memref<32x1024xf32, #tpu.memory_space<vmem>>[vector<16xi32>, vector<16xi32>], vector<16xf32>,
        tpu.vector_store_idx %arg13[%broadcast_in_dim3A_234, %iota3A, %broadcast_in_dim3A_293], %gather3A_294 : memref<6x16x128xf32, #tpu.memory_space<vmem>>[vector<16xi32>, vector<16xi32>, vector<16xi32>], vector<16xf32>,
        %broadcast_in_dim3A_295 = arith.constant 20 : i32
        %broadcast_in_dim3A_296 = vector.broadcast %broadcast_in_dim3A_295 : i32 to vector<16xi32>
        %gather3A_297 = tpu.vector_load_idx %arg11[%broadcast_in_dim3A_296, %min3A_233] : memref<32x1024xf32, #tpu.memory_space<vmem>>[vector<16xi32>, vector<16xi32>], vector<16xf32>,
        tpu.vector_store_idx %arg13[%broadcast_in_dim3A_234, %iota3A, %broadcast_in_dim3A_296], %gather3A_297 : memref<6x16x128xf32, #tpu.memory_space<vmem>>[vector<16xi32>, vector<16xi32>, vector<16xi32>], vector<16xf32>,
        %broadcast_in_dim3A_298 = arith.constant 21 : i32
        %broadcast_in_dim3A_299 = vector.broadcast %broadcast_in_dim3A_298 : i32 to vector<16xi32>
        %gather3A_300 = tpu.vector_load_idx %arg11[%broadcast_in_dim3A_299, %min3A_233] : memref<32x1024xf32, #tpu.memory_space<vmem>>[vector<16xi32>, vector<16xi32>], vector<16xf32>,
        tpu.vector_store_idx %arg13[%broadcast_in_dim3A_234, %iota3A, %broadcast_in_dim3A_299], %gather3A_300 : memref<6x16x128xf32, #tpu.memory_space<vmem>>[vector<16xi32>, vector<16xi32>, vector<16xi32>], vector<16xf32>,
        %broadcast_in_dim3A_301 = arith.constant 22 : i32
        %broadcast_in_dim3A_302 = vector.broadcast %broadcast_in_dim3A_301 : i32 to vector<16xi32>
        %gather3A_303 = tpu.vector_load_idx %arg11[%broadcast_in_dim3A_302, %min3A_233] : memref<32x1024xf32, #tpu.memory_space<vmem>>[vector<16xi32>, vector<16xi32>], vector<16xf32>,
        tpu.vector_store_idx %arg13[%broadcast_in_dim3A_234, %iota3A, %broadcast_in_dim3A_302], %gather3A_303 : memref<6x16x128xf32, #tpu.memory_space<vmem>>[vector<16xi32>, vector<16xi32>, vector<16xi32>], vector<16xf32>,
        %broadcast_in_dim3A_304 = arith.constant 23 : i32
        %broadcast_in_dim3A_305 = vector.broadcast %broadcast_in_dim3A_304 : i32 to vector<16xi32>
        %gather3A_306 = tpu.vector_load_idx %arg11[%broadcast_in_dim3A_305, %min3A_233] : memref<32x1024xf32, #tpu.memory_space<vmem>>[vector<16xi32>, vector<16xi32>], vector<16xf32>,
        tpu.vector_store_idx %arg13[%broadcast_in_dim3A_234, %iota3A, %broadcast_in_dim3A_305], %gather3A_306 : memref<6x16x128xf32, #tpu.memory_space<vmem>>[vector<16xi32>, vector<16xi32>, vector<16xi32>], vector<16xf32>,
        %broadcast_in_dim3A_307 = arith.constant 24 : i32
        %broadcast_in_dim3A_308 = vector.broadcast %broadcast_in_dim3A_307 : i32 to vector<16xi32>
        %gather3A_309 = tpu.vector_load_idx %arg11[%broadcast_in_dim3A_308, %min3A_233] : memref<32x1024xf32, #tpu.memory_space<vmem>>[vector<16xi32>, vector<16xi32>], vector<16xf32>,
        tpu.vector_store_idx %arg13[%broadcast_in_dim3A_234, %iota3A, %broadcast_in_dim3A_308], %gather3A_309 : memref<6x16x128xf32, #tpu.memory_space<vmem>>[vector<16xi32>, vector<16xi32>, vector<16xi32>], vector<16xf32>,
        %broadcast_in_dim3A_310 = arith.constant 25 : i32
        %broadcast_in_dim3A_311 = vector.broadcast %broadcast_in_dim3A_310 : i32 to vector<16xi32>
        %gather3A_312 = tpu.vector_load_idx %arg11[%broadcast_in_dim3A_311, %min3A_233] : memref<32x1024xf32, #tpu.memory_space<vmem>>[vector<16xi32>, vector<16xi32>], vector<16xf32>,
        tpu.vector_store_idx %arg13[%broadcast_in_dim3A_234, %iota3A, %broadcast_in_dim3A_311], %gather3A_312 : memref<6x16x128xf32, #tpu.memory_space<vmem>>[vector<16xi32>, vector<16xi32>, vector<16xi32>], vector<16xf32>,
        %broadcast_in_dim3A_313 = arith.constant 26 : i32
        %broadcast_in_dim3A_314 = vector.broadcast %broadcast_in_dim3A_313 : i32 to vector<16xi32>
        %gather3A_315 = tpu.vector_load_idx %arg11[%broadcast_in_dim3A_314, %min3A_233] : memref<32x1024xf32, #tpu.memory_space<vmem>>[vector<16xi32>, vector<16xi32>], vector<16xf32>,
        tpu.vector_store_idx %arg13[%broadcast_in_dim3A_234, %iota3A, %broadcast_in_dim3A_314], %gather3A_315 : memref<6x16x128xf32, #tpu.memory_space<vmem>>[vector<16xi32>, vector<16xi32>, vector<16xi32>], vector<16xf32>,
        %broadcast_in_dim3A_316 = arith.constant 27 : i32
        %broadcast_in_dim3A_317 = vector.broadcast %broadcast_in_dim3A_316 : i32 to vector<16xi32>
        %gather3A_318 = tpu.vector_load_idx %arg11[%broadcast_in_dim3A_317, %min3A_233] : memref<32x1024xf32, #tpu.memory_space<vmem>>[vector<16xi32>, vector<16xi32>], vector<16xf32>,
        tpu.vector_store_idx %arg13[%broadcast_in_dim3A_234, %iota3A, %broadcast_in_dim3A_317], %gather3A_318 : memref<6x16x128xf32, #tpu.memory_space<vmem>>[vector<16xi32>, vector<16xi32>, vector<16xi32>], vector<16xf32>,
        %broadcast_in_dim3A_319 = arith.constant 28 : i32
        %broadcast_in_dim3A_320 = vector.broadcast %broadcast_in_dim3A_319 : i32 to vector<16xi32>
        %gather3A_321 = tpu.vector_load_idx %arg11[%broadcast_in_dim3A_320, %min3A_233] : memref<32x1024xf32, #tpu.memory_space<vmem>>[vector<16xi32>, vector<16xi32>], vector<16xf32>,
        tpu.vector_store_idx %arg13[%broadcast_in_dim3A_234, %iota3A, %broadcast_in_dim3A_320], %gather3A_321 : memref<6x16x128xf32, #tpu.memory_space<vmem>>[vector<16xi32>, vector<16xi32>, vector<16xi32>], vector<16xf32>,
        %broadcast_in_dim3A_322 = arith.constant 29 : i32
        %broadcast_in_dim3A_323 = vector.broadcast %broadcast_in_dim3A_322 : i32 to vector<16xi32>
        %gather3A_324 = tpu.vector_load_idx %arg11[%broadcast_in_dim3A_323, %min3A_233] : memref<32x1024xf32, #tpu.memory_space<vmem>>[vector<16xi32>, vector<16xi32>], vector<16xf32>,
        tpu.vector_store_idx %arg13[%broadcast_in_dim3A_234, %iota3A, %broadcast_in_dim3A_323], %gather3A_324 : memref<6x16x128xf32, #tpu.memory_space<vmem>>[vector<16xi32>, vector<16xi32>, vector<16xi32>], vector<16xf32>,
        %broadcast_in_dim3A_325 = arith.constant 30 : i32
        %broadcast_in_dim3A_326 = vector.broadcast %broadcast_in_dim3A_325 : i32 to vector<16xi32>
        %gather3A_327 = tpu.vector_load_idx %arg11[%broadcast_in_dim3A_326, %min3A_233] : memref<32x1024xf32, #tpu.memory_space<vmem>>[vector<16xi32>, vector<16xi32>], vector<16xf32>,
        tpu.vector_store_idx %arg13[%broadcast_in_dim3A_234, %iota3A, %broadcast_in_dim3A_326], %gather3A_327 : memref<6x16x128xf32, #tpu.memory_space<vmem>>[vector<16xi32>, vector<16xi32>, vector<16xi32>], vector<16xf32>,
        %broadcast_in_dim3A_328 = arith.constant 31 : i32
        %broadcast_in_dim3A_329 = vector.broadcast %broadcast_in_dim3A_328 : i32 to vector<16xi32>
        %gather3A_330 = tpu.vector_load_idx %arg11[%broadcast_in_dim3A_329, %min3A_233] : memref<32x1024xf32, #tpu.memory_space<vmem>>[vector<16xi32>, vector<16xi32>], vector<16xf32>,
        tpu.vector_store_idx %arg13[%broadcast_in_dim3A_234, %iota3A, %broadcast_in_dim3A_329], %gather3A_330 : memref<6x16x128xf32, #tpu.memory_space<vmem>>[vector<16xi32>, vector<16xi32>, vector<16xi32>], vector<16xf32>,
        %swap3A_331 = arith.index_cast %select_n3A_220 : i32 to index
        %swap3A_332 = arith.constant 0 : index
        %swap3A_333 = tpu.vector_load %arg14[%swap3A_331, %swap3A_332] {strides = array<i32>} : memref<6x16xi32, #tpu.memory_space<vmem>>, vector<16xi32>,
        tpu.vector_store %arg14[%swap3A_331, %swap3A_332], %get3A_227 {strides = array<i32>} : memref<6x16xi32, #tpu.memory_space<vmem>>, vector<16xi32>,
        %dma_start3A_334 = arith.constant 0 : i32
        %dma_start3A_335 = arith.constant 0 : i32
        %dma_start3A_336 = tpu.memref_slice %arg13[%select_n3A_220, %dma_start3A_334, %dma_start3A_335] : memref<6x16x128xf32, #tpu.memory_space<vmem>> -> memref<1x16x128xf32, #tpu.memory_space<vmem>>
        %dma_start3A_337 = tpu.memref_squeeze %dma_start3A_336 : memref<1x16x128xf32, #tpu.memory_space<vmem>> -> memref<16x128xf32, #tpu.memory_space<vmem>>
        %dma_start3A_338 = arith.constant 0 : i32
        %dma_start3A_339 = tpu.memref_slice %arg14[%select_n3A_220, %dma_start3A_338] : memref<6x16xi32, #tpu.memory_space<vmem>> -> memref<1x16xi32, #tpu.memory_space<vmem>>
        %dma_start3A_340 = tpu.memref_squeeze %dma_start3A_339 : memref<1x16xi32, #tpu.memory_space<vmem>> -> memref<16xi32, #tpu.memory_space<vmem>>
        %dma_start3A_341 = arith.constant 0 : i32
        %dma_start3A_342 = arith.constant 0 : i32
        %dma_start3A_343 = tpu.memref_slice %arg6[%dma_start3A_341, %dma_start3A_342] : memref<16400x128xf32, #tpu.memory_space<hbm>> -> memref<16400x128xf32, #tpu.memory_space<hbm>>
        %dma_start3A_344 = tpu.memref_slice %arg15[%select_n3A_220] : memref<6x!tpu.dma_semaphore, #tpu.memory_space<semaphore_mem>> -> memref<1x!tpu.dma_semaphore, #tpu.memory_space<semaphore_mem>>
        %dma_start3A_345 = tpu.memref_squeeze %dma_start3A_344 : memref<1x!tpu.dma_semaphore, #tpu.memory_space<semaphore_mem>> -> memref<!tpu.dma_semaphore, #tpu.memory_space<semaphore_mem>>
        tpu.enqueue_indirect_dma source(%dma_start3A_337 : memref<16x128xf32, #tpu.memory_space<vmem>>) target(%dma_start3A_343 : memref<16400x128xf32, #tpu.memory_space<hbm>>) offsets(%dma_start3A_340 : memref<16xi32, #tpu.memory_space<vmem>>) semaphore(%dma_start3A_345 : memref<!tpu.dma_semaphore, #tpu.memory_space<semaphore_mem>>)
        %add3A_346 = arith.constant 1 : i32
        %add3A_347 = arith.addi %while3A_210, %add3A_346 : i32
        scf.yield %add3A_347 : i32
      }
      %mul3A_148 = arith.constant 2 : i32
      %mul3A_149 = arith.muli %mul3A_148, %scan3A_92 : i32
      %add3A_150 = arith.constant 1 : i32
      %add3A_151 = arith.addi %mul3A_149, %add3A_150 : i32
      %mul3A_152 = arith.constant 1024 : i32
      %mul3A_153 = arith.muli %add3A_151, %mul3A_152 : i32
      %add3A_154 = arith.addi %mul3A_8, %mul3A_153 : i32
      %min3A_155 = arith.constant 999040 : i32
      %min3A_156 = arith.minsi %add3A_154, %min3A_155 : i32
      %multiple_of3A_157 = tpu.assume_multiple %min3A_156, 128 : i32
      %dma_wait3A_158 = arith.constant 1 : i32
      %dma_wait3A_159 = arith.constant 0 : i32
      %dma_wait3A_160 = arith.constant 0 : i32
      %dma_wait3A_161 = tpu.memref_slice %arg4[%dma_wait3A_159, %dma_wait3A_160] : memref<32x1000000xf32, #tpu.memory_space<hbm>> -> memref<32x1024xf32, #tpu.memory_space<hbm>>
      %dma_wait3A_162 = tpu.memref_slice %arg16[%dma_wait3A_158] : memref<2x!tpu.dma_semaphore, #tpu.memory_space<semaphore_mem>> -> memref<1x!tpu.dma_semaphore, #tpu.memory_space<semaphore_mem>>
      %dma_wait3A_163 = tpu.memref_squeeze %dma_wait3A_162 : memref<1x!tpu.dma_semaphore, #tpu.memory_space<semaphore_mem>> -> memref<!tpu.dma_semaphore, #tpu.memory_space<semaphore_mem>>
      %dma_wait3A_164 = arith.constant 0 : i32
      %dma_wait3A_165 = arith.constant 0 : i32
      %dma_wait3A_166 = tpu.memref_slice %arg4[%dma_wait3A_164, %dma_wait3A_165] : memref<32x1000000xf32, #tpu.memory_space<hbm>> -> memref<32x1024xf32, #tpu.memory_space<hbm>>
      tpu.wait_dma2 semaphore(%dma_wait3A_163 : memref<!tpu.dma_semaphore, #tpu.memory_space<semaphore_mem>>) src(%dma_wait3A_166 : memref<32x1024xf32, #tpu.memory_space<hbm>>) dst(%arg12 : memref<32x1024xf32, #tpu.memory_space<vmem>>)
      %add3A_167 = arith.constant 1 : i32
      %add3A_168 = arith.addi %add3A_151, %add3A_167 : i32
      %lt3A_169 = arith.constant 32 : i32
      %lt3A_170 = arith.cmpi slt, %add3A_168, %lt3A_169 : i32
      %convert_element_type3A_171 = arith.extui %lt3A_170 : i1 to i32
      %cond3A_172 = arith.constant 0 : i32
      %cond3A_173 = arith.cmpi ne, %convert_element_type3A_171, %cond3A_172 : i32
      scf.if %cond3A_173 {
        %add3A_209 = arith.constant 1 : i32
        %add3A_210 = arith.addi %add3A_151, %add3A_209 : i32
        %mul3A_211 = arith.constant 1024 : i32
        %mul3A_212 = arith.muli %add3A_210, %mul3A_211 : i32
        %add3A_213 = arith.addi %mul3A_8, %mul3A_212 : i32
        %min3A_214 = arith.constant 999040 : i32
        %min3A_215 = arith.minsi %add3A_213, %min3A_214 : i32
        %multiple_of3A_216 = tpu.assume_multiple %min3A_215, 128 : i32
        %dma_start3A_217 = arith.constant 0 : i32
        %dma_start3A_218 = arith.constant 0 : i32
        %dma_start3A_219 = tpu.memref_slice %arg4[%dma_start3A_218, %multiple_of3A_216] : memref<32x1000000xf32, #tpu.memory_space<hbm>> -> memref<32x1024xf32, #tpu.memory_space<hbm>>
        %dma_start3A_220 = tpu.memref_slice %arg16[%dma_start3A_217] : memref<2x!tpu.dma_semaphore, #tpu.memory_space<semaphore_mem>> -> memref<1x!tpu.dma_semaphore, #tpu.memory_space<semaphore_mem>>
        %dma_start3A_221 = tpu.memref_squeeze %dma_start3A_220 : memref<1x!tpu.dma_semaphore, #tpu.memory_space<semaphore_mem>> -> memref<!tpu.dma_semaphore, #tpu.memory_space<semaphore_mem>>
        %dma_start3A_222 = arith.constant 0 : i32
        %dma_start3A_223 = tpu.memref_slice %arg4[%dma_start3A_222, %multiple_of3A_216] : memref<32x1000000xf32, #tpu.memory_space<hbm>> -> memref<32x1024xf32, #tpu.memory_space<hbm>>
        tpu.enqueue_dma source(%dma_start3A_223 : memref<32x1024xf32, #tpu.memory_space<hbm>>) target(%arg11 : memref<32x1024xf32, #tpu.memory_space<vmem>>) target_semaphore(%dma_start3A_221 : memref<!tpu.dma_semaphore, #tpu.memory_space<semaphore_mem>>)
      } else {
      }
      %add3A_174 = arith.constant 15 : i32
      %add3A_175 = arith.addi %scan3A_17, %add3A_174 : i32
      %shift_right_arithmetic3A_176 = arith.constant 4 : i32
      %shift_right_arithmetic3A_177 = arith.shrsi %add3A_175, %shift_right_arithmetic3A_176 : i32
      %while3A_178 = arith.constant 0 : i32
      %while3A_179 = arith.constant 0 : i32
      %while3A_180 = arith.subi %shift_right_arithmetic3A_177, %while3A_178 : i32
      %while3A_181 = arith.addi %while3A_178, %while3A_180 : i32
      %while3A_182 = arith.constant 1 : i32
      %while3A_183 = arith.divsi %while3A_180, %while3A_182 : i32
      %while3A_184 = arith.muli %while3A_183, %while3A_182 : i32
      %while3A_185 = arith.addi %while3A_178, %while3A_184 : i32
      %while3A_186 = arith.constant 1 : i32
      %while3A_187 = scf.for %while3A_209 = %while3A_178 to %while3A_185 step %while3A_186 iter_args(%while3A_210 = %while3A_179) -> (i32)  : i32 {
        %mul3A_211 = arith.constant 16 : i32
        %mul3A_212 = arith.muli %while3A_209, %mul3A_211 : i32
        %get3A = arith.index_cast %mul3A_212 : i32 to index
        %get3A_213 = tpu.vector_load %arg9[%get3A] {strides = array<i32>} : memref<16400xi32, #tpu.memory_space<vmem>>, vector<16xi32>,
        %gather3A = tpu.vector_load_idx %arg8[%get3A_213] : memref<16400xi32, #tpu.memory_space<vmem>>[vector<16xi32>], vector<16xi32>,
        %ge3A = vector.broadcast %multiple_of3A_157 : i32 to vector<16xi32>
        %ge3A_214 = arith.cmpi sge, %gather3A, %ge3A : vector<16xi32>
        %add3A_215 = arith.constant 1024 : i32
        %add3A_216 = arith.addi %multiple_of3A_157, %add3A_215 : i32
        %lt3A_217 = vector.broadcast %add3A_216 : i32 to vector<16xi32>
        %lt3A_218 = arith.cmpi slt, %gather3A, %lt3A_217 : vector<16xi32>
        %and3A = arith.andi %ge3A_214, %lt3A_218 : vector<16xi1>
        %swap3A_219 = arith.index_cast %while3A_210 : i32 to index
        %swap3A_220 = tpu.vector_load %arg10[%swap3A_219] masked %and3A {strides = array<i32>} : memref<16400xi32, #tpu.memory_space<vmem>>, vector<16xi32>, vector<16xi1>
        tpu.vector_store %arg10[%swap3A_219], %get3A_213 masked %and3A {strides = array<i32>} : memref<16400xi32, #tpu.memory_space<vmem>>, vector<16xi32>, vector<16xi1>
        %all_reduce_population_count3A = tpu.all_reduce %and3A {dim = 0 : i64, kind = #tpu.reduction_kind<sum>} : vector<16xi1> -> vector<16xi32>
        %slice3A = vector.extract_strided_slice %all_reduce_population_count3A {offsets = [0], sizes = [1], strides = [1]} : vector<16xi32> to vector<1xi32>
        %squeeze3A = vector.extract %slice3A[0] : i32 from vector<1xi32>
        %add3A_221 = arith.addi %while3A_210, %squeeze3A : i32
        scf.yield %add3A_221 : i32
      }
      %while3A_188 = arith.constant 1 : i32
      %while3A_189 = scf.for %while3A_209 = %while3A_185 to %while3A_181 step %while3A_188 iter_args(%while3A_210 = %while3A_187) -> (i32)  : i32 {
        %mul3A_211 = arith.constant 16 : i32
        %mul3A_212 = arith.muli %while3A_209, %mul3A_211 : i32
        %get3A = arith.index_cast %mul3A_212 : i32 to index
        %get3A_213 = tpu.vector_load %arg9[%get3A] {strides = array<i32>} : memref<16400xi32, #tpu.memory_space<vmem>>, vector<16xi32>,
        %gather3A = tpu.vector_load_idx %arg8[%get3A_213] : memref<16400xi32, #tpu.memory_space<vmem>>[vector<16xi32>], vector<16xi32>,
        %ge3A = vector.broadcast %multiple_of3A_157 : i32 to vector<16xi32>
        %ge3A_214 = arith.cmpi sge, %gather3A, %ge3A : vector<16xi32>
        %add3A_215 = arith.constant 1024 : i32
        %add3A_216 = arith.addi %multiple_of3A_157, %add3A_215 : i32
        %lt3A_217 = vector.broadcast %add3A_216 : i32 to vector<16xi32>
        %lt3A_218 = arith.cmpi slt, %gather3A, %lt3A_217 : vector<16xi32>
        %and3A = arith.andi %ge3A_214, %lt3A_218 : vector<16xi1>
        %swap3A_219 = arith.index_cast %while3A_210 : i32 to index
        %swap3A_220 = tpu.vector_load %arg10[%swap3A_219] masked %and3A {strides = array<i32>} : memref<16400xi32, #tpu.memory_space<vmem>>, vector<16xi32>, vector<16xi1>
        tpu.vector_store %arg10[%swap3A_219], %get3A_213 masked %and3A {strides = array<i32>} : memref<16400xi32, #tpu.memory_space<vmem>>, vector<16xi32>, vector<16xi1>
        %all_reduce_population_count3A = tpu.all_reduce %and3A {dim = 0 : i64, kind = #tpu.reduction_kind<sum>} : vector<16xi1> -> vector<16xi32>
        %slice3A = vector.extract_strided_slice %all_reduce_population_count3A {offsets = [0], sizes = [1], strides = [1]} : vector<16xi32> to vector<1xi32>
        %squeeze3A = vector.extract %slice3A[0] : i32 from vector<1xi32>
        %add3A_221 = arith.addi %while3A_210, %squeeze3A : i32
        scf.yield %add3A_221 : i32
      }
      %broadcast_in_dim3A_190 = arith.constant 16384 : i32
      %broadcast_in_dim3A_191 = vector.broadcast %broadcast_in_dim3A_190 : i32 to vector<16xi32>
      %swap3A_192 = arith.index_cast %while3A_189 : i32 to index
      %swap3A_193 = tpu.vector_load %arg10[%swap3A_192] {strides = array<i32>} : memref<16400xi32, #tpu.memory_space<vmem>>, vector<16xi32>,
      tpu.vector_store %arg10[%swap3A_192], %broadcast_in_dim3A_191 {strides = array<i32>} : memref<16400xi32, #tpu.memory_space<vmem>>, vector<16xi32>,
      %add3A_194 = arith.constant 15 : i32
      %add3A_195 = arith.addi %while3A_189, %add3A_194 : i32
      %shift_right_arithmetic3A_196 = arith.constant 4 : i32
      %shift_right_arithmetic3A_197 = arith.shrsi %add3A_195, %shift_right_arithmetic3A_196 : i32
      %while3A_198 = arith.constant 0 : i32
      %while3A_199 = arith.subi %shift_right_arithmetic3A_197, %while3A_198 : i32
      %while3A_200 = arith.addi %while3A_198, %while3A_199 : i32
      %while3A_201 = arith.constant 1 : i32
      %while3A_202 = arith.divsi %while3A_199, %while3A_201 : i32
      %while3A_203 = arith.muli %while3A_202, %while3A_201 : i32
      %while3A_204 = arith.addi %while3A_198, %while3A_203 : i32
      %while3A_205 = arith.constant 1 : i32
      %while3A_206 = scf.for %while3A_209 = %while3A_198 to %while3A_204 step %while3A_205 iter_args(%while3A_210 = %while3A_147) -> (i32)  : i32 {
        %jit3A = arith.constant 6 : i32
        %eq3A = arith.constant 0 : i32
        %eq3A_211 = arith.cmpi eq, %jit3A, %eq3A : i32
        %jit3A_212 = arith.constant 1 : i32
        %select_n3A = arith.select %eq3A_211, %jit3A_212, %jit3A : i32
        %rem3A = arith.remsi %while3A_210, %select_n3A : i32
        %ne3A = arith.constant 0 : i32
        %ne3A_213 = arith.cmpi ne, %rem3A, %ne3A : i32
        %lt3A_214 = arith.constant 0 : i32
        %lt3A_215 = arith.cmpi slt, %rem3A, %lt3A_214 : i32
        %lt3A_216 = arith.constant 0 : i32
        %lt3A_217 = arith.cmpi slt, %select_n3A, %lt3A_216 : i32
        %ne3A_218 = arith.xori %lt3A_215, %lt3A_217 : i1
        %and3A = arith.andi %ne3A_218, %ne3A_213 : i1
        %add3A_219 = arith.addi %rem3A, %select_n3A : i32
        %select_n3A_220 = arith.select %and3A, %add3A_219, %rem3A : i32
        %ge3A = arith.constant 6 : i32
        %ge3A_221 = arith.cmpi sge, %while3A_210, %ge3A : i32
        %convert_element_type3A_222 = arith.extui %ge3A_221 : i1 to i32
        %cond3A_223 = arith.constant 0 : i32
        %cond3A_224 = arith.cmpi ne, %convert_element_type3A_222, %cond3A_223 : i32
        scf.if %cond3A_224 {
          %dma_wait3A_348 = arith.constant 0 : i32
          %dma_wait3A_349 = arith.constant 0 : i32
          %dma_wait3A_350 = tpu.memref_slice %arg13[%select_n3A_220, %dma_wait3A_348, %dma_wait3A_349] : memref<6x16x128xf32, #tpu.memory_space<vmem>> -> memref<1x16x128xf32, #tpu.memory_space<vmem>>
          %dma_wait3A_351 = tpu.memref_squeeze %dma_wait3A_350 : memref<1x16x128xf32, #tpu.memory_space<vmem>> -> memref<16x128xf32, #tpu.memory_space<vmem>>
          %dma_wait3A_352 = arith.constant 0 : i32
          %dma_wait3A_353 = tpu.memref_slice %arg14[%select_n3A_220, %dma_wait3A_352] : memref<6x16xi32, #tpu.memory_space<vmem>> -> memref<1x16xi32, #tpu.memory_space<vmem>>
          %dma_wait3A_354 = tpu.memref_squeeze %dma_wait3A_353 : memref<1x16xi32, #tpu.memory_space<vmem>> -> memref<16xi32, #tpu.memory_space<vmem>>
          %dma_wait3A_355 = arith.constant 0 : i32
          %dma_wait3A_356 = arith.constant 0 : i32
          %dma_wait3A_357 = tpu.memref_slice %arg6[%dma_wait3A_355, %dma_wait3A_356] : memref<16400x128xf32, #tpu.memory_space<hbm>> -> memref<16400x128xf32, #tpu.memory_space<hbm>>
          %dma_wait3A_358 = tpu.memref_slice %arg15[%select_n3A_220] : memref<6x!tpu.dma_semaphore, #tpu.memory_space<semaphore_mem>> -> memref<1x!tpu.dma_semaphore, #tpu.memory_space<semaphore_mem>>
          %dma_wait3A_359 = tpu.memref_squeeze %dma_wait3A_358 : memref<1x!tpu.dma_semaphore, #tpu.memory_space<semaphore_mem>> -> memref<!tpu.dma_semaphore, #tpu.memory_space<semaphore_mem>>
          tpu.wait_indirect_dma semaphore(%dma_wait3A_359 : memref<!tpu.dma_semaphore, #tpu.memory_space<semaphore_mem>>) src(%dma_wait3A_351 : memref<16x128xf32, #tpu.memory_space<vmem>>) dst(%dma_wait3A_357 : memref<16400x128xf32, #tpu.memory_space<hbm>>)
        } else {
        }
        %mul3A_225 = arith.constant 16 : i32
        %mul3A_226 = arith.muli %while3A_209, %mul3A_225 : i32
        %get3A = arith.index_cast %mul3A_226 : i32 to index
        %get3A_227 = tpu.vector_load %arg10[%get3A] {strides = array<i32>} : memref<16400xi32, #tpu.memory_space<vmem>>, vector<16xi32>,
        %gather3A = tpu.vector_load_idx %arg8[%get3A_227] : memref<16400xi32, #tpu.memory_space<vmem>>[vector<16xi32>], vector<16xi32>,
        %sub3A = vector.broadcast %multiple_of3A_157 : i32 to vector<16xi32>
        %sub3A_228 = arith.subi %gather3A, %sub3A : vector<16xi32>
        %jit3A_229 = arith.constant 0 : i32
        %jit3A_230 = arith.constant 1023 : i32
        %max3A = vector.broadcast %jit3A_229 : i32 to vector<16xi32>
        %max3A_231 = arith.maxsi %max3A, %sub3A_228 : vector<16xi32>
        %min3A_232 = vector.broadcast %jit3A_230 : i32 to vector<16xi32>
        %min3A_233 = arith.minsi %min3A_232, %max3A_231 : vector<16xi32>
        %broadcast_in_dim3A_234 = vector.broadcast %select_n3A_220 : i32 to vector<16xi32>
        %broadcast_in_dim3A_235 = arith.constant 0 : i32
        %broadcast_in_dim3A_236 = vector.broadcast %broadcast_in_dim3A_235 : i32 to vector<16xi32>
        %gather3A_237 = tpu.vector_load_idx %arg12[%broadcast_in_dim3A_236, %min3A_233] : memref<32x1024xf32, #tpu.memory_space<vmem>>[vector<16xi32>, vector<16xi32>], vector<16xf32>,
        tpu.vector_store_idx %arg13[%broadcast_in_dim3A_234, %iota3A, %broadcast_in_dim3A_236], %gather3A_237 : memref<6x16x128xf32, #tpu.memory_space<vmem>>[vector<16xi32>, vector<16xi32>, vector<16xi32>], vector<16xf32>,
        %broadcast_in_dim3A_238 = arith.constant 1 : i32
        %broadcast_in_dim3A_239 = vector.broadcast %broadcast_in_dim3A_238 : i32 to vector<16xi32>
        %gather3A_240 = tpu.vector_load_idx %arg12[%broadcast_in_dim3A_239, %min3A_233] : memref<32x1024xf32, #tpu.memory_space<vmem>>[vector<16xi32>, vector<16xi32>], vector<16xf32>,
        tpu.vector_store_idx %arg13[%broadcast_in_dim3A_234, %iota3A, %broadcast_in_dim3A_239], %gather3A_240 : memref<6x16x128xf32, #tpu.memory_space<vmem>>[vector<16xi32>, vector<16xi32>, vector<16xi32>], vector<16xf32>,
        %broadcast_in_dim3A_241 = arith.constant 2 : i32
        %broadcast_in_dim3A_242 = vector.broadcast %broadcast_in_dim3A_241 : i32 to vector<16xi32>
        %gather3A_243 = tpu.vector_load_idx %arg12[%broadcast_in_dim3A_242, %min3A_233] : memref<32x1024xf32, #tpu.memory_space<vmem>>[vector<16xi32>, vector<16xi32>], vector<16xf32>,
        tpu.vector_store_idx %arg13[%broadcast_in_dim3A_234, %iota3A, %broadcast_in_dim3A_242], %gather3A_243 : memref<6x16x128xf32, #tpu.memory_space<vmem>>[vector<16xi32>, vector<16xi32>, vector<16xi32>], vector<16xf32>,
        %broadcast_in_dim3A_244 = arith.constant 3 : i32
        %broadcast_in_dim3A_245 = vector.broadcast %broadcast_in_dim3A_244 : i32 to vector<16xi32>
        %gather3A_246 = tpu.vector_load_idx %arg12[%broadcast_in_dim3A_245, %min3A_233] : memref<32x1024xf32, #tpu.memory_space<vmem>>[vector<16xi32>, vector<16xi32>], vector<16xf32>,
        tpu.vector_store_idx %arg13[%broadcast_in_dim3A_234, %iota3A, %broadcast_in_dim3A_245], %gather3A_246 : memref<6x16x128xf32, #tpu.memory_space<vmem>>[vector<16xi32>, vector<16xi32>, vector<16xi32>], vector<16xf32>,
        %broadcast_in_dim3A_247 = arith.constant 4 : i32
        %broadcast_in_dim3A_248 = vector.broadcast %broadcast_in_dim3A_247 : i32 to vector<16xi32>
        %gather3A_249 = tpu.vector_load_idx %arg12[%broadcast_in_dim3A_248, %min3A_233] : memref<32x1024xf32, #tpu.memory_space<vmem>>[vector<16xi32>, vector<16xi32>], vector<16xf32>,
        tpu.vector_store_idx %arg13[%broadcast_in_dim3A_234, %iota3A, %broadcast_in_dim3A_248], %gather3A_249 : memref<6x16x128xf32, #tpu.memory_space<vmem>>[vector<16xi32>, vector<16xi32>, vector<16xi32>], vector<16xf32>,
        %broadcast_in_dim3A_250 = arith.constant 5 : i32
        %broadcast_in_dim3A_251 = vector.broadcast %broadcast_in_dim3A_250 : i32 to vector<16xi32>
        %gather3A_252 = tpu.vector_load_idx %arg12[%broadcast_in_dim3A_251, %min3A_233] : memref<32x1024xf32, #tpu.memory_space<vmem>>[vector<16xi32>, vector<16xi32>], vector<16xf32>,
        tpu.vector_store_idx %arg13[%broadcast_in_dim3A_234, %iota3A, %broadcast_in_dim3A_251], %gather3A_252 : memref<6x16x128xf32, #tpu.memory_space<vmem>>[vector<16xi32>, vector<16xi32>, vector<16xi32>], vector<16xf32>,
        %broadcast_in_dim3A_253 = arith.constant 6 : i32
        %broadcast_in_dim3A_254 = vector.broadcast %broadcast_in_dim3A_253 : i32 to vector<16xi32>
        %gather3A_255 = tpu.vector_load_idx %arg12[%broadcast_in_dim3A_254, %min3A_233] : memref<32x1024xf32, #tpu.memory_space<vmem>>[vector<16xi32>, vector<16xi32>], vector<16xf32>,
        tpu.vector_store_idx %arg13[%broadcast_in_dim3A_234, %iota3A, %broadcast_in_dim3A_254], %gather3A_255 : memref<6x16x128xf32, #tpu.memory_space<vmem>>[vector<16xi32>, vector<16xi32>, vector<16xi32>], vector<16xf32>,
        %broadcast_in_dim3A_256 = arith.constant 7 : i32
        %broadcast_in_dim3A_257 = vector.broadcast %broadcast_in_dim3A_256 : i32 to vector<16xi32>
        %gather3A_258 = tpu.vector_load_idx %arg12[%broadcast_in_dim3A_257, %min3A_233] : memref<32x1024xf32, #tpu.memory_space<vmem>>[vector<16xi32>, vector<16xi32>], vector<16xf32>,
        tpu.vector_store_idx %arg13[%broadcast_in_dim3A_234, %iota3A, %broadcast_in_dim3A_257], %gather3A_258 : memref<6x16x128xf32, #tpu.memory_space<vmem>>[vector<16xi32>, vector<16xi32>, vector<16xi32>], vector<16xf32>,
        %broadcast_in_dim3A_259 = arith.constant 8 : i32
        %broadcast_in_dim3A_260 = vector.broadcast %broadcast_in_dim3A_259 : i32 to vector<16xi32>
        %gather3A_261 = tpu.vector_load_idx %arg12[%broadcast_in_dim3A_260, %min3A_233] : memref<32x1024xf32, #tpu.memory_space<vmem>>[vector<16xi32>, vector<16xi32>], vector<16xf32>,
        tpu.vector_store_idx %arg13[%broadcast_in_dim3A_234, %iota3A, %broadcast_in_dim3A_260], %gather3A_261 : memref<6x16x128xf32, #tpu.memory_space<vmem>>[vector<16xi32>, vector<16xi32>, vector<16xi32>], vector<16xf32>,
        %broadcast_in_dim3A_262 = arith.constant 9 : i32
        %broadcast_in_dim3A_263 = vector.broadcast %broadcast_in_dim3A_262 : i32 to vector<16xi32>
        %gather3A_264 = tpu.vector_load_idx %arg12[%broadcast_in_dim3A_263, %min3A_233] : memref<32x1024xf32, #tpu.memory_space<vmem>>[vector<16xi32>, vector<16xi32>], vector<16xf32>,
        tpu.vector_store_idx %arg13[%broadcast_in_dim3A_234, %iota3A, %broadcast_in_dim3A_263], %gather3A_264 : memref<6x16x128xf32, #tpu.memory_space<vmem>>[vector<16xi32>, vector<16xi32>, vector<16xi32>], vector<16xf32>,
        %broadcast_in_dim3A_265 = arith.constant 10 : i32
        %broadcast_in_dim3A_266 = vector.broadcast %broadcast_in_dim3A_265 : i32 to vector<16xi32>
        %gather3A_267 = tpu.vector_load_idx %arg12[%broadcast_in_dim3A_266, %min3A_233] : memref<32x1024xf32, #tpu.memory_space<vmem>>[vector<16xi32>, vector<16xi32>], vector<16xf32>,
        tpu.vector_store_idx %arg13[%broadcast_in_dim3A_234, %iota3A, %broadcast_in_dim3A_266], %gather3A_267 : memref<6x16x128xf32, #tpu.memory_space<vmem>>[vector<16xi32>, vector<16xi32>, vector<16xi32>], vector<16xf32>,
        %broadcast_in_dim3A_268 = arith.constant 11 : i32
        %broadcast_in_dim3A_269 = vector.broadcast %broadcast_in_dim3A_268 : i32 to vector<16xi32>
        %gather3A_270 = tpu.vector_load_idx %arg12[%broadcast_in_dim3A_269, %min3A_233] : memref<32x1024xf32, #tpu.memory_space<vmem>>[vector<16xi32>, vector<16xi32>], vector<16xf32>,
        tpu.vector_store_idx %arg13[%broadcast_in_dim3A_234, %iota3A, %broadcast_in_dim3A_269], %gather3A_270 : memref<6x16x128xf32, #tpu.memory_space<vmem>>[vector<16xi32>, vector<16xi32>, vector<16xi32>], vector<16xf32>,
        %broadcast_in_dim3A_271 = arith.constant 12 : i32
        %broadcast_in_dim3A_272 = vector.broadcast %broadcast_in_dim3A_271 : i32 to vector<16xi32>
        %gather3A_273 = tpu.vector_load_idx %arg12[%broadcast_in_dim3A_272, %min3A_233] : memref<32x1024xf32, #tpu.memory_space<vmem>>[vector<16xi32>, vector<16xi32>], vector<16xf32>,
        tpu.vector_store_idx %arg13[%broadcast_in_dim3A_234, %iota3A, %broadcast_in_dim3A_272], %gather3A_273 : memref<6x16x128xf32, #tpu.memory_space<vmem>>[vector<16xi32>, vector<16xi32>, vector<16xi32>], vector<16xf32>,
        %broadcast_in_dim3A_274 = arith.constant 13 : i32
        %broadcast_in_dim3A_275 = vector.broadcast %broadcast_in_dim3A_274 : i32 to vector<16xi32>
        %gather3A_276 = tpu.vector_load_idx %arg12[%broadcast_in_dim3A_275, %min3A_233] : memref<32x1024xf32, #tpu.memory_space<vmem>>[vector<16xi32>, vector<16xi32>], vector<16xf32>,
        tpu.vector_store_idx %arg13[%broadcast_in_dim3A_234, %iota3A, %broadcast_in_dim3A_275], %gather3A_276 : memref<6x16x128xf32, #tpu.memory_space<vmem>>[vector<16xi32>, vector<16xi32>, vector<16xi32>], vector<16xf32>,
        %broadcast_in_dim3A_277 = arith.constant 14 : i32
        %broadcast_in_dim3A_278 = vector.broadcast %broadcast_in_dim3A_277 : i32 to vector<16xi32>
        %gather3A_279 = tpu.vector_load_idx %arg12[%broadcast_in_dim3A_278, %min3A_233] : memref<32x1024xf32, #tpu.memory_space<vmem>>[vector<16xi32>, vector<16xi32>], vector<16xf32>,
        tpu.vector_store_idx %arg13[%broadcast_in_dim3A_234, %iota3A, %broadcast_in_dim3A_278], %gather3A_279 : memref<6x16x128xf32, #tpu.memory_space<vmem>>[vector<16xi32>, vector<16xi32>, vector<16xi32>], vector<16xf32>,
        %broadcast_in_dim3A_280 = arith.constant 15 : i32
        %broadcast_in_dim3A_281 = vector.broadcast %broadcast_in_dim3A_280 : i32 to vector<16xi32>
        %gather3A_282 = tpu.vector_load_idx %arg12[%broadcast_in_dim3A_281, %min3A_233] : memref<32x1024xf32, #tpu.memory_space<vmem>>[vector<16xi32>, vector<16xi32>], vector<16xf32>,
        tpu.vector_store_idx %arg13[%broadcast_in_dim3A_234, %iota3A, %broadcast_in_dim3A_281], %gather3A_282 : memref<6x16x128xf32, #tpu.memory_space<vmem>>[vector<16xi32>, vector<16xi32>, vector<16xi32>], vector<16xf32>,
        %broadcast_in_dim3A_283 = arith.constant 16 : i32
        %broadcast_in_dim3A_284 = vector.broadcast %broadcast_in_dim3A_283 : i32 to vector<16xi32>
        %gather3A_285 = tpu.vector_load_idx %arg12[%broadcast_in_dim3A_284, %min3A_233] : memref<32x1024xf32, #tpu.memory_space<vmem>>[vector<16xi32>, vector<16xi32>], vector<16xf32>,
        tpu.vector_store_idx %arg13[%broadcast_in_dim3A_234, %iota3A, %broadcast_in_dim3A_284], %gather3A_285 : memref<6x16x128xf32, #tpu.memory_space<vmem>>[vector<16xi32>, vector<16xi32>, vector<16xi32>], vector<16xf32>,
        %broadcast_in_dim3A_286 = arith.constant 17 : i32
        %broadcast_in_dim3A_287 = vector.broadcast %broadcast_in_dim3A_286 : i32 to vector<16xi32>
        %gather3A_288 = tpu.vector_load_idx %arg12[%broadcast_in_dim3A_287, %min3A_233] : memref<32x1024xf32, #tpu.memory_space<vmem>>[vector<16xi32>, vector<16xi32>], vector<16xf32>,
        tpu.vector_store_idx %arg13[%broadcast_in_dim3A_234, %iota3A, %broadcast_in_dim3A_287], %gather3A_288 : memref<6x16x128xf32, #tpu.memory_space<vmem>>[vector<16xi32>, vector<16xi32>, vector<16xi32>], vector<16xf32>,
        %broadcast_in_dim3A_289 = arith.constant 18 : i32
        %broadcast_in_dim3A_290 = vector.broadcast %broadcast_in_dim3A_289 : i32 to vector<16xi32>
        %gather3A_291 = tpu.vector_load_idx %arg12[%broadcast_in_dim3A_290, %min3A_233] : memref<32x1024xf32, #tpu.memory_space<vmem>>[vector<16xi32>, vector<16xi32>], vector<16xf32>,
        tpu.vector_store_idx %arg13[%broadcast_in_dim3A_234, %iota3A, %broadcast_in_dim3A_290], %gather3A_291 : memref<6x16x128xf32, #tpu.memory_space<vmem>>[vector<16xi32>, vector<16xi32>, vector<16xi32>], vector<16xf32>,
        %broadcast_in_dim3A_292 = arith.constant 19 : i32
        %broadcast_in_dim3A_293 = vector.broadcast %broadcast_in_dim3A_292 : i32 to vector<16xi32>
        %gather3A_294 = tpu.vector_load_idx %arg12[%broadcast_in_dim3A_293, %min3A_233] : memref<32x1024xf32, #tpu.memory_space<vmem>>[vector<16xi32>, vector<16xi32>], vector<16xf32>,
        tpu.vector_store_idx %arg13[%broadcast_in_dim3A_234, %iota3A, %broadcast_in_dim3A_293], %gather3A_294 : memref<6x16x128xf32, #tpu.memory_space<vmem>>[vector<16xi32>, vector<16xi32>, vector<16xi32>], vector<16xf32>,
        %broadcast_in_dim3A_295 = arith.constant 20 : i32
        %broadcast_in_dim3A_296 = vector.broadcast %broadcast_in_dim3A_295 : i32 to vector<16xi32>
        %gather3A_297 = tpu.vector_load_idx %arg12[%broadcast_in_dim3A_296, %min3A_233] : memref<32x1024xf32, #tpu.memory_space<vmem>>[vector<16xi32>, vector<16xi32>], vector<16xf32>,
        tpu.vector_store_idx %arg13[%broadcast_in_dim3A_234, %iota3A, %broadcast_in_dim3A_296], %gather3A_297 : memref<6x16x128xf32, #tpu.memory_space<vmem>>[vector<16xi32>, vector<16xi32>, vector<16xi32>], vector<16xf32>,
        %broadcast_in_dim3A_298 = arith.constant 21 : i32
        %broadcast_in_dim3A_299 = vector.broadcast %broadcast_in_dim3A_298 : i32 to vector<16xi32>
        %gather3A_300 = tpu.vector_load_idx %arg12[%broadcast_in_dim3A_299, %min3A_233] : memref<32x1024xf32, #tpu.memory_space<vmem>>[vector<16xi32>, vector<16xi32>], vector<16xf32>,
        tpu.vector_store_idx %arg13[%broadcast_in_dim3A_234, %iota3A, %broadcast_in_dim3A_299], %gather3A_300 : memref<6x16x128xf32, #tpu.memory_space<vmem>>[vector<16xi32>, vector<16xi32>, vector<16xi32>], vector<16xf32>,
        %broadcast_in_dim3A_301 = arith.constant 22 : i32
        %broadcast_in_dim3A_302 = vector.broadcast %broadcast_in_dim3A_301 : i32 to vector<16xi32>
        %gather3A_303 = tpu.vector_load_idx %arg12[%broadcast_in_dim3A_302, %min3A_233] : memref<32x1024xf32, #tpu.memory_space<vmem>>[vector<16xi32>, vector<16xi32>], vector<16xf32>,
        tpu.vector_store_idx %arg13[%broadcast_in_dim3A_234, %iota3A, %broadcast_in_dim3A_302], %gather3A_303 : memref<6x16x128xf32, #tpu.memory_space<vmem>>[vector<16xi32>, vector<16xi32>, vector<16xi32>], vector<16xf32>,
        %broadcast_in_dim3A_304 = arith.constant 23 : i32
        %broadcast_in_dim3A_305 = vector.broadcast %broadcast_in_dim3A_304 : i32 to vector<16xi32>
        %gather3A_306 = tpu.vector_load_idx %arg12[%broadcast_in_dim3A_305, %min3A_233] : memref<32x1024xf32, #tpu.memory_space<vmem>>[vector<16xi32>, vector<16xi32>], vector<16xf32>,
        tpu.vector_store_idx %arg13[%broadcast_in_dim3A_234, %iota3A, %broadcast_in_dim3A_305], %gather3A_306 : memref<6x16x128xf32, #tpu.memory_space<vmem>>[vector<16xi32>, vector<16xi32>, vector<16xi32>], vector<16xf32>,
        %broadcast_in_dim3A_307 = arith.constant 24 : i32
        %broadcast_in_dim3A_308 = vector.broadcast %broadcast_in_dim3A_307 : i32 to vector<16xi32>
        %gather3A_309 = tpu.vector_load_idx %arg12[%broadcast_in_dim3A_308, %min3A_233] : memref<32x1024xf32, #tpu.memory_space<vmem>>[vector<16xi32>, vector<16xi32>], vector<16xf32>,
        tpu.vector_store_idx %arg13[%broadcast_in_dim3A_234, %iota3A, %broadcast_in_dim3A_308], %gather3A_309 : memref<6x16x128xf32, #tpu.memory_space<vmem>>[vector<16xi32>, vector<16xi32>, vector<16xi32>], vector<16xf32>,
        %broadcast_in_dim3A_310 = arith.constant 25 : i32
        %broadcast_in_dim3A_311 = vector.broadcast %broadcast_in_dim3A_310 : i32 to vector<16xi32>
        %gather3A_312 = tpu.vector_load_idx %arg12[%broadcast_in_dim3A_311, %min3A_233] : memref<32x1024xf32, #tpu.memory_space<vmem>>[vector<16xi32>, vector<16xi32>], vector<16xf32>,
        tpu.vector_store_idx %arg13[%broadcast_in_dim3A_234, %iota3A, %broadcast_in_dim3A_311], %gather3A_312 : memref<6x16x128xf32, #tpu.memory_space<vmem>>[vector<16xi32>, vector<16xi32>, vector<16xi32>], vector<16xf32>,
        %broadcast_in_dim3A_313 = arith.constant 26 : i32
        %broadcast_in_dim3A_314 = vector.broadcast %broadcast_in_dim3A_313 : i32 to vector<16xi32>
        %gather3A_315 = tpu.vector_load_idx %arg12[%broadcast_in_dim3A_314, %min3A_233] : memref<32x1024xf32, #tpu.memory_space<vmem>>[vector<16xi32>, vector<16xi32>], vector<16xf32>,
        tpu.vector_store_idx %arg13[%broadcast_in_dim3A_234, %iota3A, %broadcast_in_dim3A_314], %gather3A_315 : memref<6x16x128xf32, #tpu.memory_space<vmem>>[vector<16xi32>, vector<16xi32>, vector<16xi32>], vector<16xf32>,
        %broadcast_in_dim3A_316 = arith.constant 27 : i32
        %broadcast_in_dim3A_317 = vector.broadcast %broadcast_in_dim3A_316 : i32 to vector<16xi32>
        %gather3A_318 = tpu.vector_load_idx %arg12[%broadcast_in_dim3A_317, %min3A_233] : memref<32x1024xf32, #tpu.memory_space<vmem>>[vector<16xi32>, vector<16xi32>], vector<16xf32>,
        tpu.vector_store_idx %arg13[%broadcast_in_dim3A_234, %iota3A, %broadcast_in_dim3A_317], %gather3A_318 : memref<6x16x128xf32, #tpu.memory_space<vmem>>[vector<16xi32>, vector<16xi32>, vector<16xi32>], vector<16xf32>,
        %broadcast_in_dim3A_319 = arith.constant 28 : i32
        %broadcast_in_dim3A_320 = vector.broadcast %broadcast_in_dim3A_319 : i32 to vector<16xi32>
        %gather3A_321 = tpu.vector_load_idx %arg12[%broadcast_in_dim3A_320, %min3A_233] : memref<32x1024xf32, #tpu.memory_space<vmem>>[vector<16xi32>, vector<16xi32>], vector<16xf32>,
        tpu.vector_store_idx %arg13[%broadcast_in_dim3A_234, %iota3A, %broadcast_in_dim3A_320], %gather3A_321 : memref<6x16x128xf32, #tpu.memory_space<vmem>>[vector<16xi32>, vector<16xi32>, vector<16xi32>], vector<16xf32>,
        %broadcast_in_dim3A_322 = arith.constant 29 : i32
        %broadcast_in_dim3A_323 = vector.broadcast %broadcast_in_dim3A_322 : i32 to vector<16xi32>
        %gather3A_324 = tpu.vector_load_idx %arg12[%broadcast_in_dim3A_323, %min3A_233] : memref<32x1024xf32, #tpu.memory_space<vmem>>[vector<16xi32>, vector<16xi32>], vector<16xf32>,
        tpu.vector_store_idx %arg13[%broadcast_in_dim3A_234, %iota3A, %broadcast_in_dim3A_323], %gather3A_324 : memref<6x16x128xf32, #tpu.memory_space<vmem>>[vector<16xi32>, vector<16xi32>, vector<16xi32>], vector<16xf32>,
        %broadcast_in_dim3A_325 = arith.constant 30 : i32
        %broadcast_in_dim3A_326 = vector.broadcast %broadcast_in_dim3A_325 : i32 to vector<16xi32>
        %gather3A_327 = tpu.vector_load_idx %arg12[%broadcast_in_dim3A_326, %min3A_233] : memref<32x1024xf32, #tpu.memory_space<vmem>>[vector<16xi32>, vector<16xi32>], vector<16xf32>,
        tpu.vector_store_idx %arg13[%broadcast_in_dim3A_234, %iota3A, %broadcast_in_dim3A_326], %gather3A_327 : memref<6x16x128xf32, #tpu.memory_space<vmem>>[vector<16xi32>, vector<16xi32>, vector<16xi32>], vector<16xf32>,
        %broadcast_in_dim3A_328 = arith.constant 31 : i32
        %broadcast_in_dim3A_329 = vector.broadcast %broadcast_in_dim3A_328 : i32 to vector<16xi32>
        %gather3A_330 = tpu.vector_load_idx %arg12[%broadcast_in_dim3A_329, %min3A_233] : memref<32x1024xf32, #tpu.memory_space<vmem>>[vector<16xi32>, vector<16xi32>], vector<16xf32>,
        tpu.vector_store_idx %arg13[%broadcast_in_dim3A_234, %iota3A, %broadcast_in_dim3A_329], %gather3A_330 : memref<6x16x128xf32, #tpu.memory_space<vmem>>[vector<16xi32>, vector<16xi32>, vector<16xi32>], vector<16xf32>,
        %swap3A_331 = arith.index_cast %select_n3A_220 : i32 to index
        %swap3A_332 = arith.constant 0 : index
        %swap3A_333 = tpu.vector_load %arg14[%swap3A_331, %swap3A_332] {strides = array<i32>} : memref<6x16xi32, #tpu.memory_space<vmem>>, vector<16xi32>,
        tpu.vector_store %arg14[%swap3A_331, %swap3A_332], %get3A_227 {strides = array<i32>} : memref<6x16xi32, #tpu.memory_space<vmem>>, vector<16xi32>,
        %dma_start3A_334 = arith.constant 0 : i32
        %dma_start3A_335 = arith.constant 0 : i32
        %dma_start3A_336 = tpu.memref_slice %arg13[%select_n3A_220, %dma_start3A_334, %dma_start3A_335] : memref<6x16x128xf32, #tpu.memory_space<vmem>> -> memref<1x16x128xf32, #tpu.memory_space<vmem>>
        %dma_start3A_337 = tpu.memref_squeeze %dma_start3A_336 : memref<1x16x128xf32, #tpu.memory_space<vmem>> -> memref<16x128xf32, #tpu.memory_space<vmem>>
        %dma_start3A_338 = arith.constant 0 : i32
        %dma_start3A_339 = tpu.memref_slice %arg14[%select_n3A_220, %dma_start3A_338] : memref<6x16xi32, #tpu.memory_space<vmem>> -> memref<1x16xi32, #tpu.memory_space<vmem>>
        %dma_start3A_340 = tpu.memref_squeeze %dma_start3A_339 : memref<1x16xi32, #tpu.memory_space<vmem>> -> memref<16xi32, #tpu.memory_space<vmem>>
        %dma_start3A_341 = arith.constant 0 : i32
        %dma_start3A_342 = arith.constant 0 : i32
        %dma_start3A_343 = tpu.memref_slice %arg6[%dma_start3A_341, %dma_start3A_342] : memref<16400x128xf32, #tpu.memory_space<hbm>> -> memref<16400x128xf32, #tpu.memory_space<hbm>>
        %dma_start3A_344 = tpu.memref_slice %arg15[%select_n3A_220] : memref<6x!tpu.dma_semaphore, #tpu.memory_space<semaphore_mem>> -> memref<1x!tpu.dma_semaphore, #tpu.memory_space<semaphore_mem>>
        %dma_start3A_345 = tpu.memref_squeeze %dma_start3A_344 : memref<1x!tpu.dma_semaphore, #tpu.memory_space<semaphore_mem>> -> memref<!tpu.dma_semaphore, #tpu.memory_space<semaphore_mem>>
        tpu.enqueue_indirect_dma source(%dma_start3A_337 : memref<16x128xf32, #tpu.memory_space<vmem>>) target(%dma_start3A_343 : memref<16400x128xf32, #tpu.memory_space<hbm>>) offsets(%dma_start3A_340 : memref<16xi32, #tpu.memory_space<vmem>>) semaphore(%dma_start3A_345 : memref<!tpu.dma_semaphore, #tpu.memory_space<semaphore_mem>>)
        %add3A_346 = arith.constant 1 : i32
        %add3A_347 = arith.addi %while3A_210, %add3A_346 : i32
        scf.yield %add3A_347 : i32
      }
      %while3A_207 = arith.constant 1 : i32
      %while3A_208 = scf.for %while3A_209 = %while3A_204 to %while3A_200 step %while3A_207 iter_args(%while3A_210 = %while3A_206) -> (i32)  : i32 {
        %jit3A = arith.constant 6 : i32
        %eq3A = arith.constant 0 : i32
        %eq3A_211 = arith.cmpi eq, %jit3A, %eq3A : i32
        %jit3A_212 = arith.constant 1 : i32
        %select_n3A = arith.select %eq3A_211, %jit3A_212, %jit3A : i32
        %rem3A = arith.remsi %while3A_210, %select_n3A : i32
        %ne3A = arith.constant 0 : i32
        %ne3A_213 = arith.cmpi ne, %rem3A, %ne3A : i32
        %lt3A_214 = arith.constant 0 : i32
        %lt3A_215 = arith.cmpi slt, %rem3A, %lt3A_214 : i32
        %lt3A_216 = arith.constant 0 : i32
        %lt3A_217 = arith.cmpi slt, %select_n3A, %lt3A_216 : i32
        %ne3A_218 = arith.xori %lt3A_215, %lt3A_217 : i1
        %and3A = arith.andi %ne3A_218, %ne3A_213 : i1
        %add3A_219 = arith.addi %rem3A, %select_n3A : i32
        %select_n3A_220 = arith.select %and3A, %add3A_219, %rem3A : i32
        %ge3A = arith.constant 6 : i32
        %ge3A_221 = arith.cmpi sge, %while3A_210, %ge3A : i32
        %convert_element_type3A_222 = arith.extui %ge3A_221 : i1 to i32
        %cond3A_223 = arith.constant 0 : i32
        %cond3A_224 = arith.cmpi ne, %convert_element_type3A_222, %cond3A_223 : i32
        scf.if %cond3A_224 {
          %dma_wait3A_348 = arith.constant 0 : i32
          %dma_wait3A_349 = arith.constant 0 : i32
          %dma_wait3A_350 = tpu.memref_slice %arg13[%select_n3A_220, %dma_wait3A_348, %dma_wait3A_349] : memref<6x16x128xf32, #tpu.memory_space<vmem>> -> memref<1x16x128xf32, #tpu.memory_space<vmem>>
          %dma_wait3A_351 = tpu.memref_squeeze %dma_wait3A_350 : memref<1x16x128xf32, #tpu.memory_space<vmem>> -> memref<16x128xf32, #tpu.memory_space<vmem>>
          %dma_wait3A_352 = arith.constant 0 : i32
          %dma_wait3A_353 = tpu.memref_slice %arg14[%select_n3A_220, %dma_wait3A_352] : memref<6x16xi32, #tpu.memory_space<vmem>> -> memref<1x16xi32, #tpu.memory_space<vmem>>
          %dma_wait3A_354 = tpu.memref_squeeze %dma_wait3A_353 : memref<1x16xi32, #tpu.memory_space<vmem>> -> memref<16xi32, #tpu.memory_space<vmem>>
          %dma_wait3A_355 = arith.constant 0 : i32
          %dma_wait3A_356 = arith.constant 0 : i32
          %dma_wait3A_357 = tpu.memref_slice %arg6[%dma_wait3A_355, %dma_wait3A_356] : memref<16400x128xf32, #tpu.memory_space<hbm>> -> memref<16400x128xf32, #tpu.memory_space<hbm>>
          %dma_wait3A_358 = tpu.memref_slice %arg15[%select_n3A_220] : memref<6x!tpu.dma_semaphore, #tpu.memory_space<semaphore_mem>> -> memref<1x!tpu.dma_semaphore, #tpu.memory_space<semaphore_mem>>
          %dma_wait3A_359 = tpu.memref_squeeze %dma_wait3A_358 : memref<1x!tpu.dma_semaphore, #tpu.memory_space<semaphore_mem>> -> memref<!tpu.dma_semaphore, #tpu.memory_space<semaphore_mem>>
          tpu.wait_indirect_dma semaphore(%dma_wait3A_359 : memref<!tpu.dma_semaphore, #tpu.memory_space<semaphore_mem>>) src(%dma_wait3A_351 : memref<16x128xf32, #tpu.memory_space<vmem>>) dst(%dma_wait3A_357 : memref<16400x128xf32, #tpu.memory_space<hbm>>)
        } else {
        }
        %mul3A_225 = arith.constant 16 : i32
        %mul3A_226 = arith.muli %while3A_209, %mul3A_225 : i32
        %get3A = arith.index_cast %mul3A_226 : i32 to index
        %get3A_227 = tpu.vector_load %arg10[%get3A] {strides = array<i32>} : memref<16400xi32, #tpu.memory_space<vmem>>, vector<16xi32>,
        %gather3A = tpu.vector_load_idx %arg8[%get3A_227] : memref<16400xi32, #tpu.memory_space<vmem>>[vector<16xi32>], vector<16xi32>,
        %sub3A = vector.broadcast %multiple_of3A_157 : i32 to vector<16xi32>
        %sub3A_228 = arith.subi %gather3A, %sub3A : vector<16xi32>
        %jit3A_229 = arith.constant 0 : i32
        %jit3A_230 = arith.constant 1023 : i32
        %max3A = vector.broadcast %jit3A_229 : i32 to vector<16xi32>
        %max3A_231 = arith.maxsi %max3A, %sub3A_228 : vector<16xi32>
        %min3A_232 = vector.broadcast %jit3A_230 : i32 to vector<16xi32>
        %min3A_233 = arith.minsi %min3A_232, %max3A_231 : vector<16xi32>
        %broadcast_in_dim3A_234 = vector.broadcast %select_n3A_220 : i32 to vector<16xi32>
        %broadcast_in_dim3A_235 = arith.constant 0 : i32
        %broadcast_in_dim3A_236 = vector.broadcast %broadcast_in_dim3A_235 : i32 to vector<16xi32>
        %gather3A_237 = tpu.vector_load_idx %arg12[%broadcast_in_dim3A_236, %min3A_233] : memref<32x1024xf32, #tpu.memory_space<vmem>>[vector<16xi32>, vector<16xi32>], vector<16xf32>,
        tpu.vector_store_idx %arg13[%broadcast_in_dim3A_234, %iota3A, %broadcast_in_dim3A_236], %gather3A_237 : memref<6x16x128xf32, #tpu.memory_space<vmem>>[vector<16xi32>, vector<16xi32>, vector<16xi32>], vector<16xf32>,
        %broadcast_in_dim3A_238 = arith.constant 1 : i32
        %broadcast_in_dim3A_239 = vector.broadcast %broadcast_in_dim3A_238 : i32 to vector<16xi32>
        %gather3A_240 = tpu.vector_load_idx %arg12[%broadcast_in_dim3A_239, %min3A_233] : memref<32x1024xf32, #tpu.memory_space<vmem>>[vector<16xi32>, vector<16xi32>], vector<16xf32>,
        tpu.vector_store_idx %arg13[%broadcast_in_dim3A_234, %iota3A, %broadcast_in_dim3A_239], %gather3A_240 : memref<6x16x128xf32, #tpu.memory_space<vmem>>[vector<16xi32>, vector<16xi32>, vector<16xi32>], vector<16xf32>,
        %broadcast_in_dim3A_241 = arith.constant 2 : i32
        %broadcast_in_dim3A_242 = vector.broadcast %broadcast_in_dim3A_241 : i32 to vector<16xi32>
        %gather3A_243 = tpu.vector_load_idx %arg12[%broadcast_in_dim3A_242, %min3A_233] : memref<32x1024xf32, #tpu.memory_space<vmem>>[vector<16xi32>, vector<16xi32>], vector<16xf32>,
        tpu.vector_store_idx %arg13[%broadcast_in_dim3A_234, %iota3A, %broadcast_in_dim3A_242], %gather3A_243 : memref<6x16x128xf32, #tpu.memory_space<vmem>>[vector<16xi32>, vector<16xi32>, vector<16xi32>], vector<16xf32>,
        %broadcast_in_dim3A_244 = arith.constant 3 : i32
        %broadcast_in_dim3A_245 = vector.broadcast %broadcast_in_dim3A_244 : i32 to vector<16xi32>
        %gather3A_246 = tpu.vector_load_idx %arg12[%broadcast_in_dim3A_245, %min3A_233] : memref<32x1024xf32, #tpu.memory_space<vmem>>[vector<16xi32>, vector<16xi32>], vector<16xf32>,
        tpu.vector_store_idx %arg13[%broadcast_in_dim3A_234, %iota3A, %broadcast_in_dim3A_245], %gather3A_246 : memref<6x16x128xf32, #tpu.memory_space<vmem>>[vector<16xi32>, vector<16xi32>, vector<16xi32>], vector<16xf32>,
        %broadcast_in_dim3A_247 = arith.constant 4 : i32
        %broadcast_in_dim3A_248 = vector.broadcast %broadcast_in_dim3A_247 : i32 to vector<16xi32>
        %gather3A_249 = tpu.vector_load_idx %arg12[%broadcast_in_dim3A_248, %min3A_233] : memref<32x1024xf32, #tpu.memory_space<vmem>>[vector<16xi32>, vector<16xi32>], vector<16xf32>,
        tpu.vector_store_idx %arg13[%broadcast_in_dim3A_234, %iota3A, %broadcast_in_dim3A_248], %gather3A_249 : memref<6x16x128xf32, #tpu.memory_space<vmem>>[vector<16xi32>, vector<16xi32>, vector<16xi32>], vector<16xf32>,
        %broadcast_in_dim3A_250 = arith.constant 5 : i32
        %broadcast_in_dim3A_251 = vector.broadcast %broadcast_in_dim3A_250 : i32 to vector<16xi32>
        %gather3A_252 = tpu.vector_load_idx %arg12[%broadcast_in_dim3A_251, %min3A_233] : memref<32x1024xf32, #tpu.memory_space<vmem>>[vector<16xi32>, vector<16xi32>], vector<16xf32>,
        tpu.vector_store_idx %arg13[%broadcast_in_dim3A_234, %iota3A, %broadcast_in_dim3A_251], %gather3A_252 : memref<6x16x128xf32, #tpu.memory_space<vmem>>[vector<16xi32>, vector<16xi32>, vector<16xi32>], vector<16xf32>,
        %broadcast_in_dim3A_253 = arith.constant 6 : i32
        %broadcast_in_dim3A_254 = vector.broadcast %broadcast_in_dim3A_253 : i32 to vector<16xi32>
        %gather3A_255 = tpu.vector_load_idx %arg12[%broadcast_in_dim3A_254, %min3A_233] : memref<32x1024xf32, #tpu.memory_space<vmem>>[vector<16xi32>, vector<16xi32>], vector<16xf32>,
        tpu.vector_store_idx %arg13[%broadcast_in_dim3A_234, %iota3A, %broadcast_in_dim3A_254], %gather3A_255 : memref<6x16x128xf32, #tpu.memory_space<vmem>>[vector<16xi32>, vector<16xi32>, vector<16xi32>], vector<16xf32>,
        %broadcast_in_dim3A_256 = arith.constant 7 : i32
        %broadcast_in_dim3A_257 = vector.broadcast %broadcast_in_dim3A_256 : i32 to vector<16xi32>
        %gather3A_258 = tpu.vector_load_idx %arg12[%broadcast_in_dim3A_257, %min3A_233] : memref<32x1024xf32, #tpu.memory_space<vmem>>[vector<16xi32>, vector<16xi32>], vector<16xf32>,
        tpu.vector_store_idx %arg13[%broadcast_in_dim3A_234, %iota3A, %broadcast_in_dim3A_257], %gather3A_258 : memref<6x16x128xf32, #tpu.memory_space<vmem>>[vector<16xi32>, vector<16xi32>, vector<16xi32>], vector<16xf32>,
        %broadcast_in_dim3A_259 = arith.constant 8 : i32
        %broadcast_in_dim3A_260 = vector.broadcast %broadcast_in_dim3A_259 : i32 to vector<16xi32>
        %gather3A_261 = tpu.vector_load_idx %arg12[%broadcast_in_dim3A_260, %min3A_233] : memref<32x1024xf32, #tpu.memory_space<vmem>>[vector<16xi32>, vector<16xi32>], vector<16xf32>,
        tpu.vector_store_idx %arg13[%broadcast_in_dim3A_234, %iota3A, %broadcast_in_dim3A_260], %gather3A_261 : memref<6x16x128xf32, #tpu.memory_space<vmem>>[vector<16xi32>, vector<16xi32>, vector<16xi32>], vector<16xf32>,
        %broadcast_in_dim3A_262 = arith.constant 9 : i32
        %broadcast_in_dim3A_263 = vector.broadcast %broadcast_in_dim3A_262 : i32 to vector<16xi32>
        %gather3A_264 = tpu.vector_load_idx %arg12[%broadcast_in_dim3A_263, %min3A_233] : memref<32x1024xf32, #tpu.memory_space<vmem>>[vector<16xi32>, vector<16xi32>], vector<16xf32>,
        tpu.vector_store_idx %arg13[%broadcast_in_dim3A_234, %iota3A, %broadcast_in_dim3A_263], %gather3A_264 : memref<6x16x128xf32, #tpu.memory_space<vmem>>[vector<16xi32>, vector<16xi32>, vector<16xi32>], vector<16xf32>,
        %broadcast_in_dim3A_265 = arith.constant 10 : i32
        %broadcast_in_dim3A_266 = vector.broadcast %broadcast_in_dim3A_265 : i32 to vector<16xi32>
        %gather3A_267 = tpu.vector_load_idx %arg12[%broadcast_in_dim3A_266, %min3A_233] : memref<32x1024xf32, #tpu.memory_space<vmem>>[vector<16xi32>, vector<16xi32>], vector<16xf32>,
        tpu.vector_store_idx %arg13[%broadcast_in_dim3A_234, %iota3A, %broadcast_in_dim3A_266], %gather3A_267 : memref<6x16x128xf32, #tpu.memory_space<vmem>>[vector<16xi32>, vector<16xi32>, vector<16xi32>], vector<16xf32>,
        %broadcast_in_dim3A_268 = arith.constant 11 : i32
        %broadcast_in_dim3A_269 = vector.broadcast %broadcast_in_dim3A_268 : i32 to vector<16xi32>
        %gather3A_270 = tpu.vector_load_idx %arg12[%broadcast_in_dim3A_269, %min3A_233] : memref<32x1024xf32, #tpu.memory_space<vmem>>[vector<16xi32>, vector<16xi32>], vector<16xf32>,
        tpu.vector_store_idx %arg13[%broadcast_in_dim3A_234, %iota3A, %broadcast_in_dim3A_269], %gather3A_270 : memref<6x16x128xf32, #tpu.memory_space<vmem>>[vector<16xi32>, vector<16xi32>, vector<16xi32>], vector<16xf32>,
        %broadcast_in_dim3A_271 = arith.constant 12 : i32
        %broadcast_in_dim3A_272 = vector.broadcast %broadcast_in_dim3A_271 : i32 to vector<16xi32>
        %gather3A_273 = tpu.vector_load_idx %arg12[%broadcast_in_dim3A_272, %min3A_233] : memref<32x1024xf32, #tpu.memory_space<vmem>>[vector<16xi32>, vector<16xi32>], vector<16xf32>,
        tpu.vector_store_idx %arg13[%broadcast_in_dim3A_234, %iota3A, %broadcast_in_dim3A_272], %gather3A_273 : memref<6x16x128xf32, #tpu.memory_space<vmem>>[vector<16xi32>, vector<16xi32>, vector<16xi32>], vector<16xf32>,
        %broadcast_in_dim3A_274 = arith.constant 13 : i32
        %broadcast_in_dim3A_275 = vector.broadcast %broadcast_in_dim3A_274 : i32 to vector<16xi32>
        %gather3A_276 = tpu.vector_load_idx %arg12[%broadcast_in_dim3A_275, %min3A_233] : memref<32x1024xf32, #tpu.memory_space<vmem>>[vector<16xi32>, vector<16xi32>], vector<16xf32>,
        tpu.vector_store_idx %arg13[%broadcast_in_dim3A_234, %iota3A, %broadcast_in_dim3A_275], %gather3A_276 : memref<6x16x128xf32, #tpu.memory_space<vmem>>[vector<16xi32>, vector<16xi32>, vector<16xi32>], vector<16xf32>,
        %broadcast_in_dim3A_277 = arith.constant 14 : i32
        %broadcast_in_dim3A_278 = vector.broadcast %broadcast_in_dim3A_277 : i32 to vector<16xi32>
        %gather3A_279 = tpu.vector_load_idx %arg12[%broadcast_in_dim3A_278, %min3A_233] : memref<32x1024xf32, #tpu.memory_space<vmem>>[vector<16xi32>, vector<16xi32>], vector<16xf32>,
        tpu.vector_store_idx %arg13[%broadcast_in_dim3A_234, %iota3A, %broadcast_in_dim3A_278], %gather3A_279 : memref<6x16x128xf32, #tpu.memory_space<vmem>>[vector<16xi32>, vector<16xi32>, vector<16xi32>], vector<16xf32>,
        %broadcast_in_dim3A_280 = arith.constant 15 : i32
        %broadcast_in_dim3A_281 = vector.broadcast %broadcast_in_dim3A_280 : i32 to vector<16xi32>
        %gather3A_282 = tpu.vector_load_idx %arg12[%broadcast_in_dim3A_281, %min3A_233] : memref<32x1024xf32, #tpu.memory_space<vmem>>[vector<16xi32>, vector<16xi32>], vector<16xf32>,
        tpu.vector_store_idx %arg13[%broadcast_in_dim3A_234, %iota3A, %broadcast_in_dim3A_281], %gather3A_282 : memref<6x16x128xf32, #tpu.memory_space<vmem>>[vector<16xi32>, vector<16xi32>, vector<16xi32>], vector<16xf32>,
        %broadcast_in_dim3A_283 = arith.constant 16 : i32
        %broadcast_in_dim3A_284 = vector.broadcast %broadcast_in_dim3A_283 : i32 to vector<16xi32>
        %gather3A_285 = tpu.vector_load_idx %arg12[%broadcast_in_dim3A_284, %min3A_233] : memref<32x1024xf32, #tpu.memory_space<vmem>>[vector<16xi32>, vector<16xi32>], vector<16xf32>,
        tpu.vector_store_idx %arg13[%broadcast_in_dim3A_234, %iota3A, %broadcast_in_dim3A_284], %gather3A_285 : memref<6x16x128xf32, #tpu.memory_space<vmem>>[vector<16xi32>, vector<16xi32>, vector<16xi32>], vector<16xf32>,
        %broadcast_in_dim3A_286 = arith.constant 17 : i32
        %broadcast_in_dim3A_287 = vector.broadcast %broadcast_in_dim3A_286 : i32 to vector<16xi32>
        %gather3A_288 = tpu.vector_load_idx %arg12[%broadcast_in_dim3A_287, %min3A_233] : memref<32x1024xf32, #tpu.memory_space<vmem>>[vector<16xi32>, vector<16xi32>], vector<16xf32>,
        tpu.vector_store_idx %arg13[%broadcast_in_dim3A_234, %iota3A, %broadcast_in_dim3A_287], %gather3A_288 : memref<6x16x128xf32, #tpu.memory_space<vmem>>[vector<16xi32>, vector<16xi32>, vector<16xi32>], vector<16xf32>,
        %broadcast_in_dim3A_289 = arith.constant 18 : i32
        %broadcast_in_dim3A_290 = vector.broadcast %broadcast_in_dim3A_289 : i32 to vector<16xi32>
        %gather3A_291 = tpu.vector_load_idx %arg12[%broadcast_in_dim3A_290, %min3A_233] : memref<32x1024xf32, #tpu.memory_space<vmem>>[vector<16xi32>, vector<16xi32>], vector<16xf32>,
        tpu.vector_store_idx %arg13[%broadcast_in_dim3A_234, %iota3A, %broadcast_in_dim3A_290], %gather3A_291 : memref<6x16x128xf32, #tpu.memory_space<vmem>>[vector<16xi32>, vector<16xi32>, vector<16xi32>], vector<16xf32>,
        %broadcast_in_dim3A_292 = arith.constant 19 : i32
        %broadcast_in_dim3A_293 = vector.broadcast %broadcast_in_dim3A_292 : i32 to vector<16xi32>
        %gather3A_294 = tpu.vector_load_idx %arg12[%broadcast_in_dim3A_293, %min3A_233] : memref<32x1024xf32, #tpu.memory_space<vmem>>[vector<16xi32>, vector<16xi32>], vector<16xf32>,
        tpu.vector_store_idx %arg13[%broadcast_in_dim3A_234, %iota3A, %broadcast_in_dim3A_293], %gather3A_294 : memref<6x16x128xf32, #tpu.memory_space<vmem>>[vector<16xi32>, vector<16xi32>, vector<16xi32>], vector<16xf32>,
        %broadcast_in_dim3A_295 = arith.constant 20 : i32
        %broadcast_in_dim3A_296 = vector.broadcast %broadcast_in_dim3A_295 : i32 to vector<16xi32>
        %gather3A_297 = tpu.vector_load_idx %arg12[%broadcast_in_dim3A_296, %min3A_233] : memref<32x1024xf32, #tpu.memory_space<vmem>>[vector<16xi32>, vector<16xi32>], vector<16xf32>,
        tpu.vector_store_idx %arg13[%broadcast_in_dim3A_234, %iota3A, %broadcast_in_dim3A_296], %gather3A_297 : memref<6x16x128xf32, #tpu.memory_space<vmem>>[vector<16xi32>, vector<16xi32>, vector<16xi32>], vector<16xf32>,
        %broadcast_in_dim3A_298 = arith.constant 21 : i32
        %broadcast_in_dim3A_299 = vector.broadcast %broadcast_in_dim3A_298 : i32 to vector<16xi32>
        %gather3A_300 = tpu.vector_load_idx %arg12[%broadcast_in_dim3A_299, %min3A_233] : memref<32x1024xf32, #tpu.memory_space<vmem>>[vector<16xi32>, vector<16xi32>], vector<16xf32>,
        tpu.vector_store_idx %arg13[%broadcast_in_dim3A_234, %iota3A, %broadcast_in_dim3A_299], %gather3A_300 : memref<6x16x128xf32, #tpu.memory_space<vmem>>[vector<16xi32>, vector<16xi32>, vector<16xi32>], vector<16xf32>,
        %broadcast_in_dim3A_301 = arith.constant 22 : i32
        %broadcast_in_dim3A_302 = vector.broadcast %broadcast_in_dim3A_301 : i32 to vector<16xi32>
        %gather3A_303 = tpu.vector_load_idx %arg12[%broadcast_in_dim3A_302, %min3A_233] : memref<32x1024xf32, #tpu.memory_space<vmem>>[vector<16xi32>, vector<16xi32>], vector<16xf32>,
        tpu.vector_store_idx %arg13[%broadcast_in_dim3A_234, %iota3A, %broadcast_in_dim3A_302], %gather3A_303 : memref<6x16x128xf32, #tpu.memory_space<vmem>>[vector<16xi32>, vector<16xi32>, vector<16xi32>], vector<16xf32>,
        %broadcast_in_dim3A_304 = arith.constant 23 : i32
        %broadcast_in_dim3A_305 = vector.broadcast %broadcast_in_dim3A_304 : i32 to vector<16xi32>
        %gather3A_306 = tpu.vector_load_idx %arg12[%broadcast_in_dim3A_305, %min3A_233] : memref<32x1024xf32, #tpu.memory_space<vmem>>[vector<16xi32>, vector<16xi32>], vector<16xf32>,
        tpu.vector_store_idx %arg13[%broadcast_in_dim3A_234, %iota3A, %broadcast_in_dim3A_305], %gather3A_306 : memref<6x16x128xf32, #tpu.memory_space<vmem>>[vector<16xi32>, vector<16xi32>, vector<16xi32>], vector<16xf32>,
        %broadcast_in_dim3A_307 = arith.constant 24 : i32
        %broadcast_in_dim3A_308 = vector.broadcast %broadcast_in_dim3A_307 : i32 to vector<16xi32>
        %gather3A_309 = tpu.vector_load_idx %arg12[%broadcast_in_dim3A_308, %min3A_233] : memref<32x1024xf32, #tpu.memory_space<vmem>>[vector<16xi32>, vector<16xi32>], vector<16xf32>,
        tpu.vector_store_idx %arg13[%broadcast_in_dim3A_234, %iota3A, %broadcast_in_dim3A_308], %gather3A_309 : memref<6x16x128xf32, #tpu.memory_space<vmem>>[vector<16xi32>, vector<16xi32>, vector<16xi32>], vector<16xf32>,
        %broadcast_in_dim3A_310 = arith.constant 25 : i32
        %broadcast_in_dim3A_311 = vector.broadcast %broadcast_in_dim3A_310 : i32 to vector<16xi32>
        %gather3A_312 = tpu.vector_load_idx %arg12[%broadcast_in_dim3A_311, %min3A_233] : memref<32x1024xf32, #tpu.memory_space<vmem>>[vector<16xi32>, vector<16xi32>], vector<16xf32>,
        tpu.vector_store_idx %arg13[%broadcast_in_dim3A_234, %iota3A, %broadcast_in_dim3A_311], %gather3A_312 : memref<6x16x128xf32, #tpu.memory_space<vmem>>[vector<16xi32>, vector<16xi32>, vector<16xi32>], vector<16xf32>,
        %broadcast_in_dim3A_313 = arith.constant 26 : i32
        %broadcast_in_dim3A_314 = vector.broadcast %broadcast_in_dim3A_313 : i32 to vector<16xi32>
        %gather3A_315 = tpu.vector_load_idx %arg12[%broadcast_in_dim3A_314, %min3A_233] : memref<32x1024xf32, #tpu.memory_space<vmem>>[vector<16xi32>, vector<16xi32>], vector<16xf32>,
        tpu.vector_store_idx %arg13[%broadcast_in_dim3A_234, %iota3A, %broadcast_in_dim3A_314], %gather3A_315 : memref<6x16x128xf32, #tpu.memory_space<vmem>>[vector<16xi32>, vector<16xi32>, vector<16xi32>], vector<16xf32>,
        %broadcast_in_dim3A_316 = arith.constant 27 : i32
        %broadcast_in_dim3A_317 = vector.broadcast %broadcast_in_dim3A_316 : i32 to vector<16xi32>
        %gather3A_318 = tpu.vector_load_idx %arg12[%broadcast_in_dim3A_317, %min3A_233] : memref<32x1024xf32, #tpu.memory_space<vmem>>[vector<16xi32>, vector<16xi32>], vector<16xf32>,
        tpu.vector_store_idx %arg13[%broadcast_in_dim3A_234, %iota3A, %broadcast_in_dim3A_317], %gather3A_318 : memref<6x16x128xf32, #tpu.memory_space<vmem>>[vector<16xi32>, vector<16xi32>, vector<16xi32>], vector<16xf32>,
        %broadcast_in_dim3A_319 = arith.constant 28 : i32
        %broadcast_in_dim3A_320 = vector.broadcast %broadcast_in_dim3A_319 : i32 to vector<16xi32>
        %gather3A_321 = tpu.vector_load_idx %arg12[%broadcast_in_dim3A_320, %min3A_233] : memref<32x1024xf32, #tpu.memory_space<vmem>>[vector<16xi32>, vector<16xi32>], vector<16xf32>,
        tpu.vector_store_idx %arg13[%broadcast_in_dim3A_234, %iota3A, %broadcast_in_dim3A_320], %gather3A_321 : memref<6x16x128xf32, #tpu.memory_space<vmem>>[vector<16xi32>, vector<16xi32>, vector<16xi32>], vector<16xf32>,
        %broadcast_in_dim3A_322 = arith.constant 29 : i32
        %broadcast_in_dim3A_323 = vector.broadcast %broadcast_in_dim3A_322 : i32 to vector<16xi32>
        %gather3A_324 = tpu.vector_load_idx %arg12[%broadcast_in_dim3A_323, %min3A_233] : memref<32x1024xf32, #tpu.memory_space<vmem>>[vector<16xi32>, vector<16xi32>], vector<16xf32>,
        tpu.vector_store_idx %arg13[%broadcast_in_dim3A_234, %iota3A, %broadcast_in_dim3A_323], %gather3A_324 : memref<6x16x128xf32, #tpu.memory_space<vmem>>[vector<16xi32>, vector<16xi32>, vector<16xi32>], vector<16xf32>,
        %broadcast_in_dim3A_325 = arith.constant 30 : i32
        %broadcast_in_dim3A_326 = vector.broadcast %broadcast_in_dim3A_325 : i32 to vector<16xi32>
        %gather3A_327 = tpu.vector_load_idx %arg12[%broadcast_in_dim3A_326, %min3A_233] : memref<32x1024xf32, #tpu.memory_space<vmem>>[vector<16xi32>, vector<16xi32>], vector<16xf32>,
        tpu.vector_store_idx %arg13[%broadcast_in_dim3A_234, %iota3A, %broadcast_in_dim3A_326], %gather3A_327 : memref<6x16x128xf32, #tpu.memory_space<vmem>>[vector<16xi32>, vector<16xi32>, vector<16xi32>], vector<16xf32>,
        %broadcast_in_dim3A_328 = arith.constant 31 : i32
        %broadcast_in_dim3A_329 = vector.broadcast %broadcast_in_dim3A_328 : i32 to vector<16xi32>
        %gather3A_330 = tpu.vector_load_idx %arg12[%broadcast_in_dim3A_329, %min3A_233] : memref<32x1024xf32, #tpu.memory_space<vmem>>[vector<16xi32>, vector<16xi32>], vector<16xf32>,
        tpu.vector_store_idx %arg13[%broadcast_in_dim3A_234, %iota3A, %broadcast_in_dim3A_329], %gather3A_330 : memref<6x16x128xf32, #tpu.memory_space<vmem>>[vector<16xi32>, vector<16xi32>, vector<16xi32>], vector<16xf32>,
        %swap3A_331 = arith.index_cast %select_n3A_220 : i32 to index
        %swap3A_332 = arith.constant 0 : index
        %swap3A_333 = tpu.vector_load %arg14[%swap3A_331, %swap3A_332] {strides = array<i32>} : memref<6x16xi32, #tpu.memory_space<vmem>>, vector<16xi32>,
        tpu.vector_store %arg14[%swap3A_331, %swap3A_332], %get3A_227 {strides = array<i32>} : memref<6x16xi32, #tpu.memory_space<vmem>>, vector<16xi32>,
        %dma_start3A_334 = arith.constant 0 : i32
        %dma_start3A_335 = arith.constant 0 : i32
        %dma_start3A_336 = tpu.memref_slice %arg13[%select_n3A_220, %dma_start3A_334, %dma_start3A_335] : memref<6x16x128xf32, #tpu.memory_space<vmem>> -> memref<1x16x128xf32, #tpu.memory_space<vmem>>
        %dma_start3A_337 = tpu.memref_squeeze %dma_start3A_336 : memref<1x16x128xf32, #tpu.memory_space<vmem>> -> memref<16x128xf32, #tpu.memory_space<vmem>>
        %dma_start3A_338 = arith.constant 0 : i32
        %dma_start3A_339 = tpu.memref_slice %arg14[%select_n3A_220, %dma_start3A_338] : memref<6x16xi32, #tpu.memory_space<vmem>> -> memref<1x16xi32, #tpu.memory_space<vmem>>
        %dma_start3A_340 = tpu.memref_squeeze %dma_start3A_339 : memref<1x16xi32, #tpu.memory_space<vmem>> -> memref<16xi32, #tpu.memory_space<vmem>>
        %dma_start3A_341 = arith.constant 0 : i32
        %dma_start3A_342 = arith.constant 0 : i32
        %dma_start3A_343 = tpu.memref_slice %arg6[%dma_start3A_341, %dma_start3A_342] : memref<16400x128xf32, #tpu.memory_space<hbm>> -> memref<16400x128xf32, #tpu.memory_space<hbm>>
        %dma_start3A_344 = tpu.memref_slice %arg15[%select_n3A_220] : memref<6x!tpu.dma_semaphore, #tpu.memory_space<semaphore_mem>> -> memref<1x!tpu.dma_semaphore, #tpu.memory_space<semaphore_mem>>
        %dma_start3A_345 = tpu.memref_squeeze %dma_start3A_344 : memref<1x!tpu.dma_semaphore, #tpu.memory_space<semaphore_mem>> -> memref<!tpu.dma_semaphore, #tpu.memory_space<semaphore_mem>>
        tpu.enqueue_indirect_dma source(%dma_start3A_337 : memref<16x128xf32, #tpu.memory_space<vmem>>) target(%dma_start3A_343 : memref<16400x128xf32, #tpu.memory_space<hbm>>) offsets(%dma_start3A_340 : memref<16xi32, #tpu.memory_space<vmem>>) semaphore(%dma_start3A_345 : memref<!tpu.dma_semaphore, #tpu.memory_space<semaphore_mem>>)
        %add3A_346 = arith.constant 1 : i32
        %add3A_347 = arith.addi %while3A_210, %add3A_346 : i32
        scf.yield %add3A_347 : i32
      }
      scf.yield %while3A_208 : i32
    }
    %scan3A_36 = arith.constant 16 : i32
    %min3A_37 = arith.constant 6 : i32
    %min3A_38 = arith.minsi %scan3A_35, %min3A_37 : i32
    %while3A = arith.constant 0 : i32
    %while3A_39 = arith.constant 0 : i32
    %while3A_40 = arith.subi %min3A_38, %while3A_39 : i32
    %while3A_41 = arith.addi %while3A_39, %while3A_40 : i32
    %while3A_42 = arith.constant 1 : i32
    %while3A_43 = arith.divsi %while3A_40, %while3A_42 : i32
    %while3A_44 = arith.muli %while3A_43, %while3A_42 : i32
    %while3A_45 = arith.addi %while3A_39, %while3A_44 : i32
    %while3A_46 = arith.constant 1 : i32
    scf.for %while3A_92 = %while3A_39 to %while3A_45 step %while3A_46  : i32 {
      %dma_wait3A = arith.constant 0 : i32
      %dma_wait3A_93 = arith.constant 0 : i32
      %dma_wait3A_94 = tpu.memref_slice %arg13[%while3A_92, %dma_wait3A, %dma_wait3A_93] : memref<6x16x128xf32, #tpu.memory_space<vmem>> -> memref<1x16x128xf32, #tpu.memory_space<vmem>>
      %dma_wait3A_95 = tpu.memref_squeeze %dma_wait3A_94 : memref<1x16x128xf32, #tpu.memory_space<vmem>> -> memref<16x128xf32, #tpu.memory_space<vmem>>
      %dma_wait3A_96 = arith.constant 0 : i32
      %dma_wait3A_97 = tpu.memref_slice %arg14[%while3A_92, %dma_wait3A_96] : memref<6x16xi32, #tpu.memory_space<vmem>> -> memref<1x16xi32, #tpu.memory_space<vmem>>
      %dma_wait3A_98 = tpu.memref_squeeze %dma_wait3A_97 : memref<1x16xi32, #tpu.memory_space<vmem>> -> memref<16xi32, #tpu.memory_space<vmem>>
      %dma_wait3A_99 = arith.constant 0 : i32
      %dma_wait3A_100 = arith.constant 0 : i32
      %dma_wait3A_101 = tpu.memref_slice %arg6[%dma_wait3A_99, %dma_wait3A_100] : memref<16400x128xf32, #tpu.memory_space<hbm>> -> memref<16400x128xf32, #tpu.memory_space<hbm>>
      %dma_wait3A_102 = tpu.memref_slice %arg15[%while3A_92] : memref<6x!tpu.dma_semaphore, #tpu.memory_space<semaphore_mem>> -> memref<1x!tpu.dma_semaphore, #tpu.memory_space<semaphore_mem>>
      %dma_wait3A_103 = tpu.memref_squeeze %dma_wait3A_102 : memref<1x!tpu.dma_semaphore, #tpu.memory_space<semaphore_mem>> -> memref<!tpu.dma_semaphore, #tpu.memory_space<semaphore_mem>>
      tpu.wait_indirect_dma semaphore(%dma_wait3A_103 : memref<!tpu.dma_semaphore, #tpu.memory_space<semaphore_mem>>) src(%dma_wait3A_95 : memref<16x128xf32, #tpu.memory_space<vmem>>) dst(%dma_wait3A_101 : memref<16400x128xf32, #tpu.memory_space<hbm>>)
    }
    %while3A_47 = arith.constant 1 : i32
    scf.for %while3A_92 = %while3A_45 to %while3A_41 step %while3A_47  : i32 {
      %dma_wait3A = arith.constant 0 : i32
      %dma_wait3A_93 = arith.constant 0 : i32
      %dma_wait3A_94 = tpu.memref_slice %arg13[%while3A_92, %dma_wait3A, %dma_wait3A_93] : memref<6x16x128xf32, #tpu.memory_space<vmem>> -> memref<1x16x128xf32, #tpu.memory_space<vmem>>
      %dma_wait3A_95 = tpu.memref_squeeze %dma_wait3A_94 : memref<1x16x128xf32, #tpu.memory_space<vmem>> -> memref<16x128xf32, #tpu.memory_space<vmem>>
      %dma_wait3A_96 = arith.constant 0 : i32
      %dma_wait3A_97 = tpu.memref_slice %arg14[%while3A_92, %dma_wait3A_96] : memref<6x16xi32, #tpu.memory_space<vmem>> -> memref<1x16xi32, #tpu.memory_space<vmem>>
      %dma_wait3A_98 = tpu.memref_squeeze %dma_wait3A_97 : memref<1x16xi32, #tpu.memory_space<vmem>> -> memref<16xi32, #tpu.memory_space<vmem>>
      %dma_wait3A_99 = arith.constant 0 : i32
      %dma_wait3A_100 = arith.constant 0 : i32
      %dma_wait3A_101 = tpu.memref_slice %arg6[%dma_wait3A_99, %dma_wait3A_100] : memref<16400x128xf32, #tpu.memory_space<hbm>> -> memref<16400x128xf32, #tpu.memory_space<hbm>>
      %dma_wait3A_102 = tpu.memref_slice %arg15[%while3A_92] : memref<6x!tpu.dma_semaphore, #tpu.memory_space<semaphore_mem>> -> memref<1x!tpu.dma_semaphore, #tpu.memory_space<semaphore_mem>>
      %dma_wait3A_103 = tpu.memref_squeeze %dma_wait3A_102 : memref<1x!tpu.dma_semaphore, #tpu.memory_space<semaphore_mem>> -> memref<!tpu.dma_semaphore, #tpu.memory_space<semaphore_mem>>
      tpu.wait_indirect_dma semaphore(%dma_wait3A_103 : memref<!tpu.dma_semaphore, #tpu.memory_space<semaphore_mem>>) src(%dma_wait3A_95 : memref<16x128xf32, #tpu.memory_space<vmem>>) dst(%dma_wait3A_101 : memref<16400x128xf32, #tpu.memory_space<hbm>>)
    }
    "tpu.region"() ({
      %run_scoped3A = tpu.sem_alloc : memref<!tpu.dma_semaphore, #tpu.memory_space<semaphore_mem>>
      %dma_start3A_92 = arith.constant 0 : i32
      %dma_start3A_93 = tpu.memref_slice %arg8[%dma_start3A_92] : memref<16400xi32, #tpu.memory_space<vmem>> -> memref<16384xi32, #tpu.memory_space<vmem>>
      %dma_start3A_94 = arith.constant 0 : i32
      %dma_start3A_95 = tpu.memref_slice %arg8[%dma_start3A_94] : memref<16400xi32, #tpu.memory_space<vmem>> -> memref<16384xi32, #tpu.memory_space<vmem>>
      tpu.enqueue_dma source(%arg3 : memref<16384xi32, #tpu.memory_space<hbm>>) target(%dma_start3A_95 : memref<16384xi32, #tpu.memory_space<vmem>>) target_semaphore(%run_scoped3A : memref<!tpu.dma_semaphore, #tpu.memory_space<semaphore_mem>>)
      %dma_wait3A = arith.constant 0 : i32
      %dma_wait3A_96 = tpu.memref_slice %arg8[%dma_wait3A] : memref<16400xi32, #tpu.memory_space<vmem>> -> memref<16384xi32, #tpu.memory_space<vmem>>
      %dma_wait3A_97 = arith.constant 0 : i32
      %dma_wait3A_98 = tpu.memref_slice %arg8[%dma_wait3A_97] : memref<16400xi32, #tpu.memory_space<vmem>> -> memref<16384xi32, #tpu.memory_space<vmem>>
      tpu.wait_dma2 semaphore(%run_scoped3A : memref<!tpu.dma_semaphore, #tpu.memory_space<semaphore_mem>>) src(%arg3 : memref<16384xi32, #tpu.memory_space<hbm>>) dst(%dma_wait3A_98 : memref<16384xi32, #tpu.memory_space<vmem>>)
      tpu.yield
    }) : () -> ()
    %broadcast_in_dim3A_48 = arith.constant 1048576 : i32
    %broadcast_in_dim3A_49 = vector.broadcast %broadcast_in_dim3A_48 : i32 to vector<16xi32>
    %swap3A_50 = arith.constant 16384 : index
    %swap3A_51 = tpu.vector_load %arg8[%swap3A_50] {strides = array<i32>} : memref<16400xi32, #tpu.memory_space<vmem>>, vector<16xi32>,
    tpu.vector_store %arg8[%swap3A_50], %broadcast_in_dim3A_49 {strides = array<i32>} : memref<16400xi32, #tpu.memory_space<vmem>>, vector<16xi32>,
    %scan3A_52 = arith.constant 0 : i32
    %scan3A_53 = arith.constant 0 : i32
    %scan3A_54 = arith.constant 1024 : i32
    %scan3A_55 = arith.addi %scan3A_53, %scan3A_54 : i32
    %scan3A_56 = arith.constant 1 : i32
    %scan3A_57 = scf.for %scan3A_92 = %scan3A_53 to %scan3A_55 step %scan3A_56 iter_args(%scan3A_93 = %scan3A_52) -> (i32)  : i32 {
      %mul3A_94 = arith.constant 16 : i32
      %mul3A_95 = arith.muli %scan3A_92, %mul3A_94 : i32
      %get3A = arith.index_cast %mul3A_95 : i32 to index
      %get3A_96 = tpu.vector_load %arg8[%get3A] {strides = array<i32>} : memref<16400xi32, #tpu.memory_space<vmem>>, vector<16xi32>,
      %ge3A = vector.broadcast %mul3A_8 : i32 to vector<16xi32>
      %ge3A_97 = arith.cmpi sge, %get3A_96, %ge3A : vector<16xi32>
      %add3A_98 = arith.constant 32768 : i32
      %add3A_99 = arith.addi %mul3A_8, %add3A_98 : i32
      %lt3A = vector.broadcast %add3A_99 : i32 to vector<16xi32>
      %lt3A_100 = arith.cmpi slt, %get3A_96, %lt3A : vector<16xi32>
      %and3A = arith.andi %ge3A_97, %lt3A_100 : vector<16xi1>
      %mul3A_101 = arith.constant 16 : i32
      %mul3A_102 = arith.muli %scan3A_92, %mul3A_101 : i32
      %add3A_103 = vector.broadcast %mul3A_102 : i32 to vector<16xi32>
      %add3A_104 = arith.addi %iota3A, %add3A_103 : vector<16xi32>
      %swap3A_105 = arith.index_cast %scan3A_93 : i32 to index
      %swap3A_106 = tpu.vector_load %arg9[%swap3A_105] masked %and3A {strides = array<i32>} : memref<16400xi32, #tpu.memory_space<vmem>>, vector<16xi32>, vector<16xi1>
      tpu.vector_store %arg9[%swap3A_105], %add3A_104 masked %and3A {strides = array<i32>} : memref<16400xi32, #tpu.memory_space<vmem>>, vector<16xi32>, vector<16xi1>
      %all_reduce_population_count3A = tpu.all_reduce %and3A {dim = 0 : i64, kind = #tpu.reduction_kind<sum>} : vector<16xi1> -> vector<16xi32>
      %slice3A = vector.extract_strided_slice %all_reduce_population_count3A {offsets = [0], sizes = [1], strides = [1]} : vector<16xi32> to vector<1xi32>
      %squeeze3A = vector.extract %slice3A[0] : i32 from vector<1xi32>
      %add3A_107 = arith.addi %scan3A_93, %squeeze3A : i32
      scf.yield %add3A_107 : i32
    }
    %scan3A_58 = arith.constant 1024 : i32
    %broadcast_in_dim3A_59 = arith.constant 16384 : i32
    %broadcast_in_dim3A_60 = vector.broadcast %broadcast_in_dim3A_59 : i32 to vector<16xi32>
    %swap3A_61 = arith.index_cast %scan3A_57 : i32 to index
    %swap3A_62 = tpu.vector_load %arg9[%swap3A_61] {strides = array<i32>} : memref<16400xi32, #tpu.memory_space<vmem>>, vector<16xi32>,
    tpu.vector_store %arg9[%swap3A_61], %broadcast_in_dim3A_60 {strides = array<i32>} : memref<16400xi32, #tpu.memory_space<vmem>>, vector<16xi32>,
    %min3A_63 = arith.constant 999040 : i32
    %min3A_64 = arith.minsi %mul3A_8, %min3A_63 : i32
    %multiple_of3A_65 = tpu.assume_multiple %min3A_64, 128 : i32
    %dma_start3A_66 = arith.constant 0 : i32
    %dma_start3A_67 = arith.constant 0 : i32
    %dma_start3A_68 = tpu.memref_slice %arg5[%dma_start3A_67, %multiple_of3A_65] : memref<32x1000000xf32, #tpu.memory_space<hbm>> -> memref<32x1024xf32, #tpu.memory_space<hbm>>
    %dma_start3A_69 = tpu.memref_slice %arg16[%dma_start3A_66] : memref<2x!tpu.dma_semaphore, #tpu.memory_space<semaphore_mem>> -> memref<1x!tpu.dma_semaphore, #tpu.memory_space<semaphore_mem>>
    %dma_start3A_70 = tpu.memref_squeeze %dma_start3A_69 : memref<1x!tpu.dma_semaphore, #tpu.memory_space<semaphore_mem>> -> memref<!tpu.dma_semaphore, #tpu.memory_space<semaphore_mem>>
    %dma_start3A_71 = arith.constant 0 : i32
    %dma_start3A_72 = tpu.memref_slice %arg5[%dma_start3A_71, %multiple_of3A_65] : memref<32x1000000xf32, #tpu.memory_space<hbm>> -> memref<32x1024xf32, #tpu.memory_space<hbm>>
    tpu.enqueue_dma source(%dma_start3A_72 : memref<32x1024xf32, #tpu.memory_space<hbm>>) target(%arg11 : memref<32x1024xf32, #tpu.memory_space<vmem>>) target_semaphore(%dma_start3A_70 : memref<!tpu.dma_semaphore, #tpu.memory_space<semaphore_mem>>)
    %scan3A_73 = arith.constant 0 : i32
    %scan3A_74 = arith.constant 0 : i32
    %scan3A_75 = arith.constant 16 : i32
    %scan3A_76 = arith.addi %scan3A_74, %scan3A_75 : i32
    %scan3A_77 = arith.constant 1 : i32
    %scan3A_78 = scf.for %scan3A_92 = %scan3A_74 to %scan3A_76 step %scan3A_77 iter_args(%scan3A_93 = %scan3A_73) -> (i32)  : i32 {
      %mul3A_94 = arith.constant 2 : i32
      %mul3A_95 = arith.muli %mul3A_94, %scan3A_92 : i32
      %mul3A_96 = arith.constant 1024 : i32
      %mul3A_97 = arith.muli %mul3A_95, %mul3A_96 : i32
      %add3A_98 = arith.addi %mul3A_8, %mul3A_97 : i32
      %min3A_99 = arith.constant 999040 : i32
      %min3A_100 = arith.minsi %add3A_98, %min3A_99 : i32
      %multiple_of3A_101 = tpu.assume_multiple %min3A_100, 128 : i32
      %dma_wait3A = arith.constant 0 : i32
      %dma_wait3A_102 = arith.constant 0 : i32
      %dma_wait3A_103 = arith.constant 0 : i32
      %dma_wait3A_104 = tpu.memref_slice %arg5[%dma_wait3A_102, %dma_wait3A_103] : memref<32x1000000xf32, #tpu.memory_space<hbm>> -> memref<32x1024xf32, #tpu.memory_space<hbm>>
      %dma_wait3A_105 = tpu.memref_slice %arg16[%dma_wait3A] : memref<2x!tpu.dma_semaphore, #tpu.memory_space<semaphore_mem>> -> memref<1x!tpu.dma_semaphore, #tpu.memory_space<semaphore_mem>>
      %dma_wait3A_106 = tpu.memref_squeeze %dma_wait3A_105 : memref<1x!tpu.dma_semaphore, #tpu.memory_space<semaphore_mem>> -> memref<!tpu.dma_semaphore, #tpu.memory_space<semaphore_mem>>
      %dma_wait3A_107 = arith.constant 0 : i32
      %dma_wait3A_108 = arith.constant 0 : i32
      %dma_wait3A_109 = tpu.memref_slice %arg5[%dma_wait3A_107, %dma_wait3A_108] : memref<32x1000000xf32, #tpu.memory_space<hbm>> -> memref<32x1024xf32, #tpu.memory_space<hbm>>
      tpu.wait_dma2 semaphore(%dma_wait3A_106 : memref<!tpu.dma_semaphore, #tpu.memory_space<semaphore_mem>>) src(%dma_wait3A_109 : memref<32x1024xf32, #tpu.memory_space<hbm>>) dst(%arg11 : memref<32x1024xf32, #tpu.memory_space<vmem>>)
      %add3A_110 = arith.constant 1 : i32
      %add3A_111 = arith.addi %mul3A_95, %add3A_110 : i32
      %lt3A = arith.constant 32 : i32
      %lt3A_112 = arith.cmpi slt, %add3A_111, %lt3A : i32
      %convert_element_type3A = arith.extui %lt3A_112 : i1 to i32
      %cond3A = arith.constant 0 : i32
      %cond3A_113 = arith.cmpi ne, %convert_element_type3A, %cond3A : i32
      scf.if %cond3A_113 {
        %add3A_209 = arith.constant 1 : i32
        %add3A_210 = arith.addi %mul3A_95, %add3A_209 : i32
        %mul3A_211 = arith.constant 1024 : i32
        %mul3A_212 = arith.muli %add3A_210, %mul3A_211 : i32
        %add3A_213 = arith.addi %mul3A_8, %mul3A_212 : i32
        %min3A_214 = arith.constant 999040 : i32
        %min3A_215 = arith.minsi %add3A_213, %min3A_214 : i32
        %multiple_of3A_216 = tpu.assume_multiple %min3A_215, 128 : i32
        %dma_start3A_217 = arith.constant 1 : i32
        %dma_start3A_218 = arith.constant 0 : i32
        %dma_start3A_219 = tpu.memref_slice %arg5[%dma_start3A_218, %multiple_of3A_216] : memref<32x1000000xf32, #tpu.memory_space<hbm>> -> memref<32x1024xf32, #tpu.memory_space<hbm>>
        %dma_start3A_220 = tpu.memref_slice %arg16[%dma_start3A_217] : memref<2x!tpu.dma_semaphore, #tpu.memory_space<semaphore_mem>> -> memref<1x!tpu.dma_semaphore, #tpu.memory_space<semaphore_mem>>
        %dma_start3A_221 = tpu.memref_squeeze %dma_start3A_220 : memref<1x!tpu.dma_semaphore, #tpu.memory_space<semaphore_mem>> -> memref<!tpu.dma_semaphore, #tpu.memory_space<semaphore_mem>>
        %dma_start3A_222 = arith.constant 0 : i32
        %dma_start3A_223 = tpu.memref_slice %arg5[%dma_start3A_222, %multiple_of3A_216] : memref<32x1000000xf32, #tpu.memory_space<hbm>> -> memref<32x1024xf32, #tpu.memory_space<hbm>>
        tpu.enqueue_dma source(%dma_start3A_223 : memref<32x1024xf32, #tpu.memory_space<hbm>>) target(%arg12 : memref<32x1024xf32, #tpu.memory_space<vmem>>) target_semaphore(%dma_start3A_221 : memref<!tpu.dma_semaphore, #tpu.memory_space<semaphore_mem>>)
      } else {
      }
      %add3A_114 = arith.constant 15 : i32
      %add3A_115 = arith.addi %scan3A_57, %add3A_114 : i32
      %shift_right_arithmetic3A = arith.constant 4 : i32
      %shift_right_arithmetic3A_116 = arith.shrsi %add3A_115, %shift_right_arithmetic3A : i32
      %while3A_117 = arith.constant 0 : i32
      %while3A_118 = arith.constant 0 : i32
      %while3A_119 = arith.subi %shift_right_arithmetic3A_116, %while3A_117 : i32
      %while3A_120 = arith.addi %while3A_117, %while3A_119 : i32
      %while3A_121 = arith.constant 1 : i32
      %while3A_122 = arith.divsi %while3A_119, %while3A_121 : i32
      %while3A_123 = arith.muli %while3A_122, %while3A_121 : i32
      %while3A_124 = arith.addi %while3A_117, %while3A_123 : i32
      %while3A_125 = arith.constant 1 : i32
      %while3A_126 = scf.for %while3A_209 = %while3A_117 to %while3A_124 step %while3A_125 iter_args(%while3A_210 = %while3A_118) -> (i32)  : i32 {
        %mul3A_211 = arith.constant 16 : i32
        %mul3A_212 = arith.muli %while3A_209, %mul3A_211 : i32
        %get3A = arith.index_cast %mul3A_212 : i32 to index
        %get3A_213 = tpu.vector_load %arg9[%get3A] {strides = array<i32>} : memref<16400xi32, #tpu.memory_space<vmem>>, vector<16xi32>,
        %gather3A = tpu.vector_load_idx %arg8[%get3A_213] : memref<16400xi32, #tpu.memory_space<vmem>>[vector<16xi32>], vector<16xi32>,
        %ge3A = vector.broadcast %multiple_of3A_101 : i32 to vector<16xi32>
        %ge3A_214 = arith.cmpi sge, %gather3A, %ge3A : vector<16xi32>
        %add3A_215 = arith.constant 1024 : i32
        %add3A_216 = arith.addi %multiple_of3A_101, %add3A_215 : i32
        %lt3A_217 = vector.broadcast %add3A_216 : i32 to vector<16xi32>
        %lt3A_218 = arith.cmpi slt, %gather3A, %lt3A_217 : vector<16xi32>
        %and3A = arith.andi %ge3A_214, %lt3A_218 : vector<16xi1>
        %swap3A_219 = arith.index_cast %while3A_210 : i32 to index
        %swap3A_220 = tpu.vector_load %arg10[%swap3A_219] masked %and3A {strides = array<i32>} : memref<16400xi32, #tpu.memory_space<vmem>>, vector<16xi32>, vector<16xi1>
        tpu.vector_store %arg10[%swap3A_219], %get3A_213 masked %and3A {strides = array<i32>} : memref<16400xi32, #tpu.memory_space<vmem>>, vector<16xi32>, vector<16xi1>
        %all_reduce_population_count3A = tpu.all_reduce %and3A {dim = 0 : i64, kind = #tpu.reduction_kind<sum>} : vector<16xi1> -> vector<16xi32>
        %slice3A = vector.extract_strided_slice %all_reduce_population_count3A {offsets = [0], sizes = [1], strides = [1]} : vector<16xi32> to vector<1xi32>
        %squeeze3A = vector.extract %slice3A[0] : i32 from vector<1xi32>
        %add3A_221 = arith.addi %while3A_210, %squeeze3A : i32
        scf.yield %add3A_221 : i32
      }
      %while3A_127 = arith.constant 1 : i32
      %while3A_128 = scf.for %while3A_209 = %while3A_124 to %while3A_120 step %while3A_127 iter_args(%while3A_210 = %while3A_126) -> (i32)  : i32 {
        %mul3A_211 = arith.constant 16 : i32
        %mul3A_212 = arith.muli %while3A_209, %mul3A_211 : i32
        %get3A = arith.index_cast %mul3A_212 : i32 to index
        %get3A_213 = tpu.vector_load %arg9[%get3A] {strides = array<i32>} : memref<16400xi32, #tpu.memory_space<vmem>>, vector<16xi32>,
        %gather3A = tpu.vector_load_idx %arg8[%get3A_213] : memref<16400xi32, #tpu.memory_space<vmem>>[vector<16xi32>], vector<16xi32>,
        %ge3A = vector.broadcast %multiple_of3A_101 : i32 to vector<16xi32>
        %ge3A_214 = arith.cmpi sge, %gather3A, %ge3A : vector<16xi32>
        %add3A_215 = arith.constant 1024 : i32
        %add3A_216 = arith.addi %multiple_of3A_101, %add3A_215 : i32
        %lt3A_217 = vector.broadcast %add3A_216 : i32 to vector<16xi32>
        %lt3A_218 = arith.cmpi slt, %gather3A, %lt3A_217 : vector<16xi32>
        %and3A = arith.andi %ge3A_214, %lt3A_218 : vector<16xi1>
        %swap3A_219 = arith.index_cast %while3A_210 : i32 to index
        %swap3A_220 = tpu.vector_load %arg10[%swap3A_219] masked %and3A {strides = array<i32>} : memref<16400xi32, #tpu.memory_space<vmem>>, vector<16xi32>, vector<16xi1>
        tpu.vector_store %arg10[%swap3A_219], %get3A_213 masked %and3A {strides = array<i32>} : memref<16400xi32, #tpu.memory_space<vmem>>, vector<16xi32>, vector<16xi1>
        %all_reduce_population_count3A = tpu.all_reduce %and3A {dim = 0 : i64, kind = #tpu.reduction_kind<sum>} : vector<16xi1> -> vector<16xi32>
        %slice3A = vector.extract_strided_slice %all_reduce_population_count3A {offsets = [0], sizes = [1], strides = [1]} : vector<16xi32> to vector<1xi32>
        %squeeze3A = vector.extract %slice3A[0] : i32 from vector<1xi32>
        %add3A_221 = arith.addi %while3A_210, %squeeze3A : i32
        scf.yield %add3A_221 : i32
      }
      %broadcast_in_dim3A_129 = arith.constant 16384 : i32
      %broadcast_in_dim3A_130 = vector.broadcast %broadcast_in_dim3A_129 : i32 to vector<16xi32>
      %swap3A_131 = arith.index_cast %while3A_128 : i32 to index
      %swap3A_132 = tpu.vector_load %arg10[%swap3A_131] {strides = array<i32>} : memref<16400xi32, #tpu.memory_space<vmem>>, vector<16xi32>,
      tpu.vector_store %arg10[%swap3A_131], %broadcast_in_dim3A_130 {strides = array<i32>} : memref<16400xi32, #tpu.memory_space<vmem>>, vector<16xi32>,
      %add3A_133 = arith.constant 15 : i32
      %add3A_134 = arith.addi %while3A_128, %add3A_133 : i32
      %shift_right_arithmetic3A_135 = arith.constant 4 : i32
      %shift_right_arithmetic3A_136 = arith.shrsi %add3A_134, %shift_right_arithmetic3A_135 : i32
      %while3A_137 = arith.constant 0 : i32
      %while3A_138 = arith.subi %shift_right_arithmetic3A_136, %while3A_137 : i32
      %while3A_139 = arith.addi %while3A_137, %while3A_138 : i32
      %while3A_140 = arith.constant 1 : i32
      %while3A_141 = arith.divsi %while3A_138, %while3A_140 : i32
      %while3A_142 = arith.muli %while3A_141, %while3A_140 : i32
      %while3A_143 = arith.addi %while3A_137, %while3A_142 : i32
      %while3A_144 = arith.constant 1 : i32
      %while3A_145 = scf.for %while3A_209 = %while3A_137 to %while3A_143 step %while3A_144 iter_args(%while3A_210 = %scan3A_93) -> (i32)  : i32 {
        %jit3A = arith.constant 6 : i32
        %eq3A = arith.constant 0 : i32
        %eq3A_211 = arith.cmpi eq, %jit3A, %eq3A : i32
        %jit3A_212 = arith.constant 1 : i32
        %select_n3A = arith.select %eq3A_211, %jit3A_212, %jit3A : i32
        %rem3A = arith.remsi %while3A_210, %select_n3A : i32
        %ne3A = arith.constant 0 : i32
        %ne3A_213 = arith.cmpi ne, %rem3A, %ne3A : i32
        %lt3A_214 = arith.constant 0 : i32
        %lt3A_215 = arith.cmpi slt, %rem3A, %lt3A_214 : i32
        %lt3A_216 = arith.constant 0 : i32
        %lt3A_217 = arith.cmpi slt, %select_n3A, %lt3A_216 : i32
        %ne3A_218 = arith.xori %lt3A_215, %lt3A_217 : i1
        %and3A = arith.andi %ne3A_218, %ne3A_213 : i1
        %add3A_219 = arith.addi %rem3A, %select_n3A : i32
        %select_n3A_220 = arith.select %and3A, %add3A_219, %rem3A : i32
        %ge3A = arith.constant 6 : i32
        %ge3A_221 = arith.cmpi sge, %while3A_210, %ge3A : i32
        %convert_element_type3A_222 = arith.extui %ge3A_221 : i1 to i32
        %cond3A_223 = arith.constant 0 : i32
        %cond3A_224 = arith.cmpi ne, %convert_element_type3A_222, %cond3A_223 : i32
        scf.if %cond3A_224 {
          %dma_wait3A_348 = arith.constant 0 : i32
          %dma_wait3A_349 = arith.constant 0 : i32
          %dma_wait3A_350 = tpu.memref_slice %arg13[%select_n3A_220, %dma_wait3A_348, %dma_wait3A_349] : memref<6x16x128xf32, #tpu.memory_space<vmem>> -> memref<1x16x128xf32, #tpu.memory_space<vmem>>
          %dma_wait3A_351 = tpu.memref_squeeze %dma_wait3A_350 : memref<1x16x128xf32, #tpu.memory_space<vmem>> -> memref<16x128xf32, #tpu.memory_space<vmem>>
          %dma_wait3A_352 = arith.constant 0 : i32
          %dma_wait3A_353 = tpu.memref_slice %arg14[%select_n3A_220, %dma_wait3A_352] : memref<6x16xi32, #tpu.memory_space<vmem>> -> memref<1x16xi32, #tpu.memory_space<vmem>>
          %dma_wait3A_354 = tpu.memref_squeeze %dma_wait3A_353 : memref<1x16xi32, #tpu.memory_space<vmem>> -> memref<16xi32, #tpu.memory_space<vmem>>
          %dma_wait3A_355 = arith.constant 0 : i32
          %dma_wait3A_356 = arith.constant 0 : i32
          %dma_wait3A_357 = tpu.memref_slice %arg7[%dma_wait3A_355, %dma_wait3A_356] : memref<16400x128xf32, #tpu.memory_space<hbm>> -> memref<16400x128xf32, #tpu.memory_space<hbm>>
          %dma_wait3A_358 = tpu.memref_slice %arg15[%select_n3A_220] : memref<6x!tpu.dma_semaphore, #tpu.memory_space<semaphore_mem>> -> memref<1x!tpu.dma_semaphore, #tpu.memory_space<semaphore_mem>>
          %dma_wait3A_359 = tpu.memref_squeeze %dma_wait3A_358 : memref<1x!tpu.dma_semaphore, #tpu.memory_space<semaphore_mem>> -> memref<!tpu.dma_semaphore, #tpu.memory_space<semaphore_mem>>
          tpu.wait_indirect_dma semaphore(%dma_wait3A_359 : memref<!tpu.dma_semaphore, #tpu.memory_space<semaphore_mem>>) src(%dma_wait3A_351 : memref<16x128xf32, #tpu.memory_space<vmem>>) dst(%dma_wait3A_357 : memref<16400x128xf32, #tpu.memory_space<hbm>>)
        } else {
        }
        %mul3A_225 = arith.constant 16 : i32
        %mul3A_226 = arith.muli %while3A_209, %mul3A_225 : i32
        %get3A = arith.index_cast %mul3A_226 : i32 to index
        %get3A_227 = tpu.vector_load %arg10[%get3A] {strides = array<i32>} : memref<16400xi32, #tpu.memory_space<vmem>>, vector<16xi32>,
        %gather3A = tpu.vector_load_idx %arg8[%get3A_227] : memref<16400xi32, #tpu.memory_space<vmem>>[vector<16xi32>], vector<16xi32>,
        %sub3A = vector.broadcast %multiple_of3A_101 : i32 to vector<16xi32>
        %sub3A_228 = arith.subi %gather3A, %sub3A : vector<16xi32>
        %jit3A_229 = arith.constant 0 : i32
        %jit3A_230 = arith.constant 1023 : i32
        %max3A = vector.broadcast %jit3A_229 : i32 to vector<16xi32>
        %max3A_231 = arith.maxsi %max3A, %sub3A_228 : vector<16xi32>
        %min3A_232 = vector.broadcast %jit3A_230 : i32 to vector<16xi32>
        %min3A_233 = arith.minsi %min3A_232, %max3A_231 : vector<16xi32>
        %broadcast_in_dim3A_234 = vector.broadcast %select_n3A_220 : i32 to vector<16xi32>
        %broadcast_in_dim3A_235 = arith.constant 0 : i32
        %broadcast_in_dim3A_236 = vector.broadcast %broadcast_in_dim3A_235 : i32 to vector<16xi32>
        %gather3A_237 = tpu.vector_load_idx %arg11[%broadcast_in_dim3A_236, %min3A_233] : memref<32x1024xf32, #tpu.memory_space<vmem>>[vector<16xi32>, vector<16xi32>], vector<16xf32>,
        tpu.vector_store_idx %arg13[%broadcast_in_dim3A_234, %iota3A, %broadcast_in_dim3A_236], %gather3A_237 : memref<6x16x128xf32, #tpu.memory_space<vmem>>[vector<16xi32>, vector<16xi32>, vector<16xi32>], vector<16xf32>,
        %broadcast_in_dim3A_238 = arith.constant 1 : i32
        %broadcast_in_dim3A_239 = vector.broadcast %broadcast_in_dim3A_238 : i32 to vector<16xi32>
        %gather3A_240 = tpu.vector_load_idx %arg11[%broadcast_in_dim3A_239, %min3A_233] : memref<32x1024xf32, #tpu.memory_space<vmem>>[vector<16xi32>, vector<16xi32>], vector<16xf32>,
        tpu.vector_store_idx %arg13[%broadcast_in_dim3A_234, %iota3A, %broadcast_in_dim3A_239], %gather3A_240 : memref<6x16x128xf32, #tpu.memory_space<vmem>>[vector<16xi32>, vector<16xi32>, vector<16xi32>], vector<16xf32>,
        %broadcast_in_dim3A_241 = arith.constant 2 : i32
        %broadcast_in_dim3A_242 = vector.broadcast %broadcast_in_dim3A_241 : i32 to vector<16xi32>
        %gather3A_243 = tpu.vector_load_idx %arg11[%broadcast_in_dim3A_242, %min3A_233] : memref<32x1024xf32, #tpu.memory_space<vmem>>[vector<16xi32>, vector<16xi32>], vector<16xf32>,
        tpu.vector_store_idx %arg13[%broadcast_in_dim3A_234, %iota3A, %broadcast_in_dim3A_242], %gather3A_243 : memref<6x16x128xf32, #tpu.memory_space<vmem>>[vector<16xi32>, vector<16xi32>, vector<16xi32>], vector<16xf32>,
        %broadcast_in_dim3A_244 = arith.constant 3 : i32
        %broadcast_in_dim3A_245 = vector.broadcast %broadcast_in_dim3A_244 : i32 to vector<16xi32>
        %gather3A_246 = tpu.vector_load_idx %arg11[%broadcast_in_dim3A_245, %min3A_233] : memref<32x1024xf32, #tpu.memory_space<vmem>>[vector<16xi32>, vector<16xi32>], vector<16xf32>,
        tpu.vector_store_idx %arg13[%broadcast_in_dim3A_234, %iota3A, %broadcast_in_dim3A_245], %gather3A_246 : memref<6x16x128xf32, #tpu.memory_space<vmem>>[vector<16xi32>, vector<16xi32>, vector<16xi32>], vector<16xf32>,
        %broadcast_in_dim3A_247 = arith.constant 4 : i32
        %broadcast_in_dim3A_248 = vector.broadcast %broadcast_in_dim3A_247 : i32 to vector<16xi32>
        %gather3A_249 = tpu.vector_load_idx %arg11[%broadcast_in_dim3A_248, %min3A_233] : memref<32x1024xf32, #tpu.memory_space<vmem>>[vector<16xi32>, vector<16xi32>], vector<16xf32>,
        tpu.vector_store_idx %arg13[%broadcast_in_dim3A_234, %iota3A, %broadcast_in_dim3A_248], %gather3A_249 : memref<6x16x128xf32, #tpu.memory_space<vmem>>[vector<16xi32>, vector<16xi32>, vector<16xi32>], vector<16xf32>,
        %broadcast_in_dim3A_250 = arith.constant 5 : i32
        %broadcast_in_dim3A_251 = vector.broadcast %broadcast_in_dim3A_250 : i32 to vector<16xi32>
        %gather3A_252 = tpu.vector_load_idx %arg11[%broadcast_in_dim3A_251, %min3A_233] : memref<32x1024xf32, #tpu.memory_space<vmem>>[vector<16xi32>, vector<16xi32>], vector<16xf32>,
        tpu.vector_store_idx %arg13[%broadcast_in_dim3A_234, %iota3A, %broadcast_in_dim3A_251], %gather3A_252 : memref<6x16x128xf32, #tpu.memory_space<vmem>>[vector<16xi32>, vector<16xi32>, vector<16xi32>], vector<16xf32>,
        %broadcast_in_dim3A_253 = arith.constant 6 : i32
        %broadcast_in_dim3A_254 = vector.broadcast %broadcast_in_dim3A_253 : i32 to vector<16xi32>
        %gather3A_255 = tpu.vector_load_idx %arg11[%broadcast_in_dim3A_254, %min3A_233] : memref<32x1024xf32, #tpu.memory_space<vmem>>[vector<16xi32>, vector<16xi32>], vector<16xf32>,
        tpu.vector_store_idx %arg13[%broadcast_in_dim3A_234, %iota3A, %broadcast_in_dim3A_254], %gather3A_255 : memref<6x16x128xf32, #tpu.memory_space<vmem>>[vector<16xi32>, vector<16xi32>, vector<16xi32>], vector<16xf32>,
        %broadcast_in_dim3A_256 = arith.constant 7 : i32
        %broadcast_in_dim3A_257 = vector.broadcast %broadcast_in_dim3A_256 : i32 to vector<16xi32>
        %gather3A_258 = tpu.vector_load_idx %arg11[%broadcast_in_dim3A_257, %min3A_233] : memref<32x1024xf32, #tpu.memory_space<vmem>>[vector<16xi32>, vector<16xi32>], vector<16xf32>,
        tpu.vector_store_idx %arg13[%broadcast_in_dim3A_234, %iota3A, %broadcast_in_dim3A_257], %gather3A_258 : memref<6x16x128xf32, #tpu.memory_space<vmem>>[vector<16xi32>, vector<16xi32>, vector<16xi32>], vector<16xf32>,
        %broadcast_in_dim3A_259 = arith.constant 8 : i32
        %broadcast_in_dim3A_260 = vector.broadcast %broadcast_in_dim3A_259 : i32 to vector<16xi32>
        %gather3A_261 = tpu.vector_load_idx %arg11[%broadcast_in_dim3A_260, %min3A_233] : memref<32x1024xf32, #tpu.memory_space<vmem>>[vector<16xi32>, vector<16xi32>], vector<16xf32>,
        tpu.vector_store_idx %arg13[%broadcast_in_dim3A_234, %iota3A, %broadcast_in_dim3A_260], %gather3A_261 : memref<6x16x128xf32, #tpu.memory_space<vmem>>[vector<16xi32>, vector<16xi32>, vector<16xi32>], vector<16xf32>,
        %broadcast_in_dim3A_262 = arith.constant 9 : i32
        %broadcast_in_dim3A_263 = vector.broadcast %broadcast_in_dim3A_262 : i32 to vector<16xi32>
        %gather3A_264 = tpu.vector_load_idx %arg11[%broadcast_in_dim3A_263, %min3A_233] : memref<32x1024xf32, #tpu.memory_space<vmem>>[vector<16xi32>, vector<16xi32>], vector<16xf32>,
        tpu.vector_store_idx %arg13[%broadcast_in_dim3A_234, %iota3A, %broadcast_in_dim3A_263], %gather3A_264 : memref<6x16x128xf32, #tpu.memory_space<vmem>>[vector<16xi32>, vector<16xi32>, vector<16xi32>], vector<16xf32>,
        %broadcast_in_dim3A_265 = arith.constant 10 : i32
        %broadcast_in_dim3A_266 = vector.broadcast %broadcast_in_dim3A_265 : i32 to vector<16xi32>
        %gather3A_267 = tpu.vector_load_idx %arg11[%broadcast_in_dim3A_266, %min3A_233] : memref<32x1024xf32, #tpu.memory_space<vmem>>[vector<16xi32>, vector<16xi32>], vector<16xf32>,
        tpu.vector_store_idx %arg13[%broadcast_in_dim3A_234, %iota3A, %broadcast_in_dim3A_266], %gather3A_267 : memref<6x16x128xf32, #tpu.memory_space<vmem>>[vector<16xi32>, vector<16xi32>, vector<16xi32>], vector<16xf32>,
        %broadcast_in_dim3A_268 = arith.constant 11 : i32
        %broadcast_in_dim3A_269 = vector.broadcast %broadcast_in_dim3A_268 : i32 to vector<16xi32>
        %gather3A_270 = tpu.vector_load_idx %arg11[%broadcast_in_dim3A_269, %min3A_233] : memref<32x1024xf32, #tpu.memory_space<vmem>>[vector<16xi32>, vector<16xi32>], vector<16xf32>,
        tpu.vector_store_idx %arg13[%broadcast_in_dim3A_234, %iota3A, %broadcast_in_dim3A_269], %gather3A_270 : memref<6x16x128xf32, #tpu.memory_space<vmem>>[vector<16xi32>, vector<16xi32>, vector<16xi32>], vector<16xf32>,
        %broadcast_in_dim3A_271 = arith.constant 12 : i32
        %broadcast_in_dim3A_272 = vector.broadcast %broadcast_in_dim3A_271 : i32 to vector<16xi32>
        %gather3A_273 = tpu.vector_load_idx %arg11[%broadcast_in_dim3A_272, %min3A_233] : memref<32x1024xf32, #tpu.memory_space<vmem>>[vector<16xi32>, vector<16xi32>], vector<16xf32>,
        tpu.vector_store_idx %arg13[%broadcast_in_dim3A_234, %iota3A, %broadcast_in_dim3A_272], %gather3A_273 : memref<6x16x128xf32, #tpu.memory_space<vmem>>[vector<16xi32>, vector<16xi32>, vector<16xi32>], vector<16xf32>,
        %broadcast_in_dim3A_274 = arith.constant 13 : i32
        %broadcast_in_dim3A_275 = vector.broadcast %broadcast_in_dim3A_274 : i32 to vector<16xi32>
        %gather3A_276 = tpu.vector_load_idx %arg11[%broadcast_in_dim3A_275, %min3A_233] : memref<32x1024xf32, #tpu.memory_space<vmem>>[vector<16xi32>, vector<16xi32>], vector<16xf32>,
        tpu.vector_store_idx %arg13[%broadcast_in_dim3A_234, %iota3A, %broadcast_in_dim3A_275], %gather3A_276 : memref<6x16x128xf32, #tpu.memory_space<vmem>>[vector<16xi32>, vector<16xi32>, vector<16xi32>], vector<16xf32>,
        %broadcast_in_dim3A_277 = arith.constant 14 : i32
        %broadcast_in_dim3A_278 = vector.broadcast %broadcast_in_dim3A_277 : i32 to vector<16xi32>
        %gather3A_279 = tpu.vector_load_idx %arg11[%broadcast_in_dim3A_278, %min3A_233] : memref<32x1024xf32, #tpu.memory_space<vmem>>[vector<16xi32>, vector<16xi32>], vector<16xf32>,
        tpu.vector_store_idx %arg13[%broadcast_in_dim3A_234, %iota3A, %broadcast_in_dim3A_278], %gather3A_279 : memref<6x16x128xf32, #tpu.memory_space<vmem>>[vector<16xi32>, vector<16xi32>, vector<16xi32>], vector<16xf32>,
        %broadcast_in_dim3A_280 = arith.constant 15 : i32
        %broadcast_in_dim3A_281 = vector.broadcast %broadcast_in_dim3A_280 : i32 to vector<16xi32>
        %gather3A_282 = tpu.vector_load_idx %arg11[%broadcast_in_dim3A_281, %min3A_233] : memref<32x1024xf32, #tpu.memory_space<vmem>>[vector<16xi32>, vector<16xi32>], vector<16xf32>,
        tpu.vector_store_idx %arg13[%broadcast_in_dim3A_234, %iota3A, %broadcast_in_dim3A_281], %gather3A_282 : memref<6x16x128xf32, #tpu.memory_space<vmem>>[vector<16xi32>, vector<16xi32>, vector<16xi32>], vector<16xf32>,
        %broadcast_in_dim3A_283 = arith.constant 16 : i32
        %broadcast_in_dim3A_284 = vector.broadcast %broadcast_in_dim3A_283 : i32 to vector<16xi32>
        %gather3A_285 = tpu.vector_load_idx %arg11[%broadcast_in_dim3A_284, %min3A_233] : memref<32x1024xf32, #tpu.memory_space<vmem>>[vector<16xi32>, vector<16xi32>], vector<16xf32>,
        tpu.vector_store_idx %arg13[%broadcast_in_dim3A_234, %iota3A, %broadcast_in_dim3A_284], %gather3A_285 : memref<6x16x128xf32, #tpu.memory_space<vmem>>[vector<16xi32>, vector<16xi32>, vector<16xi32>], vector<16xf32>,
        %broadcast_in_dim3A_286 = arith.constant 17 : i32
        %broadcast_in_dim3A_287 = vector.broadcast %broadcast_in_dim3A_286 : i32 to vector<16xi32>
        %gather3A_288 = tpu.vector_load_idx %arg11[%broadcast_in_dim3A_287, %min3A_233] : memref<32x1024xf32, #tpu.memory_space<vmem>>[vector<16xi32>, vector<16xi32>], vector<16xf32>,
        tpu.vector_store_idx %arg13[%broadcast_in_dim3A_234, %iota3A, %broadcast_in_dim3A_287], %gather3A_288 : memref<6x16x128xf32, #tpu.memory_space<vmem>>[vector<16xi32>, vector<16xi32>, vector<16xi32>], vector<16xf32>,
        %broadcast_in_dim3A_289 = arith.constant 18 : i32
        %broadcast_in_dim3A_290 = vector.broadcast %broadcast_in_dim3A_289 : i32 to vector<16xi32>
        %gather3A_291 = tpu.vector_load_idx %arg11[%broadcast_in_dim3A_290, %min3A_233] : memref<32x1024xf32, #tpu.memory_space<vmem>>[vector<16xi32>, vector<16xi32>], vector<16xf32>,
        tpu.vector_store_idx %arg13[%broadcast_in_dim3A_234, %iota3A, %broadcast_in_dim3A_290], %gather3A_291 : memref<6x16x128xf32, #tpu.memory_space<vmem>>[vector<16xi32>, vector<16xi32>, vector<16xi32>], vector<16xf32>,
        %broadcast_in_dim3A_292 = arith.constant 19 : i32
        %broadcast_in_dim3A_293 = vector.broadcast %broadcast_in_dim3A_292 : i32 to vector<16xi32>
        %gather3A_294 = tpu.vector_load_idx %arg11[%broadcast_in_dim3A_293, %min3A_233] : memref<32x1024xf32, #tpu.memory_space<vmem>>[vector<16xi32>, vector<16xi32>], vector<16xf32>,
        tpu.vector_store_idx %arg13[%broadcast_in_dim3A_234, %iota3A, %broadcast_in_dim3A_293], %gather3A_294 : memref<6x16x128xf32, #tpu.memory_space<vmem>>[vector<16xi32>, vector<16xi32>, vector<16xi32>], vector<16xf32>,
        %broadcast_in_dim3A_295 = arith.constant 20 : i32
        %broadcast_in_dim3A_296 = vector.broadcast %broadcast_in_dim3A_295 : i32 to vector<16xi32>
        %gather3A_297 = tpu.vector_load_idx %arg11[%broadcast_in_dim3A_296, %min3A_233] : memref<32x1024xf32, #tpu.memory_space<vmem>>[vector<16xi32>, vector<16xi32>], vector<16xf32>,
        tpu.vector_store_idx %arg13[%broadcast_in_dim3A_234, %iota3A, %broadcast_in_dim3A_296], %gather3A_297 : memref<6x16x128xf32, #tpu.memory_space<vmem>>[vector<16xi32>, vector<16xi32>, vector<16xi32>], vector<16xf32>,
        %broadcast_in_dim3A_298 = arith.constant 21 : i32
        %broadcast_in_dim3A_299 = vector.broadcast %broadcast_in_dim3A_298 : i32 to vector<16xi32>
        %gather3A_300 = tpu.vector_load_idx %arg11[%broadcast_in_dim3A_299, %min3A_233] : memref<32x1024xf32, #tpu.memory_space<vmem>>[vector<16xi32>, vector<16xi32>], vector<16xf32>,
        tpu.vector_store_idx %arg13[%broadcast_in_dim3A_234, %iota3A, %broadcast_in_dim3A_299], %gather3A_300 : memref<6x16x128xf32, #tpu.memory_space<vmem>>[vector<16xi32>, vector<16xi32>, vector<16xi32>], vector<16xf32>,
        %broadcast_in_dim3A_301 = arith.constant 22 : i32
        %broadcast_in_dim3A_302 = vector.broadcast %broadcast_in_dim3A_301 : i32 to vector<16xi32>
        %gather3A_303 = tpu.vector_load_idx %arg11[%broadcast_in_dim3A_302, %min3A_233] : memref<32x1024xf32, #tpu.memory_space<vmem>>[vector<16xi32>, vector<16xi32>], vector<16xf32>,
        tpu.vector_store_idx %arg13[%broadcast_in_dim3A_234, %iota3A, %broadcast_in_dim3A_302], %gather3A_303 : memref<6x16x128xf32, #tpu.memory_space<vmem>>[vector<16xi32>, vector<16xi32>, vector<16xi32>], vector<16xf32>,
        %broadcast_in_dim3A_304 = arith.constant 23 : i32
        %broadcast_in_dim3A_305 = vector.broadcast %broadcast_in_dim3A_304 : i32 to vector<16xi32>
        %gather3A_306 = tpu.vector_load_idx %arg11[%broadcast_in_dim3A_305, %min3A_233] : memref<32x1024xf32, #tpu.memory_space<vmem>>[vector<16xi32>, vector<16xi32>], vector<16xf32>,
        tpu.vector_store_idx %arg13[%broadcast_in_dim3A_234, %iota3A, %broadcast_in_dim3A_305], %gather3A_306 : memref<6x16x128xf32, #tpu.memory_space<vmem>>[vector<16xi32>, vector<16xi32>, vector<16xi32>], vector<16xf32>,
        %broadcast_in_dim3A_307 = arith.constant 24 : i32
        %broadcast_in_dim3A_308 = vector.broadcast %broadcast_in_dim3A_307 : i32 to vector<16xi32>
        %gather3A_309 = tpu.vector_load_idx %arg11[%broadcast_in_dim3A_308, %min3A_233] : memref<32x1024xf32, #tpu.memory_space<vmem>>[vector<16xi32>, vector<16xi32>], vector<16xf32>,
        tpu.vector_store_idx %arg13[%broadcast_in_dim3A_234, %iota3A, %broadcast_in_dim3A_308], %gather3A_309 : memref<6x16x128xf32, #tpu.memory_space<vmem>>[vector<16xi32>, vector<16xi32>, vector<16xi32>], vector<16xf32>,
        %broadcast_in_dim3A_310 = arith.constant 25 : i32
        %broadcast_in_dim3A_311 = vector.broadcast %broadcast_in_dim3A_310 : i32 to vector<16xi32>
        %gather3A_312 = tpu.vector_load_idx %arg11[%broadcast_in_dim3A_311, %min3A_233] : memref<32x1024xf32, #tpu.memory_space<vmem>>[vector<16xi32>, vector<16xi32>], vector<16xf32>,
        tpu.vector_store_idx %arg13[%broadcast_in_dim3A_234, %iota3A, %broadcast_in_dim3A_311], %gather3A_312 : memref<6x16x128xf32, #tpu.memory_space<vmem>>[vector<16xi32>, vector<16xi32>, vector<16xi32>], vector<16xf32>,
        %broadcast_in_dim3A_313 = arith.constant 26 : i32
        %broadcast_in_dim3A_314 = vector.broadcast %broadcast_in_dim3A_313 : i32 to vector<16xi32>
        %gather3A_315 = tpu.vector_load_idx %arg11[%broadcast_in_dim3A_314, %min3A_233] : memref<32x1024xf32, #tpu.memory_space<vmem>>[vector<16xi32>, vector<16xi32>], vector<16xf32>,
        tpu.vector_store_idx %arg13[%broadcast_in_dim3A_234, %iota3A, %broadcast_in_dim3A_314], %gather3A_315 : memref<6x16x128xf32, #tpu.memory_space<vmem>>[vector<16xi32>, vector<16xi32>, vector<16xi32>], vector<16xf32>,
        %broadcast_in_dim3A_316 = arith.constant 27 : i32
        %broadcast_in_dim3A_317 = vector.broadcast %broadcast_in_dim3A_316 : i32 to vector<16xi32>
        %gather3A_318 = tpu.vector_load_idx %arg11[%broadcast_in_dim3A_317, %min3A_233] : memref<32x1024xf32, #tpu.memory_space<vmem>>[vector<16xi32>, vector<16xi32>], vector<16xf32>,
        tpu.vector_store_idx %arg13[%broadcast_in_dim3A_234, %iota3A, %broadcast_in_dim3A_317], %gather3A_318 : memref<6x16x128xf32, #tpu.memory_space<vmem>>[vector<16xi32>, vector<16xi32>, vector<16xi32>], vector<16xf32>,
        %broadcast_in_dim3A_319 = arith.constant 28 : i32
        %broadcast_in_dim3A_320 = vector.broadcast %broadcast_in_dim3A_319 : i32 to vector<16xi32>
        %gather3A_321 = tpu.vector_load_idx %arg11[%broadcast_in_dim3A_320, %min3A_233] : memref<32x1024xf32, #tpu.memory_space<vmem>>[vector<16xi32>, vector<16xi32>], vector<16xf32>,
        tpu.vector_store_idx %arg13[%broadcast_in_dim3A_234, %iota3A, %broadcast_in_dim3A_320], %gather3A_321 : memref<6x16x128xf32, #tpu.memory_space<vmem>>[vector<16xi32>, vector<16xi32>, vector<16xi32>], vector<16xf32>,
        %broadcast_in_dim3A_322 = arith.constant 29 : i32
        %broadcast_in_dim3A_323 = vector.broadcast %broadcast_in_dim3A_322 : i32 to vector<16xi32>
        %gather3A_324 = tpu.vector_load_idx %arg11[%broadcast_in_dim3A_323, %min3A_233] : memref<32x1024xf32, #tpu.memory_space<vmem>>[vector<16xi32>, vector<16xi32>], vector<16xf32>,
        tpu.vector_store_idx %arg13[%broadcast_in_dim3A_234, %iota3A, %broadcast_in_dim3A_323], %gather3A_324 : memref<6x16x128xf32, #tpu.memory_space<vmem>>[vector<16xi32>, vector<16xi32>, vector<16xi32>], vector<16xf32>,
        %broadcast_in_dim3A_325 = arith.constant 30 : i32
        %broadcast_in_dim3A_326 = vector.broadcast %broadcast_in_dim3A_325 : i32 to vector<16xi32>
        %gather3A_327 = tpu.vector_load_idx %arg11[%broadcast_in_dim3A_326, %min3A_233] : memref<32x1024xf32, #tpu.memory_space<vmem>>[vector<16xi32>, vector<16xi32>], vector<16xf32>,
        tpu.vector_store_idx %arg13[%broadcast_in_dim3A_234, %iota3A, %broadcast_in_dim3A_326], %gather3A_327 : memref<6x16x128xf32, #tpu.memory_space<vmem>>[vector<16xi32>, vector<16xi32>, vector<16xi32>], vector<16xf32>,
        %broadcast_in_dim3A_328 = arith.constant 31 : i32
        %broadcast_in_dim3A_329 = vector.broadcast %broadcast_in_dim3A_328 : i32 to vector<16xi32>
        %gather3A_330 = tpu.vector_load_idx %arg11[%broadcast_in_dim3A_329, %min3A_233] : memref<32x1024xf32, #tpu.memory_space<vmem>>[vector<16xi32>, vector<16xi32>], vector<16xf32>,
        tpu.vector_store_idx %arg13[%broadcast_in_dim3A_234, %iota3A, %broadcast_in_dim3A_329], %gather3A_330 : memref<6x16x128xf32, #tpu.memory_space<vmem>>[vector<16xi32>, vector<16xi32>, vector<16xi32>], vector<16xf32>,
        %swap3A_331 = arith.index_cast %select_n3A_220 : i32 to index
        %swap3A_332 = arith.constant 0 : index
        %swap3A_333 = tpu.vector_load %arg14[%swap3A_331, %swap3A_332] {strides = array<i32>} : memref<6x16xi32, #tpu.memory_space<vmem>>, vector<16xi32>,
        tpu.vector_store %arg14[%swap3A_331, %swap3A_332], %get3A_227 {strides = array<i32>} : memref<6x16xi32, #tpu.memory_space<vmem>>, vector<16xi32>,
        %dma_start3A_334 = arith.constant 0 : i32
        %dma_start3A_335 = arith.constant 0 : i32
        %dma_start3A_336 = tpu.memref_slice %arg13[%select_n3A_220, %dma_start3A_334, %dma_start3A_335] : memref<6x16x128xf32, #tpu.memory_space<vmem>> -> memref<1x16x128xf32, #tpu.memory_space<vmem>>
        %dma_start3A_337 = tpu.memref_squeeze %dma_start3A_336 : memref<1x16x128xf32, #tpu.memory_space<vmem>> -> memref<16x128xf32, #tpu.memory_space<vmem>>
        %dma_start3A_338 = arith.constant 0 : i32
        %dma_start3A_339 = tpu.memref_slice %arg14[%select_n3A_220, %dma_start3A_338] : memref<6x16xi32, #tpu.memory_space<vmem>> -> memref<1x16xi32, #tpu.memory_space<vmem>>
        %dma_start3A_340 = tpu.memref_squeeze %dma_start3A_339 : memref<1x16xi32, #tpu.memory_space<vmem>> -> memref<16xi32, #tpu.memory_space<vmem>>
        %dma_start3A_341 = arith.constant 0 : i32
        %dma_start3A_342 = arith.constant 0 : i32
        %dma_start3A_343 = tpu.memref_slice %arg7[%dma_start3A_341, %dma_start3A_342] : memref<16400x128xf32, #tpu.memory_space<hbm>> -> memref<16400x128xf32, #tpu.memory_space<hbm>>
        %dma_start3A_344 = tpu.memref_slice %arg15[%select_n3A_220] : memref<6x!tpu.dma_semaphore, #tpu.memory_space<semaphore_mem>> -> memref<1x!tpu.dma_semaphore, #tpu.memory_space<semaphore_mem>>
        %dma_start3A_345 = tpu.memref_squeeze %dma_start3A_344 : memref<1x!tpu.dma_semaphore, #tpu.memory_space<semaphore_mem>> -> memref<!tpu.dma_semaphore, #tpu.memory_space<semaphore_mem>>
        tpu.enqueue_indirect_dma source(%dma_start3A_337 : memref<16x128xf32, #tpu.memory_space<vmem>>) target(%dma_start3A_343 : memref<16400x128xf32, #tpu.memory_space<hbm>>) offsets(%dma_start3A_340 : memref<16xi32, #tpu.memory_space<vmem>>) semaphore(%dma_start3A_345 : memref<!tpu.dma_semaphore, #tpu.memory_space<semaphore_mem>>)
        %add3A_346 = arith.constant 1 : i32
        %add3A_347 = arith.addi %while3A_210, %add3A_346 : i32
        scf.yield %add3A_347 : i32
      }
      %while3A_146 = arith.constant 1 : i32
      %while3A_147 = scf.for %while3A_209 = %while3A_143 to %while3A_139 step %while3A_146 iter_args(%while3A_210 = %while3A_145) -> (i32)  : i32 {
        %jit3A = arith.constant 6 : i32
        %eq3A = arith.constant 0 : i32
        %eq3A_211 = arith.cmpi eq, %jit3A, %eq3A : i32
        %jit3A_212 = arith.constant 1 : i32
        %select_n3A = arith.select %eq3A_211, %jit3A_212, %jit3A : i32
        %rem3A = arith.remsi %while3A_210, %select_n3A : i32
        %ne3A = arith.constant 0 : i32
        %ne3A_213 = arith.cmpi ne, %rem3A, %ne3A : i32
        %lt3A_214 = arith.constant 0 : i32
        %lt3A_215 = arith.cmpi slt, %rem3A, %lt3A_214 : i32
        %lt3A_216 = arith.constant 0 : i32
        %lt3A_217 = arith.cmpi slt, %select_n3A, %lt3A_216 : i32
        %ne3A_218 = arith.xori %lt3A_215, %lt3A_217 : i1
        %and3A = arith.andi %ne3A_218, %ne3A_213 : i1
        %add3A_219 = arith.addi %rem3A, %select_n3A : i32
        %select_n3A_220 = arith.select %and3A, %add3A_219, %rem3A : i32
        %ge3A = arith.constant 6 : i32
        %ge3A_221 = arith.cmpi sge, %while3A_210, %ge3A : i32
        %convert_element_type3A_222 = arith.extui %ge3A_221 : i1 to i32
        %cond3A_223 = arith.constant 0 : i32
        %cond3A_224 = arith.cmpi ne, %convert_element_type3A_222, %cond3A_223 : i32
        scf.if %cond3A_224 {
          %dma_wait3A_348 = arith.constant 0 : i32
          %dma_wait3A_349 = arith.constant 0 : i32
          %dma_wait3A_350 = tpu.memref_slice %arg13[%select_n3A_220, %dma_wait3A_348, %dma_wait3A_349] : memref<6x16x128xf32, #tpu.memory_space<vmem>> -> memref<1x16x128xf32, #tpu.memory_space<vmem>>
          %dma_wait3A_351 = tpu.memref_squeeze %dma_wait3A_350 : memref<1x16x128xf32, #tpu.memory_space<vmem>> -> memref<16x128xf32, #tpu.memory_space<vmem>>
          %dma_wait3A_352 = arith.constant 0 : i32
          %dma_wait3A_353 = tpu.memref_slice %arg14[%select_n3A_220, %dma_wait3A_352] : memref<6x16xi32, #tpu.memory_space<vmem>> -> memref<1x16xi32, #tpu.memory_space<vmem>>
          %dma_wait3A_354 = tpu.memref_squeeze %dma_wait3A_353 : memref<1x16xi32, #tpu.memory_space<vmem>> -> memref<16xi32, #tpu.memory_space<vmem>>
          %dma_wait3A_355 = arith.constant 0 : i32
          %dma_wait3A_356 = arith.constant 0 : i32
          %dma_wait3A_357 = tpu.memref_slice %arg7[%dma_wait3A_355, %dma_wait3A_356] : memref<16400x128xf32, #tpu.memory_space<hbm>> -> memref<16400x128xf32, #tpu.memory_space<hbm>>
          %dma_wait3A_358 = tpu.memref_slice %arg15[%select_n3A_220] : memref<6x!tpu.dma_semaphore, #tpu.memory_space<semaphore_mem>> -> memref<1x!tpu.dma_semaphore, #tpu.memory_space<semaphore_mem>>
          %dma_wait3A_359 = tpu.memref_squeeze %dma_wait3A_358 : memref<1x!tpu.dma_semaphore, #tpu.memory_space<semaphore_mem>> -> memref<!tpu.dma_semaphore, #tpu.memory_space<semaphore_mem>>
          tpu.wait_indirect_dma semaphore(%dma_wait3A_359 : memref<!tpu.dma_semaphore, #tpu.memory_space<semaphore_mem>>) src(%dma_wait3A_351 : memref<16x128xf32, #tpu.memory_space<vmem>>) dst(%dma_wait3A_357 : memref<16400x128xf32, #tpu.memory_space<hbm>>)
        } else {
        }
        %mul3A_225 = arith.constant 16 : i32
        %mul3A_226 = arith.muli %while3A_209, %mul3A_225 : i32
        %get3A = arith.index_cast %mul3A_226 : i32 to index
        %get3A_227 = tpu.vector_load %arg10[%get3A] {strides = array<i32>} : memref<16400xi32, #tpu.memory_space<vmem>>, vector<16xi32>,
        %gather3A = tpu.vector_load_idx %arg8[%get3A_227] : memref<16400xi32, #tpu.memory_space<vmem>>[vector<16xi32>], vector<16xi32>,
        %sub3A = vector.broadcast %multiple_of3A_101 : i32 to vector<16xi32>
        %sub3A_228 = arith.subi %gather3A, %sub3A : vector<16xi32>
        %jit3A_229 = arith.constant 0 : i32
        %jit3A_230 = arith.constant 1023 : i32
        %max3A = vector.broadcast %jit3A_229 : i32 to vector<16xi32>
        %max3A_231 = arith.maxsi %max3A, %sub3A_228 : vector<16xi32>
        %min3A_232 = vector.broadcast %jit3A_230 : i32 to vector<16xi32>
        %min3A_233 = arith.minsi %min3A_232, %max3A_231 : vector<16xi32>
        %broadcast_in_dim3A_234 = vector.broadcast %select_n3A_220 : i32 to vector<16xi32>
        %broadcast_in_dim3A_235 = arith.constant 0 : i32
        %broadcast_in_dim3A_236 = vector.broadcast %broadcast_in_dim3A_235 : i32 to vector<16xi32>
        %gather3A_237 = tpu.vector_load_idx %arg11[%broadcast_in_dim3A_236, %min3A_233] : memref<32x1024xf32, #tpu.memory_space<vmem>>[vector<16xi32>, vector<16xi32>], vector<16xf32>,
        tpu.vector_store_idx %arg13[%broadcast_in_dim3A_234, %iota3A, %broadcast_in_dim3A_236], %gather3A_237 : memref<6x16x128xf32, #tpu.memory_space<vmem>>[vector<16xi32>, vector<16xi32>, vector<16xi32>], vector<16xf32>,
        %broadcast_in_dim3A_238 = arith.constant 1 : i32
        %broadcast_in_dim3A_239 = vector.broadcast %broadcast_in_dim3A_238 : i32 to vector<16xi32>
        %gather3A_240 = tpu.vector_load_idx %arg11[%broadcast_in_dim3A_239, %min3A_233] : memref<32x1024xf32, #tpu.memory_space<vmem>>[vector<16xi32>, vector<16xi32>], vector<16xf32>,
        tpu.vector_store_idx %arg13[%broadcast_in_dim3A_234, %iota3A, %broadcast_in_dim3A_239], %gather3A_240 : memref<6x16x128xf32, #tpu.memory_space<vmem>>[vector<16xi32>, vector<16xi32>, vector<16xi32>], vector<16xf32>,
        %broadcast_in_dim3A_241 = arith.constant 2 : i32
        %broadcast_in_dim3A_242 = vector.broadcast %broadcast_in_dim3A_241 : i32 to vector<16xi32>
        %gather3A_243 = tpu.vector_load_idx %arg11[%broadcast_in_dim3A_242, %min3A_233] : memref<32x1024xf32, #tpu.memory_space<vmem>>[vector<16xi32>, vector<16xi32>], vector<16xf32>,
        tpu.vector_store_idx %arg13[%broadcast_in_dim3A_234, %iota3A, %broadcast_in_dim3A_242], %gather3A_243 : memref<6x16x128xf32, #tpu.memory_space<vmem>>[vector<16xi32>, vector<16xi32>, vector<16xi32>], vector<16xf32>,
        %broadcast_in_dim3A_244 = arith.constant 3 : i32
        %broadcast_in_dim3A_245 = vector.broadcast %broadcast_in_dim3A_244 : i32 to vector<16xi32>
        %gather3A_246 = tpu.vector_load_idx %arg11[%broadcast_in_dim3A_245, %min3A_233] : memref<32x1024xf32, #tpu.memory_space<vmem>>[vector<16xi32>, vector<16xi32>], vector<16xf32>,
        tpu.vector_store_idx %arg13[%broadcast_in_dim3A_234, %iota3A, %broadcast_in_dim3A_245], %gather3A_246 : memref<6x16x128xf32, #tpu.memory_space<vmem>>[vector<16xi32>, vector<16xi32>, vector<16xi32>], vector<16xf32>,
        %broadcast_in_dim3A_247 = arith.constant 4 : i32
        %broadcast_in_dim3A_248 = vector.broadcast %broadcast_in_dim3A_247 : i32 to vector<16xi32>
        %gather3A_249 = tpu.vector_load_idx %arg11[%broadcast_in_dim3A_248, %min3A_233] : memref<32x1024xf32, #tpu.memory_space<vmem>>[vector<16xi32>, vector<16xi32>], vector<16xf32>,
        tpu.vector_store_idx %arg13[%broadcast_in_dim3A_234, %iota3A, %broadcast_in_dim3A_248], %gather3A_249 : memref<6x16x128xf32, #tpu.memory_space<vmem>>[vector<16xi32>, vector<16xi32>, vector<16xi32>], vector<16xf32>,
        %broadcast_in_dim3A_250 = arith.constant 5 : i32
        %broadcast_in_dim3A_251 = vector.broadcast %broadcast_in_dim3A_250 : i32 to vector<16xi32>
        %gather3A_252 = tpu.vector_load_idx %arg11[%broadcast_in_dim3A_251, %min3A_233] : memref<32x1024xf32, #tpu.memory_space<vmem>>[vector<16xi32>, vector<16xi32>], vector<16xf32>,
        tpu.vector_store_idx %arg13[%broadcast_in_dim3A_234, %iota3A, %broadcast_in_dim3A_251], %gather3A_252 : memref<6x16x128xf32, #tpu.memory_space<vmem>>[vector<16xi32>, vector<16xi32>, vector<16xi32>], vector<16xf32>,
        %broadcast_in_dim3A_253 = arith.constant 6 : i32
        %broadcast_in_dim3A_254 = vector.broadcast %broadcast_in_dim3A_253 : i32 to vector<16xi32>
        %gather3A_255 = tpu.vector_load_idx %arg11[%broadcast_in_dim3A_254, %min3A_233] : memref<32x1024xf32, #tpu.memory_space<vmem>>[vector<16xi32>, vector<16xi32>], vector<16xf32>,
        tpu.vector_store_idx %arg13[%broadcast_in_dim3A_234, %iota3A, %broadcast_in_dim3A_254], %gather3A_255 : memref<6x16x128xf32, #tpu.memory_space<vmem>>[vector<16xi32>, vector<16xi32>, vector<16xi32>], vector<16xf32>,
        %broadcast_in_dim3A_256 = arith.constant 7 : i32
        %broadcast_in_dim3A_257 = vector.broadcast %broadcast_in_dim3A_256 : i32 to vector<16xi32>
        %gather3A_258 = tpu.vector_load_idx %arg11[%broadcast_in_dim3A_257, %min3A_233] : memref<32x1024xf32, #tpu.memory_space<vmem>>[vector<16xi32>, vector<16xi32>], vector<16xf32>,
        tpu.vector_store_idx %arg13[%broadcast_in_dim3A_234, %iota3A, %broadcast_in_dim3A_257], %gather3A_258 : memref<6x16x128xf32, #tpu.memory_space<vmem>>[vector<16xi32>, vector<16xi32>, vector<16xi32>], vector<16xf32>,
        %broadcast_in_dim3A_259 = arith.constant 8 : i32
        %broadcast_in_dim3A_260 = vector.broadcast %broadcast_in_dim3A_259 : i32 to vector<16xi32>
        %gather3A_261 = tpu.vector_load_idx %arg11[%broadcast_in_dim3A_260, %min3A_233] : memref<32x1024xf32, #tpu.memory_space<vmem>>[vector<16xi32>, vector<16xi32>], vector<16xf32>,
        tpu.vector_store_idx %arg13[%broadcast_in_dim3A_234, %iota3A, %broadcast_in_dim3A_260], %gather3A_261 : memref<6x16x128xf32, #tpu.memory_space<vmem>>[vector<16xi32>, vector<16xi32>, vector<16xi32>], vector<16xf32>,
        %broadcast_in_dim3A_262 = arith.constant 9 : i32
        %broadcast_in_dim3A_263 = vector.broadcast %broadcast_in_dim3A_262 : i32 to vector<16xi32>
        %gather3A_264 = tpu.vector_load_idx %arg11[%broadcast_in_dim3A_263, %min3A_233] : memref<32x1024xf32, #tpu.memory_space<vmem>>[vector<16xi32>, vector<16xi32>], vector<16xf32>,
        tpu.vector_store_idx %arg13[%broadcast_in_dim3A_234, %iota3A, %broadcast_in_dim3A_263], %gather3A_264 : memref<6x16x128xf32, #tpu.memory_space<vmem>>[vector<16xi32>, vector<16xi32>, vector<16xi32>], vector<16xf32>,
        %broadcast_in_dim3A_265 = arith.constant 10 : i32
        %broadcast_in_dim3A_266 = vector.broadcast %broadcast_in_dim3A_265 : i32 to vector<16xi32>
        %gather3A_267 = tpu.vector_load_idx %arg11[%broadcast_in_dim3A_266, %min3A_233] : memref<32x1024xf32, #tpu.memory_space<vmem>>[vector<16xi32>, vector<16xi32>], vector<16xf32>,
        tpu.vector_store_idx %arg13[%broadcast_in_dim3A_234, %iota3A, %broadcast_in_dim3A_266], %gather3A_267 : memref<6x16x128xf32, #tpu.memory_space<vmem>>[vector<16xi32>, vector<16xi32>, vector<16xi32>], vector<16xf32>,
        %broadcast_in_dim3A_268 = arith.constant 11 : i32
        %broadcast_in_dim3A_269 = vector.broadcast %broadcast_in_dim3A_268 : i32 to vector<16xi32>
        %gather3A_270 = tpu.vector_load_idx %arg11[%broadcast_in_dim3A_269, %min3A_233] : memref<32x1024xf32, #tpu.memory_space<vmem>>[vector<16xi32>, vector<16xi32>], vector<16xf32>,
        tpu.vector_store_idx %arg13[%broadcast_in_dim3A_234, %iota3A, %broadcast_in_dim3A_269], %gather3A_270 : memref<6x16x128xf32, #tpu.memory_space<vmem>>[vector<16xi32>, vector<16xi32>, vector<16xi32>], vector<16xf32>,
        %broadcast_in_dim3A_271 = arith.constant 12 : i32
        %broadcast_in_dim3A_272 = vector.broadcast %broadcast_in_dim3A_271 : i32 to vector<16xi32>
        %gather3A_273 = tpu.vector_load_idx %arg11[%broadcast_in_dim3A_272, %min3A_233] : memref<32x1024xf32, #tpu.memory_space<vmem>>[vector<16xi32>, vector<16xi32>], vector<16xf32>,
        tpu.vector_store_idx %arg13[%broadcast_in_dim3A_234, %iota3A, %broadcast_in_dim3A_272], %gather3A_273 : memref<6x16x128xf32, #tpu.memory_space<vmem>>[vector<16xi32>, vector<16xi32>, vector<16xi32>], vector<16xf32>,
        %broadcast_in_dim3A_274 = arith.constant 13 : i32
        %broadcast_in_dim3A_275 = vector.broadcast %broadcast_in_dim3A_274 : i32 to vector<16xi32>
        %gather3A_276 = tpu.vector_load_idx %arg11[%broadcast_in_dim3A_275, %min3A_233] : memref<32x1024xf32, #tpu.memory_space<vmem>>[vector<16xi32>, vector<16xi32>], vector<16xf32>,
        tpu.vector_store_idx %arg13[%broadcast_in_dim3A_234, %iota3A, %broadcast_in_dim3A_275], %gather3A_276 : memref<6x16x128xf32, #tpu.memory_space<vmem>>[vector<16xi32>, vector<16xi32>, vector<16xi32>], vector<16xf32>,
        %broadcast_in_dim3A_277 = arith.constant 14 : i32
        %broadcast_in_dim3A_278 = vector.broadcast %broadcast_in_dim3A_277 : i32 to vector<16xi32>
        %gather3A_279 = tpu.vector_load_idx %arg11[%broadcast_in_dim3A_278, %min3A_233] : memref<32x1024xf32, #tpu.memory_space<vmem>>[vector<16xi32>, vector<16xi32>], vector<16xf32>,
        tpu.vector_store_idx %arg13[%broadcast_in_dim3A_234, %iota3A, %broadcast_in_dim3A_278], %gather3A_279 : memref<6x16x128xf32, #tpu.memory_space<vmem>>[vector<16xi32>, vector<16xi32>, vector<16xi32>], vector<16xf32>,
        %broadcast_in_dim3A_280 = arith.constant 15 : i32
        %broadcast_in_dim3A_281 = vector.broadcast %broadcast_in_dim3A_280 : i32 to vector<16xi32>
        %gather3A_282 = tpu.vector_load_idx %arg11[%broadcast_in_dim3A_281, %min3A_233] : memref<32x1024xf32, #tpu.memory_space<vmem>>[vector<16xi32>, vector<16xi32>], vector<16xf32>,
        tpu.vector_store_idx %arg13[%broadcast_in_dim3A_234, %iota3A, %broadcast_in_dim3A_281], %gather3A_282 : memref<6x16x128xf32, #tpu.memory_space<vmem>>[vector<16xi32>, vector<16xi32>, vector<16xi32>], vector<16xf32>,
        %broadcast_in_dim3A_283 = arith.constant 16 : i32
        %broadcast_in_dim3A_284 = vector.broadcast %broadcast_in_dim3A_283 : i32 to vector<16xi32>
        %gather3A_285 = tpu.vector_load_idx %arg11[%broadcast_in_dim3A_284, %min3A_233] : memref<32x1024xf32, #tpu.memory_space<vmem>>[vector<16xi32>, vector<16xi32>], vector<16xf32>,
        tpu.vector_store_idx %arg13[%broadcast_in_dim3A_234, %iota3A, %broadcast_in_dim3A_284], %gather3A_285 : memref<6x16x128xf32, #tpu.memory_space<vmem>>[vector<16xi32>, vector<16xi32>, vector<16xi32>], vector<16xf32>,
        %broadcast_in_dim3A_286 = arith.constant 17 : i32
        %broadcast_in_dim3A_287 = vector.broadcast %broadcast_in_dim3A_286 : i32 to vector<16xi32>
        %gather3A_288 = tpu.vector_load_idx %arg11[%broadcast_in_dim3A_287, %min3A_233] : memref<32x1024xf32, #tpu.memory_space<vmem>>[vector<16xi32>, vector<16xi32>], vector<16xf32>,
        tpu.vector_store_idx %arg13[%broadcast_in_dim3A_234, %iota3A, %broadcast_in_dim3A_287], %gather3A_288 : memref<6x16x128xf32, #tpu.memory_space<vmem>>[vector<16xi32>, vector<16xi32>, vector<16xi32>], vector<16xf32>,
        %broadcast_in_dim3A_289 = arith.constant 18 : i32
        %broadcast_in_dim3A_290 = vector.broadcast %broadcast_in_dim3A_289 : i32 to vector<16xi32>
        %gather3A_291 = tpu.vector_load_idx %arg11[%broadcast_in_dim3A_290, %min3A_233] : memref<32x1024xf32, #tpu.memory_space<vmem>>[vector<16xi32>, vector<16xi32>], vector<16xf32>,
        tpu.vector_store_idx %arg13[%broadcast_in_dim3A_234, %iota3A, %broadcast_in_dim3A_290], %gather3A_291 : memref<6x16x128xf32, #tpu.memory_space<vmem>>[vector<16xi32>, vector<16xi32>, vector<16xi32>], vector<16xf32>,
        %broadcast_in_dim3A_292 = arith.constant 19 : i32
        %broadcast_in_dim3A_293 = vector.broadcast %broadcast_in_dim3A_292 : i32 to vector<16xi32>
        %gather3A_294 = tpu.vector_load_idx %arg11[%broadcast_in_dim3A_293, %min3A_233] : memref<32x1024xf32, #tpu.memory_space<vmem>>[vector<16xi32>, vector<16xi32>], vector<16xf32>,
        tpu.vector_store_idx %arg13[%broadcast_in_dim3A_234, %iota3A, %broadcast_in_dim3A_293], %gather3A_294 : memref<6x16x128xf32, #tpu.memory_space<vmem>>[vector<16xi32>, vector<16xi32>, vector<16xi32>], vector<16xf32>,
        %broadcast_in_dim3A_295 = arith.constant 20 : i32
        %broadcast_in_dim3A_296 = vector.broadcast %broadcast_in_dim3A_295 : i32 to vector<16xi32>
        %gather3A_297 = tpu.vector_load_idx %arg11[%broadcast_in_dim3A_296, %min3A_233] : memref<32x1024xf32, #tpu.memory_space<vmem>>[vector<16xi32>, vector<16xi32>], vector<16xf32>,
        tpu.vector_store_idx %arg13[%broadcast_in_dim3A_234, %iota3A, %broadcast_in_dim3A_296], %gather3A_297 : memref<6x16x128xf32, #tpu.memory_space<vmem>>[vector<16xi32>, vector<16xi32>, vector<16xi32>], vector<16xf32>,
        %broadcast_in_dim3A_298 = arith.constant 21 : i32
        %broadcast_in_dim3A_299 = vector.broadcast %broadcast_in_dim3A_298 : i32 to vector<16xi32>
        %gather3A_300 = tpu.vector_load_idx %arg11[%broadcast_in_dim3A_299, %min3A_233] : memref<32x1024xf32, #tpu.memory_space<vmem>>[vector<16xi32>, vector<16xi32>], vector<16xf32>,
        tpu.vector_store_idx %arg13[%broadcast_in_dim3A_234, %iota3A, %broadcast_in_dim3A_299], %gather3A_300 : memref<6x16x128xf32, #tpu.memory_space<vmem>>[vector<16xi32>, vector<16xi32>, vector<16xi32>], vector<16xf32>,
        %broadcast_in_dim3A_301 = arith.constant 22 : i32
        %broadcast_in_dim3A_302 = vector.broadcast %broadcast_in_dim3A_301 : i32 to vector<16xi32>
        %gather3A_303 = tpu.vector_load_idx %arg11[%broadcast_in_dim3A_302, %min3A_233] : memref<32x1024xf32, #tpu.memory_space<vmem>>[vector<16xi32>, vector<16xi32>], vector<16xf32>,
        tpu.vector_store_idx %arg13[%broadcast_in_dim3A_234, %iota3A, %broadcast_in_dim3A_302], %gather3A_303 : memref<6x16x128xf32, #tpu.memory_space<vmem>>[vector<16xi32>, vector<16xi32>, vector<16xi32>], vector<16xf32>,
        %broadcast_in_dim3A_304 = arith.constant 23 : i32
        %broadcast_in_dim3A_305 = vector.broadcast %broadcast_in_dim3A_304 : i32 to vector<16xi32>
        %gather3A_306 = tpu.vector_load_idx %arg11[%broadcast_in_dim3A_305, %min3A_233] : memref<32x1024xf32, #tpu.memory_space<vmem>>[vector<16xi32>, vector<16xi32>], vector<16xf32>,
        tpu.vector_store_idx %arg13[%broadcast_in_dim3A_234, %iota3A, %broadcast_in_dim3A_305], %gather3A_306 : memref<6x16x128xf32, #tpu.memory_space<vmem>>[vector<16xi32>, vector<16xi32>, vector<16xi32>], vector<16xf32>,
        %broadcast_in_dim3A_307 = arith.constant 24 : i32
        %broadcast_in_dim3A_308 = vector.broadcast %broadcast_in_dim3A_307 : i32 to vector<16xi32>
        %gather3A_309 = tpu.vector_load_idx %arg11[%broadcast_in_dim3A_308, %min3A_233] : memref<32x1024xf32, #tpu.memory_space<vmem>>[vector<16xi32>, vector<16xi32>], vector<16xf32>,
        tpu.vector_store_idx %arg13[%broadcast_in_dim3A_234, %iota3A, %broadcast_in_dim3A_308], %gather3A_309 : memref<6x16x128xf32, #tpu.memory_space<vmem>>[vector<16xi32>, vector<16xi32>, vector<16xi32>], vector<16xf32>,
        %broadcast_in_dim3A_310 = arith.constant 25 : i32
        %broadcast_in_dim3A_311 = vector.broadcast %broadcast_in_dim3A_310 : i32 to vector<16xi32>
        %gather3A_312 = tpu.vector_load_idx %arg11[%broadcast_in_dim3A_311, %min3A_233] : memref<32x1024xf32, #tpu.memory_space<vmem>>[vector<16xi32>, vector<16xi32>], vector<16xf32>,
        tpu.vector_store_idx %arg13[%broadcast_in_dim3A_234, %iota3A, %broadcast_in_dim3A_311], %gather3A_312 : memref<6x16x128xf32, #tpu.memory_space<vmem>>[vector<16xi32>, vector<16xi32>, vector<16xi32>], vector<16xf32>,
        %broadcast_in_dim3A_313 = arith.constant 26 : i32
        %broadcast_in_dim3A_314 = vector.broadcast %broadcast_in_dim3A_313 : i32 to vector<16xi32>
        %gather3A_315 = tpu.vector_load_idx %arg11[%broadcast_in_dim3A_314, %min3A_233] : memref<32x1024xf32, #tpu.memory_space<vmem>>[vector<16xi32>, vector<16xi32>], vector<16xf32>,
        tpu.vector_store_idx %arg13[%broadcast_in_dim3A_234, %iota3A, %broadcast_in_dim3A_314], %gather3A_315 : memref<6x16x128xf32, #tpu.memory_space<vmem>>[vector<16xi32>, vector<16xi32>, vector<16xi32>], vector<16xf32>,
        %broadcast_in_dim3A_316 = arith.constant 27 : i32
        %broadcast_in_dim3A_317 = vector.broadcast %broadcast_in_dim3A_316 : i32 to vector<16xi32>
        %gather3A_318 = tpu.vector_load_idx %arg11[%broadcast_in_dim3A_317, %min3A_233] : memref<32x1024xf32, #tpu.memory_space<vmem>>[vector<16xi32>, vector<16xi32>], vector<16xf32>,
        tpu.vector_store_idx %arg13[%broadcast_in_dim3A_234, %iota3A, %broadcast_in_dim3A_317], %gather3A_318 : memref<6x16x128xf32, #tpu.memory_space<vmem>>[vector<16xi32>, vector<16xi32>, vector<16xi32>], vector<16xf32>,
        %broadcast_in_dim3A_319 = arith.constant 28 : i32
        %broadcast_in_dim3A_320 = vector.broadcast %broadcast_in_dim3A_319 : i32 to vector<16xi32>
        %gather3A_321 = tpu.vector_load_idx %arg11[%broadcast_in_dim3A_320, %min3A_233] : memref<32x1024xf32, #tpu.memory_space<vmem>>[vector<16xi32>, vector<16xi32>], vector<16xf32>,
        tpu.vector_store_idx %arg13[%broadcast_in_dim3A_234, %iota3A, %broadcast_in_dim3A_320], %gather3A_321 : memref<6x16x128xf32, #tpu.memory_space<vmem>>[vector<16xi32>, vector<16xi32>, vector<16xi32>], vector<16xf32>,
        %broadcast_in_dim3A_322 = arith.constant 29 : i32
        %broadcast_in_dim3A_323 = vector.broadcast %broadcast_in_dim3A_322 : i32 to vector<16xi32>
        %gather3A_324 = tpu.vector_load_idx %arg11[%broadcast_in_dim3A_323, %min3A_233] : memref<32x1024xf32, #tpu.memory_space<vmem>>[vector<16xi32>, vector<16xi32>], vector<16xf32>,
        tpu.vector_store_idx %arg13[%broadcast_in_dim3A_234, %iota3A, %broadcast_in_dim3A_323], %gather3A_324 : memref<6x16x128xf32, #tpu.memory_space<vmem>>[vector<16xi32>, vector<16xi32>, vector<16xi32>], vector<16xf32>,
        %broadcast_in_dim3A_325 = arith.constant 30 : i32
        %broadcast_in_dim3A_326 = vector.broadcast %broadcast_in_dim3A_325 : i32 to vector<16xi32>
        %gather3A_327 = tpu.vector_load_idx %arg11[%broadcast_in_dim3A_326, %min3A_233] : memref<32x1024xf32, #tpu.memory_space<vmem>>[vector<16xi32>, vector<16xi32>], vector<16xf32>,
        tpu.vector_store_idx %arg13[%broadcast_in_dim3A_234, %iota3A, %broadcast_in_dim3A_326], %gather3A_327 : memref<6x16x128xf32, #tpu.memory_space<vmem>>[vector<16xi32>, vector<16xi32>, vector<16xi32>], vector<16xf32>,
        %broadcast_in_dim3A_328 = arith.constant 31 : i32
        %broadcast_in_dim3A_329 = vector.broadcast %broadcast_in_dim3A_328 : i32 to vector<16xi32>
        %gather3A_330 = tpu.vector_load_idx %arg11[%broadcast_in_dim3A_329, %min3A_233] : memref<32x1024xf32, #tpu.memory_space<vmem>>[vector<16xi32>, vector<16xi32>], vector<16xf32>,
        tpu.vector_store_idx %arg13[%broadcast_in_dim3A_234, %iota3A, %broadcast_in_dim3A_329], %gather3A_330 : memref<6x16x128xf32, #tpu.memory_space<vmem>>[vector<16xi32>, vector<16xi32>, vector<16xi32>], vector<16xf32>,
        %swap3A_331 = arith.index_cast %select_n3A_220 : i32 to index
        %swap3A_332 = arith.constant 0 : index
        %swap3A_333 = tpu.vector_load %arg14[%swap3A_331, %swap3A_332] {strides = array<i32>} : memref<6x16xi32, #tpu.memory_space<vmem>>, vector<16xi32>,
        tpu.vector_store %arg14[%swap3A_331, %swap3A_332], %get3A_227 {strides = array<i32>} : memref<6x16xi32, #tpu.memory_space<vmem>>, vector<16xi32>,
        %dma_start3A_334 = arith.constant 0 : i32
        %dma_start3A_335 = arith.constant 0 : i32
        %dma_start3A_336 = tpu.memref_slice %arg13[%select_n3A_220, %dma_start3A_334, %dma_start3A_335] : memref<6x16x128xf32, #tpu.memory_space<vmem>> -> memref<1x16x128xf32, #tpu.memory_space<vmem>>
        %dma_start3A_337 = tpu.memref_squeeze %dma_start3A_336 : memref<1x16x128xf32, #tpu.memory_space<vmem>> -> memref<16x128xf32, #tpu.memory_space<vmem>>
        %dma_start3A_338 = arith.constant 0 : i32
        %dma_start3A_339 = tpu.memref_slice %arg14[%select_n3A_220, %dma_start3A_338] : memref<6x16xi32, #tpu.memory_space<vmem>> -> memref<1x16xi32, #tpu.memory_space<vmem>>
        %dma_start3A_340 = tpu.memref_squeeze %dma_start3A_339 : memref<1x16xi32, #tpu.memory_space<vmem>> -> memref<16xi32, #tpu.memory_space<vmem>>
        %dma_start3A_341 = arith.constant 0 : i32
        %dma_start3A_342 = arith.constant 0 : i32
        %dma_start3A_343 = tpu.memref_slice %arg7[%dma_start3A_341, %dma_start3A_342] : memref<16400x128xf32, #tpu.memory_space<hbm>> -> memref<16400x128xf32, #tpu.memory_space<hbm>>
        %dma_start3A_344 = tpu.memref_slice %arg15[%select_n3A_220] : memref<6x!tpu.dma_semaphore, #tpu.memory_space<semaphore_mem>> -> memref<1x!tpu.dma_semaphore, #tpu.memory_space<semaphore_mem>>
        %dma_start3A_345 = tpu.memref_squeeze %dma_start3A_344 : memref<1x!tpu.dma_semaphore, #tpu.memory_space<semaphore_mem>> -> memref<!tpu.dma_semaphore, #tpu.memory_space<semaphore_mem>>
        tpu.enqueue_indirect_dma source(%dma_start3A_337 : memref<16x128xf32, #tpu.memory_space<vmem>>) target(%dma_start3A_343 : memref<16400x128xf32, #tpu.memory_space<hbm>>) offsets(%dma_start3A_340 : memref<16xi32, #tpu.memory_space<vmem>>) semaphore(%dma_start3A_345 : memref<!tpu.dma_semaphore, #tpu.memory_space<semaphore_mem>>)
        %add3A_346 = arith.constant 1 : i32
        %add3A_347 = arith.addi %while3A_210, %add3A_346 : i32
        scf.yield %add3A_347 : i32
      }
      %mul3A_148 = arith.constant 2 : i32
      %mul3A_149 = arith.muli %mul3A_148, %scan3A_92 : i32
      %add3A_150 = arith.constant 1 : i32
      %add3A_151 = arith.addi %mul3A_149, %add3A_150 : i32
      %mul3A_152 = arith.constant 1024 : i32
      %mul3A_153 = arith.muli %add3A_151, %mul3A_152 : i32
      %add3A_154 = arith.addi %mul3A_8, %mul3A_153 : i32
      %min3A_155 = arith.constant 999040 : i32
      %min3A_156 = arith.minsi %add3A_154, %min3A_155 : i32
      %multiple_of3A_157 = tpu.assume_multiple %min3A_156, 128 : i32
      %dma_wait3A_158 = arith.constant 1 : i32
      %dma_wait3A_159 = arith.constant 0 : i32
      %dma_wait3A_160 = arith.constant 0 : i32
      %dma_wait3A_161 = tpu.memref_slice %arg5[%dma_wait3A_159, %dma_wait3A_160] : memref<32x1000000xf32, #tpu.memory_space<hbm>> -> memref<32x1024xf32, #tpu.memory_space<hbm>>
      %dma_wait3A_162 = tpu.memref_slice %arg16[%dma_wait3A_158] : memref<2x!tpu.dma_semaphore, #tpu.memory_space<semaphore_mem>> -> memref<1x!tpu.dma_semaphore, #tpu.memory_space<semaphore_mem>>
      %dma_wait3A_163 = tpu.memref_squeeze %dma_wait3A_162 : memref<1x!tpu.dma_semaphore, #tpu.memory_space<semaphore_mem>> -> memref<!tpu.dma_semaphore, #tpu.memory_space<semaphore_mem>>
      %dma_wait3A_164 = arith.constant 0 : i32
      %dma_wait3A_165 = arith.constant 0 : i32
      %dma_wait3A_166 = tpu.memref_slice %arg5[%dma_wait3A_164, %dma_wait3A_165] : memref<32x1000000xf32, #tpu.memory_space<hbm>> -> memref<32x1024xf32, #tpu.memory_space<hbm>>
      tpu.wait_dma2 semaphore(%dma_wait3A_163 : memref<!tpu.dma_semaphore, #tpu.memory_space<semaphore_mem>>) src(%dma_wait3A_166 : memref<32x1024xf32, #tpu.memory_space<hbm>>) dst(%arg12 : memref<32x1024xf32, #tpu.memory_space<vmem>>)
      %add3A_167 = arith.constant 1 : i32
      %add3A_168 = arith.addi %add3A_151, %add3A_167 : i32
      %lt3A_169 = arith.constant 32 : i32
      %lt3A_170 = arith.cmpi slt, %add3A_168, %lt3A_169 : i32
      %convert_element_type3A_171 = arith.extui %lt3A_170 : i1 to i32
      %cond3A_172 = arith.constant 0 : i32
      %cond3A_173 = arith.cmpi ne, %convert_element_type3A_171, %cond3A_172 : i32
      scf.if %cond3A_173 {
        %add3A_209 = arith.constant 1 : i32
        %add3A_210 = arith.addi %add3A_151, %add3A_209 : i32
        %mul3A_211 = arith.constant 1024 : i32
        %mul3A_212 = arith.muli %add3A_210, %mul3A_211 : i32
        %add3A_213 = arith.addi %mul3A_8, %mul3A_212 : i32
        %min3A_214 = arith.constant 999040 : i32
        %min3A_215 = arith.minsi %add3A_213, %min3A_214 : i32
        %multiple_of3A_216 = tpu.assume_multiple %min3A_215, 128 : i32
        %dma_start3A_217 = arith.constant 0 : i32
        %dma_start3A_218 = arith.constant 0 : i32
        %dma_start3A_219 = tpu.memref_slice %arg5[%dma_start3A_218, %multiple_of3A_216] : memref<32x1000000xf32, #tpu.memory_space<hbm>> -> memref<32x1024xf32, #tpu.memory_space<hbm>>
        %dma_start3A_220 = tpu.memref_slice %arg16[%dma_start3A_217] : memref<2x!tpu.dma_semaphore, #tpu.memory_space<semaphore_mem>> -> memref<1x!tpu.dma_semaphore, #tpu.memory_space<semaphore_mem>>
        %dma_start3A_221 = tpu.memref_squeeze %dma_start3A_220 : memref<1x!tpu.dma_semaphore, #tpu.memory_space<semaphore_mem>> -> memref<!tpu.dma_semaphore, #tpu.memory_space<semaphore_mem>>
        %dma_start3A_222 = arith.constant 0 : i32
        %dma_start3A_223 = tpu.memref_slice %arg5[%dma_start3A_222, %multiple_of3A_216] : memref<32x1000000xf32, #tpu.memory_space<hbm>> -> memref<32x1024xf32, #tpu.memory_space<hbm>>
        tpu.enqueue_dma source(%dma_start3A_223 : memref<32x1024xf32, #tpu.memory_space<hbm>>) target(%arg11 : memref<32x1024xf32, #tpu.memory_space<vmem>>) target_semaphore(%dma_start3A_221 : memref<!tpu.dma_semaphore, #tpu.memory_space<semaphore_mem>>)
      } else {
      }
      %add3A_174 = arith.constant 15 : i32
      %add3A_175 = arith.addi %scan3A_57, %add3A_174 : i32
      %shift_right_arithmetic3A_176 = arith.constant 4 : i32
      %shift_right_arithmetic3A_177 = arith.shrsi %add3A_175, %shift_right_arithmetic3A_176 : i32
      %while3A_178 = arith.constant 0 : i32
      %while3A_179 = arith.constant 0 : i32
      %while3A_180 = arith.subi %shift_right_arithmetic3A_177, %while3A_178 : i32
      %while3A_181 = arith.addi %while3A_178, %while3A_180 : i32
      %while3A_182 = arith.constant 1 : i32
      %while3A_183 = arith.divsi %while3A_180, %while3A_182 : i32
      %while3A_184 = arith.muli %while3A_183, %while3A_182 : i32
      %while3A_185 = arith.addi %while3A_178, %while3A_184 : i32
      %while3A_186 = arith.constant 1 : i32
      %while3A_187 = scf.for %while3A_209 = %while3A_178 to %while3A_185 step %while3A_186 iter_args(%while3A_210 = %while3A_179) -> (i32)  : i32 {
        %mul3A_211 = arith.constant 16 : i32
        %mul3A_212 = arith.muli %while3A_209, %mul3A_211 : i32
        %get3A = arith.index_cast %mul3A_212 : i32 to index
        %get3A_213 = tpu.vector_load %arg9[%get3A] {strides = array<i32>} : memref<16400xi32, #tpu.memory_space<vmem>>, vector<16xi32>,
        %gather3A = tpu.vector_load_idx %arg8[%get3A_213] : memref<16400xi32, #tpu.memory_space<vmem>>[vector<16xi32>], vector<16xi32>,
        %ge3A = vector.broadcast %multiple_of3A_157 : i32 to vector<16xi32>
        %ge3A_214 = arith.cmpi sge, %gather3A, %ge3A : vector<16xi32>
        %add3A_215 = arith.constant 1024 : i32
        %add3A_216 = arith.addi %multiple_of3A_157, %add3A_215 : i32
        %lt3A_217 = vector.broadcast %add3A_216 : i32 to vector<16xi32>
        %lt3A_218 = arith.cmpi slt, %gather3A, %lt3A_217 : vector<16xi32>
        %and3A = arith.andi %ge3A_214, %lt3A_218 : vector<16xi1>
        %swap3A_219 = arith.index_cast %while3A_210 : i32 to index
        %swap3A_220 = tpu.vector_load %arg10[%swap3A_219] masked %and3A {strides = array<i32>} : memref<16400xi32, #tpu.memory_space<vmem>>, vector<16xi32>, vector<16xi1>
        tpu.vector_store %arg10[%swap3A_219], %get3A_213 masked %and3A {strides = array<i32>} : memref<16400xi32, #tpu.memory_space<vmem>>, vector<16xi32>, vector<16xi1>
        %all_reduce_population_count3A = tpu.all_reduce %and3A {dim = 0 : i64, kind = #tpu.reduction_kind<sum>} : vector<16xi1> -> vector<16xi32>
        %slice3A = vector.extract_strided_slice %all_reduce_population_count3A {offsets = [0], sizes = [1], strides = [1]} : vector<16xi32> to vector<1xi32>
        %squeeze3A = vector.extract %slice3A[0] : i32 from vector<1xi32>
        %add3A_221 = arith.addi %while3A_210, %squeeze3A : i32
        scf.yield %add3A_221 : i32
      }
      %while3A_188 = arith.constant 1 : i32
      %while3A_189 = scf.for %while3A_209 = %while3A_185 to %while3A_181 step %while3A_188 iter_args(%while3A_210 = %while3A_187) -> (i32)  : i32 {
        %mul3A_211 = arith.constant 16 : i32
        %mul3A_212 = arith.muli %while3A_209, %mul3A_211 : i32
        %get3A = arith.index_cast %mul3A_212 : i32 to index
        %get3A_213 = tpu.vector_load %arg9[%get3A] {strides = array<i32>} : memref<16400xi32, #tpu.memory_space<vmem>>, vector<16xi32>,
        %gather3A = tpu.vector_load_idx %arg8[%get3A_213] : memref<16400xi32, #tpu.memory_space<vmem>>[vector<16xi32>], vector<16xi32>,
        %ge3A = vector.broadcast %multiple_of3A_157 : i32 to vector<16xi32>
        %ge3A_214 = arith.cmpi sge, %gather3A, %ge3A : vector<16xi32>
        %add3A_215 = arith.constant 1024 : i32
        %add3A_216 = arith.addi %multiple_of3A_157, %add3A_215 : i32
        %lt3A_217 = vector.broadcast %add3A_216 : i32 to vector<16xi32>
        %lt3A_218 = arith.cmpi slt, %gather3A, %lt3A_217 : vector<16xi32>
        %and3A = arith.andi %ge3A_214, %lt3A_218 : vector<16xi1>
        %swap3A_219 = arith.index_cast %while3A_210 : i32 to index
        %swap3A_220 = tpu.vector_load %arg10[%swap3A_219] masked %and3A {strides = array<i32>} : memref<16400xi32, #tpu.memory_space<vmem>>, vector<16xi32>, vector<16xi1>
        tpu.vector_store %arg10[%swap3A_219], %get3A_213 masked %and3A {strides = array<i32>} : memref<16400xi32, #tpu.memory_space<vmem>>, vector<16xi32>, vector<16xi1>
        %all_reduce_population_count3A = tpu.all_reduce %and3A {dim = 0 : i64, kind = #tpu.reduction_kind<sum>} : vector<16xi1> -> vector<16xi32>
        %slice3A = vector.extract_strided_slice %all_reduce_population_count3A {offsets = [0], sizes = [1], strides = [1]} : vector<16xi32> to vector<1xi32>
        %squeeze3A = vector.extract %slice3A[0] : i32 from vector<1xi32>
        %add3A_221 = arith.addi %while3A_210, %squeeze3A : i32
        scf.yield %add3A_221 : i32
      }
      %broadcast_in_dim3A_190 = arith.constant 16384 : i32
      %broadcast_in_dim3A_191 = vector.broadcast %broadcast_in_dim3A_190 : i32 to vector<16xi32>
      %swap3A_192 = arith.index_cast %while3A_189 : i32 to index
      %swap3A_193 = tpu.vector_load %arg10[%swap3A_192] {strides = array<i32>} : memref<16400xi32, #tpu.memory_space<vmem>>, vector<16xi32>,
      tpu.vector_store %arg10[%swap3A_192], %broadcast_in_dim3A_191 {strides = array<i32>} : memref<16400xi32, #tpu.memory_space<vmem>>, vector<16xi32>,
      %add3A_194 = arith.constant 15 : i32
      %add3A_195 = arith.addi %while3A_189, %add3A_194 : i32
      %shift_right_arithmetic3A_196 = arith.constant 4 : i32
      %shift_right_arithmetic3A_197 = arith.shrsi %add3A_195, %shift_right_arithmetic3A_196 : i32
      %while3A_198 = arith.constant 0 : i32
      %while3A_199 = arith.subi %shift_right_arithmetic3A_197, %while3A_198 : i32
      %while3A_200 = arith.addi %while3A_198, %while3A_199 : i32
      %while3A_201 = arith.constant 1 : i32
      %while3A_202 = arith.divsi %while3A_199, %while3A_201 : i32
      %while3A_203 = arith.muli %while3A_202, %while3A_201 : i32
      %while3A_204 = arith.addi %while3A_198, %while3A_203 : i32
      %while3A_205 = arith.constant 1 : i32
      %while3A_206 = scf.for %while3A_209 = %while3A_198 to %while3A_204 step %while3A_205 iter_args(%while3A_210 = %while3A_147) -> (i32)  : i32 {
        %jit3A = arith.constant 6 : i32
        %eq3A = arith.constant 0 : i32
        %eq3A_211 = arith.cmpi eq, %jit3A, %eq3A : i32
        %jit3A_212 = arith.constant 1 : i32
        %select_n3A = arith.select %eq3A_211, %jit3A_212, %jit3A : i32
        %rem3A = arith.remsi %while3A_210, %select_n3A : i32
        %ne3A = arith.constant 0 : i32
        %ne3A_213 = arith.cmpi ne, %rem3A, %ne3A : i32
        %lt3A_214 = arith.constant 0 : i32
        %lt3A_215 = arith.cmpi slt, %rem3A, %lt3A_214 : i32
        %lt3A_216 = arith.constant 0 : i32
        %lt3A_217 = arith.cmpi slt, %select_n3A, %lt3A_216 : i32
        %ne3A_218 = arith.xori %lt3A_215, %lt3A_217 : i1
        %and3A = arith.andi %ne3A_218, %ne3A_213 : i1
        %add3A_219 = arith.addi %rem3A, %select_n3A : i32
        %select_n3A_220 = arith.select %and3A, %add3A_219, %rem3A : i32
        %ge3A = arith.constant 6 : i32
        %ge3A_221 = arith.cmpi sge, %while3A_210, %ge3A : i32
        %convert_element_type3A_222 = arith.extui %ge3A_221 : i1 to i32
        %cond3A_223 = arith.constant 0 : i32
        %cond3A_224 = arith.cmpi ne, %convert_element_type3A_222, %cond3A_223 : i32
        scf.if %cond3A_224 {
          %dma_wait3A_348 = arith.constant 0 : i32
          %dma_wait3A_349 = arith.constant 0 : i32
          %dma_wait3A_350 = tpu.memref_slice %arg13[%select_n3A_220, %dma_wait3A_348, %dma_wait3A_349] : memref<6x16x128xf32, #tpu.memory_space<vmem>> -> memref<1x16x128xf32, #tpu.memory_space<vmem>>
          %dma_wait3A_351 = tpu.memref_squeeze %dma_wait3A_350 : memref<1x16x128xf32, #tpu.memory_space<vmem>> -> memref<16x128xf32, #tpu.memory_space<vmem>>
          %dma_wait3A_352 = arith.constant 0 : i32
          %dma_wait3A_353 = tpu.memref_slice %arg14[%select_n3A_220, %dma_wait3A_352] : memref<6x16xi32, #tpu.memory_space<vmem>> -> memref<1x16xi32, #tpu.memory_space<vmem>>
          %dma_wait3A_354 = tpu.memref_squeeze %dma_wait3A_353 : memref<1x16xi32, #tpu.memory_space<vmem>> -> memref<16xi32, #tpu.memory_space<vmem>>
          %dma_wait3A_355 = arith.constant 0 : i32
          %dma_wait3A_356 = arith.constant 0 : i32
          %dma_wait3A_357 = tpu.memref_slice %arg7[%dma_wait3A_355, %dma_wait3A_356] : memref<16400x128xf32, #tpu.memory_space<hbm>> -> memref<16400x128xf32, #tpu.memory_space<hbm>>
          %dma_wait3A_358 = tpu.memref_slice %arg15[%select_n3A_220] : memref<6x!tpu.dma_semaphore, #tpu.memory_space<semaphore_mem>> -> memref<1x!tpu.dma_semaphore, #tpu.memory_space<semaphore_mem>>
          %dma_wait3A_359 = tpu.memref_squeeze %dma_wait3A_358 : memref<1x!tpu.dma_semaphore, #tpu.memory_space<semaphore_mem>> -> memref<!tpu.dma_semaphore, #tpu.memory_space<semaphore_mem>>
          tpu.wait_indirect_dma semaphore(%dma_wait3A_359 : memref<!tpu.dma_semaphore, #tpu.memory_space<semaphore_mem>>) src(%dma_wait3A_351 : memref<16x128xf32, #tpu.memory_space<vmem>>) dst(%dma_wait3A_357 : memref<16400x128xf32, #tpu.memory_space<hbm>>)
        } else {
        }
        %mul3A_225 = arith.constant 16 : i32
        %mul3A_226 = arith.muli %while3A_209, %mul3A_225 : i32
        %get3A = arith.index_cast %mul3A_226 : i32 to index
        %get3A_227 = tpu.vector_load %arg10[%get3A] {strides = array<i32>} : memref<16400xi32, #tpu.memory_space<vmem>>, vector<16xi32>,
        %gather3A = tpu.vector_load_idx %arg8[%get3A_227] : memref<16400xi32, #tpu.memory_space<vmem>>[vector<16xi32>], vector<16xi32>,
        %sub3A = vector.broadcast %multiple_of3A_157 : i32 to vector<16xi32>
        %sub3A_228 = arith.subi %gather3A, %sub3A : vector<16xi32>
        %jit3A_229 = arith.constant 0 : i32
        %jit3A_230 = arith.constant 1023 : i32
        %max3A = vector.broadcast %jit3A_229 : i32 to vector<16xi32>
        %max3A_231 = arith.maxsi %max3A, %sub3A_228 : vector<16xi32>
        %min3A_232 = vector.broadcast %jit3A_230 : i32 to vector<16xi32>
        %min3A_233 = arith.minsi %min3A_232, %max3A_231 : vector<16xi32>
        %broadcast_in_dim3A_234 = vector.broadcast %select_n3A_220 : i32 to vector<16xi32>
        %broadcast_in_dim3A_235 = arith.constant 0 : i32
        %broadcast_in_dim3A_236 = vector.broadcast %broadcast_in_dim3A_235 : i32 to vector<16xi32>
        %gather3A_237 = tpu.vector_load_idx %arg12[%broadcast_in_dim3A_236, %min3A_233] : memref<32x1024xf32, #tpu.memory_space<vmem>>[vector<16xi32>, vector<16xi32>], vector<16xf32>,
        tpu.vector_store_idx %arg13[%broadcast_in_dim3A_234, %iota3A, %broadcast_in_dim3A_236], %gather3A_237 : memref<6x16x128xf32, #tpu.memory_space<vmem>>[vector<16xi32>, vector<16xi32>, vector<16xi32>], vector<16xf32>,
        %broadcast_in_dim3A_238 = arith.constant 1 : i32
        %broadcast_in_dim3A_239 = vector.broadcast %broadcast_in_dim3A_238 : i32 to vector<16xi32>
        %gather3A_240 = tpu.vector_load_idx %arg12[%broadcast_in_dim3A_239, %min3A_233] : memref<32x1024xf32, #tpu.memory_space<vmem>>[vector<16xi32>, vector<16xi32>], vector<16xf32>,
        tpu.vector_store_idx %arg13[%broadcast_in_dim3A_234, %iota3A, %broadcast_in_dim3A_239], %gather3A_240 : memref<6x16x128xf32, #tpu.memory_space<vmem>>[vector<16xi32>, vector<16xi32>, vector<16xi32>], vector<16xf32>,
        %broadcast_in_dim3A_241 = arith.constant 2 : i32
        %broadcast_in_dim3A_242 = vector.broadcast %broadcast_in_dim3A_241 : i32 to vector<16xi32>
        %gather3A_243 = tpu.vector_load_idx %arg12[%broadcast_in_dim3A_242, %min3A_233] : memref<32x1024xf32, #tpu.memory_space<vmem>>[vector<16xi32>, vector<16xi32>], vector<16xf32>,
        tpu.vector_store_idx %arg13[%broadcast_in_dim3A_234, %iota3A, %broadcast_in_dim3A_242], %gather3A_243 : memref<6x16x128xf32, #tpu.memory_space<vmem>>[vector<16xi32>, vector<16xi32>, vector<16xi32>], vector<16xf32>,
        %broadcast_in_dim3A_244 = arith.constant 3 : i32
        %broadcast_in_dim3A_245 = vector.broadcast %broadcast_in_dim3A_244 : i32 to vector<16xi32>
        %gather3A_246 = tpu.vector_load_idx %arg12[%broadcast_in_dim3A_245, %min3A_233] : memref<32x1024xf32, #tpu.memory_space<vmem>>[vector<16xi32>, vector<16xi32>], vector<16xf32>,
        tpu.vector_store_idx %arg13[%broadcast_in_dim3A_234, %iota3A, %broadcast_in_dim3A_245], %gather3A_246 : memref<6x16x128xf32, #tpu.memory_space<vmem>>[vector<16xi32>, vector<16xi32>, vector<16xi32>], vector<16xf32>,
        %broadcast_in_dim3A_247 = arith.constant 4 : i32
        %broadcast_in_dim3A_248 = vector.broadcast %broadcast_in_dim3A_247 : i32 to vector<16xi32>
        %gather3A_249 = tpu.vector_load_idx %arg12[%broadcast_in_dim3A_248, %min3A_233] : memref<32x1024xf32, #tpu.memory_space<vmem>>[vector<16xi32>, vector<16xi32>], vector<16xf32>,
        tpu.vector_store_idx %arg13[%broadcast_in_dim3A_234, %iota3A, %broadcast_in_dim3A_248], %gather3A_249 : memref<6x16x128xf32, #tpu.memory_space<vmem>>[vector<16xi32>, vector<16xi32>, vector<16xi32>], vector<16xf32>,
        %broadcast_in_dim3A_250 = arith.constant 5 : i32
        %broadcast_in_dim3A_251 = vector.broadcast %broadcast_in_dim3A_250 : i32 to vector<16xi32>
        %gather3A_252 = tpu.vector_load_idx %arg12[%broadcast_in_dim3A_251, %min3A_233] : memref<32x1024xf32, #tpu.memory_space<vmem>>[vector<16xi32>, vector<16xi32>], vector<16xf32>,
        tpu.vector_store_idx %arg13[%broadcast_in_dim3A_234, %iota3A, %broadcast_in_dim3A_251], %gather3A_252 : memref<6x16x128xf32, #tpu.memory_space<vmem>>[vector<16xi32>, vector<16xi32>, vector<16xi32>], vector<16xf32>,
        %broadcast_in_dim3A_253 = arith.constant 6 : i32
        %broadcast_in_dim3A_254 = vector.broadcast %broadcast_in_dim3A_253 : i32 to vector<16xi32>
        %gather3A_255 = tpu.vector_load_idx %arg12[%broadcast_in_dim3A_254, %min3A_233] : memref<32x1024xf32, #tpu.memory_space<vmem>>[vector<16xi32>, vector<16xi32>], vector<16xf32>,
        tpu.vector_store_idx %arg13[%broadcast_in_dim3A_234, %iota3A, %broadcast_in_dim3A_254], %gather3A_255 : memref<6x16x128xf32, #tpu.memory_space<vmem>>[vector<16xi32>, vector<16xi32>, vector<16xi32>], vector<16xf32>,
        %broadcast_in_dim3A_256 = arith.constant 7 : i32
        %broadcast_in_dim3A_257 = vector.broadcast %broadcast_in_dim3A_256 : i32 to vector<16xi32>
        %gather3A_258 = tpu.vector_load_idx %arg12[%broadcast_in_dim3A_257, %min3A_233] : memref<32x1024xf32, #tpu.memory_space<vmem>>[vector<16xi32>, vector<16xi32>], vector<16xf32>,
        tpu.vector_store_idx %arg13[%broadcast_in_dim3A_234, %iota3A, %broadcast_in_dim3A_257], %gather3A_258 : memref<6x16x128xf32, #tpu.memory_space<vmem>>[vector<16xi32>, vector<16xi32>, vector<16xi32>], vector<16xf32>,
        %broadcast_in_dim3A_259 = arith.constant 8 : i32
        %broadcast_in_dim3A_260 = vector.broadcast %broadcast_in_dim3A_259 : i32 to vector<16xi32>
        %gather3A_261 = tpu.vector_load_idx %arg12[%broadcast_in_dim3A_260, %min3A_233] : memref<32x1024xf32, #tpu.memory_space<vmem>>[vector<16xi32>, vector<16xi32>], vector<16xf32>,
        tpu.vector_store_idx %arg13[%broadcast_in_dim3A_234, %iota3A, %broadcast_in_dim3A_260], %gather3A_261 : memref<6x16x128xf32, #tpu.memory_space<vmem>>[vector<16xi32>, vector<16xi32>, vector<16xi32>], vector<16xf32>,
        %broadcast_in_dim3A_262 = arith.constant 9 : i32
        %broadcast_in_dim3A_263 = vector.broadcast %broadcast_in_dim3A_262 : i32 to vector<16xi32>
        %gather3A_264 = tpu.vector_load_idx %arg12[%broadcast_in_dim3A_263, %min3A_233] : memref<32x1024xf32, #tpu.memory_space<vmem>>[vector<16xi32>, vector<16xi32>], vector<16xf32>,
        tpu.vector_store_idx %arg13[%broadcast_in_dim3A_234, %iota3A, %broadcast_in_dim3A_263], %gather3A_264 : memref<6x16x128xf32, #tpu.memory_space<vmem>>[vector<16xi32>, vector<16xi32>, vector<16xi32>], vector<16xf32>,
        %broadcast_in_dim3A_265 = arith.constant 10 : i32
        %broadcast_in_dim3A_266 = vector.broadcast %broadcast_in_dim3A_265 : i32 to vector<16xi32>
        %gather3A_267 = tpu.vector_load_idx %arg12[%broadcast_in_dim3A_266, %min3A_233] : memref<32x1024xf32, #tpu.memory_space<vmem>>[vector<16xi32>, vector<16xi32>], vector<16xf32>,
        tpu.vector_store_idx %arg13[%broadcast_in_dim3A_234, %iota3A, %broadcast_in_dim3A_266], %gather3A_267 : memref<6x16x128xf32, #tpu.memory_space<vmem>>[vector<16xi32>, vector<16xi32>, vector<16xi32>], vector<16xf32>,
        %broadcast_in_dim3A_268 = arith.constant 11 : i32
        %broadcast_in_dim3A_269 = vector.broadcast %broadcast_in_dim3A_268 : i32 to vector<16xi32>
        %gather3A_270 = tpu.vector_load_idx %arg12[%broadcast_in_dim3A_269, %min3A_233] : memref<32x1024xf32, #tpu.memory_space<vmem>>[vector<16xi32>, vector<16xi32>], vector<16xf32>,
        tpu.vector_store_idx %arg13[%broadcast_in_dim3A_234, %iota3A, %broadcast_in_dim3A_269], %gather3A_270 : memref<6x16x128xf32, #tpu.memory_space<vmem>>[vector<16xi32>, vector<16xi32>, vector<16xi32>], vector<16xf32>,
        %broadcast_in_dim3A_271 = arith.constant 12 : i32
        %broadcast_in_dim3A_272 = vector.broadcast %broadcast_in_dim3A_271 : i32 to vector<16xi32>
        %gather3A_273 = tpu.vector_load_idx %arg12[%broadcast_in_dim3A_272, %min3A_233] : memref<32x1024xf32, #tpu.memory_space<vmem>>[vector<16xi32>, vector<16xi32>], vector<16xf32>,
        tpu.vector_store_idx %arg13[%broadcast_in_dim3A_234, %iota3A, %broadcast_in_dim3A_272], %gather3A_273 : memref<6x16x128xf32, #tpu.memory_space<vmem>>[vector<16xi32>, vector<16xi32>, vector<16xi32>], vector<16xf32>,
        %broadcast_in_dim3A_274 = arith.constant 13 : i32
        %broadcast_in_dim3A_275 = vector.broadcast %broadcast_in_dim3A_274 : i32 to vector<16xi32>
        %gather3A_276 = tpu.vector_load_idx %arg12[%broadcast_in_dim3A_275, %min3A_233] : memref<32x1024xf32, #tpu.memory_space<vmem>>[vector<16xi32>, vector<16xi32>], vector<16xf32>,
        tpu.vector_store_idx %arg13[%broadcast_in_dim3A_234, %iota3A, %broadcast_in_dim3A_275], %gather3A_276 : memref<6x16x128xf32, #tpu.memory_space<vmem>>[vector<16xi32>, vector<16xi32>, vector<16xi32>], vector<16xf32>,
        %broadcast_in_dim3A_277 = arith.constant 14 : i32
        %broadcast_in_dim3A_278 = vector.broadcast %broadcast_in_dim3A_277 : i32 to vector<16xi32>
        %gather3A_279 = tpu.vector_load_idx %arg12[%broadcast_in_dim3A_278, %min3A_233] : memref<32x1024xf32, #tpu.memory_space<vmem>>[vector<16xi32>, vector<16xi32>], vector<16xf32>,
        tpu.vector_store_idx %arg13[%broadcast_in_dim3A_234, %iota3A, %broadcast_in_dim3A_278], %gather3A_279 : memref<6x16x128xf32, #tpu.memory_space<vmem>>[vector<16xi32>, vector<16xi32>, vector<16xi32>], vector<16xf32>,
        %broadcast_in_dim3A_280 = arith.constant 15 : i32
        %broadcast_in_dim3A_281 = vector.broadcast %broadcast_in_dim3A_280 : i32 to vector<16xi32>
        %gather3A_282 = tpu.vector_load_idx %arg12[%broadcast_in_dim3A_281, %min3A_233] : memref<32x1024xf32, #tpu.memory_space<vmem>>[vector<16xi32>, vector<16xi32>], vector<16xf32>,
        tpu.vector_store_idx %arg13[%broadcast_in_dim3A_234, %iota3A, %broadcast_in_dim3A_281], %gather3A_282 : memref<6x16x128xf32, #tpu.memory_space<vmem>>[vector<16xi32>, vector<16xi32>, vector<16xi32>], vector<16xf32>,
        %broadcast_in_dim3A_283 = arith.constant 16 : i32
        %broadcast_in_dim3A_284 = vector.broadcast %broadcast_in_dim3A_283 : i32 to vector<16xi32>
        %gather3A_285 = tpu.vector_load_idx %arg12[%broadcast_in_dim3A_284, %min3A_233] : memref<32x1024xf32, #tpu.memory_space<vmem>>[vector<16xi32>, vector<16xi32>], vector<16xf32>,
        tpu.vector_store_idx %arg13[%broadcast_in_dim3A_234, %iota3A, %broadcast_in_dim3A_284], %gather3A_285 : memref<6x16x128xf32, #tpu.memory_space<vmem>>[vector<16xi32>, vector<16xi32>, vector<16xi32>], vector<16xf32>,
        %broadcast_in_dim3A_286 = arith.constant 17 : i32
        %broadcast_in_dim3A_287 = vector.broadcast %broadcast_in_dim3A_286 : i32 to vector<16xi32>
        %gather3A_288 = tpu.vector_load_idx %arg12[%broadcast_in_dim3A_287, %min3A_233] : memref<32x1024xf32, #tpu.memory_space<vmem>>[vector<16xi32>, vector<16xi32>], vector<16xf32>,
        tpu.vector_store_idx %arg13[%broadcast_in_dim3A_234, %iota3A, %broadcast_in_dim3A_287], %gather3A_288 : memref<6x16x128xf32, #tpu.memory_space<vmem>>[vector<16xi32>, vector<16xi32>, vector<16xi32>], vector<16xf32>,
        %broadcast_in_dim3A_289 = arith.constant 18 : i32
        %broadcast_in_dim3A_290 = vector.broadcast %broadcast_in_dim3A_289 : i32 to vector<16xi32>
        %gather3A_291 = tpu.vector_load_idx %arg12[%broadcast_in_dim3A_290, %min3A_233] : memref<32x1024xf32, #tpu.memory_space<vmem>>[vector<16xi32>, vector<16xi32>], vector<16xf32>,
        tpu.vector_store_idx %arg13[%broadcast_in_dim3A_234, %iota3A, %broadcast_in_dim3A_290], %gather3A_291 : memref<6x16x128xf32, #tpu.memory_space<vmem>>[vector<16xi32>, vector<16xi32>, vector<16xi32>], vector<16xf32>,
        %broadcast_in_dim3A_292 = arith.constant 19 : i32
        %broadcast_in_dim3A_293 = vector.broadcast %broadcast_in_dim3A_292 : i32 to vector<16xi32>
        %gather3A_294 = tpu.vector_load_idx %arg12[%broadcast_in_dim3A_293, %min3A_233] : memref<32x1024xf32, #tpu.memory_space<vmem>>[vector<16xi32>, vector<16xi32>], vector<16xf32>,
        tpu.vector_store_idx %arg13[%broadcast_in_dim3A_234, %iota3A, %broadcast_in_dim3A_293], %gather3A_294 : memref<6x16x128xf32, #tpu.memory_space<vmem>>[vector<16xi32>, vector<16xi32>, vector<16xi32>], vector<16xf32>,
        %broadcast_in_dim3A_295 = arith.constant 20 : i32
        %broadcast_in_dim3A_296 = vector.broadcast %broadcast_in_dim3A_295 : i32 to vector<16xi32>
        %gather3A_297 = tpu.vector_load_idx %arg12[%broadcast_in_dim3A_296, %min3A_233] : memref<32x1024xf32, #tpu.memory_space<vmem>>[vector<16xi32>, vector<16xi32>], vector<16xf32>,
        tpu.vector_store_idx %arg13[%broadcast_in_dim3A_234, %iota3A, %broadcast_in_dim3A_296], %gather3A_297 : memref<6x16x128xf32, #tpu.memory_space<vmem>>[vector<16xi32>, vector<16xi32>, vector<16xi32>], vector<16xf32>,
        %broadcast_in_dim3A_298 = arith.constant 21 : i32
        %broadcast_in_dim3A_299 = vector.broadcast %broadcast_in_dim3A_298 : i32 to vector<16xi32>
        %gather3A_300 = tpu.vector_load_idx %arg12[%broadcast_in_dim3A_299, %min3A_233] : memref<32x1024xf32, #tpu.memory_space<vmem>>[vector<16xi32>, vector<16xi32>], vector<16xf32>,
        tpu.vector_store_idx %arg13[%broadcast_in_dim3A_234, %iota3A, %broadcast_in_dim3A_299], %gather3A_300 : memref<6x16x128xf32, #tpu.memory_space<vmem>>[vector<16xi32>, vector<16xi32>, vector<16xi32>], vector<16xf32>,
        %broadcast_in_dim3A_301 = arith.constant 22 : i32
        %broadcast_in_dim3A_302 = vector.broadcast %broadcast_in_dim3A_301 : i32 to vector<16xi32>
        %gather3A_303 = tpu.vector_load_idx %arg12[%broadcast_in_dim3A_302, %min3A_233] : memref<32x1024xf32, #tpu.memory_space<vmem>>[vector<16xi32>, vector<16xi32>], vector<16xf32>,
        tpu.vector_store_idx %arg13[%broadcast_in_dim3A_234, %iota3A, %broadcast_in_dim3A_302], %gather3A_303 : memref<6x16x128xf32, #tpu.memory_space<vmem>>[vector<16xi32>, vector<16xi32>, vector<16xi32>], vector<16xf32>,
        %broadcast_in_dim3A_304 = arith.constant 23 : i32
        %broadcast_in_dim3A_305 = vector.broadcast %broadcast_in_dim3A_304 : i32 to vector<16xi32>
        %gather3A_306 = tpu.vector_load_idx %arg12[%broadcast_in_dim3A_305, %min3A_233] : memref<32x1024xf32, #tpu.memory_space<vmem>>[vector<16xi32>, vector<16xi32>], vector<16xf32>,
        tpu.vector_store_idx %arg13[%broadcast_in_dim3A_234, %iota3A, %broadcast_in_dim3A_305], %gather3A_306 : memref<6x16x128xf32, #tpu.memory_space<vmem>>[vector<16xi32>, vector<16xi32>, vector<16xi32>], vector<16xf32>,
        %broadcast_in_dim3A_307 = arith.constant 24 : i32
        %broadcast_in_dim3A_308 = vector.broadcast %broadcast_in_dim3A_307 : i32 to vector<16xi32>
        %gather3A_309 = tpu.vector_load_idx %arg12[%broadcast_in_dim3A_308, %min3A_233] : memref<32x1024xf32, #tpu.memory_space<vmem>>[vector<16xi32>, vector<16xi32>], vector<16xf32>,
        tpu.vector_store_idx %arg13[%broadcast_in_dim3A_234, %iota3A, %broadcast_in_dim3A_308], %gather3A_309 : memref<6x16x128xf32, #tpu.memory_space<vmem>>[vector<16xi32>, vector<16xi32>, vector<16xi32>], vector<16xf32>,
        %broadcast_in_dim3A_310 = arith.constant 25 : i32
        %broadcast_in_dim3A_311 = vector.broadcast %broadcast_in_dim3A_310 : i32 to vector<16xi32>
        %gather3A_312 = tpu.vector_load_idx %arg12[%broadcast_in_dim3A_311, %min3A_233] : memref<32x1024xf32, #tpu.memory_space<vmem>>[vector<16xi32>, vector<16xi32>], vector<16xf32>,
        tpu.vector_store_idx %arg13[%broadcast_in_dim3A_234, %iota3A, %broadcast_in_dim3A_311], %gather3A_312 : memref<6x16x128xf32, #tpu.memory_space<vmem>>[vector<16xi32>, vector<16xi32>, vector<16xi32>], vector<16xf32>,
        %broadcast_in_dim3A_313 = arith.constant 26 : i32
        %broadcast_in_dim3A_314 = vector.broadcast %broadcast_in_dim3A_313 : i32 to vector<16xi32>
        %gather3A_315 = tpu.vector_load_idx %arg12[%broadcast_in_dim3A_314, %min3A_233] : memref<32x1024xf32, #tpu.memory_space<vmem>>[vector<16xi32>, vector<16xi32>], vector<16xf32>,
        tpu.vector_store_idx %arg13[%broadcast_in_dim3A_234, %iota3A, %broadcast_in_dim3A_314], %gather3A_315 : memref<6x16x128xf32, #tpu.memory_space<vmem>>[vector<16xi32>, vector<16xi32>, vector<16xi32>], vector<16xf32>,
        %broadcast_in_dim3A_316 = arith.constant 27 : i32
        %broadcast_in_dim3A_317 = vector.broadcast %broadcast_in_dim3A_316 : i32 to vector<16xi32>
        %gather3A_318 = tpu.vector_load_idx %arg12[%broadcast_in_dim3A_317, %min3A_233] : memref<32x1024xf32, #tpu.memory_space<vmem>>[vector<16xi32>, vector<16xi32>], vector<16xf32>,
        tpu.vector_store_idx %arg13[%broadcast_in_dim3A_234, %iota3A, %broadcast_in_dim3A_317], %gather3A_318 : memref<6x16x128xf32, #tpu.memory_space<vmem>>[vector<16xi32>, vector<16xi32>, vector<16xi32>], vector<16xf32>,
        %broadcast_in_dim3A_319 = arith.constant 28 : i32
        %broadcast_in_dim3A_320 = vector.broadcast %broadcast_in_dim3A_319 : i32 to vector<16xi32>
        %gather3A_321 = tpu.vector_load_idx %arg12[%broadcast_in_dim3A_320, %min3A_233] : memref<32x1024xf32, #tpu.memory_space<vmem>>[vector<16xi32>, vector<16xi32>], vector<16xf32>,
        tpu.vector_store_idx %arg13[%broadcast_in_dim3A_234, %iota3A, %broadcast_in_dim3A_320], %gather3A_321 : memref<6x16x128xf32, #tpu.memory_space<vmem>>[vector<16xi32>, vector<16xi32>, vector<16xi32>], vector<16xf32>,
        %broadcast_in_dim3A_322 = arith.constant 29 : i32
        %broadcast_in_dim3A_323 = vector.broadcast %broadcast_in_dim3A_322 : i32 to vector<16xi32>
        %gather3A_324 = tpu.vector_load_idx %arg12[%broadcast_in_dim3A_323, %min3A_233] : memref<32x1024xf32, #tpu.memory_space<vmem>>[vector<16xi32>, vector<16xi32>], vector<16xf32>,
        tpu.vector_store_idx %arg13[%broadcast_in_dim3A_234, %iota3A, %broadcast_in_dim3A_323], %gather3A_324 : memref<6x16x128xf32, #tpu.memory_space<vmem>>[vector<16xi32>, vector<16xi32>, vector<16xi32>], vector<16xf32>,
        %broadcast_in_dim3A_325 = arith.constant 30 : i32
        %broadcast_in_dim3A_326 = vector.broadcast %broadcast_in_dim3A_325 : i32 to vector<16xi32>
        %gather3A_327 = tpu.vector_load_idx %arg12[%broadcast_in_dim3A_326, %min3A_233] : memref<32x1024xf32, #tpu.memory_space<vmem>>[vector<16xi32>, vector<16xi32>], vector<16xf32>,
        tpu.vector_store_idx %arg13[%broadcast_in_dim3A_234, %iota3A, %broadcast_in_dim3A_326], %gather3A_327 : memref<6x16x128xf32, #tpu.memory_space<vmem>>[vector<16xi32>, vector<16xi32>, vector<16xi32>], vector<16xf32>,
        %broadcast_in_dim3A_328 = arith.constant 31 : i32
        %broadcast_in_dim3A_329 = vector.broadcast %broadcast_in_dim3A_328 : i32 to vector<16xi32>
        %gather3A_330 = tpu.vector_load_idx %arg12[%broadcast_in_dim3A_329, %min3A_233] : memref<32x1024xf32, #tpu.memory_space<vmem>>[vector<16xi32>, vector<16xi32>], vector<16xf32>,
        tpu.vector_store_idx %arg13[%broadcast_in_dim3A_234, %iota3A, %broadcast_in_dim3A_329], %gather3A_330 : memref<6x16x128xf32, #tpu.memory_space<vmem>>[vector<16xi32>, vector<16xi32>, vector<16xi32>], vector<16xf32>,
        %swap3A_331 = arith.index_cast %select_n3A_220 : i32 to index
        %swap3A_332 = arith.constant 0 : index
        %swap3A_333 = tpu.vector_load %arg14[%swap3A_331, %swap3A_332] {strides = array<i32>} : memref<6x16xi32, #tpu.memory_space<vmem>>, vector<16xi32>,
        tpu.vector_store %arg14[%swap3A_331, %swap3A_332], %get3A_227 {strides = array<i32>} : memref<6x16xi32, #tpu.memory_space<vmem>>, vector<16xi32>,
        %dma_start3A_334 = arith.constant 0 : i32
        %dma_start3A_335 = arith.constant 0 : i32
        %dma_start3A_336 = tpu.memref_slice %arg13[%select_n3A_220, %dma_start3A_334, %dma_start3A_335] : memref<6x16x128xf32, #tpu.memory_space<vmem>> -> memref<1x16x128xf32, #tpu.memory_space<vmem>>
        %dma_start3A_337 = tpu.memref_squeeze %dma_start3A_336 : memref<1x16x128xf32, #tpu.memory_space<vmem>> -> memref<16x128xf32, #tpu.memory_space<vmem>>
        %dma_start3A_338 = arith.constant 0 : i32
        %dma_start3A_339 = tpu.memref_slice %arg14[%select_n3A_220, %dma_start3A_338] : memref<6x16xi32, #tpu.memory_space<vmem>> -> memref<1x16xi32, #tpu.memory_space<vmem>>
        %dma_start3A_340 = tpu.memref_squeeze %dma_start3A_339 : memref<1x16xi32, #tpu.memory_space<vmem>> -> memref<16xi32, #tpu.memory_space<vmem>>
        %dma_start3A_341 = arith.constant 0 : i32
        %dma_start3A_342 = arith.constant 0 : i32
        %dma_start3A_343 = tpu.memref_slice %arg7[%dma_start3A_341, %dma_start3A_342] : memref<16400x128xf32, #tpu.memory_space<hbm>> -> memref<16400x128xf32, #tpu.memory_space<hbm>>
        %dma_start3A_344 = tpu.memref_slice %arg15[%select_n3A_220] : memref<6x!tpu.dma_semaphore, #tpu.memory_space<semaphore_mem>> -> memref<1x!tpu.dma_semaphore, #tpu.memory_space<semaphore_mem>>
        %dma_start3A_345 = tpu.memref_squeeze %dma_start3A_344 : memref<1x!tpu.dma_semaphore, #tpu.memory_space<semaphore_mem>> -> memref<!tpu.dma_semaphore, #tpu.memory_space<semaphore_mem>>
        tpu.enqueue_indirect_dma source(%dma_start3A_337 : memref<16x128xf32, #tpu.memory_space<vmem>>) target(%dma_start3A_343 : memref<16400x128xf32, #tpu.memory_space<hbm>>) offsets(%dma_start3A_340 : memref<16xi32, #tpu.memory_space<vmem>>) semaphore(%dma_start3A_345 : memref<!tpu.dma_semaphore, #tpu.memory_space<semaphore_mem>>)
        %add3A_346 = arith.constant 1 : i32
        %add3A_347 = arith.addi %while3A_210, %add3A_346 : i32
        scf.yield %add3A_347 : i32
      }
      %while3A_207 = arith.constant 1 : i32
      %while3A_208 = scf.for %while3A_209 = %while3A_204 to %while3A_200 step %while3A_207 iter_args(%while3A_210 = %while3A_206) -> (i32)  : i32 {
        %jit3A = arith.constant 6 : i32
        %eq3A = arith.constant 0 : i32
        %eq3A_211 = arith.cmpi eq, %jit3A, %eq3A : i32
        %jit3A_212 = arith.constant 1 : i32
        %select_n3A = arith.select %eq3A_211, %jit3A_212, %jit3A : i32
        %rem3A = arith.remsi %while3A_210, %select_n3A : i32
        %ne3A = arith.constant 0 : i32
        %ne3A_213 = arith.cmpi ne, %rem3A, %ne3A : i32
        %lt3A_214 = arith.constant 0 : i32
        %lt3A_215 = arith.cmpi slt, %rem3A, %lt3A_214 : i32
        %lt3A_216 = arith.constant 0 : i32
        %lt3A_217 = arith.cmpi slt, %select_n3A, %lt3A_216 : i32
        %ne3A_218 = arith.xori %lt3A_215, %lt3A_217 : i1
        %and3A = arith.andi %ne3A_218, %ne3A_213 : i1
        %add3A_219 = arith.addi %rem3A, %select_n3A : i32
        %select_n3A_220 = arith.select %and3A, %add3A_219, %rem3A : i32
        %ge3A = arith.constant 6 : i32
        %ge3A_221 = arith.cmpi sge, %while3A_210, %ge3A : i32
        %convert_element_type3A_222 = arith.extui %ge3A_221 : i1 to i32
        %cond3A_223 = arith.constant 0 : i32
        %cond3A_224 = arith.cmpi ne, %convert_element_type3A_222, %cond3A_223 : i32
        scf.if %cond3A_224 {
          %dma_wait3A_348 = arith.constant 0 : i32
          %dma_wait3A_349 = arith.constant 0 : i32
          %dma_wait3A_350 = tpu.memref_slice %arg13[%select_n3A_220, %dma_wait3A_348, %dma_wait3A_349] : memref<6x16x128xf32, #tpu.memory_space<vmem>> -> memref<1x16x128xf32, #tpu.memory_space<vmem>>
          %dma_wait3A_351 = tpu.memref_squeeze %dma_wait3A_350 : memref<1x16x128xf32, #tpu.memory_space<vmem>> -> memref<16x128xf32, #tpu.memory_space<vmem>>
          %dma_wait3A_352 = arith.constant 0 : i32
          %dma_wait3A_353 = tpu.memref_slice %arg14[%select_n3A_220, %dma_wait3A_352] : memref<6x16xi32, #tpu.memory_space<vmem>> -> memref<1x16xi32, #tpu.memory_space<vmem>>
          %dma_wait3A_354 = tpu.memref_squeeze %dma_wait3A_353 : memref<1x16xi32, #tpu.memory_space<vmem>> -> memref<16xi32, #tpu.memory_space<vmem>>
          %dma_wait3A_355 = arith.constant 0 : i32
          %dma_wait3A_356 = arith.constant 0 : i32
          %dma_wait3A_357 = tpu.memref_slice %arg7[%dma_wait3A_355, %dma_wait3A_356] : memref<16400x128xf32, #tpu.memory_space<hbm>> -> memref<16400x128xf32, #tpu.memory_space<hbm>>
          %dma_wait3A_358 = tpu.memref_slice %arg15[%select_n3A_220] : memref<6x!tpu.dma_semaphore, #tpu.memory_space<semaphore_mem>> -> memref<1x!tpu.dma_semaphore, #tpu.memory_space<semaphore_mem>>
          %dma_wait3A_359 = tpu.memref_squeeze %dma_wait3A_358 : memref<1x!tpu.dma_semaphore, #tpu.memory_space<semaphore_mem>> -> memref<!tpu.dma_semaphore, #tpu.memory_space<semaphore_mem>>
          tpu.wait_indirect_dma semaphore(%dma_wait3A_359 : memref<!tpu.dma_semaphore, #tpu.memory_space<semaphore_mem>>) src(%dma_wait3A_351 : memref<16x128xf32, #tpu.memory_space<vmem>>) dst(%dma_wait3A_357 : memref<16400x128xf32, #tpu.memory_space<hbm>>)
        } else {
        }
        %mul3A_225 = arith.constant 16 : i32
        %mul3A_226 = arith.muli %while3A_209, %mul3A_225 : i32
        %get3A = arith.index_cast %mul3A_226 : i32 to index
        %get3A_227 = tpu.vector_load %arg10[%get3A] {strides = array<i32>} : memref<16400xi32, #tpu.memory_space<vmem>>, vector<16xi32>,
        %gather3A = tpu.vector_load_idx %arg8[%get3A_227] : memref<16400xi32, #tpu.memory_space<vmem>>[vector<16xi32>], vector<16xi32>,
        %sub3A = vector.broadcast %multiple_of3A_157 : i32 to vector<16xi32>
        %sub3A_228 = arith.subi %gather3A, %sub3A : vector<16xi32>
        %jit3A_229 = arith.constant 0 : i32
        %jit3A_230 = arith.constant 1023 : i32
        %max3A = vector.broadcast %jit3A_229 : i32 to vector<16xi32>
        %max3A_231 = arith.maxsi %max3A, %sub3A_228 : vector<16xi32>
        %min3A_232 = vector.broadcast %jit3A_230 : i32 to vector<16xi32>
        %min3A_233 = arith.minsi %min3A_232, %max3A_231 : vector<16xi32>
        %broadcast_in_dim3A_234 = vector.broadcast %select_n3A_220 : i32 to vector<16xi32>
        %broadcast_in_dim3A_235 = arith.constant 0 : i32
        %broadcast_in_dim3A_236 = vector.broadcast %broadcast_in_dim3A_235 : i32 to vector<16xi32>
        %gather3A_237 = tpu.vector_load_idx %arg12[%broadcast_in_dim3A_236, %min3A_233] : memref<32x1024xf32, #tpu.memory_space<vmem>>[vector<16xi32>, vector<16xi32>], vector<16xf32>,
        tpu.vector_store_idx %arg13[%broadcast_in_dim3A_234, %iota3A, %broadcast_in_dim3A_236], %gather3A_237 : memref<6x16x128xf32, #tpu.memory_space<vmem>>[vector<16xi32>, vector<16xi32>, vector<16xi32>], vector<16xf32>,
        %broadcast_in_dim3A_238 = arith.constant 1 : i32
        %broadcast_in_dim3A_239 = vector.broadcast %broadcast_in_dim3A_238 : i32 to vector<16xi32>
        %gather3A_240 = tpu.vector_load_idx %arg12[%broadcast_in_dim3A_239, %min3A_233] : memref<32x1024xf32, #tpu.memory_space<vmem>>[vector<16xi32>, vector<16xi32>], vector<16xf32>,
        tpu.vector_store_idx %arg13[%broadcast_in_dim3A_234, %iota3A, %broadcast_in_dim3A_239], %gather3A_240 : memref<6x16x128xf32, #tpu.memory_space<vmem>>[vector<16xi32>, vector<16xi32>, vector<16xi32>], vector<16xf32>,
        %broadcast_in_dim3A_241 = arith.constant 2 : i32
        %broadcast_in_dim3A_242 = vector.broadcast %broadcast_in_dim3A_241 : i32 to vector<16xi32>
        %gather3A_243 = tpu.vector_load_idx %arg12[%broadcast_in_dim3A_242, %min3A_233] : memref<32x1024xf32, #tpu.memory_space<vmem>>[vector<16xi32>, vector<16xi32>], vector<16xf32>,
        tpu.vector_store_idx %arg13[%broadcast_in_dim3A_234, %iota3A, %broadcast_in_dim3A_242], %gather3A_243 : memref<6x16x128xf32, #tpu.memory_space<vmem>>[vector<16xi32>, vector<16xi32>, vector<16xi32>], vector<16xf32>,
        %broadcast_in_dim3A_244 = arith.constant 3 : i32
        %broadcast_in_dim3A_245 = vector.broadcast %broadcast_in_dim3A_244 : i32 to vector<16xi32>
        %gather3A_246 = tpu.vector_load_idx %arg12[%broadcast_in_dim3A_245, %min3A_233] : memref<32x1024xf32, #tpu.memory_space<vmem>>[vector<16xi32>, vector<16xi32>], vector<16xf32>,
        tpu.vector_store_idx %arg13[%broadcast_in_dim3A_234, %iota3A, %broadcast_in_dim3A_245], %gather3A_246 : memref<6x16x128xf32, #tpu.memory_space<vmem>>[vector<16xi32>, vector<16xi32>, vector<16xi32>], vector<16xf32>,
        %broadcast_in_dim3A_247 = arith.constant 4 : i32
        %broadcast_in_dim3A_248 = vector.broadcast %broadcast_in_dim3A_247 : i32 to vector<16xi32>
        %gather3A_249 = tpu.vector_load_idx %arg12[%broadcast_in_dim3A_248, %min3A_233] : memref<32x1024xf32, #tpu.memory_space<vmem>>[vector<16xi32>, vector<16xi32>], vector<16xf32>,
        tpu.vector_store_idx %arg13[%broadcast_in_dim3A_234, %iota3A, %broadcast_in_dim3A_248], %gather3A_249 : memref<6x16x128xf32, #tpu.memory_space<vmem>>[vector<16xi32>, vector<16xi32>, vector<16xi32>], vector<16xf32>,
        %broadcast_in_dim3A_250 = arith.constant 5 : i32
        %broadcast_in_dim3A_251 = vector.broadcast %broadcast_in_dim3A_250 : i32 to vector<16xi32>
        %gather3A_252 = tpu.vector_load_idx %arg12[%broadcast_in_dim3A_251, %min3A_233] : memref<32x1024xf32, #tpu.memory_space<vmem>>[vector<16xi32>, vector<16xi32>], vector<16xf32>,
        tpu.vector_store_idx %arg13[%broadcast_in_dim3A_234, %iota3A, %broadcast_in_dim3A_251], %gather3A_252 : memref<6x16x128xf32, #tpu.memory_space<vmem>>[vector<16xi32>, vector<16xi32>, vector<16xi32>], vector<16xf32>,
        %broadcast_in_dim3A_253 = arith.constant 6 : i32
        %broadcast_in_dim3A_254 = vector.broadcast %broadcast_in_dim3A_253 : i32 to vector<16xi32>
        %gather3A_255 = tpu.vector_load_idx %arg12[%broadcast_in_dim3A_254, %min3A_233] : memref<32x1024xf32, #tpu.memory_space<vmem>>[vector<16xi32>, vector<16xi32>], vector<16xf32>,
        tpu.vector_store_idx %arg13[%broadcast_in_dim3A_234, %iota3A, %broadcast_in_dim3A_254], %gather3A_255 : memref<6x16x128xf32, #tpu.memory_space<vmem>>[vector<16xi32>, vector<16xi32>, vector<16xi32>], vector<16xf32>,
        %broadcast_in_dim3A_256 = arith.constant 7 : i32
        %broadcast_in_dim3A_257 = vector.broadcast %broadcast_in_dim3A_256 : i32 to vector<16xi32>
        %gather3A_258 = tpu.vector_load_idx %arg12[%broadcast_in_dim3A_257, %min3A_233] : memref<32x1024xf32, #tpu.memory_space<vmem>>[vector<16xi32>, vector<16xi32>], vector<16xf32>,
        tpu.vector_store_idx %arg13[%broadcast_in_dim3A_234, %iota3A, %broadcast_in_dim3A_257], %gather3A_258 : memref<6x16x128xf32, #tpu.memory_space<vmem>>[vector<16xi32>, vector<16xi32>, vector<16xi32>], vector<16xf32>,
        %broadcast_in_dim3A_259 = arith.constant 8 : i32
        %broadcast_in_dim3A_260 = vector.broadcast %broadcast_in_dim3A_259 : i32 to vector<16xi32>
        %gather3A_261 = tpu.vector_load_idx %arg12[%broadcast_in_dim3A_260, %min3A_233] : memref<32x1024xf32, #tpu.memory_space<vmem>>[vector<16xi32>, vector<16xi32>], vector<16xf32>,
        tpu.vector_store_idx %arg13[%broadcast_in_dim3A_234, %iota3A, %broadcast_in_dim3A_260], %gather3A_261 : memref<6x16x128xf32, #tpu.memory_space<vmem>>[vector<16xi32>, vector<16xi32>, vector<16xi32>], vector<16xf32>,
        %broadcast_in_dim3A_262 = arith.constant 9 : i32
        %broadcast_in_dim3A_263 = vector.broadcast %broadcast_in_dim3A_262 : i32 to vector<16xi32>
        %gather3A_264 = tpu.vector_load_idx %arg12[%broadcast_in_dim3A_263, %min3A_233] : memref<32x1024xf32, #tpu.memory_space<vmem>>[vector<16xi32>, vector<16xi32>], vector<16xf32>,
        tpu.vector_store_idx %arg13[%broadcast_in_dim3A_234, %iota3A, %broadcast_in_dim3A_263], %gather3A_264 : memref<6x16x128xf32, #tpu.memory_space<vmem>>[vector<16xi32>, vector<16xi32>, vector<16xi32>], vector<16xf32>,
        %broadcast_in_dim3A_265 = arith.constant 10 : i32
        %broadcast_in_dim3A_266 = vector.broadcast %broadcast_in_dim3A_265 : i32 to vector<16xi32>
        %gather3A_267 = tpu.vector_load_idx %arg12[%broadcast_in_dim3A_266, %min3A_233] : memref<32x1024xf32, #tpu.memory_space<vmem>>[vector<16xi32>, vector<16xi32>], vector<16xf32>,
        tpu.vector_store_idx %arg13[%broadcast_in_dim3A_234, %iota3A, %broadcast_in_dim3A_266], %gather3A_267 : memref<6x16x128xf32, #tpu.memory_space<vmem>>[vector<16xi32>, vector<16xi32>, vector<16xi32>], vector<16xf32>,
        %broadcast_in_dim3A_268 = arith.constant 11 : i32
        %broadcast_in_dim3A_269 = vector.broadcast %broadcast_in_dim3A_268 : i32 to vector<16xi32>
        %gather3A_270 = tpu.vector_load_idx %arg12[%broadcast_in_dim3A_269, %min3A_233] : memref<32x1024xf32, #tpu.memory_space<vmem>>[vector<16xi32>, vector<16xi32>], vector<16xf32>,
        tpu.vector_store_idx %arg13[%broadcast_in_dim3A_234, %iota3A, %broadcast_in_dim3A_269], %gather3A_270 : memref<6x16x128xf32, #tpu.memory_space<vmem>>[vector<16xi32>, vector<16xi32>, vector<16xi32>], vector<16xf32>,
        %broadcast_in_dim3A_271 = arith.constant 12 : i32
        %broadcast_in_dim3A_272 = vector.broadcast %broadcast_in_dim3A_271 : i32 to vector<16xi32>
        %gather3A_273 = tpu.vector_load_idx %arg12[%broadcast_in_dim3A_272, %min3A_233] : memref<32x1024xf32, #tpu.memory_space<vmem>>[vector<16xi32>, vector<16xi32>], vector<16xf32>,
        tpu.vector_store_idx %arg13[%broadcast_in_dim3A_234, %iota3A, %broadcast_in_dim3A_272], %gather3A_273 : memref<6x16x128xf32, #tpu.memory_space<vmem>>[vector<16xi32>, vector<16xi32>, vector<16xi32>], vector<16xf32>,
        %broadcast_in_dim3A_274 = arith.constant 13 : i32
        %broadcast_in_dim3A_275 = vector.broadcast %broadcast_in_dim3A_274 : i32 to vector<16xi32>
        %gather3A_276 = tpu.vector_load_idx %arg12[%broadcast_in_dim3A_275, %min3A_233] : memref<32x1024xf32, #tpu.memory_space<vmem>>[vector<16xi32>, vector<16xi32>], vector<16xf32>,
        tpu.vector_store_idx %arg13[%broadcast_in_dim3A_234, %iota3A, %broadcast_in_dim3A_275], %gather3A_276 : memref<6x16x128xf32, #tpu.memory_space<vmem>>[vector<16xi32>, vector<16xi32>, vector<16xi32>], vector<16xf32>,
        %broadcast_in_dim3A_277 = arith.constant 14 : i32
        %broadcast_in_dim3A_278 = vector.broadcast %broadcast_in_dim3A_277 : i32 to vector<16xi32>
        %gather3A_279 = tpu.vector_load_idx %arg12[%broadcast_in_dim3A_278, %min3A_233] : memref<32x1024xf32, #tpu.memory_space<vmem>>[vector<16xi32>, vector<16xi32>], vector<16xf32>,
        tpu.vector_store_idx %arg13[%broadcast_in_dim3A_234, %iota3A, %broadcast_in_dim3A_278], %gather3A_279 : memref<6x16x128xf32, #tpu.memory_space<vmem>>[vector<16xi32>, vector<16xi32>, vector<16xi32>], vector<16xf32>,
        %broadcast_in_dim3A_280 = arith.constant 15 : i32
        %broadcast_in_dim3A_281 = vector.broadcast %broadcast_in_dim3A_280 : i32 to vector<16xi32>
        %gather3A_282 = tpu.vector_load_idx %arg12[%broadcast_in_dim3A_281, %min3A_233] : memref<32x1024xf32, #tpu.memory_space<vmem>>[vector<16xi32>, vector<16xi32>], vector<16xf32>,
        tpu.vector_store_idx %arg13[%broadcast_in_dim3A_234, %iota3A, %broadcast_in_dim3A_281], %gather3A_282 : memref<6x16x128xf32, #tpu.memory_space<vmem>>[vector<16xi32>, vector<16xi32>, vector<16xi32>], vector<16xf32>,
        %broadcast_in_dim3A_283 = arith.constant 16 : i32
        %broadcast_in_dim3A_284 = vector.broadcast %broadcast_in_dim3A_283 : i32 to vector<16xi32>
        %gather3A_285 = tpu.vector_load_idx %arg12[%broadcast_in_dim3A_284, %min3A_233] : memref<32x1024xf32, #tpu.memory_space<vmem>>[vector<16xi32>, vector<16xi32>], vector<16xf32>,
        tpu.vector_store_idx %arg13[%broadcast_in_dim3A_234, %iota3A, %broadcast_in_dim3A_284], %gather3A_285 : memref<6x16x128xf32, #tpu.memory_space<vmem>>[vector<16xi32>, vector<16xi32>, vector<16xi32>], vector<16xf32>,
        %broadcast_in_dim3A_286 = arith.constant 17 : i32
        %broadcast_in_dim3A_287 = vector.broadcast %broadcast_in_dim3A_286 : i32 to vector<16xi32>
        %gather3A_288 = tpu.vector_load_idx %arg12[%broadcast_in_dim3A_287, %min3A_233] : memref<32x1024xf32, #tpu.memory_space<vmem>>[vector<16xi32>, vector<16xi32>], vector<16xf32>,
        tpu.vector_store_idx %arg13[%broadcast_in_dim3A_234, %iota3A, %broadcast_in_dim3A_287], %gather3A_288 : memref<6x16x128xf32, #tpu.memory_space<vmem>>[vector<16xi32>, vector<16xi32>, vector<16xi32>], vector<16xf32>,
        %broadcast_in_dim3A_289 = arith.constant 18 : i32
        %broadcast_in_dim3A_290 = vector.broadcast %broadcast_in_dim3A_289 : i32 to vector<16xi32>
        %gather3A_291 = tpu.vector_load_idx %arg12[%broadcast_in_dim3A_290, %min3A_233] : memref<32x1024xf32, #tpu.memory_space<vmem>>[vector<16xi32>, vector<16xi32>], vector<16xf32>,
        tpu.vector_store_idx %arg13[%broadcast_in_dim3A_234, %iota3A, %broadcast_in_dim3A_290], %gather3A_291 : memref<6x16x128xf32, #tpu.memory_space<vmem>>[vector<16xi32>, vector<16xi32>, vector<16xi32>], vector<16xf32>,
        %broadcast_in_dim3A_292 = arith.constant 19 : i32
        %broadcast_in_dim3A_293 = vector.broadcast %broadcast_in_dim3A_292 : i32 to vector<16xi32>
        %gather3A_294 = tpu.vector_load_idx %arg12[%broadcast_in_dim3A_293, %min3A_233] : memref<32x1024xf32, #tpu.memory_space<vmem>>[vector<16xi32>, vector<16xi32>], vector<16xf32>,
        tpu.vector_store_idx %arg13[%broadcast_in_dim3A_234, %iota3A, %broadcast_in_dim3A_293], %gather3A_294 : memref<6x16x128xf32, #tpu.memory_space<vmem>>[vector<16xi32>, vector<16xi32>, vector<16xi32>], vector<16xf32>,
        %broadcast_in_dim3A_295 = arith.constant 20 : i32
        %broadcast_in_dim3A_296 = vector.broadcast %broadcast_in_dim3A_295 : i32 to vector<16xi32>
        %gather3A_297 = tpu.vector_load_idx %arg12[%broadcast_in_dim3A_296, %min3A_233] : memref<32x1024xf32, #tpu.memory_space<vmem>>[vector<16xi32>, vector<16xi32>], vector<16xf32>,
        tpu.vector_store_idx %arg13[%broadcast_in_dim3A_234, %iota3A, %broadcast_in_dim3A_296], %gather3A_297 : memref<6x16x128xf32, #tpu.memory_space<vmem>>[vector<16xi32>, vector<16xi32>, vector<16xi32>], vector<16xf32>,
        %broadcast_in_dim3A_298 = arith.constant 21 : i32
        %broadcast_in_dim3A_299 = vector.broadcast %broadcast_in_dim3A_298 : i32 to vector<16xi32>
        %gather3A_300 = tpu.vector_load_idx %arg12[%broadcast_in_dim3A_299, %min3A_233] : memref<32x1024xf32, #tpu.memory_space<vmem>>[vector<16xi32>, vector<16xi32>], vector<16xf32>,
        tpu.vector_store_idx %arg13[%broadcast_in_dim3A_234, %iota3A, %broadcast_in_dim3A_299], %gather3A_300 : memref<6x16x128xf32, #tpu.memory_space<vmem>>[vector<16xi32>, vector<16xi32>, vector<16xi32>], vector<16xf32>,
        %broadcast_in_dim3A_301 = arith.constant 22 : i32
        %broadcast_in_dim3A_302 = vector.broadcast %broadcast_in_dim3A_301 : i32 to vector<16xi32>
        %gather3A_303 = tpu.vector_load_idx %arg12[%broadcast_in_dim3A_302, %min3A_233] : memref<32x1024xf32, #tpu.memory_space<vmem>>[vector<16xi32>, vector<16xi32>], vector<16xf32>,
        tpu.vector_store_idx %arg13[%broadcast_in_dim3A_234, %iota3A, %broadcast_in_dim3A_302], %gather3A_303 : memref<6x16x128xf32, #tpu.memory_space<vmem>>[vector<16xi32>, vector<16xi32>, vector<16xi32>], vector<16xf32>,
        %broadcast_in_dim3A_304 = arith.constant 23 : i32
        %broadcast_in_dim3A_305 = vector.broadcast %broadcast_in_dim3A_304 : i32 to vector<16xi32>
        %gather3A_306 = tpu.vector_load_idx %arg12[%broadcast_in_dim3A_305, %min3A_233] : memref<32x1024xf32, #tpu.memory_space<vmem>>[vector<16xi32>, vector<16xi32>], vector<16xf32>,
        tpu.vector_store_idx %arg13[%broadcast_in_dim3A_234, %iota3A, %broadcast_in_dim3A_305], %gather3A_306 : memref<6x16x128xf32, #tpu.memory_space<vmem>>[vector<16xi32>, vector<16xi32>, vector<16xi32>], vector<16xf32>,
        %broadcast_in_dim3A_307 = arith.constant 24 : i32
        %broadcast_in_dim3A_308 = vector.broadcast %broadcast_in_dim3A_307 : i32 to vector<16xi32>
        %gather3A_309 = tpu.vector_load_idx %arg12[%broadcast_in_dim3A_308, %min3A_233] : memref<32x1024xf32, #tpu.memory_space<vmem>>[vector<16xi32>, vector<16xi32>], vector<16xf32>,
        tpu.vector_store_idx %arg13[%broadcast_in_dim3A_234, %iota3A, %broadcast_in_dim3A_308], %gather3A_309 : memref<6x16x128xf32, #tpu.memory_space<vmem>>[vector<16xi32>, vector<16xi32>, vector<16xi32>], vector<16xf32>,
        %broadcast_in_dim3A_310 = arith.constant 25 : i32
        %broadcast_in_dim3A_311 = vector.broadcast %broadcast_in_dim3A_310 : i32 to vector<16xi32>
        %gather3A_312 = tpu.vector_load_idx %arg12[%broadcast_in_dim3A_311, %min3A_233] : memref<32x1024xf32, #tpu.memory_space<vmem>>[vector<16xi32>, vector<16xi32>], vector<16xf32>,
        tpu.vector_store_idx %arg13[%broadcast_in_dim3A_234, %iota3A, %broadcast_in_dim3A_311], %gather3A_312 : memref<6x16x128xf32, #tpu.memory_space<vmem>>[vector<16xi32>, vector<16xi32>, vector<16xi32>], vector<16xf32>,
        %broadcast_in_dim3A_313 = arith.constant 26 : i32
        %broadcast_in_dim3A_314 = vector.broadcast %broadcast_in_dim3A_313 : i32 to vector<16xi32>
        %gather3A_315 = tpu.vector_load_idx %arg12[%broadcast_in_dim3A_314, %min3A_233] : memref<32x1024xf32, #tpu.memory_space<vmem>>[vector<16xi32>, vector<16xi32>], vector<16xf32>,
        tpu.vector_store_idx %arg13[%broadcast_in_dim3A_234, %iota3A, %broadcast_in_dim3A_314], %gather3A_315 : memref<6x16x128xf32, #tpu.memory_space<vmem>>[vector<16xi32>, vector<16xi32>, vector<16xi32>], vector<16xf32>,
        %broadcast_in_dim3A_316 = arith.constant 27 : i32
        %broadcast_in_dim3A_317 = vector.broadcast %broadcast_in_dim3A_316 : i32 to vector<16xi32>
        %gather3A_318 = tpu.vector_load_idx %arg12[%broadcast_in_dim3A_317, %min3A_233] : memref<32x1024xf32, #tpu.memory_space<vmem>>[vector<16xi32>, vector<16xi32>], vector<16xf32>,
        tpu.vector_store_idx %arg13[%broadcast_in_dim3A_234, %iota3A, %broadcast_in_dim3A_317], %gather3A_318 : memref<6x16x128xf32, #tpu.memory_space<vmem>>[vector<16xi32>, vector<16xi32>, vector<16xi32>], vector<16xf32>,
        %broadcast_in_dim3A_319 = arith.constant 28 : i32
        %broadcast_in_dim3A_320 = vector.broadcast %broadcast_in_dim3A_319 : i32 to vector<16xi32>
        %gather3A_321 = tpu.vector_load_idx %arg12[%broadcast_in_dim3A_320, %min3A_233] : memref<32x1024xf32, #tpu.memory_space<vmem>>[vector<16xi32>, vector<16xi32>], vector<16xf32>,
        tpu.vector_store_idx %arg13[%broadcast_in_dim3A_234, %iota3A, %broadcast_in_dim3A_320], %gather3A_321 : memref<6x16x128xf32, #tpu.memory_space<vmem>>[vector<16xi32>, vector<16xi32>, vector<16xi32>], vector<16xf32>,
        %broadcast_in_dim3A_322 = arith.constant 29 : i32
        %broadcast_in_dim3A_323 = vector.broadcast %broadcast_in_dim3A_322 : i32 to vector<16xi32>
        %gather3A_324 = tpu.vector_load_idx %arg12[%broadcast_in_dim3A_323, %min3A_233] : memref<32x1024xf32, #tpu.memory_space<vmem>>[vector<16xi32>, vector<16xi32>], vector<16xf32>,
        tpu.vector_store_idx %arg13[%broadcast_in_dim3A_234, %iota3A, %broadcast_in_dim3A_323], %gather3A_324 : memref<6x16x128xf32, #tpu.memory_space<vmem>>[vector<16xi32>, vector<16xi32>, vector<16xi32>], vector<16xf32>,
        %broadcast_in_dim3A_325 = arith.constant 30 : i32
        %broadcast_in_dim3A_326 = vector.broadcast %broadcast_in_dim3A_325 : i32 to vector<16xi32>
        %gather3A_327 = tpu.vector_load_idx %arg12[%broadcast_in_dim3A_326, %min3A_233] : memref<32x1024xf32, #tpu.memory_space<vmem>>[vector<16xi32>, vector<16xi32>], vector<16xf32>,
        tpu.vector_store_idx %arg13[%broadcast_in_dim3A_234, %iota3A, %broadcast_in_dim3A_326], %gather3A_327 : memref<6x16x128xf32, #tpu.memory_space<vmem>>[vector<16xi32>, vector<16xi32>, vector<16xi32>], vector<16xf32>,
        %broadcast_in_dim3A_328 = arith.constant 31 : i32
        %broadcast_in_dim3A_329 = vector.broadcast %broadcast_in_dim3A_328 : i32 to vector<16xi32>
        %gather3A_330 = tpu.vector_load_idx %arg12[%broadcast_in_dim3A_329, %min3A_233] : memref<32x1024xf32, #tpu.memory_space<vmem>>[vector<16xi32>, vector<16xi32>], vector<16xf32>,
        tpu.vector_store_idx %arg13[%broadcast_in_dim3A_234, %iota3A, %broadcast_in_dim3A_329], %gather3A_330 : memref<6x16x128xf32, #tpu.memory_space<vmem>>[vector<16xi32>, vector<16xi32>, vector<16xi32>], vector<16xf32>,
        %swap3A_331 = arith.index_cast %select_n3A_220 : i32 to index
        %swap3A_332 = arith.constant 0 : index
        %swap3A_333 = tpu.vector_load %arg14[%swap3A_331, %swap3A_332] {strides = array<i32>} : memref<6x16xi32, #tpu.memory_space<vmem>>, vector<16xi32>,
        tpu.vector_store %arg14[%swap3A_331, %swap3A_332], %get3A_227 {strides = array<i32>} : memref<6x16xi32, #tpu.memory_space<vmem>>, vector<16xi32>,
        %dma_start3A_334 = arith.constant 0 : i32
        %dma_start3A_335 = arith.constant 0 : i32
        %dma_start3A_336 = tpu.memref_slice %arg13[%select_n3A_220, %dma_start3A_334, %dma_start3A_335] : memref<6x16x128xf32, #tpu.memory_space<vmem>> -> memref<1x16x128xf32, #tpu.memory_space<vmem>>
        %dma_start3A_337 = tpu.memref_squeeze %dma_start3A_336 : memref<1x16x128xf32, #tpu.memory_space<vmem>> -> memref<16x128xf32, #tpu.memory_space<vmem>>
        %dma_start3A_338 = arith.constant 0 : i32
        %dma_start3A_339 = tpu.memref_slice %arg14[%select_n3A_220, %dma_start3A_338] : memref<6x16xi32, #tpu.memory_space<vmem>> -> memref<1x16xi32, #tpu.memory_space<vmem>>
        %dma_start3A_340 = tpu.memref_squeeze %dma_start3A_339 : memref<1x16xi32, #tpu.memory_space<vmem>> -> memref<16xi32, #tpu.memory_space<vmem>>
        %dma_start3A_341 = arith.constant 0 : i32
        %dma_start3A_342 = arith.constant 0 : i32
        %dma_start3A_343 = tpu.memref_slice %arg7[%dma_start3A_341, %dma_start3A_342] : memref<16400x128xf32, #tpu.memory_space<hbm>> -> memref<16400x128xf32, #tpu.memory_space<hbm>>
        %dma_start3A_344 = tpu.memref_slice %arg15[%select_n3A_220] : memref<6x!tpu.dma_semaphore, #tpu.memory_space<semaphore_mem>> -> memref<1x!tpu.dma_semaphore, #tpu.memory_space<semaphore_mem>>
        %dma_start3A_345 = tpu.memref_squeeze %dma_start3A_344 : memref<1x!tpu.dma_semaphore, #tpu.memory_space<semaphore_mem>> -> memref<!tpu.dma_semaphore, #tpu.memory_space<semaphore_mem>>
        tpu.enqueue_indirect_dma source(%dma_start3A_337 : memref<16x128xf32, #tpu.memory_space<vmem>>) target(%dma_start3A_343 : memref<16400x128xf32, #tpu.memory_space<hbm>>) offsets(%dma_start3A_340 : memref<16xi32, #tpu.memory_space<vmem>>) semaphore(%dma_start3A_345 : memref<!tpu.dma_semaphore, #tpu.memory_space<semaphore_mem>>)
        %add3A_346 = arith.constant 1 : i32
        %add3A_347 = arith.addi %while3A_210, %add3A_346 : i32
        scf.yield %add3A_347 : i32
      }
      scf.yield %while3A_208 : i32
    }
    %scan3A_79 = arith.constant 16 : i32
    %min3A_80 = arith.constant 6 : i32
    %min3A_81 = arith.minsi %scan3A_78, %min3A_80 : i32
    %while3A_82 = arith.constant 0 : i32
    %while3A_83 = arith.constant 0 : i32
    %while3A_84 = arith.subi %min3A_81, %while3A_83 : i32
    %while3A_85 = arith.addi %while3A_83, %while3A_84 : i32
    %while3A_86 = arith.constant 1 : i32
    %while3A_87 = arith.divsi %while3A_84, %while3A_86 : i32
    %while3A_88 = arith.muli %while3A_87, %while3A_86 : i32
    %while3A_89 = arith.addi %while3A_83, %while3A_88 : i32
    %while3A_90 = arith.constant 1 : i32
    scf.for %while3A_92 = %while3A_83 to %while3A_89 step %while3A_90  : i32 {
      %dma_wait3A = arith.constant 0 : i32
      %dma_wait3A_93 = arith.constant 0 : i32
      %dma_wait3A_94 = tpu.memref_slice %arg13[%while3A_92, %dma_wait3A, %dma_wait3A_93] : memref<6x16x128xf32, #tpu.memory_space<vmem>> -> memref<1x16x128xf32, #tpu.memory_space<vmem>>
      %dma_wait3A_95 = tpu.memref_squeeze %dma_wait3A_94 : memref<1x16x128xf32, #tpu.memory_space<vmem>> -> memref<16x128xf32, #tpu.memory_space<vmem>>
      %dma_wait3A_96 = arith.constant 0 : i32
      %dma_wait3A_97 = tpu.memref_slice %arg14[%while3A_92, %dma_wait3A_96] : memref<6x16xi32, #tpu.memory_space<vmem>> -> memref<1x16xi32, #tpu.memory_space<vmem>>
      %dma_wait3A_98 = tpu.memref_squeeze %dma_wait3A_97 : memref<1x16xi32, #tpu.memory_space<vmem>> -> memref<16xi32, #tpu.memory_space<vmem>>
      %dma_wait3A_99 = arith.constant 0 : i32
      %dma_wait3A_100 = arith.constant 0 : i32
      %dma_wait3A_101 = tpu.memref_slice %arg7[%dma_wait3A_99, %dma_wait3A_100] : memref<16400x128xf32, #tpu.memory_space<hbm>> -> memref<16400x128xf32, #tpu.memory_space<hbm>>
      %dma_wait3A_102 = tpu.memref_slice %arg15[%while3A_92] : memref<6x!tpu.dma_semaphore, #tpu.memory_space<semaphore_mem>> -> memref<1x!tpu.dma_semaphore, #tpu.memory_space<semaphore_mem>>
      %dma_wait3A_103 = tpu.memref_squeeze %dma_wait3A_102 : memref<1x!tpu.dma_semaphore, #tpu.memory_space<semaphore_mem>> -> memref<!tpu.dma_semaphore, #tpu.memory_space<semaphore_mem>>
      tpu.wait_indirect_dma semaphore(%dma_wait3A_103 : memref<!tpu.dma_semaphore, #tpu.memory_space<semaphore_mem>>) src(%dma_wait3A_95 : memref<16x128xf32, #tpu.memory_space<vmem>>) dst(%dma_wait3A_101 : memref<16400x128xf32, #tpu.memory_space<hbm>>)
    }
    %while3A_91 = arith.constant 1 : i32
    scf.for %while3A_92 = %while3A_89 to %while3A_85 step %while3A_91  : i32 {
      %dma_wait3A = arith.constant 0 : i32
      %dma_wait3A_93 = arith.constant 0 : i32
      %dma_wait3A_94 = tpu.memref_slice %arg13[%while3A_92, %dma_wait3A, %dma_wait3A_93] : memref<6x16x128xf32, #tpu.memory_space<vmem>> -> memref<1x16x128xf32, #tpu.memory_space<vmem>>
      %dma_wait3A_95 = tpu.memref_squeeze %dma_wait3A_94 : memref<1x16x128xf32, #tpu.memory_space<vmem>> -> memref<16x128xf32, #tpu.memory_space<vmem>>
      %dma_wait3A_96 = arith.constant 0 : i32
      %dma_wait3A_97 = tpu.memref_slice %arg14[%while3A_92, %dma_wait3A_96] : memref<6x16xi32, #tpu.memory_space<vmem>> -> memref<1x16xi32, #tpu.memory_space<vmem>>
      %dma_wait3A_98 = tpu.memref_squeeze %dma_wait3A_97 : memref<1x16xi32, #tpu.memory_space<vmem>> -> memref<16xi32, #tpu.memory_space<vmem>>
      %dma_wait3A_99 = arith.constant 0 : i32
      %dma_wait3A_100 = arith.constant 0 : i32
      %dma_wait3A_101 = tpu.memref_slice %arg7[%dma_wait3A_99, %dma_wait3A_100] : memref<16400x128xf32, #tpu.memory_space<hbm>> -> memref<16400x128xf32, #tpu.memory_space<hbm>>
      %dma_wait3A_102 = tpu.memref_slice %arg15[%while3A_92] : memref<6x!tpu.dma_semaphore, #tpu.memory_space<semaphore_mem>> -> memref<1x!tpu.dma_semaphore, #tpu.memory_space<semaphore_mem>>
      %dma_wait3A_103 = tpu.memref_squeeze %dma_wait3A_102 : memref<1x!tpu.dma_semaphore, #tpu.memory_space<semaphore_mem>> -> memref<!tpu.dma_semaphore, #tpu.memory_space<semaphore_mem>>
      tpu.wait_indirect_dma semaphore(%dma_wait3A_103 : memref<!tpu.dma_semaphore, #tpu.memory_space<semaphore_mem>>) src(%dma_wait3A_95 : memref<16x128xf32, #tpu.memory_space<vmem>>) dst(%dma_wait3A_101 : memref<16400x128xf32, #tpu.memory_space<hbm>>)
    }
    return
  }
}

module attributes {stable_mosaic.version = 14 : i64} {
  func.func @_mlp_body(%arg0: i32, %arg1: memref<2048x128xf32, #tpu.memory_space<vmem>>, %arg2: memref<2048x128xf32, #tpu.memory_space<vmem>>, %arg3: memref<128x256xf32, #tpu.memory_space<vmem>>, %arg4: memref<128x256xf32, #tpu.memory_space<vmem>>, %arg5: memref<1x256xf32, #tpu.memory_space<vmem>>, %arg6: memref<256x64xf32, #tpu.memory_space<vmem>>, %arg7: memref<1x64xf32, #tpu.memory_space<vmem>>, %arg8: memref<64x1xf32, #tpu.memory_space<vmem>>, %arg9: memref<1x1xf32, #tpu.memory_space<vmem>>, %arg10: memref<2048x1xf32, #tpu.memory_space<vmem>>) attributes {dimension_semantics = [#tpu.dimension_semantics<arbitrary>], iteration_bounds = array<i64: 8>, scalar_prefetch = 0 : i64, scratch_operands = 0 : i64, tpu.core_type = #tpu.core_type<tc>, window_params = [{transform_indices = @transform_0, window_bounds = array<i64: 2048, 128>}, {transform_indices = @transform_1, window_bounds = array<i64: 2048, 128>}, {pipeline_mode = #tpu.pipeline_mode<synchronous>, transform_indices = @transform_2, window_bounds = array<i64: 128, 256>}, {pipeline_mode = #tpu.pipeline_mode<synchronous>, transform_indices = @transform_3, window_bounds = array<i64: 128, 256>}, {pipeline_mode = #tpu.pipeline_mode<synchronous>, transform_indices = @transform_4, window_bounds = array<i64: 1, 256>}, {pipeline_mode = #tpu.pipeline_mode<synchronous>, transform_indices = @transform_5, window_bounds = array<i64: 256, 64>}, {pipeline_mode = #tpu.pipeline_mode<synchronous>, transform_indices = @transform_6, window_bounds = array<i64: 1, 64>}, {pipeline_mode = #tpu.pipeline_mode<synchronous>, transform_indices = @transform_7, window_bounds = array<i64: 64, 1>}, {pipeline_mode = #tpu.pipeline_mode<synchronous>, transform_indices = @transform_8, window_bounds = array<i64: 1, 1>}, {transform_indices = @transform_9, window_bounds = array<i64: 2048, 1>}]} {
    %get3A = arith.constant 0 : index
    %get3A_0 = arith.constant 0 : index
    %get3A_1 = vector.load %arg1[%get3A, %get3A_0] : memref<2048x128xf32, #tpu.memory_space<vmem>>, vector<2048x128xf32>
    %get3A_2 = arith.constant 0 : index
    %get3A_3 = arith.constant 0 : index
    %get3A_4 = vector.load %arg3[%get3A_2, %get3A_3] : memref<128x256xf32, #tpu.memory_space<vmem>>, vector<128x256xf32>
    %dot_general3A = arith.constant dense<0.000000e+00> : vector<2048x256xf32>
    %dot_general3A_5 = tpu.matmul %get3A_1, %get3A_4, %dot_general3A {dimension_numbers = #tpu.dot_dimension_numbers<[1], [0], [0], [1], [0, 0, 1, 1], [], []>, transpose_lhs_hint = false} : vector<2048x128xf32>, vector<128x256xf32>, vector<2048x256xf32> -> vector<2048x256xf32>
    %get3A_6 = arith.constant 0 : index
    %get3A_7 = arith.constant 0 : index
    %get3A_8 = vector.load %arg2[%get3A_6, %get3A_7] : memref<2048x128xf32, #tpu.memory_space<vmem>>, vector<2048x128xf32>
    %get3A_9 = arith.constant 0 : index
    %get3A_10 = arith.constant 0 : index
    %get3A_11 = vector.load %arg4[%get3A_9, %get3A_10] : memref<128x256xf32, #tpu.memory_space<vmem>>, vector<128x256xf32>
    %dot_general3A_12 = arith.constant dense<0.000000e+00> : vector<2048x256xf32>
    %dot_general3A_13 = tpu.matmul %get3A_8, %get3A_11, %dot_general3A_12 {dimension_numbers = #tpu.dot_dimension_numbers<[1], [0], [0], [1], [0, 0, 1, 1], [], []>, transpose_lhs_hint = false} : vector<2048x128xf32>, vector<128x256xf32>, vector<2048x256xf32> -> vector<2048x256xf32>
    %add3A = arith.addf %dot_general3A_5, %dot_general3A_13 : vector<2048x256xf32>
    %get3A_14 = arith.constant 0 : index
    %get3A_15 = arith.constant 0 : index
    %get3A_16 = vector.load %arg5[%get3A_14, %get3A_15] : memref<1x256xf32, #tpu.memory_space<vmem>>, vector<1x256xf32>
    %add3A_17 = vector.broadcast %get3A_16 : vector<1x256xf32> to vector<2048x256xf32>
    %add3A_18 = arith.addf %add3A, %add3A_17 : vector<2048x256xf32>
    %max3A = arith.constant 0.000000e+00 : f32
    %max3A_19 = vector.broadcast %max3A : f32 to vector<2048x256xf32>
    %max3A_20 = arith.maximumf %add3A_18, %max3A_19 : vector<2048x256xf32>
    %get3A_21 = arith.constant 0 : index
    %get3A_22 = arith.constant 0 : index
    %get3A_23 = vector.load %arg6[%get3A_21, %get3A_22] : memref<256x64xf32, #tpu.memory_space<vmem>>, vector<256x64xf32>
    %dot_general3A_24 = arith.constant dense<0.000000e+00> : vector<2048x64xf32>
    %dot_general3A_25 = tpu.matmul %max3A_20, %get3A_23, %dot_general3A_24 {dimension_numbers = #tpu.dot_dimension_numbers<[1], [0], [0], [1], [0, 0, 1, 1], [], []>, transpose_lhs_hint = false} : vector<2048x256xf32>, vector<256x64xf32>, vector<2048x64xf32> -> vector<2048x64xf32>
    %get3A_26 = arith.constant 0 : index
    %get3A_27 = arith.constant 0 : index
    %get3A_28 = vector.load %arg7[%get3A_26, %get3A_27] : memref<1x64xf32, #tpu.memory_space<vmem>>, vector<1x64xf32>
    %add3A_29 = vector.broadcast %get3A_28 : vector<1x64xf32> to vector<2048x64xf32>
    %add3A_30 = arith.addf %dot_general3A_25, %add3A_29 : vector<2048x64xf32>
    %max3A_31 = arith.constant 0.000000e+00 : f32
    %max3A_32 = vector.broadcast %max3A_31 : f32 to vector<2048x64xf32>
    %max3A_33 = arith.maximumf %add3A_30, %max3A_32 : vector<2048x64xf32>
    %get3A_34 = arith.constant 0 : index
    %get3A_35 = arith.constant 0 : index
    %get3A_36 = vector.load %arg8[%get3A_34, %get3A_35] : memref<64x1xf32, #tpu.memory_space<vmem>>, vector<64x1xf32>
    %dot_general3A_37 = arith.constant dense<0.000000e+00> : vector<2048x1xf32>
    %dot_general3A_38 = tpu.matmul %max3A_33, %get3A_36, %dot_general3A_37 {dimension_numbers = #tpu.dot_dimension_numbers<[1], [0], [0], [1], [0, 0, 1, 1], [], []>, transpose_lhs_hint = false} : vector<2048x64xf32>, vector<64x1xf32>, vector<2048x1xf32> -> vector<2048x1xf32>
    %get3A_39 = arith.constant 0 : index
    %get3A_40 = arith.constant 0 : index
    %get3A_41 = vector.load %arg9[%get3A_39, %get3A_40] : memref<1x1xf32, #tpu.memory_space<vmem>>, vector<1x1xf32>
    %add3A_42 = vector.broadcast %get3A_41 : vector<1x1xf32> to vector<2048x1xf32>
    %add3A_43 = arith.addf %dot_general3A_38, %add3A_42 : vector<2048x1xf32>
    %swap3A = arith.constant 0 : index
    %swap3A_44 = arith.constant 0 : index
    %swap3A_45 = vector.load %arg10[%swap3A, %swap3A_44] : memref<2048x1xf32, #tpu.memory_space<vmem>>, vector<2048x1xf32>
    tpu.vector_store %arg10[%swap3A, %swap3A_44], %add3A_43 {strides = array<i32>} : memref<2048x1xf32, #tpu.memory_space<vmem>>, vector<2048x1xf32>,
    return
  }
  func.func @transform_0(%arg0: i32) -> (i32, i32) {
    %c0_i32 = arith.constant 0 : i32
    %c0_i32_0 = arith.constant 0 : i32
    return %arg0, %c0_i32 : i32, i32
  }
  func.func @transform_1(%arg0: i32) -> (i32, i32) {
    %c0_i32 = arith.constant 0 : i32
    %c0_i32_0 = arith.constant 0 : i32
    return %arg0, %c0_i32 : i32, i32
  }
  func.func @transform_2(%arg0: i32) -> (i32, i32) {
    %c0_i32 = arith.constant 0 : i32
    %c0_i32_0 = arith.constant 0 : i32
    %c0_i32_1 = arith.constant 0 : i32
    return %c0_i32, %c0_i32_0 : i32, i32
  }
  func.func @transform_3(%arg0: i32) -> (i32, i32) {
    %c0_i32 = arith.constant 0 : i32
    %c0_i32_0 = arith.constant 0 : i32
    %c0_i32_1 = arith.constant 0 : i32
    return %c0_i32, %c0_i32_0 : i32, i32
  }
  func.func @transform_4(%arg0: i32) -> (i32, i32) {
    %c0_i32 = arith.constant 0 : i32
    %c0_i32_0 = arith.constant 0 : i32
    %c0_i32_1 = arith.constant 0 : i32
    return %c0_i32, %c0_i32_0 : i32, i32
  }
  func.func @transform_5(%arg0: i32) -> (i32, i32) {
    %c0_i32 = arith.constant 0 : i32
    %c0_i32_0 = arith.constant 0 : i32
    %c0_i32_1 = arith.constant 0 : i32
    return %c0_i32, %c0_i32_0 : i32, i32
  }
  func.func @transform_6(%arg0: i32) -> (i32, i32) {
    %c0_i32 = arith.constant 0 : i32
    %c0_i32_0 = arith.constant 0 : i32
    %c0_i32_1 = arith.constant 0 : i32
    return %c0_i32, %c0_i32_0 : i32, i32
  }
  func.func @transform_7(%arg0: i32) -> (i32, i32) {
    %c0_i32 = arith.constant 0 : i32
    %c0_i32_0 = arith.constant 0 : i32
    %c0_i32_1 = arith.constant 0 : i32
    return %c0_i32, %c0_i32_0 : i32, i32
  }
  func.func @transform_8(%arg0: i32) -> (i32, i32) {
    %c0_i32 = arith.constant 0 : i32
    %c0_i32_0 = arith.constant 0 : i32
    %c0_i32_1 = arith.constant 0 : i32
    return %c0_i32, %c0_i32_0 : i32, i32
  }
  func.func @transform_9(%arg0: i32) -> (i32, i32) {
    %c0_i32 = arith.constant 0 : i32
    %c0_i32_0 = arith.constant 0 : i32
    return %arg0, %c0_i32 : i32, i32
  }
}

</mosaic_0001>

<sc_bundles>
// kernel: kernel.4.cloned.1.call-start
scs
__scs_entry_jumppad:
0x0: {  	(pc) =	sbr.rel $0x88, $3  }
0x1: {  	(tag) =	ssettag $0x0;
	lr =	simm.s32 $0x1  }
0x2: {  	[smem:$0x3F97] =	sst lr;
	_ =	strace $0xD0000000  }
0x3: {  	_ = 	snop  }
0x4: {  	_ = 	snop  }
0x5: {  	_ = 	snop  }
0x6: {  	_ = 	snop  }
0x7: {  	_ = 	snop  }
__scs_overlays_trampoline_lowered:
0x8: {  	[smem:$0x3FA6] =	sst s0  }
0x9: {  	[smem:$0x3FA7] =	sst s1  }
0xa: {  	[smem:$0x3FA8] =	sst s2  }
0xb: {  	[smem:$0x3FA9] =	sst s3  }
0xc: {  	[smem:$0x3FAA] =	sst s4  }
0xd: {  	[smem:$0x3FAB] =	sst s5  }
0xe: {  	[smem:$0x3FAC] =	sst s6  }
0xf: {  	[smem:$0x3FAD] =	sst s7  }
0x10: {  	[smem:$0x3FAE] =	sst s8  }
0x11: {  	[smem:$0x3FAF] =	sst s9;
	s0 =	simm.s32 @!p0 $0x0  }
0x12: {  	s1 =	sld [smem:$0x3F95];
	s0 =	simm.s32 @p0 $0x1  }
0x13: {  	[smem:$0x3FB0] =	sst s0;
	s0 =	simm.s32 @!p1 $0x0  }
0x14: {  	s2 =	sld [smem:$0x3F94];
	s0 =	simm.s32 @p1 $0x1  }
0x15: {  	[smem:$0x3FB1] =	sst s0;
	s0 =	simm.s32 @!p2 $0x0  }
0x16: {  	s3 =	sld [smem:$0x3FDB];
	s0 =	simm.s32 @p2 $0x1  }
0x17: {  	s4 =	simm.s32 $0x1BF5;
	[smem:$0x3FB3] =	sst s0  }
0x18: {  	s0 =	sld [smem:$0x3F96];
	_ =	swait.ge [sflag:s4], $0x0  }
0x19: {  	s7 =	sld [smem:$0x3F97]  }
0x1a: {  	s8 =	sadd.s32 $0xFFFFE003, lr  }
0x1b: {  	s9 =	sadd.s32 $0xFFFFFEF7, lr;
	s5 =	simm.s32 $0xFFFFFFFF;
	p2 =	slt.u32 s8, $0xFFFFF086  }
0x1c: {  	p1 =	slt.u32 s9, $0xF7A;
	s5 =	simm.s32 @!p2 $0x0  }
0x1d: {  	s5 =	simm.s32 @p1 $0x1;
	p0 =	seq.s32 s7, s2  }
0x1e: {  	s7 =	smul.u32 @!p0 $0xF7A, s2;
	p2 =	seq.s32 @!p0 s5, $0x0  }
0x1f: {  	s9 =	smul.u32 $0xF7A, s1;
	s8 =	simm.s32 @!p0 $0x1BF5;
	p2 =	por !p2, p0  }
0x20: {  	[sflag:s8] =	ssyncset.s32 @!p0 $0xFFFFF086;
	s6 =	sadd.s32 @!p0 s3, s7;
	s7 =	simm.s32 @!p0 $0x108  }
0x21: {  	s3 =	sadd.s32 s3, s9;
	s6 =	sadd.s32 @!p0 $0x88, s6;
	s7 =	simm.s32 @p2 $0x1082  }
0x22: {  	[simem:s7], [sflag:s8] =	dma.local @!p0 [hbm:s6], $0xF7A  }
0x23: {  	s9 =	sor.u32 $0xD0000000, s2;
	s6 =	simm.s32 $0x108;
	_ =	swait.ge @!p0 [sflag:s8], $0x0  }
0x24: {  	s3 =	sadd.s32 $0x88, s3;
	s6 =	simm.s32 @!p1 $0x1082;
	[sflag:s4] =	ssyncset.s32 $0xFFFFF086  }
0x25: {  	[simem:s6], [sflag:s4] =	dma.local [hbm:s3], $0xF7A  }
0x26: {  	[smem:$0x3F97] =	sst s1;
	(tag) =	ssettag s2;
	_ =	strace s9  }
0x27: {  	s1 =	sld [smem:$0x3FA7]  }
0x28: {  	s2 =	sld [smem:$0x3FA8]  }
0x29: {  	s4 =	sld [smem:$0x3FAA]  }
0x2a: {  	p0 =	seq.s32 s5, $0x0;
	s5 =	sld [smem:$0x3FAB]  }
0x2b: {  	s6 =	sld [smem:$0x3FAC]  }
0x2c: {  	s7 =	sld [smem:$0x3FAD]  }
0x2d: {  	s3 =	simm.s32 $0x108;
	s8 =	sld [smem:$0x3FAE]  }
0x2e: {  	s3 =	simm.s32 @!p0 $0x1082;
	s9 =	sld [smem:$0x3FAF]  }
0x2f: {  	lr =	sadd.s32 s0, s3;
	s0 =	sld [smem:$0x3FA6]  }
0x30: {  	s3 =	sld [smem:$0x3FA9]  }
0x31: {  	[smem:$0x3FB2] =	sst s10  }
0x32: {  	s10 =	sld [smem:$0x3FB0];
	_ =	sdelay $0x3  }
0x33: {  	p0 =	seq.s32 s10, $0x1;
	s10 =	sld [smem:$0x3FB2];
	_ =	sdelay $0x3  }
0x34: {  	[smem:$0x3FB2] =	sst s10  }
0x35: {  	s10 =	sld [smem:$0x3FB1];
	_ =	sdelay $0x3  }
0x36: {  	p1 =	seq.s32 s10, $0x1;
	s10 =	sld [smem:$0x3FB2];
	_ =	sdelay $0x3  }
0x37: {  	[smem:$0x3FB2] =	sst s10  }
0x38: {  	s10 =	sld [smem:$0x3FB3]  }
0x39: {  	_ = 	snop;
	(pc) =	sbr.ind lr, $3  }
0x3a: {  	_ = 	snop  }
0x3b: {  	_ = 	snop  }
0x3c: {  	p2 =	seq.s32 s10, $0x1;
	s10 =	sld [smem:$0x3FB2]  }
0x3d: {  	_ =	shalt  }
0x3e: {  	_ =	shalt  }
0x3f: {  	_ =	shalt  }
0x40: {  	_ =	shalt  }
0x41: {  	_ =	shalt  }
0x42: {  	_ =	shalt  }
0x43: {  	_ =	shalt  }
0x44: {  	_ =	shalt  }
0x45: {  	_ =	shalt  }
0x46: {  	_ =	shalt  }
0x47: {  	_ =	shalt  }
0x48: {  	_ =	shalt  }
0x49: {  	_ =	shalt  }
0x4a: {  	_ =	shalt  }
0x4b: {  	_ =	shalt  }
0x4c: {  	_ =	shalt  }
0x4d: {  	_ =	shalt  }
0x4e: {  	_ =	shalt  }
0x4f: {  	_ =	shalt  }
0x50: {  	_ =	shalt  }
0x51: {  	_ =	shalt  }
0x52: {  	_ =	shalt  }
0x53: {  	_ =	shalt  }
0x54: {  	_ =	shalt  }
0x55: {  	_ =	shalt  }
0x56: {  	_ =	shalt  }
0x57: {  	_ =	shalt  }
0x58: {  	_ =	shalt  }
0x59: {  	_ =	shalt  }
0x5a: {  	_ =	shalt  }
0x5b: {  	_ =	shalt  }
0x5c: {  	_ =	shalt  }
0x5d: {  	_ =	shalt  }
0x5e: {  	_ =	shalt  }
0x5f: {  	_ =	shalt  }
0x60: {  	_ =	shalt  }
0x61: {  	_ =	shalt  }
0x62: {  	_ =	shalt  }
0x63: {  	_ =	shalt  }
0x64: {  	_ =	shalt  }
0x65: {  	_ =	shalt  }
0x66: {  	_ =	shalt  }
0x67: {  	_ =	shalt  }
0x68: {  	_ =	shalt  }
0x69: {  	_ =	shalt  }
0x6a: {  	_ =	shalt  }
0x6b: {  	_ =	shalt  }
0x6c: {  	_ =	shalt  }
0x6d: {  	_ =	shalt  }
0x6e: {  	_ =	shalt  }
0x6f: {  	_ =	shalt  }
0x70: {  	_ =	shalt  }
0x71: {  	_ =	shalt  }
0x72: {  	_ =	shalt  }
0x73: {  	_ =	shalt  }
0x74: {  	_ =	shalt  }
0x75: {  	_ =	shalt  }
0x76: {  	_ =	shalt  }
0x77: {  	_ =	shalt  }
0x78: {  	_ =	shalt  }
0x79: {  	_ =	shalt  }
0x7a: {  	_ =	shalt  }
0x7b: {  	_ =	shalt  }
0x7c: {  	_ =	shalt  }
0x7d: {  	_ =	shalt  }
0x7e: {  	_ =	shalt  }
0x7f: {  	_ =	shalt  }
0x80: {  	_ =	shalt  }
0x81: {  	_ =	shalt  }
0x82: {  	_ =	shalt  }
0x83: {  	_ =	shalt  }
0x84: {  	_ =	shalt  }
0x85: {  	_ =	shalt  }
0x86: {  	_ =	shalt  }
0x87: {  	_ =	shalt  }
.Lfunc_end0:
.L_simem_size_0:
called_computation_lowered:
.L_overlay_start_0:
0x88: {  	s2 =	sld [smem:$0x3FD9]  }
0x89: {  	s3 =	sld [smem:$0x3FFE];
	_ =	sdelay $0x1  }
0x8a: {  	s1 =	srdreg.scid  }
0x8b: {  	s0 =	sand.u32 $0x1, s1  }
0x8c: {  	s17 =	sshll.u32 s0, $0xA;
	s2 =	sadd.s32 s3, s2  }
0x8d: {  	s2 =	sadd.s32 s2, s17  }
0x8e: {  	[smem:$0x3FBE] =	sst s2  }
0x8f: {  	_ = 	snop  }
0x90: {  	s2 =	sld [smem:$0x3FC9]  }
0x91: {  	s18 =	sld [smem:$0x3FC8]  }
0x92: {  	s4 =	sld [smem:$0x3FC7]  }
0x93: {  	s5 =	sld [smem:$0x3FC6];
	(tm) =	ssettm $0x1  }
0x94: {  	s6 =	sld [smem:$0x3FFB];
	_ =	sdelay $0x3  }
0x95: {  	_ =	strace s6  }
0x96: {  	s6 =	sld [smem:$0x3FFC];
	_ =	sdelay $0x3  }
0x97: {  	_ =	strace s6  }
0x98: {  	s6 =	sld [smem:$0x3FFD];
	_ =	sdelay $0x3  }
0x99: {  	_ =	strace s6  }
0x9a: {  	_ =	strace $0x8FFFFFFF  }
0x9b: {  	s19 =	sld [smem:$0x3FDB];
	_ =	sdelay $0x1  }
0x9c: {  	s7 =	simm.s32 $_scs_section_size  }
0x9d: {  	s8 =	simm.s32 $_size__tile_overlayer_lowered;
	s9 =	simm.s32 $_tile_overlayer_lowered  }
0x9e: {  	s22 =	simm.s32 $0x1BFF;
	s21 =	sshll.u32 s9, $0x1;
	s6 =	sadd.s32 s7, s19  }
0x9f: {  	s10 =	simm.s32 $0x0;
	s20 =	sshll.u32 s8, $0x1;
	s8 =	sadd.s32 s21, s6  }
0xa0: {  	[timem:s10], [sflag:s22] =	dma.local [hbm:s8], s20  }
0xa1: {  	_ =	swait.ge [sflag:s22], s20  }
0xa2: {  	s7 =	ssub.s32 $0x0, s20;
	[sflag:s22] =	ssyncset.done $0x0  }
0xa3: {  	[sflag:s22] =	ssyncadd.s32 s7;
	_ =	sdelay $0x1  }
0xa4: {  	s23 =	simm.s32 $0x1B8B  }
0xa5: {  	_ =	swait.ge [sflag:s23], $0x1  }
0xa6: {  	[sflag:s23] =	ssyncset.done $0x0  }
0xa7: {  	s25 =	simm.s32 $0x1B8E;
	s24 =	sld [smem:$0x3FFE];
	[sflag:s23] =	ssyncadd.s32 $0xFFFFFFFF  }
0xa8: {  	s26 =	simm.s32 $execute0_lowered;
	[smem:$0x3FD2] =	sst s25  }
0xa9: {  	s8 =	sshll.u32 s26, $0x1;
	_ =	strace $0x80000046;
	[dreg:$0x1] =	wrdreg $0xFFFFFFFF  }
0xaa: {  	s28 =	simm.s32 $_size_execute0_lowered;
	s6 =	sadd.s32 s6, s8;
	[dreg:$0x0] =	wrdreg $0x0  }
0xab: {  	s8 =	sshll.u32 s28, $0x1;
	[dreg:$0x2] =	wrdreg s6  }
0xac: {  	[dreg:$0x3] =	wrdreg s8  }
0xad: {  	[dreg:$0x4] =	wrdreg $0xC0  }
0xae: {  	_ =	task [dreg:s10], $0x5FFFF  }
0xaf: {  	[dreg:$0x1] =	wrdreg $0xFFFFFFFF  }
0xb0: {  	[dreg:$0x0] =	wrdreg $0x60  }
0xb1: {  	[dreg:$0x2] =	wrdreg s2  }
0xb2: {  	[dreg:$0x3] =	wrdreg s18  }
0xb3: {  	[dreg:$0x4] =	wrdreg s4  }
0xb4: {  	[dreg:$0x5] =	wrdreg s5  }
0xb5: {  	[dreg:$0x6] =	wrdreg s24  }
0xb6: {  	[dreg:$0x7] =	wrdreg $0x9  }
0xb7: {  	_ =	task.clear_ibuf [dreg:s10], $0x8FFFF;
	_ =	strace $0x90000046  }
0xb8: {  	s29 =	simm.s32 $0x9;
	_ =	strace $0x80000048  }
0xb9: {  	_ =	swait.ge [sflag:s29], $0x1  }
0xba: {  	[sflag:s29] =	ssyncadd.s32 $0xFFFFFFFF  }
0xbb: {  	_ =	strace $0x90000048  }
0xbc: {  	_ =	sfence  }
0xbd: {  	s30 =	sld [smem:$0x0];
	_ =	sdelay $0x2  }
0xbe: {  	s31 =	sshll.u32 s1, $0xD;
	s1 =	sshrl.u32 s1, $0x2  }
0xbf: {  	s3 =	sand.u32 $0x4000, s31;
	s1 =	sadd.s32 s1, s30  }
0xc0: {  	s0 =	sor.u32 s3, s0;
	s1 =	sshll.u32 s1, $0x11  }
0xc1: {  	s0 =	sor.u32 s1, s0  }
0xc2: {  	s0 =	sadd.s32 $0x8F2B, s0  }
0xc3: {  	[sflag:s0] =	ssyncadd.remote.s32 $0x1  }
0xc4: {  	_ =	sfence.sel $0xFFFF  }
0xc5: {  	[dreg:$0x0] =	wrdreg $0xFFFFFFFF;
	(pc) =	sbr.abs _section_cstart, $3  }
0xc6: {  	[dreg:$0x1] =	wrdreg $0xFFFFFFFF  }
0xc7: {  	_ =	task.clear_ibuf [dreg:s10], $0x2FFFF;
	_ =	strace $0x9FFFFFFF  }
0xc8: {  	(tm) =	ssettm $0x7FFFFFFF  }
0xc9: {  	_ =	shalt  }
tec
execute0_lowered:
.L_overlay_start_1:
0x0: {  	(tag) =	ssettag $0x1  }
0x1: {  	v0 =	vlaneseq.u32  }
0x2: {  	s0 =	srdreg.scid;
	s4 =	rddreg [dreg:$0x2];
	v1 =	vmul.u32 $0x80, v0  }
0x3: {  	s1 =	stileid.u32;
	v4 =	vimm.f32 $0.0e+00;
	s5 =	rddreg [dreg:$0x3];
	v5 =	vimm.s32 $0x100000;
	v6 =	vimm.s32 $0x4000  }
0x4: {  	s29 =	rddreg [dreg:$0x4];
	s7 =	simm.s32 $0x0;
	s15 =	simm.s32 $0x2000;
	v7 =	vor.u32 $0x1, v1;
	v8 =	vor.u32 $0x2, v1;
	v9 =	vor.u32 $0x3, v1  }
0x5: {  	s17 =	simm.s32 $0x7A1400;
	s18 =	simm.s32 $0xC180;
	s19 =	simm.s32 $0x7;
	v10 =	vor.u32 $0x4, v1;
	v11 =	vor.u32 $0x5, v1;
	v12 =	vor.u32 $0x6, v1  }
0x6: {  	s20 =	simm.s32 $0x14180;
	s21 =	simm.s32 $0x1C180;
	s22 =	simm.s32 $0x10;
	v13 =	vor.u32 $0x7, v1;
	v14 =	vor.u32 $0x8, v1;
	v15 =	vor.u32 $0x9, v1  }
0x7: {  	s23 =	simm.s32 $0x8;
	s0 =	sand.u32 $0x1, s0;
	s1 =	sshll.u32 s1, $0x10;
	v16 =	vor.u32 $0xA, v1;
	v17 =	vor.u32 $0xB, v1;
	v18 =	vor.u32 $0xC, v1  }
0x8: {  	[smem:$0x7FF] =	sst s7;
	s8 =	sadd.s32 $0x1600, s29;
	s2 =	sshll.u32 s0, $0xF;
	v19 =	vor.u32 $0xD, v1;
	v20 =	vor.u32 $0xE, v1;
	v21 =	vor.u32 $0xF, v1  }
0x9: {  	s9 =	sadd.s32 $0x41800, s29;
	_ =	strace $0x80000047;
	s2 =	sor.u32 s2, s1;
	v22 =	vor.u32 $0x10, v1;
	v23 =	vor.u32 $0x11, v1;
	v24 =	vor.u32 $0x12, v1  }
.Ltmp0:
0xa: {  	s0 =	ssub.s32 $0x2, s0;
	v25 =	vor.u32 $0x13, v1;
	v26 =	vor.u32 $0x14, v1;
	v27 =	vor.u32 $0x15, v1;
	s30 =	smin.u32 s2, $0xF3E80;
	(pc) =	sbr.rel .LBB2_1-.Ltmp0, $4  }
0xb: {  	s3 =	sshrl.u32 s0, $0x1;
	v28 =	vor.u32 $0x16, v1;
	v29 =	vor.u32 $0x17, v1;
	v30 =	vor.u32 $0x18, v1;
	s1 =	sadd.s32 $0x8000, s2;
	s31 =	sadd.s32 s4, s30  }
0xc: {  	v31 =	vor.u32 $0x19, v1;
	v32 =	vor.u32 $0x1A, v1;
	s0 =	ssub.s32 s0, s3;
	v3 =	vmov s1;
	s1 =	sadd.s32 s5, s30;
	[dreg:$0x6] =	wrdreg s31  }
0xd: {  	v33 =	vor.u32 $0x1B, v1;
	v34 =	vor.u32 $0x1C, v1;
	v35 =	vor.u32 $0x1D, v1;
	s11 =	sor.u32 $0x400, s2;
	s0 =	smax.u32 s0, $0x1;
	[dreg:$0x7] =	wrdreg s1  }
0xe: {  	v36 =	vor.u32 $0x1E, v1;
	v37 =	vor.u32 $0x1F, v1;
	v2 =	vmov s2;
	s12 =	sor.u32 $0x800, s2;
	[dreg:$0x8] =	wrdreg s0;
	s1 =	simm.s32 $0x0  }
.LBB2_70:
0xf: {  	[sflag:s0] =	ssyncadd.s32 $0xFFFFF800;
	s1 =	rddreg [dreg:$0x9]  }
.LBB2_71:
0x10: {  	s1 =	sadd.s32 $0x1, s1;
	s0 =	rddreg [dreg:$0x8]  }
0x11: {  	p0 =	sne.s32 s1, s0  }
.Ltmp1:
0x12: {  	_ = 	snop;
	(pc) =	sbr.rel @!p0 .LBB2_72-.Ltmp1, $1  }
0x13: {  	_ =	sdelay $0x3  }
.LBB2_1:
0x14: {  	[dreg:$0x9] =	wrdreg s1;
	s0 =	simm.s32 $0x10;
	s1 =	sand.u32 $0x3FF0, s7  }
.LBB2_2:
0x15: {  	p0 =	sne.s32 s0, $0x2FF0;
	[tilespmem:s1+$0x1C180] =	vst v4;
	s1 =	smov.u32 s0;
	s0 =	sadd.s32 $0x10, s0  }
.Ltmp2:
0x16: {  	(pc) =	sbr.rel @p0 .LBB2_2-.Ltmp2, $2  }
0x17: {  	_ =	sdelay $0x2  }
0x18: {  	s1 =	sand.u32 $0x3FF0, s1  }
0x19: {  	[tilespmem:s1+$0x1C180] =	vst v4;
	s0 =	simm.s32 $0x0;
	s30 =	rddreg [dreg:$0x0];
	s31 =	simm.s32 $0x9  }
0x1a: {  	[tilespmem:s0], [sflag:$0x9] =	stream.linear.gather [hbm4b:s30+s0], $0x4000, $0x38;
	[tilespmem:$0x1F580] =	vst v63  }
0x1b: {  	_ =	swait.ge [sflag:s31], $0x4000  }
0x1c: {  	[sflag:s31] =	ssyncset.done $0x0  }
0x1d: {  	[sflag:s31] =	ssyncadd.s32 $0xFFFFC000  }
0x1e: {  	[tilespmem:$0x4000] =	vst v5  }
0x1f: {  	v38 =	vld [tilespmem:s0+$0x0];
	_ =	sdelay $0x4  }
0x20: {  	vm0 =	vge.s32 v38, v2;
	vm1 =	vlt.s32 v38, v3  }
0x21: {  	vm0 =	vmand vm0, vm1  }
0x22: {  	v63 =	vmpcnt.ones.xlane vm0;
	_ =	sdelay $0x1  }
0x23: {  	(v2sf) =	vpush v63, $0x0;
	_ =	sdelay $0x4  }
0x24: {  	v39 =	vor.u32 s0, v0  }
0x25: {  	s1 =	simm.s32 $0x10;
	[tilespmem:s0+$0x4080] =	vst.msk vm0, v39  }
0x26: {  	s3 =	simm.s32 $0x20;
	s6 =	simm.s32 $0x10;
	v38 =	vld [tilespmem:s1+$0x0]  }
.LBB2_4:
0x27: {  	p0 =	sne.s32 s3, $0x3FF0;
	_ =	sdelay $0x3  }
0x28: {  	vm0 =	vge.s32 v38, v2;
	vm1 =	vlt.s32 v38, v3  }
0x29: {  	vm0 =	vmand vm0, vm1  }
0x2a: {  	v38 =	vmpcnt.ones.xlane vm0  }
0x2b: {  	s10 =	spop (v2sf)  }
0x2c: {  	v39 =	vor.u32 s1, v0;
	s1 =	smov.u32 s3;
	(v2sf) =	vpush v38, $0x0;
	s0 =	sadd.s32 s0, s10  }
0x2d: {  	[tilespmem:s0+$0x4080] =	vst.msk vm0, v39;
	_ =	sdelay $0x1  }
.Ltmp3:
0x2e: {  	(pc) =	sbr.rel @p0 .LBB2_4-.Ltmp3, $3  }
0x2f: {  	_ =	sdelay $0x1  }
0x30: {  	s6 =	sadd.s32 $0x10, s6  }
0x31: {  	s3 =	sadd.s32 $0x10, s3;
	v38 =	vld [tilespmem:s6+$0x0]  }
0x32: {  	_ =	sdelay $0x3  }
0x33: {  	vm0 =	vge.s32 v38, v2;
	vm1 =	vlt.s32 v38, v3  }
0x34: {  	vm0 =	vmand vm0, vm1  }
0x35: {  	v62 =	vmpcnt.ones.xlane vm0;
	_ =	sdelay $0x1  }
0x36: {  	(v2sf) =	vpush v62, $0x0;
	_ =	sdelay $0xd  }
0x37: {  	s3 =	spop (v2sf)  }
0x38: {  	v63 =	vor.u32 s1, v0;
	s0 =	sadd.s32 s0, s3;
	s30 =	spop (v2sf)  }
.Ltmp4:
0x39: {  	[tilespmem:s0+$0x4080] =	vst.msk vm0, v63;
	s0 =	sadd.s32 s0, s30;
	(pc) =	sbr.rel .LBB2_6-.Ltmp4, $4  }
0x3a: {  	s31 =	rddreg [dreg:$0x6];
	[tilespmem:s0+$0x4080] =	vst v6;
	s0 =	sadd.s32 $0xF, s0  }
0x3b: {  	[tilespmem:s18], [sflag:$0x7] =	stream.strided.gather [hbm4b:s31+s15], $0x8000, s17, s15, $0x38;
	[tilespmem:$0x1F580] =	vst v63  }
0x3c: {  	s26 =	sshra.s32 s0, $0x4  }
0x3d: {  	s25 =	simm.s32 $0x0;
	s28 =	simm.s32 $0x0;
	p0 =	sgt.s32 s26, $0x0  }
.LBB2_20:
0x3e: {  	[tilespmem:$0x8100] =	vst v6  }
.LBB2_32:
0x3f: {  	s28 =	sadd.s32 $0x1, s28  }
0x40: {  	p1 =	sne.s32 s28, $0x10  }
.Ltmp5:
0x41: {  	_ = 	snop;
	(pc) =	sbr.rel @!p1 .LBB2_33-.Ltmp5, $1  }
0x42: {  	_ =	sdelay $0x3  }
.LBB2_6:
.Ltmp6:
0x43: {  	s30 =	sshll.u32 s28, $0xB;
	(pc) =	sbr.rel @!p0 .LBB2_7-.Ltmp6, $4  }
0x44: {  	_ =	swait.ge [sflag:s19], $0x8000;
	s0 =	sadd.s32 s11, s30  }
0x45: {  	[sflag:s19] =	ssyncset.done $0x0;
	s29 =	smin.u32 s0, $0xF3E80  }
0x46: {  	[sflag:s19] =	ssyncadd.s32 $0xFFFF8000;
	s0 =	sadd.s32 s4, s29  }
0x47: {  	[tilespmem:s20], [sflag:$0x8] =	stream.strided.gather [hbm4b:s0+s15], $0x8000, s17, s15, $0x38;
	[tilespmem:$0x1F580] =	vst v63  }
0x48: {  	p2 =	sne.s32 s26, $0x1  }
.Ltmp7:
0x49: {  	_ = 	snop;
	(pc) =	sbr.rel @!p2 .LBB2_9-.Ltmp7, $4  }
0x4a: {  	s0 =	sor.u32 s2, s30  }
0x4b: {  	s0 =	smin.u32 s0, $0xF3E80  }
0x4c: {  	s3 =	simm.s32 $0x4080;
	s1 =	sadd.s32 $0x400, s0  }
0x4d: {  	p1 =	por $0x0, $0x0;
	v39 =	vld [tilespmem:s3+$0x0];
	v38 =	vmov s0;
	s0 =	simm.s32 $0x0;
	v40 =	vmov s1;
	s1 =	sadd.s32 $0xFFFFFFFF, s26  }
0x4e: {  	_ =	sdelay $0x7  }
0x4f: {  	v41 =	vld.idx.msk [tilespmem:v39+s7+$0x0], $0xffff;
	_ =	sdelay $0x3  }
0x50: {  	p2 =	sne.s32 s1, $0x1  }
.Ltmp8:
0x51: {  	vm0 =	vge.s32 v41, v38;
	vm1 =	vlt.s32 v41, v40;
	(pc) =	sbr.rel @!p2 .LBB2_11-.Ltmp8, $4  }
0x52: {  	vm0 =	vmand vm0, vm1  }
0x53: {  	v63 =	vmpcnt.ones.xlane vm0  }
0x54: {  	s3 =	simm.s32 $0x4090;
	[tilespmem:s0+$0x8100] =	vst.msk vm0, v39  }
0x55: {  	s6 =	sadd.s32 $0xFFFFFFFF, s1;
	p1 =	por $0x1, $0x1;
	s1 =	simm.s32 $0x0;
	v39 =	vld [tilespmem:s3+$0x0];
	(v2sf) =	vpush v63, $0x0  }
.LBB2_12:
0x56: {  	p2 =	sne.s32 s6, $0x1;
	_ =	sdelay $0x6  }
0x57: {  	v41 =	vld.idx.msk [tilespmem:v39+s7+$0x0], $0xffff;
	_ =	sdelay $0x5  }
.Ltmp9:
0x58: {  	vm0 =	vge.s32 v41, v38;
	vm1 =	vlt.s32 v41, v40;
	(pc) =	sbr.rel @p2 .LBB2_12-.Ltmp9, $4  }
0x59: {  	vm0 =	vmand vm0, vm1;
	s10 =	spop (v2sf)  }
0x5a: {  	v41 =	vmpcnt.ones.xlane vm0;
	s1 =	sadd.s32 s1, s10  }
0x5b: {  	s3 =	sadd.s32 $0x10, s3;
	[tilespmem:s1+$0x8100] =	vst.msk vm0, v39  }
0x5c: {  	s6 =	sadd.s32 $0xFFFFFFFF, s6;
	v39 =	vld [tilespmem:s3+$0x0];
	(v2sf) =	vpush v41, $0x0  }
.LBB2_13:
0x5d: {  	_ =	sdelay $0x7  }
0x5e: {  	v41 =	vld.idx.msk [tilespmem:v39+s7+$0x0], $0xffff;
	_ =	sdelay $0x4  }
0x5f: {  	vm0 =	vge.s32 v41, v38;
	vm1 =	vlt.s32 v41, v40  }
0x60: {  	vm0 =	vmand vm0, vm1  }
0x61: {  	v63 =	vmpcnt.ones.xlane vm0;
	_ =	sdelay $0x1  }
0x62: {  	(v2sf) =	vpush v63, $0x0;
	_ =	sdelay $0xc  }
0x63: {  	s3 =	spop @p1 (v2sf)  }
0x64: {  	s1 =	sadd.s32 @p1 s1, s3  }
0x65: {  	s0 =	smov.u32 @p1 s1;
	s16 =	spop (v2sf)  }
0x66: {  	s24 =	sadd.s32 s0, s16  }
0x67: {  	s1 =	sadd.s32 $0xF, s24  }
0x68: {  	s1 =	sshra.s32 s1, $0x4  }
0x69: {  	p1 =	slt.s32 s1, $0x1  }
.Ltmp10:
0x6a: {  	_ = 	snop;
	(pc) =	sbr.rel @p1 .LBB2_19-.Ltmp10, $3  }
0x6b: {  	_ =	sdelay $0x1  }
0x6c: {  	[tilespmem:s0+$0x8100] =	vst.msk vm0, v39  }
0x6d: {  	s31 =	simm.s32 $0x8100;
	[tilespmem:s24+$0x8100] =	vst v6  }
0x6e: {  	s0 =	smulhi.u32 $0x2AAAAAAB, s25;
	s3 =	sshra.s32 s25, $0x1F  }
0x6f: {  	s3 =	smul.u32 $0x2AAAAAAB, s3;
	_ =	sdelay $0x1  }
0x70: {  	s0 =	sadd.s32 s3, s0  }
0x71: {  	s3 =	sshrl.u32 s0, $0x1F  }
0x72: {  	s0 =	sadd.s32 s3, s0  }
0x73: {  	s3 =	smul.u32 $0x6, s0;
	s0 =	sadd.s32 $0xFFFFFFFF, s1  }
0x74: {  	p3 =	sne.s32 s0, $0x0  }
.Ltmp11:
0x75: {  	_ = 	snop;
	(pc) =	sbr.rel @!p3 .LBB2_15-.Ltmp11, $4  }
0x76: {  	_ = 	snop  }
0x77: {  	p1 =	slt.s32 s25, $0x6  }
0x78: {  	p2 =	por $0x0, $0x0;
	p1 =	por p1, p1;
	s10 =	ssub.s32 s25, s3  }
0x79: {  	s25 =	sadd.s32 $0x1, s25;
	p4 =	slt.s32 s10, $0x0;
	s16 =	sadd.s32 $0x6, s10  }
0x7a: {  	s3 =	smov.u32 s10  }
0x7b: {  	s3 =	smov.u32 @p4 s16  }
0x7c: {  	s1 =	sadd.s32 @!p1 $0x1, s3  }
0x7d: {  	_ =	swait.ge @!p1 [sflag:s1], $0x800  }
0x7e: {  	[sflag:s1] =	ssyncset.done @!p1 $0x0  }
0x7f: {  	[sflag:s1] =	ssyncadd.s32 @!p1 $0xFFFFF800  }
0x80: {  	v39 =	vld [tilespmem:s31+$0x0];
	_ =	sdelay $0x7  }
0x81: {  	v40 =	vld.idx.msk [tilespmem:v39+s7+$0x0], $0xffff;
	_ =	sdelay $0x4  }
0x82: {  	v40 =	vsub.s32 v40, v38  }
0x83: {  	vm0 =	vgt.s32 v40, $0x0  }
0x84: {  	v40 =	vnsel vm0, $0x0, v40  }
0x85: {  	v40 =	vmin.u32 v40, $0x3FF  }
0x86: {  	v41 =	vshll.u32 v40, $0x3  }
0x87: {  	v42 =	vand.u32 $0x7F, v40;
	v41 =	vand.u32 $0x1C00, v41  }
0x88: {  	v42 =	vor.u32 v42, v41;
	_ =	sdelay $0x3  }
0x89: {  	s13 =	sshll.u32 s3, $0xB  }
0x8a: {  	v44 =	vor.u32 s13, v1;
	v43 =	vld.idx.msk [tilespmem:v42+s18+$0x0], $0xffff  }
0x8b: {  	v45 =	vor.u32 $0x80, v42;
	_ =	sdelay $0x3  }
0x8c: {  	[tilespmem:v44+s21+$0x0] =	vst.idx.msk $0xffff, v43  }
0x8d: {  	v55 =	vor.u32 s13, v7;
	v43 =	vld.idx.msk [tilespmem:v45+s18+$0x0], $0xffff  }
0x8e: {  	v56 =	vor.u32 $0x100, v42;
	_ =	sdelay $0x3  }
0x8f: {  	[tilespmem:v55+s21+$0x0] =	vst.idx.msk $0xffff, v43  }
0x90: {  	v57 =	vor.u32 s13, v8;
	v43 =	vld.idx.msk [tilespmem:v56+s18+$0x0], $0xffff  }
0x91: {  	v58 =	vor.u32 $0x180, v42;
	_ =	sdelay $0x3  }
0x92: {  	[tilespmem:v57+s21+$0x0] =	vst.idx.msk $0xffff, v43  }
0x93: {  	v59 =	vor.u32 s13, v9;
	v43 =	vld.idx.msk [tilespmem:v58+s18+$0x0], $0xffff  }
0x94: {  	v60 =	vor.u32 $0x200, v42;
	_ =	sdelay $0x3  }
0x95: {  	[tilespmem:v59+s21+$0x0] =	vst.idx.msk $0xffff, v43  }
0x96: {  	v61 =	vor.u32 s13, v10;
	v43 =	vld.idx.msk [tilespmem:v60+s18+$0x0], $0xffff  }
0x97: {  	v62 =	vor.u32 $0x280, v42;
	_ =	sdelay $0x3  }
0x98: {  	[tilespmem:v61+s21+$0x0] =	vst.idx.msk $0xffff, v43  }
0x99: {  	v63 =	vor.u32 s13, v11;
	v43 =	vld.idx.msk [tilespmem:v62+s18+$0x0], $0xffff  }
0x9a: {  	v48 =	vor.u32 $0x300, v42;
	_ =	sdelay $0x3  }
0x9b: {  	[tilespmem:v63+s21+$0x0] =	vst.idx.msk $0xffff, v43  }
0x9c: {  	v49 =	vor.u32 s13, v12;
	v40 =	vor.u32 v40, v41;
	v43 =	vld.idx.msk [tilespmem:v48+s18+$0x0], $0xffff  }
0x9d: {  	v41 =	vor.u32 $0x380, v40;
	_ =	sdelay $0x3  }
0x9e: {  	[tilespmem:v49+s21+$0x0] =	vst.idx.msk $0xffff, v43  }
0x9f: {  	v50 =	vor.u32 s13, v13;
	v41 =	vld.idx.msk [tilespmem:v41+s18+$0x0], $0xffff  }
0xa0: {  	v51 =	vor.u32 $0x2000, v42;
	_ =	sdelay $0x3  }
0xa1: {  	[tilespmem:v50+s21+$0x0] =	vst.idx.msk $0xffff, v41  }
0xa2: {  	v52 =	vor.u32 s13, v14;
	v41 =	vld.idx.msk [tilespmem:v51+s18+$0x0], $0xffff  }
0xa3: {  	v53 =	vor.u32 $0x2080, v42;
	_ =	sdelay $0x3  }
0xa4: {  	[tilespmem:v52+s21+$0x0] =	vst.idx.msk $0xffff, v41  }
0xa5: {  	v54 =	vor.u32 s13, v15;
	v41 =	vld.idx.msk [tilespmem:v53+s18+$0x0], $0xffff  }
0xa6: {  	v55 =	vor.u32 $0x2100, v42;
	_ =	sdelay $0x3  }
0xa7: {  	[tilespmem:v54+s21+$0x0] =	vst.idx.msk $0xffff, v41  }
0xa8: {  	v56 =	vor.u32 s13, v16;
	v41 =	vld.idx.msk [tilespmem:v55+s18+$0x0], $0xffff  }
0xa9: {  	v57 =	vor.u32 $0x2180, v42;
	_ =	sdelay $0x3  }
0xaa: {  	[tilespmem:v56+s21+$0x0] =	vst.idx.msk $0xffff, v41  }
0xab: {  	v58 =	vor.u32 s13, v17;
	v41 =	vld.idx.msk [tilespmem:v57+s18+$0x0], $0xffff  }
0xac: {  	v59 =	vor.u32 $0x2200, v42;
	_ =	sdelay $0x3  }
0xad: {  	[tilespmem:v58+s21+$0x0] =	vst.idx.msk $0xffff, v41  }
0xae: {  	v60 =	vor.u32 s13, v18;
	v41 =	vld.idx.msk [tilespmem:v59+s18+$0x0], $0xffff  }
0xaf: {  	v61 =	vor.u32 $0x2280, v42;
	_ =	sdelay $0x3  }
0xb0: {  	[tilespmem:v60+s21+$0x0] =	vst.idx.msk $0xffff, v41  }
0xb1: {  	v62 =	vor.u32 s13, v19;
	v41 =	vld.idx.msk [tilespmem:v61+s18+$0x0], $0xffff  }
0xb2: {  	v63 =	vor.u32 $0x2300, v42;
	_ =	sdelay $0x3  }
0xb3: {  	[tilespmem:v62+s21+$0x0] =	vst.idx.msk $0xffff, v41  }
0xb4: {  	v48 =	vor.u32 s13, v20;
	v41 =	vld.idx.msk [tilespmem:v63+s18+$0x0], $0xffff  }
0xb5: {  	v49 =	vor.u32 $0x2380, v40;
	_ =	sdelay $0x3  }
0xb6: {  	[tilespmem:v48+s21+$0x0] =	vst.idx.msk $0xffff, v41  }
0xb7: {  	v50 =	vor.u32 s13, v21;
	v41 =	vld.idx.msk [tilespmem:v49+s18+$0x0], $0xffff  }
0xb8: {  	v51 =	vor.u32 $0x4000, v42;
	_ =	sdelay $0x3  }
0xb9: {  	[tilespmem:v50+s21+$0x0] =	vst.idx.msk $0xffff, v41  }
0xba: {  	v52 =	vor.u32 s13, v22;
	v41 =	vld.idx.msk [tilespmem:v51+s18+$0x0], $0xffff  }
0xbb: {  	v53 =	vor.u32 $0x4080, v42;
	_ =	sdelay $0x3  }
0xbc: {  	[tilespmem:v52+s21+$0x0] =	vst.idx.msk $0xffff, v41  }
0xbd: {  	v54 =	vor.u32 s13, v23;
	v41 =	vld.idx.msk [tilespmem:v53+s18+$0x0], $0xffff  }
0xbe: {  	v55 =	vor.u32 $0x4100, v42;
	_ =	sdelay $0x3  }
0xbf: {  	[tilespmem:v54+s21+$0x0] =	vst.idx.msk $0xffff, v41  }
0xc0: {  	v56 =	vor.u32 s13, v24;
	v41 =	vld.idx.msk [tilespmem:v55+s18+$0x0], $0xffff  }
0xc1: {  	v57 =	vor.u32 $0x4180, v42;
	_ =	sdelay $0x3  }
0xc2: {  	[tilespmem:v56+s21+$0x0] =	vst.idx.msk $0xffff, v41  }
0xc3: {  	v58 =	vor.u32 s13, v25;
	v41 =	vld.idx.msk [tilespmem:v57+s18+$0x0], $0xffff  }
0xc4: {  	v59 =	vor.u32 $0x4200, v42;
	_ =	sdelay $0x3  }
0xc5: {  	[tilespmem:v58+s21+$0x0] =	vst.idx.msk $0xffff, v41  }
0xc6: {  	v60 =	vor.u32 s13, v26;
	v41 =	vld.idx.msk [tilespmem:v59+s18+$0x0], $0xffff  }
0xc7: {  	v61 =	vor.u32 $0x4280, v42;
	_ =	sdelay $0x3  }
0xc8: {  	[tilespmem:v60+s21+$0x0] =	vst.idx.msk $0xffff, v41  }
0xc9: {  	v62 =	vor.u32 s13, v27;
	v41 =	vld.idx.msk [tilespmem:v61+s18+$0x0], $0xffff  }
0xca: {  	v63 =	vor.u32 $0x4300, v42;
	_ =	sdelay $0x3  }
0xcb: {  	[tilespmem:v62+s21+$0x0] =	vst.idx.msk $0xffff, v41  }
0xcc: {  	v48 =	vor.u32 s13, v28;
	v41 =	vld.idx.msk [tilespmem:v63+s18+$0x0], $0xffff  }
0xcd: {  	v49 =	vor.u32 $0x4380, v40;
	_ =	sdelay $0x3  }
0xce: {  	[tilespmem:v48+s21+$0x0] =	vst.idx.msk $0xffff, v41  }
0xcf: {  	v50 =	vor.u32 s13, v29;
	v41 =	vld.idx.msk [tilespmem:v49+s18+$0x0], $0xffff  }
0xd0: {  	v51 =	vor.u32 $0x6000, v42;
	_ =	sdelay $0x3  }
0xd1: {  	[tilespmem:v50+s21+$0x0] =	vst.idx.msk $0xffff, v41  }
0xd2: {  	v52 =	vor.u32 s13, v30;
	v41 =	vld.idx.msk [tilespmem:v51+s18+$0x0], $0xffff  }
0xd3: {  	v53 =	vor.u32 $0x6080, v42;
	_ =	sdelay $0x3  }
0xd4: {  	[tilespmem:v52+s21+$0x0] =	vst.idx.msk $0xffff, v41  }
0xd5: {  	v54 =	vor.u32 s13, v31;
	v41 =	vld.idx.msk [tilespmem:v53+s18+$0x0], $0xffff  }
0xd6: {  	v55 =	vor.u32 $0x6100, v42;
	_ =	sdelay $0x3  }
0xd7: {  	[tilespmem:v54+s21+$0x0] =	vst.idx.msk $0xffff, v41  }
0xd8: {  	v56 =	vor.u32 s13, v32;
	v41 =	vld.idx.msk [tilespmem:v55+s18+$0x0], $0xffff  }
0xd9: {  	v57 =	vor.u32 $0x6180, v42;
	_ =	sdelay $0x3  }
0xda: {  	[tilespmem:v56+s21+$0x0] =	vst.idx.msk $0xffff, v41  }
0xdb: {  	v58 =	vor.u32 s13, v33;
	v41 =	vld.idx.msk [tilespmem:v57+s18+$0x0], $0xffff  }
0xdc: {  	v59 =	vor.u32 $0x6200, v42;
	_ =	sdelay $0x3  }
0xdd: {  	[tilespmem:v58+s21+$0x0] =	vst.idx.msk $0xffff, v41  }
0xde: {  	v60 =	vor.u32 s13, v34;
	v41 =	vld.idx.msk [tilespmem:v59+s18+$0x0], $0xffff  }
0xdf: {  	v61 =	vor.u32 $0x6280, v42;
	_ =	sdelay $0x3  }
0xe0: {  	[tilespmem:v60+s21+$0x0] =	vst.idx.msk $0xffff, v41  }
0xe1: {  	v62 =	vor.u32 s13, v35;
	v41 =	vld.idx.msk [tilespmem:v61+s18+$0x0], $0xffff  }
0xe2: {  	v42 =	vor.u32 $0x6300, v42;
	_ =	sdelay $0x3  }
0xe3: {  	[tilespmem:v62+s21+$0x0] =	vst.idx.msk $0xffff, v41  }
0xe4: {  	s6 =	sshra.s32 s25, $0x1F;
	s16 =	smulhi.u32 $0x2AAAAAAB, s25;
	v63 =	vor.u32 s13, v36;
	v41 =	vld.idx.msk [tilespmem:v42+s18+$0x0], $0xffff  }
0xe5: {  	s6 =	smul.u32 $0x2AAAAAAB, s6;
	v40 =	vor.u32 $0x6380, v40;
	_ =	sdelay $0x1  }
0xe6: {  	s0 =	sadd.s32 $0xFFFFFFFF, s0;
	s1 =	sadd.s32 s6, s16  }
0xe7: {  	p6 =	slt.s32 s25, $0x6;
	p3 =	sne.s32 s0, $0x0;
	s6 =	sshrl.u32 s1, $0x1F  }
.Ltmp12:
0xe8: {  	p2 =	por $0x1, $0x1;
	s1 =	sadd.s32 s6, s1;
	[tilespmem:v63+s21+$0x0] =	vst.idx.msk $0xffff, v41;
	(pc) =	sbr.rel @!p3 .LBB2_18-.Ltmp12, $4  }
0xe9: {  	s24 =	sshll.u32 s3, $0x9;
	s16 =	sshll.u32 s3, $0xD;
	s31 =	smul.u32 $0x6, s1;
	v41 =	vor.u32 s13, v37;
	v40 =	vld.idx.msk [tilespmem:v40+s18+$0x0], $0xffff  }
0xea: {  	p1 =	por p6, p6;
	s6 =	sshra.s32 s24, $0x2;
	s1 =	sshra.s32 s16, $0x2  }
0xeb: {  	s10 =	ssub.s32 s25, s31;
	s25 =	sadd.s32 $0x1, s25;
	s31 =	simm.s32 $0x8110  }
0xec: {  	p4 =	slt.s32 s10, $0x0;
	s16 =	sadd.s32 $0x6, s10;
	s13 =	sadd.s32 $0x1, s3  }
.LBB2_17:
0xed: {  	s3 =	smov.u32 s10  }
0xee: {  	[tilespmem:v41+s21+$0x0] =	vst.idx.msk $0xffff, v40;
	s1 =	sadd.s32 $0x1C180, s1;
	s3 =	smov.u32 @p4 s16;
	s16 =	sadd.s32 $0x1F180, s6  }
0xef: {  	s14 =	sadd.s32 @!p1 $0x1, s3;
	s10 =	sshll.u32 s3, $0xB;
	s24 =	sshll.u32 s3, $0x9;
	[tilespmem:s6+$0x1F180] =	vst v39  }
0xf0: {  	p4 =	slt.s32 s25, $0x6;
	s6 =	sshra.s32 s24, $0x2;
	s24 =	sshll.u32 s3, $0xD  }
0xf1: {  	[hbm4b:s8+s22] =	stream.indirect.scatter [tilespmem:s1], [sflag:s13], $0x80, s16, s22, $0xb8;
	[tilespmem:$0x1F580] =	vst v63  }
0xf2: {  	s0 =	sadd.s32 $0xFFFFFFFF, s0;
	s1 =	sshra.s32 s24, $0x2;
	_ =	swait.ge @!p1 [sflag:s14], $0x800  }
0xf3: {  	p3 =	sne.s32 s0, $0x0;
	[sflag:s14] =	ssyncset.done @!p1 $0x0  }
0xf4: {  	[sflag:s14] =	ssyncadd.s32 @!p1 $0xFFFFF800;
	p1 =	por p4, p4  }
0xf5: {  	v39 =	vld [tilespmem:s31+$0x0];
	_ =	sdelay $0x7  }
0xf6: {  	v40 =	vld.idx.msk [tilespmem:v39+s7+$0x0], $0xffff;
	_ =	sdelay $0x5  }
0xf7: {  	v40 =	vsub.s32 v40, v38  }
0xf8: {  	vm0 =	vgt.s32 v40, $0x0  }
0xf9: {  	v40 =	vnsel vm0, $0x0, v40  }
0xfa: {  	v41 =	vmin.u32 v40, $0x3FF  }
0xfb: {  	v40 =	vshll.u32 v41, $0x3  }
0xfc: {  	v42 =	vand.u32 $0x7F, v41;
	v43 =	vand.u32 $0x1C00, v40  }
0xfd: {  	v40 =	vor.u32 v42, v43;
	_ =	sdelay $0x4  }
0xfe: {  	v44 =	vor.u32 s10, v1;
	v42 =	vld.idx.msk [tilespmem:v40+s18+$0x0], $0xffff  }
0xff: {  	v45 =	vor.u32 $0x80, v40;
	_ =	sdelay $0x4  }
0x100: {  	[tilespmem:v44+s21+$0x0] =	vst.idx.msk $0xffff, v42  }
0x101: {  	v44 =	vor.u32 s10, v7;
	v42 =	vld.idx.msk [tilespmem:v45+s18+$0x0], $0xffff  }
0x102: {  	v45 =	vor.u32 $0x100, v40;
	_ =	sdelay $0x4  }
0x103: {  	[tilespmem:v44+s21+$0x0] =	vst.idx.msk $0xffff, v42  }
0x104: {  	v44 =	vor.u32 s10, v8;
	v42 =	vld.idx.msk [tilespmem:v45+s18+$0x0], $0xffff  }
0x105: {  	v45 =	vor.u32 $0x180, v40;
	_ =	sdelay $0x4  }
0x106: {  	[tilespmem:v44+s21+$0x0] =	vst.idx.msk $0xffff, v42  }
0x107: {  	v44 =	vor.u32 s10, v9;
	v42 =	vld.idx.msk [tilespmem:v45+s18+$0x0], $0xffff  }
0x108: {  	v45 =	vor.u32 $0x200, v40;
	_ =	sdelay $0x4  }
0x109: {  	[tilespmem:v44+s21+$0x0] =	vst.idx.msk $0xffff, v42  }
0x10a: {  	v44 =	vor.u32 s10, v10;
	v42 =	vld.idx.msk [tilespmem:v45+s18+$0x0], $0xffff  }
0x10b: {  	v45 =	vor.u32 $0x280, v40;
	_ =	sdelay $0x4  }
0x10c: {  	[tilespmem:v44+s21+$0x0] =	vst.idx.msk $0xffff, v42  }
0x10d: {  	v44 =	vor.u32 s10, v11;
	v42 =	vld.idx.msk [tilespmem:v45+s18+$0x0], $0xffff  }
0x10e: {  	v45 =	vor.u32 $0x300, v40;
	_ =	sdelay $0x4  }
0x10f: {  	[tilespmem:v44+s21+$0x0] =	vst.idx.msk $0xffff, v42  }
0x110: {  	v41 =	vor.u32 v41, v43;
	v44 =	vor.u32 s10, v12;
	v42 =	vld.idx.msk [tilespmem:v45+s18+$0x0], $0xffff  }
0x111: {  	v43 =	vor.u32 $0x380, v41;
	_ =	sdelay $0x4  }
0x112: {  	[tilespmem:v44+s21+$0x0] =	vst.idx.msk $0xffff, v42  }
0x113: {  	v42 =	vld.idx.msk [tilespmem:v43+s18+$0x0], $0xffff;
	v43 =	vor.u32 s10, v13  }
0x114: {  	v44 =	vor.u32 $0x2000, v40;
	_ =	sdelay $0x4  }
0x115: {  	[tilespmem:v43+s21+$0x0] =	vst.idx.msk $0xffff, v42  }
0x116: {  	v43 =	vor.u32 s10, v14;
	v42 =	vld.idx.msk [tilespmem:v44+s18+$0x0], $0xffff  }
0x117: {  	v44 =	vor.u32 $0x2080, v40;
	_ =	sdelay $0x4  }
0x118: {  	[tilespmem:v43+s21+$0x0] =	vst.idx.msk $0xffff, v42  }
0x119: {  	v43 =	vor.u32 s10, v15;
	v42 =	vld.idx.msk [tilespmem:v44+s18+$0x0], $0xffff  }
0x11a: {  	v44 =	vor.u32 $0x2100, v40;
	_ =	sdelay $0x4  }
0x11b: {  	[tilespmem:v43+s21+$0x0] =	vst.idx.msk $0xffff, v42  }
0x11c: {  	v43 =	vor.u32 s10, v16;
	v42 =	vld.idx.msk [tilespmem:v44+s18+$0x0], $0xffff  }
0x11d: {  	v44 =	vor.u32 $0x2180, v40;
	_ =	sdelay $0x4  }
0x11e: {  	[tilespmem:v43+s21+$0x0] =	vst.idx.msk $0xffff, v42  }
0x11f: {  	v43 =	vor.u32 s10, v17;
	v42 =	vld.idx.msk [tilespmem:v44+s18+$0x0], $0xffff  }
0x120: {  	v44 =	vor.u32 $0x2200, v40;
	_ =	sdelay $0x4  }
0x121: {  	[tilespmem:v43+s21+$0x0] =	vst.idx.msk $0xffff, v42  }
0x122: {  	v43 =	vor.u32 s10, v18;
	v42 =	vld.idx.msk [tilespmem:v44+s18+$0x0], $0xffff  }
0x123: {  	v44 =	vor.u32 $0x2280, v40;
	_ =	sdelay $0x4  }
0x124: {  	[tilespmem:v43+s21+$0x0] =	vst.idx.msk $0xffff, v42  }
0x125: {  	v43 =	vor.u32 s10, v19;
	v42 =	vld.idx.msk [tilespmem:v44+s18+$0x0], $0xffff  }
0x126: {  	v44 =	vor.u32 $0x2300, v40;
	_ =	sdelay $0x4  }
0x127: {  	[tilespmem:v43+s21+$0x0] =	vst.idx.msk $0xffff, v42  }
0x128: {  	v43 =	vor.u32 s10, v20;
	v42 =	vld.idx.msk [tilespmem:v44+s18+$0x0], $0xffff  }
0x129: {  	v44 =	vor.u32 $0x2380, v41;
	_ =	sdelay $0x4  }
0x12a: {  	[tilespmem:v43+s21+$0x0] =	vst.idx.msk $0xffff, v42  }
0x12b: {  	v43 =	vor.u32 s10, v21;
	v42 =	vld.idx.msk [tilespmem:v44+s18+$0x0], $0xffff  }
0x12c: {  	v44 =	vor.u32 $0x4000, v40;
	_ =	sdelay $0x4  }
0x12d: {  	[tilespmem:v43+s21+$0x0] =	vst.idx.msk $0xffff, v42  }
0x12e: {  	v43 =	vor.u32 s10, v22;
	v42 =	vld.idx.msk [tilespmem:v44+s18+$0x0], $0xffff  }
0x12f: {  	v44 =	vor.u32 $0x4080, v40;
	_ =	sdelay $0x4  }
0x130: {  	[tilespmem:v43+s21+$0x0] =	vst.idx.msk $0xffff, v42  }
0x131: {  	v43 =	vor.u32 s10, v23;
	v42 =	vld.idx.msk [tilespmem:v44+s18+$0x0], $0xffff  }
0x132: {  	v44 =	vor.u32 $0x4100, v40;
	_ =	sdelay $0x4  }
0x133: {  	[tilespmem:v43+s21+$0x0] =	vst.idx.msk $0xffff, v42  }
0x134: {  	v43 =	vor.u32 s10, v24;
	v42 =	vld.idx.msk [tilespmem:v44+s18+$0x0], $0xffff  }
0x135: {  	v44 =	vor.u32 $0x4180, v40;
	_ =	sdelay $0x4  }
0x136: {  	[tilespmem:v43+s21+$0x0] =	vst.idx.msk $0xffff, v42  }
0x137: {  	v43 =	vor.u32 s10, v25;
	v42 =	vld.idx.msk [tilespmem:v44+s18+$0x0], $0xffff  }
0x138: {  	v44 =	vor.u32 $0x4200, v40;
	_ =	sdelay $0x4  }
0x139: {  	[tilespmem:v43+s21+$0x0] =	vst.idx.msk $0xffff, v42  }
0x13a: {  	v43 =	vor.u32 s10, v26;
	v42 =	vld.idx.msk [tilespmem:v44+s18+$0x0], $0xffff  }
0x13b: {  	v44 =	vor.u32 $0x4280, v40;
	_ =	sdelay $0x4  }
0x13c: {  	[tilespmem:v43+s21+$0x0] =	vst.idx.msk $0xffff, v42  }
0x13d: {  	v43 =	vor.u32 s10, v27;
	v42 =	vld.idx.msk [tilespmem:v44+s18+$0x0], $0xffff  }
0x13e: {  	v44 =	vor.u32 $0x4300, v40;
	_ =	sdelay $0x4  }
0x13f: {  	[tilespmem:v43+s21+$0x0] =	vst.idx.msk $0xffff, v42  }
0x140: {  	v43 =	vor.u32 s10, v28;
	v42 =	vld.idx.msk [tilespmem:v44+s18+$0x0], $0xffff  }
0x141: {  	v44 =	vor.u32 $0x4380, v41;
	_ =	sdelay $0x4  }
0x142: {  	[tilespmem:v43+s21+$0x0] =	vst.idx.msk $0xffff, v42  }
0x143: {  	v43 =	vor.u32 s10, v29;
	v42 =	vld.idx.msk [tilespmem:v44+s18+$0x0], $0xffff  }
0x144: {  	v44 =	vor.u32 $0x6000, v40;
	_ =	sdelay $0x4  }
0x145: {  	[tilespmem:v43+s21+$0x0] =	vst.idx.msk $0xffff, v42  }
0x146: {  	v43 =	vor.u32 s10, v30;
	v42 =	vld.idx.msk [tilespmem:v44+s18+$0x0], $0xffff  }
0x147: {  	v44 =	vor.u32 $0x6080, v40;
	_ =	sdelay $0x4  }
0x148: {  	[tilespmem:v43+s21+$0x0] =	vst.idx.msk $0xffff, v42  }
0x149: {  	v43 =	vor.u32 s10, v31;
	v42 =	vld.idx.msk [tilespmem:v44+s18+$0x0], $0xffff  }
0x14a: {  	v44 =	vor.u32 $0x6100, v40;
	_ =	sdelay $0x4  }
0x14b: {  	[tilespmem:v43+s21+$0x0] =	vst.idx.msk $0xffff, v42  }
0x14c: {  	v43 =	vor.u32 s10, v32;
	v42 =	vld.idx.msk [tilespmem:v44+s18+$0x0], $0xffff  }
0x14d: {  	v44 =	vor.u32 $0x6180, v40;
	_ =	sdelay $0x4  }
0x14e: {  	[tilespmem:v43+s21+$0x0] =	vst.idx.msk $0xffff, v42  }
0x14f: {  	v43 =	vor.u32 s10, v33;
	v42 =	vld.idx.msk [tilespmem:v44+s18+$0x0], $0xffff  }
0x150: {  	v44 =	vor.u32 $0x6200, v40;
	_ =	sdelay $0x4  }
0x151: {  	[tilespmem:v43+s21+$0x0] =	vst.idx.msk $0xffff, v42  }
0x152: {  	v43 =	vor.u32 s10, v34;
	v42 =	vld.idx.msk [tilespmem:v44+s18+$0x0], $0xffff  }
0x153: {  	v44 =	vor.u32 $0x6280, v40;
	_ =	sdelay $0x4  }
0x154: {  	[tilespmem:v43+s21+$0x0] =	vst.idx.msk $0xffff, v42  }
0x155: {  	v43 =	vor.u32 s10, v35;
	v42 =	vld.idx.msk [tilespmem:v44+s18+$0x0], $0xffff  }
0x156: {  	v40 =	vor.u32 $0x6300, v40;
	_ =	sdelay $0x4  }
0x157: {  	[tilespmem:v43+s21+$0x0] =	vst.idx.msk $0xffff, v42  }
0x158: {  	v42 =	vor.u32 s10, v36;
	v40 =	vld.idx.msk [tilespmem:v40+s18+$0x0], $0xffff  }
0x159: {  	v41 =	vor.u32 $0x6380, v41;
	_ =	sdelay $0x1  }
0x15a: {  	s13 =	smulhi.u32 $0x2AAAAAAB, s25;
	s14 =	sshra.s32 s25, $0x1F  }
0x15b: {  	s14 =	smul.u32 $0x2AAAAAAB, s14;
	_ =	sdelay $0x1  }
0x15c: {  	s13 =	sadd.s32 s14, s13;
	[tilespmem:v42+s21+$0x0] =	vst.idx.msk $0xffff, v40  }
0x15d: {  	s14 =	sshrl.u32 s13, $0x1F;
	v40 =	vld.idx.msk [tilespmem:v41+s18+$0x0], $0xffff;
	v41 =	vor.u32 s10, v37  }
.Ltmp13:
0x15e: {  	s10 =	sadd.s32 s14, s13;
	(pc) =	sbr.rel @p3 .LBB2_17-.Ltmp13, $3  }
0x15f: {  	s10 =	smul.u32 $0x6, s10;
	_ =	sdelay $0x1  }
0x160: {  	s31 =	sadd.s32 $0x10, s31;
	s10 =	ssub.s32 s25, s10;
	s25 =	sadd.s32 $0x1, s25  }
0x161: {  	s13 =	sadd.s32 $0x1, s3;
	p4 =	slt.s32 s10, $0x0;
	s16 =	sadd.s32 $0x6, s10  }
.LBB2_18:
0x162: {  	_ =	sdelay $0x3  }
0x163: {  	s10 =	smov.u32 @p4 s16;
	[tilespmem:v41+s21+$0x0] =	vst.idx.msk @p2 $0xffff, v40  }
0x164: {  	s0 =	sadd.s32 @p2 $0x1F180, s6;
	s1 =	sadd.s32 @p2 $0x1C180, s1;
	s3 =	sadd.s32 @!p1 $0x1, s10;
	[tilespmem:s6+$0x1F180] =	vst @p2 v39  }
0x165: {  	[hbm4b:s8+s22] =	stream.indirect.scatter @p2 [tilespmem:s1], [sflag:s13], $0x80, s0, s22, $0xb8;
	[tilespmem:$0x1F580] =	vst v63  }
0x166: {  	_ =	swait.ge @!p1 [sflag:s3], $0x800  }
0x167: {  	[sflag:s3] =	ssyncset.done @!p1 $0x0  }
0x168: {  	[sflag:s3] =	ssyncadd.s32 @!p1 $0xFFFFF800  }
0x169: {  	v39 =	vld [tilespmem:s31+$0x0];
	_ =	sdelay $0x7  }
0x16a: {  	v57 =	vld.idx.msk [tilespmem:v39+s7+$0x0], $0xffff;
	_ =	sdelay $0x4  }
0x16b: {  	v38 =	vsub.s32 v57, v38  }
0x16c: {  	vm0 =	vgt.s32 v38, $0x0  }
0x16d: {  	v38 =	vnsel vm0, $0x0, v38  }
0x16e: {  	v38 =	vmin.u32 v38, $0x3FF  }
0x16f: {  	v58 =	vshll.u32 v38, $0x3  }
0x170: {  	v59 =	vand.u32 $0x7F, v38;
	v40 =	vand.u32 $0x1C00, v58  }
0x171: {  	v41 =	vor.u32 v59, v40;
	_ =	sdelay $0x3  }
0x172: {  	s13 =	sshll.u32 s10, $0xB  }
0x173: {  	v43 =	vor.u32 s13, v1;
	v42 =	vld.idx.msk [tilespmem:v41+s18+$0x0], $0xffff  }
0x174: {  	v44 =	vor.u32 $0x80, v41;
	_ =	sdelay $0x3  }
0x175: {  	[tilespmem:v43+s21+$0x0] =	vst.idx.msk $0xffff, v42  }
0x176: {  	v60 =	vor.u32 s13, v7;
	v42 =	vld.idx.msk [tilespmem:v44+s18+$0x0], $0xffff  }
0x177: {  	v61 =	vor.u32 $0x100, v41;
	_ =	sdelay $0x3  }
0x178: {  	[tilespmem:v60+s21+$0x0] =	vst.idx.msk $0xffff, v42  }
0x179: {  	v62 =	vor.u32 s13, v8;
	v42 =	vld.idx.msk [tilespmem:v61+s18+$0x0], $0xffff  }
0x17a: {  	v63 =	vor.u32 $0x180, v41;
	_ =	sdelay $0x3  }
0x17b: {  	[tilespmem:v62+s21+$0x0] =	vst.idx.msk $0xffff, v42  }
0x17c: {  	v48 =	vor.u32 s13, v9;
	v42 =	vld.idx.msk [tilespmem:v63+s18+$0x0], $0xffff  }
0x17d: {  	v49 =	vor.u32 $0x200, v41;
	_ =	sdelay $0x3  }
0x17e: {  	[tilespmem:v48+s21+$0x0] =	vst.idx.msk $0xffff, v42  }
0x17f: {  	v50 =	vor.u32 s13, v10;
	v42 =	vld.idx.msk [tilespmem:v49+s18+$0x0], $0xffff  }
0x180: {  	v51 =	vor.u32 $0x280, v41;
	_ =	sdelay $0x3  }
0x181: {  	[tilespmem:v50+s21+$0x0] =	vst.idx.msk $0xffff, v42  }
0x182: {  	v52 =	vor.u32 s13, v11;
	v42 =	vld.idx.msk [tilespmem:v51+s18+$0x0], $0xffff  }
0x183: {  	v53 =	vor.u32 $0x300, v41;
	_ =	sdelay $0x3  }
0x184: {  	[tilespmem:v52+s21+$0x0] =	vst.idx.msk $0xffff, v42  }
0x185: {  	v54 =	vor.u32 s13, v12;
	v38 =	vor.u32 v38, v40;
	v42 =	vld.idx.msk [tilespmem:v53+s18+$0x0], $0xffff  }
0x186: {  	v40 =	vor.u32 $0x380, v38;
	_ =	sdelay $0x3  }
0x187: {  	[tilespmem:v54+s21+$0x0] =	vst.idx.msk $0xffff, v42  }
0x188: {  	v55 =	vor.u32 s13, v13;
	v40 =	vld.idx.msk [tilespmem:v40+s18+$0x0], $0xffff  }
0x189: {  	v56 =	vor.u32 $0x2000, v41;
	_ =	sdelay $0x3  }
0x18a: {  	[tilespmem:v55+s21+$0x0] =	vst.idx.msk $0xffff, v40  }
0x18b: {  	v57 =	vor.u32 s13, v14;
	v40 =	vld.idx.msk [tilespmem:v56+s18+$0x0], $0xffff  }
0x18c: {  	v58 =	vor.u32 $0x2080, v41;
	_ =	sdelay $0x3  }
0x18d: {  	[tilespmem:v57+s21+$0x0] =	vst.idx.msk $0xffff, v40  }
0x18e: {  	v59 =	vor.u32 s13, v15;
	v40 =	vld.idx.msk [tilespmem:v58+s18+$0x0], $0xffff  }
0x18f: {  	v60 =	vor.u32 $0x2100, v41;
	_ =	sdelay $0x3  }
0x190: {  	[tilespmem:v59+s21+$0x0] =	vst.idx.msk $0xffff, v40  }
0x191: {  	v61 =	vor.u32 s13, v16;
	v40 =	vld.idx.msk [tilespmem:v60+s18+$0x0], $0xffff  }
0x192: {  	v62 =	vor.u32 $0x2180, v41;
	_ =	sdelay $0x3  }
0x193: {  	[tilespmem:v61+s21+$0x0] =	vst.idx.msk $0xffff, v40  }
0x194: {  	v63 =	vor.u32 s13, v17;
	v40 =	vld.idx.msk [tilespmem:v62+s18+$0x0], $0xffff  }
0x195: {  	v45 =	vor.u32 $0x2200, v41;
	_ =	sdelay $0x3  }
0x196: {  	[tilespmem:v63+s21+$0x0] =	vst.idx.msk $0xffff, v40  }
0x197: {  	v46 =	vor.u32 s13, v18;
	v40 =	vld.idx.msk [tilespmem:v45+s18+$0x0], $0xffff  }
0x198: {  	v47 =	vor.u32 $0x2280, v41;
	_ =	sdelay $0x3  }
0x199: {  	[tilespmem:v46+s21+$0x0] =	vst.idx.msk $0xffff, v40  }
0x19a: {  	v48 =	vor.u32 s13, v19;
	v40 =	vld.idx.msk [tilespmem:v47+s18+$0x0], $0xffff  }
0x19b: {  	v49 =	vor.u32 $0x2300, v41;
	_ =	sdelay $0x3  }
0x19c: {  	[tilespmem:v48+s21+$0x0] =	vst.idx.msk $0xffff, v40  }
0x19d: {  	v50 =	vor.u32 s13, v20;
	v40 =	vld.idx.msk [tilespmem:v49+s18+$0x0], $0xffff  }
0x19e: {  	v51 =	vor.u32 $0x2380, v38;
	_ =	sdelay $0x3  }
0x19f: {  	[tilespmem:v50+s21+$0x0] =	vst.idx.msk $0xffff, v40  }
0x1a0: {  	v52 =	vor.u32 s13, v21;
	v40 =	vld.idx.msk [tilespmem:v51+s18+$0x0], $0xffff  }
0x1a1: {  	v53 =	vor.u32 $0x4000, v41;
	_ =	sdelay $0x3  }
0x1a2: {  	[tilespmem:v52+s21+$0x0] =	vst.idx.msk $0xffff, v40  }
0x1a3: {  	v54 =	vor.u32 s13, v22;
	v40 =	vld.idx.msk [tilespmem:v53+s18+$0x0], $0xffff  }
0x1a4: {  	v55 =	vor.u32 $0x4080, v41;
	_ =	sdelay $0x3  }
0x1a5: {  	[tilespmem:v54+s21+$0x0] =	vst.idx.msk $0xffff, v40  }
0x1a6: {  	v56 =	vor.u32 s13, v23;
	v40 =	vld.idx.msk [tilespmem:v55+s18+$0x0], $0xffff  }
0x1a7: {  	v57 =	vor.u32 $0x4100, v41;
	_ =	sdelay $0x3  }
0x1a8: {  	[tilespmem:v56+s21+$0x0] =	vst.idx.msk $0xffff, v40  }
0x1a9: {  	v58 =	vor.u32 s13, v24;
	v40 =	vld.idx.msk [tilespmem:v57+s18+$0x0], $0xffff  }
0x1aa: {  	v59 =	vor.u32 $0x4180, v41;
	_ =	sdelay $0x3  }
0x1ab: {  	[tilespmem:v58+s21+$0x0] =	vst.idx.msk $0xffff, v40  }
0x1ac: {  	v60 =	vor.u32 s13, v25;
	v40 =	vld.idx.msk [tilespmem:v59+s18+$0x0], $0xffff  }
0x1ad: {  	v61 =	vor.u32 $0x4200, v41;
	_ =	sdelay $0x3  }
0x1ae: {  	[tilespmem:v60+s21+$0x0] =	vst.idx.msk $0xffff, v40  }
0x1af: {  	v62 =	vor.u32 s13, v26;
	v40 =	vld.idx.msk [tilespmem:v61+s18+$0x0], $0xffff  }
0x1b0: {  	v63 =	vor.u32 $0x4280, v41;
	_ =	sdelay $0x3  }
0x1b1: {  	[tilespmem:v62+s21+$0x0] =	vst.idx.msk $0xffff, v40  }
0x1b2: {  	v45 =	vor.u32 s13, v27;
	v40 =	vld.idx.msk [tilespmem:v63+s18+$0x0], $0xffff  }
0x1b3: {  	v46 =	vor.u32 $0x4300, v41;
	_ =	sdelay $0x3  }
0x1b4: {  	[tilespmem:v45+s21+$0x0] =	vst.idx.msk $0xffff, v40  }
0x1b5: {  	v47 =	vor.u32 s13, v28;
	v40 =	vld.idx.msk [tilespmem:v46+s18+$0x0], $0xffff  }
0x1b6: {  	v48 =	vor.u32 $0x4380, v38;
	_ =	sdelay $0x3  }
0x1b7: {  	[tilespmem:v47+s21+$0x0] =	vst.idx.msk $0xffff, v40  }
0x1b8: {  	v49 =	vor.u32 s13, v29;
	v40 =	vld.idx.msk [tilespmem:v48+s18+$0x0], $0xffff  }
0x1b9: {  	v50 =	vor.u32 $0x6000, v41;
	_ =	sdelay $0x3  }
0x1ba: {  	[tilespmem:v49+s21+$0x0] =	vst.idx.msk $0xffff, v40  }
0x1bb: {  	v51 =	vor.u32 s13, v30;
	v40 =	vld.idx.msk [tilespmem:v50+s18+$0x0], $0xffff  }
0x1bc: {  	v52 =	vor.u32 $0x6080, v41;
	_ =	sdelay $0x3  }
0x1bd: {  	[tilespmem:v51+s21+$0x0] =	vst.idx.msk $0xffff, v40  }
0x1be: {  	v53 =	vor.u32 s13, v31;
	v40 =	vld.idx.msk [tilespmem:v52+s18+$0x0], $0xffff  }
0x1bf: {  	v54 =	vor.u32 $0x6100, v41;
	_ =	sdelay $0x3  }
0x1c0: {  	[tilespmem:v53+s21+$0x0] =	vst.idx.msk $0xffff, v40  }
0x1c1: {  	v55 =	vor.u32 s13, v32;
	v40 =	vld.idx.msk [tilespmem:v54+s18+$0x0], $0xffff  }
0x1c2: {  	v56 =	vor.u32 $0x6180, v41;
	_ =	sdelay $0x3  }
0x1c3: {  	[tilespmem:v55+s21+$0x0] =	vst.idx.msk $0xffff, v40  }
0x1c4: {  	v57 =	vor.u32 s13, v33;
	v40 =	vld.idx.msk [tilespmem:v56+s18+$0x0], $0xffff  }
0x1c5: {  	v58 =	vor.u32 $0x6200, v41;
	_ =	sdelay $0x3  }
0x1c6: {  	[tilespmem:v57+s21+$0x0] =	vst.idx.msk $0xffff, v40  }
0x1c7: {  	v59 =	vor.u32 s13, v34;
	v40 =	vld.idx.msk [tilespmem:v58+s18+$0x0], $0xffff  }
0x1c8: {  	v60 =	vor.u32 $0x6280, v41;
	_ =	sdelay $0x3  }
0x1c9: {  	[tilespmem:v59+s21+$0x0] =	vst.idx.msk $0xffff, v40  }
0x1ca: {  	v61 =	vor.u32 s13, v35;
	v40 =	vld.idx.msk [tilespmem:v60+s18+$0x0], $0xffff  }
0x1cb: {  	v41 =	vor.u32 $0x6300, v41;
	_ =	sdelay $0x3  }
0x1cc: {  	[tilespmem:v61+s21+$0x0] =	vst.idx.msk $0xffff, v40  }
0x1cd: {  	v62 =	vor.u32 s13, v36;
	v40 =	vld.idx.msk [tilespmem:v41+s18+$0x0], $0xffff  }
0x1ce: {  	v38 =	vor.u32 $0x6380, v38;
	_ =	sdelay $0x3  }
0x1cf: {  	[tilespmem:v62+s21+$0x0] =	vst.idx.msk $0xffff, v40  }
0x1d0: {  	v63 =	vor.u32 s13, v37;
	v38 =	vld.idx.msk [tilespmem:v38+s18+$0x0], $0xffff;
	_ =	sdelay $0x2  }
.Ltmp14:
0x1d1: {  	_ = 	snop;
	(pc) =	sbr.rel .LBB2_19-.Ltmp14, $4  }
0x1d2: {  	s14 =	sshll.u32 s10, $0x9;
	s16 =	sshll.u32 s10, $0xD  }
0x1d3: {  	s0 =	sshra.s32 s14, $0x2;
	s1 =	sshra.s32 s16, $0x2;
	[tilespmem:v63+s21+$0x0] =	vst.idx.msk $0xffff, v38  }
0x1d4: {  	s24 =	sadd.s32 $0x1, s10;
	s1 =	sadd.s32 $0x1C180, s1;
	s31 =	sadd.s32 $0x1F180, s0;
	[tilespmem:s0+$0x1F180] =	vst v39  }
0x1d5: {  	[hbm4b:s8+s22] =	stream.indirect.scatter [tilespmem:s1], [sflag:s24], $0x80, s31, s22, $0xb8;
	[tilespmem:$0x1F580] =	vst v63  }
.LBB2_7:
0x1d6: {  	[tilespmem:$0x8100] =	vst v6  }
.LBB2_19:
.Ltmp15:
0x1d7: {  	p1 =	seq.s32 s28, $0xF;
	_ =	swait.ge [sflag:s23], $0x8000;
	(pc) =	sbr.rel @!p0 .LBB2_20-.Ltmp15, $4  }
0x1d8: {  	s0 =	sadd.s32 @!p1 s30, s12;
	[sflag:s23] =	ssyncset.done $0x0  }
0x1d9: {  	s1 =	simm.s32 @!p1 $0x2000;
	s3 =	simm.s32 @!p1 $0x7A1400;
	s0 =	smin.u32 @!p1 s0, $0xF3E80  }
0x1da: {  	s6 =	simm.s32 @!p1 $0xC180;
	[sflag:s23] =	ssyncadd.s32 $0xFFFF8000;
	s0 =	sadd.s32 @!p1 s4, s0  }
0x1db: {  	[tilespmem:s6], [sflag:$0x7] =	stream.strided.gather @!p1 [hbm4b:s0+s1], $0x8000, s3, s1, $0x38;
	[tilespmem:$0x1F580] =	vst v63  }
0x1dc: {  	p2 =	sne.s32 s26, $0x1  }
.Ltmp16:
0x1dd: {  	_ = 	snop;
	(pc) =	sbr.rel @!p2 .LBB2_22-.Ltmp16, $3  }
0x1de: {  	_ =	sdelay $0x1  }
0x1df: {  	s0 =	sadd.s32 $0x400, s29;
	s1 =	simm.s32 $0x4080  }
0x1e0: {  	v38 =	vmov s29;
	p1 =	por $0x0, $0x0;
	v40 =	vmov s0;
	s0 =	simm.s32 $0x0;
	v39 =	vld [tilespmem:s1+$0x0];
	s1 =	sadd.s32 $0xFFFFFFFF, s26  }
0x1e1: {  	_ =	sdelay $0x7  }
0x1e2: {  	v41 =	vld.idx.msk [tilespmem:v39+s7+$0x0], $0xffff;
	_ =	sdelay $0x3  }
0x1e3: {  	p2 =	sne.s32 s1, $0x1  }
.Ltmp17:
0x1e4: {  	vm0 =	vge.s32 v41, v38;
	vm1 =	vlt.s32 v41, v40;
	(pc) =	sbr.rel @!p2 .LBB2_24-.Ltmp17, $4  }
0x1e5: {  	vm0 =	vmand vm0, vm1  }
0x1e6: {  	v63 =	vmpcnt.ones.xlane vm0  }
0x1e7: {  	s3 =	simm.s32 $0x4090;
	[tilespmem:s0+$0x8100] =	vst.msk vm0, v39  }
0x1e8: {  	s6 =	sadd.s32 $0xFFFFFFFF, s1;
	p1 =	por $0x1, $0x1;
	s1 =	simm.s32 $0x0;
	v39 =	vld [tilespmem:s3+$0x0];
	(v2sf) =	vpush v63, $0x0  }
.LBB2_25:
0x1e9: {  	p2 =	sne.s32 s6, $0x1;
	_ =	sdelay $0x6  }
0x1ea: {  	v41 =	vld.idx.msk [tilespmem:v39+s7+$0x0], $0xffff;
	_ =	sdelay $0x5  }
.Ltmp18:
0x1eb: {  	vm0 =	vge.s32 v41, v38;
	vm1 =	vlt.s32 v41, v40;
	(pc) =	sbr.rel @p2 .LBB2_25-.Ltmp18, $4  }
0x1ec: {  	vm0 =	vmand vm0, vm1;
	s10 =	spop (v2sf)  }
0x1ed: {  	v41 =	vmpcnt.ones.xlane vm0;
	s1 =	sadd.s32 s1, s10  }
0x1ee: {  	s3 =	sadd.s32 $0x10, s3;
	[tilespmem:s1+$0x8100] =	vst.msk vm0, v39  }
0x1ef: {  	s6 =	sadd.s32 $0xFFFFFFFF, s6;
	v39 =	vld [tilespmem:s3+$0x0];
	(v2sf) =	vpush v41, $0x0  }
.LBB2_26:
0x1f0: {  	_ =	sdelay $0x7  }
0x1f1: {  	v41 =	vld.idx.msk [tilespmem:v39+s7+$0x0], $0xffff;
	_ =	sdelay $0x4  }
0x1f2: {  	vm0 =	vge.s32 v41, v38;
	vm1 =	vlt.s32 v41, v40  }
0x1f3: {  	vm0 =	vmand vm0, vm1  }
0x1f4: {  	v63 =	vmpcnt.ones.xlane vm0;
	_ =	sdelay $0x1  }
0x1f5: {  	(v2sf) =	vpush v63, $0x0;
	_ =	sdelay $0xc  }
0x1f6: {  	s3 =	spop @p1 (v2sf)  }
0x1f7: {  	s1 =	sadd.s32 @p1 s1, s3  }
0x1f8: {  	s0 =	smov.u32 @p1 s1;
	s30 =	spop (v2sf)  }
0x1f9: {  	s31 =	sadd.s32 s0, s30  }
0x1fa: {  	s1 =	sadd.s32 $0xF, s31  }
0x1fb: {  	s1 =	sshra.s32 s1, $0x4  }
0x1fc: {  	p1 =	slt.s32 s1, $0x1  }
.Ltmp19:
0x1fd: {  	_ = 	snop;
	(pc) =	sbr.rel @p1 .LBB2_32-.Ltmp19, $3  }
0x1fe: {  	_ =	sdelay $0x1  }
0x1ff: {  	[tilespmem:s0+$0x8100] =	vst.msk vm0, v39  }
0x200: {  	s29 =	simm.s32 $0x8100;
	[tilespmem:s31+$0x8100] =	vst v6  }
0x201: {  	s0 =	smulhi.u32 $0x2AAAAAAB, s25;
	s3 =	sshra.s32 s25, $0x1F  }
0x202: {  	s3 =	smul.u32 $0x2AAAAAAB, s3;
	_ =	sdelay $0x1  }
0x203: {  	s0 =	sadd.s32 s3, s0  }
0x204: {  	s3 =	sshrl.u32 s0, $0x1F  }
0x205: {  	s0 =	sadd.s32 s3, s0  }
0x206: {  	s3 =	smul.u32 $0x6, s0;
	s0 =	sadd.s32 $0xFFFFFFFF, s1  }
0x207: {  	p3 =	sne.s32 s0, $0x0  }
.Ltmp20:
0x208: {  	_ = 	snop;
	(pc) =	sbr.rel @!p3 .LBB2_28-.Ltmp20, $4  }
0x209: {  	_ = 	snop  }
0x20a: {  	p1 =	slt.s32 s25, $0x6  }
0x20b: {  	p2 =	por $0x0, $0x0;
	p1 =	por p1, p1;
	s10 =	ssub.s32 s25, s3  }
0x20c: {  	s25 =	sadd.s32 $0x1, s25;
	p4 =	slt.s32 s10, $0x0;
	s16 =	sadd.s32 $0x6, s10  }
0x20d: {  	s3 =	smov.u32 s10  }
0x20e: {  	s3 =	smov.u32 @p4 s16  }
0x20f: {  	s1 =	sadd.s32 @!p1 $0x1, s3  }
0x210: {  	_ =	swait.ge @!p1 [sflag:s1], $0x800  }
0x211: {  	[sflag:s1] =	ssyncset.done @!p1 $0x0  }
0x212: {  	[sflag:s1] =	ssyncadd.s32 @!p1 $0xFFFFF800  }
0x213: {  	v39 =	vld [tilespmem:s29+$0x0];
	_ =	sdelay $0x7  }
0x214: {  	v40 =	vld.idx.msk [tilespmem:v39+s7+$0x0], $0xffff;
	_ =	sdelay $0x4  }
0x215: {  	v40 =	vsub.s32 v40, v38  }
0x216: {  	vm0 =	vgt.s32 v40, $0x0  }
0x217: {  	v40 =	vnsel vm0, $0x0, v40  }
0x218: {  	v40 =	vmin.u32 v40, $0x3FF  }
0x219: {  	v41 =	vshll.u32 v40, $0x3  }
0x21a: {  	v42 =	vand.u32 $0x7F, v40;
	v41 =	vand.u32 $0x1C00, v41  }
0x21b: {  	v42 =	vor.u32 v42, v41;
	_ =	sdelay $0x3  }
0x21c: {  	s13 =	sshll.u32 s3, $0xB  }
0x21d: {  	v44 =	vor.u32 s13, v1;
	v43 =	vld.idx.msk [tilespmem:v42+s20+$0x0], $0xffff  }
0x21e: {  	v45 =	vor.u32 $0x80, v42;
	_ =	sdelay $0x3  }
0x21f: {  	[tilespmem:v44+s21+$0x0] =	vst.idx.msk $0xffff, v43  }
0x220: {  	v55 =	vor.u32 s13, v7;
	v43 =	vld.idx.msk [tilespmem:v45+s20+$0x0], $0xffff  }
0x221: {  	v56 =	vor.u32 $0x100, v42;
	_ =	sdelay $0x3  }
0x222: {  	[tilespmem:v55+s21+$0x0] =	vst.idx.msk $0xffff, v43  }
0x223: {  	v57 =	vor.u32 s13, v8;
	v43 =	vld.idx.msk [tilespmem:v56+s20+$0x0], $0xffff  }
0x224: {  	v58 =	vor.u32 $0x180, v42;
	_ =	sdelay $0x3  }
0x225: {  	[tilespmem:v57+s21+$0x0] =	vst.idx.msk $0xffff, v43  }
0x226: {  	v59 =	vor.u32 s13, v9;
	v43 =	vld.idx.msk [tilespmem:v58+s20+$0x0], $0xffff  }
0x227: {  	v60 =	vor.u32 $0x200, v42;
	_ =	sdelay $0x3  }
0x228: {  	[tilespmem:v59+s21+$0x0] =	vst.idx.msk $0xffff, v43  }
0x229: {  	v61 =	vor.u32 s13, v10;
	v43 =	vld.idx.msk [tilespmem:v60+s20+$0x0], $0xffff  }
0x22a: {  	v62 =	vor.u32 $0x280, v42;
	_ =	sdelay $0x3  }
0x22b: {  	[tilespmem:v61+s21+$0x0] =	vst.idx.msk $0xffff, v43  }
0x22c: {  	v63 =	vor.u32 s13, v11;
	v43 =	vld.idx.msk [tilespmem:v62+s20+$0x0], $0xffff  }
0x22d: {  	v48 =	vor.u32 $0x300, v42;
	_ =	sdelay $0x3  }
0x22e: {  	[tilespmem:v63+s21+$0x0] =	vst.idx.msk $0xffff, v43  }
0x22f: {  	v49 =	vor.u32 s13, v12;
	v40 =	vor.u32 v40, v41;
	v43 =	vld.idx.msk [tilespmem:v48+s20+$0x0], $0xffff  }
0x230: {  	v41 =	vor.u32 $0x380, v40;
	_ =	sdelay $0x3  }
0x231: {  	[tilespmem:v49+s21+$0x0] =	vst.idx.msk $0xffff, v43  }
0x232: {  	v50 =	vor.u32 s13, v13;
	v41 =	vld.idx.msk [tilespmem:v41+s20+$0x0], $0xffff  }
0x233: {  	v51 =	vor.u32 $0x2000, v42;
	_ =	sdelay $0x3  }
0x234: {  	[tilespmem:v50+s21+$0x0] =	vst.idx.msk $0xffff, v41  }
0x235: {  	v52 =	vor.u32 s13, v14;
	v41 =	vld.idx.msk [tilespmem:v51+s20+$0x0], $0xffff  }
0x236: {  	v53 =	vor.u32 $0x2080, v42;
	_ =	sdelay $0x3  }
0x237: {  	[tilespmem:v52+s21+$0x0] =	vst.idx.msk $0xffff, v41  }
0x238: {  	v54 =	vor.u32 s13, v15;
	v41 =	vld.idx.msk [tilespmem:v53+s20+$0x0], $0xffff  }
0x239: {  	v55 =	vor.u32 $0x2100, v42;
	_ =	sdelay $0x3  }
0x23a: {  	[tilespmem:v54+s21+$0x0] =	vst.idx.msk $0xffff, v41  }
0x23b: {  	v56 =	vor.u32 s13, v16;
	v41 =	vld.idx.msk [tilespmem:v55+s20+$0x0], $0xffff  }
0x23c: {  	v57 =	vor.u32 $0x2180, v42;
	_ =	sdelay $0x3  }
0x23d: {  	[tilespmem:v56+s21+$0x0] =	vst.idx.msk $0xffff, v41  }
0x23e: {  	v58 =	vor.u32 s13, v17;
	v41 =	vld.idx.msk [tilespmem:v57+s20+$0x0], $0xffff  }
0x23f: {  	v59 =	vor.u32 $0x2200, v42;
	_ =	sdelay $0x3  }
0x240: {  	[tilespmem:v58+s21+$0x0] =	vst.idx.msk $0xffff, v41  }
0x241: {  	v60 =	vor.u32 s13, v18;
	v41 =	vld.idx.msk [tilespmem:v59+s20+$0x0], $0xffff  }
0x242: {  	v61 =	vor.u32 $0x2280, v42;
	_ =	sdelay $0x3  }
0x243: {  	[tilespmem:v60+s21+$0x0] =	vst.idx.msk $0xffff, v41  }
0x244: {  	v62 =	vor.u32 s13, v19;
	v41 =	vld.idx.msk [tilespmem:v61+s20+$0x0], $0xffff  }
0x245: {  	v63 =	vor.u32 $0x2300, v42;
	_ =	sdelay $0x3  }
0x246: {  	[tilespmem:v62+s21+$0x0] =	vst.idx.msk $0xffff, v41  }
0x247: {  	v48 =	vor.u32 s13, v20;
	v41 =	vld.idx.msk [tilespmem:v63+s20+$0x0], $0xffff  }
0x248: {  	v49 =	vor.u32 $0x2380, v40;
	_ =	sdelay $0x3  }
0x249: {  	[tilespmem:v48+s21+$0x0] =	vst.idx.msk $0xffff, v41  }
0x24a: {  	v50 =	vor.u32 s13, v21;
	v41 =	vld.idx.msk [tilespmem:v49+s20+$0x0], $0xffff  }
0x24b: {  	v51 =	vor.u32 $0x4000, v42;
	_ =	sdelay $0x3  }
0x24c: {  	[tilespmem:v50+s21+$0x0] =	vst.idx.msk $0xffff, v41  }
0x24d: {  	v52 =	vor.u32 s13, v22;
	v41 =	vld.idx.msk [tilespmem:v51+s20+$0x0], $0xffff  }
0x24e: {  	v53 =	vor.u32 $0x4080, v42;
	_ =	sdelay $0x3  }
0x24f: {  	[tilespmem:v52+s21+$0x0] =	vst.idx.msk $0xffff, v41  }
0x250: {  	v54 =	vor.u32 s13, v23;
	v41 =	vld.idx.msk [tilespmem:v53+s20+$0x0], $0xffff  }
0x251: {  	v55 =	vor.u32 $0x4100, v42;
	_ =	sdelay $0x3  }
0x252: {  	[tilespmem:v54+s21+$0x0] =	vst.idx.msk $0xffff, v41  }
0x253: {  	v56 =	vor.u32 s13, v24;
	v41 =	vld.idx.msk [tilespmem:v55+s20+$0x0], $0xffff  }
0x254: {  	v57 =	vor.u32 $0x4180, v42;
	_ =	sdelay $0x3  }
0x255: {  	[tilespmem:v56+s21+$0x0] =	vst.idx.msk $0xffff, v41  }
0x256: {  	v58 =	vor.u32 s13, v25;
	v41 =	vld.idx.msk [tilespmem:v57+s20+$0x0], $0xffff  }
0x257: {  	v59 =	vor.u32 $0x4200, v42;
	_ =	sdelay $0x3  }
0x258: {  	[tilespmem:v58+s21+$0x0] =	vst.idx.msk $0xffff, v41  }
0x259: {  	v60 =	vor.u32 s13, v26;
	v41 =	vld.idx.msk [tilespmem:v59+s20+$0x0], $0xffff  }
0x25a: {  	v61 =	vor.u32 $0x4280, v42;
	_ =	sdelay $0x3  }
0x25b: {  	[tilespmem:v60+s21+$0x0] =	vst.idx.msk $0xffff, v41  }
0x25c: {  	v62 =	vor.u32 s13, v27;
	v41 =	vld.idx.msk [tilespmem:v61+s20+$0x0], $0xffff  }
0x25d: {  	v63 =	vor.u32 $0x4300, v42;
	_ =	sdelay $0x3  }
0x25e: {  	[tilespmem:v62+s21+$0x0] =	vst.idx.msk $0xffff, v41  }
0x25f: {  	v48 =	vor.u32 s13, v28;
	v41 =	vld.idx.msk [tilespmem:v63+s20+$0x0], $0xffff  }
0x260: {  	v49 =	vor.u32 $0x4380, v40;
	_ =	sdelay $0x3  }
0x261: {  	[tilespmem:v48+s21+$0x0] =	vst.idx.msk $0xffff, v41  }
0x262: {  	v50 =	vor.u32 s13, v29;
	v41 =	vld.idx.msk [tilespmem:v49+s20+$0x0], $0xffff  }
0x263: {  	v51 =	vor.u32 $0x6000, v42;
	_ =	sdelay $0x3  }
0x264: {  	[tilespmem:v50+s21+$0x0] =	vst.idx.msk $0xffff, v41  }
0x265: {  	v52 =	vor.u32 s13, v30;
	v41 =	vld.idx.msk [tilespmem:v51+s20+$0x0], $0xffff  }
0x266: {  	v53 =	vor.u32 $0x6080, v42;
	_ =	sdelay $0x3  }
0x267: {  	[tilespmem:v52+s21+$0x0] =	vst.idx.msk $0xffff, v41  }
0x268: {  	v54 =	vor.u32 s13, v31;
	v41 =	vld.idx.msk [tilespmem:v53+s20+$0x0], $0xffff  }
0x269: {  	v55 =	vor.u32 $0x6100, v42;
	_ =	sdelay $0x3  }
0x26a: {  	[tilespmem:v54+s21+$0x0] =	vst.idx.msk $0xffff, v41  }
0x26b: {  	v56 =	vor.u32 s13, v32;
	v41 =	vld.idx.msk [tilespmem:v55+s20+$0x0], $0xffff  }
0x26c: {  	v57 =	vor.u32 $0x6180, v42;
	_ =	sdelay $0x3  }
0x26d: {  	[tilespmem:v56+s21+$0x0] =	vst.idx.msk $0xffff, v41  }
0x26e: {  	v58 =	vor.u32 s13, v33;
	v41 =	vld.idx.msk [tilespmem:v57+s20+$0x0], $0xffff  }
0x26f: {  	v59 =	vor.u32 $0x6200, v42;
	_ =	sdelay $0x3  }
0x270: {  	[tilespmem:v58+s21+$0x0] =	vst.idx.msk $0xffff, v41  }
0x271: {  	v60 =	vor.u32 s13, v34;
	v41 =	vld.idx.msk [tilespmem:v59+s20+$0x0], $0xffff  }
0x272: {  	v61 =	vor.u32 $0x6280, v42;
	_ =	sdelay $0x3  }
0x273: {  	[tilespmem:v60+s21+$0x0] =	vst.idx.msk $0xffff, v41  }
0x274: {  	v62 =	vor.u32 s13, v35;
	v41 =	vld.idx.msk [tilespmem:v61+s20+$0x0], $0xffff  }
0x275: {  	v42 =	vor.u32 $0x6300, v42;
	_ =	sdelay $0x3  }
0x276: {  	[tilespmem:v62+s21+$0x0] =	vst.idx.msk $0xffff, v41  }
0x277: {  	s24 =	smulhi.u32 $0x2AAAAAAB, s25;
	s6 =	sshra.s32 s25, $0x1F;
	v63 =	vor.u32 s13, v36;
	v41 =	vld.idx.msk [tilespmem:v42+s20+$0x0], $0xffff  }
0x278: {  	s6 =	smul.u32 $0x2AAAAAAB, s6;
	v40 =	vor.u32 $0x6380, v40;
	_ =	sdelay $0x1  }
0x279: {  	s0 =	sadd.s32 $0xFFFFFFFF, s0;
	s1 =	sadd.s32 s6, s24  }
0x27a: {  	p6 =	slt.s32 s25, $0x6;
	p3 =	sne.s32 s0, $0x0;
	s6 =	sshrl.u32 s1, $0x1F  }
.Ltmp21:
0x27b: {  	p2 =	por $0x1, $0x1;
	s1 =	sadd.s32 s6, s1;
	[tilespmem:v63+s21+$0x0] =	vst.idx.msk $0xffff, v41;
	(pc) =	sbr.rel @!p3 .LBB2_31-.Ltmp21, $4  }
0x27c: {  	s30 =	sshll.u32 s3, $0x9;
	s14 =	sshll.u32 s3, $0xD;
	s31 =	smul.u32 $0x6, s1;
	v41 =	vor.u32 s13, v37;
	v40 =	vld.idx.msk [tilespmem:v40+s20+$0x0], $0xffff  }
0x27d: {  	p1 =	por p6, p6;
	s29 =	simm.s32 $0x8110;
	s6 =	sshra.s32 s30, $0x2  }
0x27e: {  	s1 =	sshra.s32 s14, $0x2;
	s10 =	ssub.s32 s25, s31;
	s25 =	sadd.s32 $0x1, s25  }
0x27f: {  	p4 =	slt.s32 s10, $0x0;
	s16 =	sadd.s32 $0x6, s10;
	s13 =	sadd.s32 $0x1, s3  }
.LBB2_30:
0x280: {  	s3 =	smov.u32 s10  }
0x281: {  	[tilespmem:v41+s21+$0x0] =	vst.idx.msk $0xffff, v40;
	s14 =	sadd.s32 $0x1F180, s6;
	s1 =	sadd.s32 $0x1C180, s1;
	s3 =	smov.u32 @p4 s16  }
0x282: {  	s16 =	sadd.s32 @!p1 $0x1, s3;
	s10 =	sshll.u32 s3, $0xB;
	s24 =	sshll.u32 s3, $0x9;
	[tilespmem:s6+$0x1F180] =	vst v39  }
0x283: {  	p4 =	slt.s32 s25, $0x6;
	s6 =	sshra.s32 s24, $0x2;
	s24 =	sshll.u32 s3, $0xD  }
0x284: {  	[hbm4b:s8+s22] =	stream.indirect.scatter [tilespmem:s1], [sflag:s13], $0x80, s14, s22, $0xb8;
	[tilespmem:$0x1F580] =	vst v63  }
0x285: {  	s0 =	sadd.s32 $0xFFFFFFFF, s0;
	s1 =	sshra.s32 s24, $0x2;
	_ =	swait.ge @!p1 [sflag:s16], $0x800  }
0x286: {  	p3 =	sne.s32 s0, $0x0;
	[sflag:s16] =	ssyncset.done @!p1 $0x0  }
0x287: {  	[sflag:s16] =	ssyncadd.s32 @!p1 $0xFFFFF800;
	p1 =	por p4, p4  }
0x288: {  	v39 =	vld [tilespmem:s29+$0x0];
	_ =	sdelay $0x7  }
0x289: {  	v40 =	vld.idx.msk [tilespmem:v39+s7+$0x0], $0xffff;
	_ =	sdelay $0x5  }
0x28a: {  	v40 =	vsub.s32 v40, v38  }
0x28b: {  	vm0 =	vgt.s32 v40, $0x0  }
0x28c: {  	v40 =	vnsel vm0, $0x0, v40  }
0x28d: {  	v41 =	vmin.u32 v40, $0x3FF  }
0x28e: {  	v40 =	vshll.u32 v41, $0x3  }
0x28f: {  	v42 =	vand.u32 $0x7F, v41;
	v43 =	vand.u32 $0x1C00, v40  }
0x290: {  	v40 =	vor.u32 v42, v43;
	_ =	sdelay $0x4  }
0x291: {  	v44 =	vor.u32 s10, v1;
	v42 =	vld.idx.msk [tilespmem:v40+s20+$0x0], $0xffff  }
0x292: {  	v45 =	vor.u32 $0x80, v40;
	_ =	sdelay $0x4  }
0x293: {  	[tilespmem:v44+s21+$0x0] =	vst.idx.msk $0xffff, v42  }
0x294: {  	v44 =	vor.u32 s10, v7;
	v42 =	vld.idx.msk [tilespmem:v45+s20+$0x0], $0xffff  }
0x295: {  	v45 =	vor.u32 $0x100, v40;
	_ =	sdelay $0x4  }
0x296: {  	[tilespmem:v44+s21+$0x0] =	vst.idx.msk $0xffff, v42  }
0x297: {  	v44 =	vor.u32 s10, v8;
	v42 =	vld.idx.msk [tilespmem:v45+s20+$0x0], $0xffff  }
0x298: {  	v45 =	vor.u32 $0x180, v40;
	_ =	sdelay $0x4  }
0x299: {  	[tilespmem:v44+s21+$0x0] =	vst.idx.msk $0xffff, v42  }
0x29a: {  	v44 =	vor.u32 s10, v9;
	v42 =	vld.idx.msk [tilespmem:v45+s20+$0x0], $0xffff  }
0x29b: {  	v45 =	vor.u32 $0x200, v40;
	_ =	sdelay $0x4  }
0x29c: {  	[tilespmem:v44+s21+$0x0] =	vst.idx.msk $0xffff, v42  }
0x29d: {  	v44 =	vor.u32 s10, v10;
	v42 =	vld.idx.msk [tilespmem:v45+s20+$0x0], $0xffff  }
0x29e: {  	v45 =	vor.u32 $0x280, v40;
	_ =	sdelay $0x4  }
0x29f: {  	[tilespmem:v44+s21+$0x0] =	vst.idx.msk $0xffff, v42  }
0x2a0: {  	v44 =	vor.u32 s10, v11;
	v42 =	vld.idx.msk [tilespmem:v45+s20+$0x0], $0xffff  }
0x2a1: {  	v45 =	vor.u32 $0x300, v40;
	_ =	sdelay $0x4  }
0x2a2: {  	[tilespmem:v44+s21+$0x0] =	vst.idx.msk $0xffff, v42  }
0x2a3: {  	v41 =	vor.u32 v41, v43;
	v44 =	vor.u32 s10, v12;
	v42 =	vld.idx.msk [tilespmem:v45+s20+$0x0], $0xffff  }
0x2a4: {  	v43 =	vor.u32 $0x380, v41;
	_ =	sdelay $0x4  }
0x2a5: {  	[tilespmem:v44+s21+$0x0] =	vst.idx.msk $0xffff, v42  }
0x2a6: {  	v42 =	vld.idx.msk [tilespmem:v43+s20+$0x0], $0xffff;
	v43 =	vor.u32 s10, v13  }
0x2a7: {  	v44 =	vor.u32 $0x2000, v40;
	_ =	sdelay $0x4  }
0x2a8: {  	[tilespmem:v43+s21+$0x0] =	vst.idx.msk $0xffff, v42  }
0x2a9: {  	v43 =	vor.u32 s10, v14;
	v42 =	vld.idx.msk [tilespmem:v44+s20+$0x0], $0xffff  }
0x2aa: {  	v44 =	vor.u32 $0x2080, v40;
	_ =	sdelay $0x4  }
0x2ab: {  	[tilespmem:v43+s21+$0x0] =	vst.idx.msk $0xffff, v42  }
0x2ac: {  	v43 =	vor.u32 s10, v15;
	v42 =	vld.idx.msk [tilespmem:v44+s20+$0x0], $0xffff  }
0x2ad: {  	v44 =	vor.u32 $0x2100, v40;
	_ =	sdelay $0x4  }
0x2ae: {  	[tilespmem:v43+s21+$0x0] =	vst.idx.msk $0xffff, v42  }
0x2af: {  	v43 =	vor.u32 s10, v16;
	v42 =	vld.idx.msk [tilespmem:v44+s20+$0x0], $0xffff  }
0x2b0: {  	v44 =	vor.u32 $0x2180, v40;
	_ =	sdelay $0x4  }
0x2b1: {  	[tilespmem:v43+s21+$0x0] =	vst.idx.msk $0xffff, v42  }
0x2b2: {  	v43 =	vor.u32 s10, v17;
	v42 =	vld.idx.msk [tilespmem:v44+s20+$0x0], $0xffff  }
0x2b3: {  	v44 =	vor.u32 $0x2200, v40;
	_ =	sdelay $0x4  }
0x2b4: {  	[tilespmem:v43+s21+$0x0] =	vst.idx.msk $0xffff, v42  }
0x2b5: {  	v43 =	vor.u32 s10, v18;
	v42 =	vld.idx.msk [tilespmem:v44+s20+$0x0], $0xffff  }
0x2b6: {  	v44 =	vor.u32 $0x2280, v40;
	_ =	sdelay $0x4  }
0x2b7: {  	[tilespmem:v43+s21+$0x0] =	vst.idx.msk $0xffff, v42  }
0x2b8: {  	v43 =	vor.u32 s10, v19;
	v42 =	vld.idx.msk [tilespmem:v44+s20+$0x0], $0xffff  }
0x2b9: {  	v44 =	vor.u32 $0x2300, v40;
	_ =	sdelay $0x4  }
0x2ba: {  	[tilespmem:v43+s21+$0x0] =	vst.idx.msk $0xffff, v42  }
0x2bb: {  	v43 =	vor.u32 s10, v20;
	v42 =	vld.idx.msk [tilespmem:v44+s20+$0x0], $0xffff  }
0x2bc: {  	v44 =	vor.u32 $0x2380, v41;
	_ =	sdelay $0x4  }
0x2bd: {  	[tilespmem:v43+s21+$0x0] =	vst.idx.msk $0xffff, v42  }
0x2be: {  	v43 =	vor.u32 s10, v21;
	v42 =	vld.idx.msk [tilespmem:v44+s20+$0x0], $0xffff  }
0x2bf: {  	v44 =	vor.u32 $0x4000, v40;
	_ =	sdelay $0x4  }
0x2c0: {  	[tilespmem:v43+s21+$0x0] =	vst.idx.msk $0xffff, v42  }
0x2c1: {  	v43 =	vor.u32 s10, v22;
	v42 =	vld.idx.msk [tilespmem:v44+s20+$0x0], $0xffff  }
0x2c2: {  	v44 =	vor.u32 $0x4080, v40;
	_ =	sdelay $0x4  }
0x2c3: {  	[tilespmem:v43+s21+$0x0] =	vst.idx.msk $0xffff, v42  }
0x2c4: {  	v43 =	vor.u32 s10, v23;
	v42 =	vld.idx.msk [tilespmem:v44+s20+$0x0], $0xffff  }
0x2c5: {  	v44 =	vor.u32 $0x4100, v40;
	_ =	sdelay $0x4  }
0x2c6: {  	[tilespmem:v43+s21+$0x0] =	vst.idx.msk $0xffff, v42  }
0x2c7: {  	v43 =	vor.u32 s10, v24;
	v42 =	vld.idx.msk [tilespmem:v44+s20+$0x0], $0xffff  }
0x2c8: {  	v44 =	vor.u32 $0x4180, v40;
	_ =	sdelay $0x4  }
0x2c9: {  	[tilespmem:v43+s21+$0x0] =	vst.idx.msk $0xffff, v42  }
0x2ca: {  	v43 =	vor.u32 s10, v25;
	v42 =	vld.idx.msk [tilespmem:v44+s20+$0x0], $0xffff  }
0x2cb: {  	v44 =	vor.u32 $0x4200, v40;
	_ =	sdelay $0x4  }
0x2cc: {  	[tilespmem:v43+s21+$0x0] =	vst.idx.msk $0xffff, v42  }
0x2cd: {  	v43 =	vor.u32 s10, v26;
	v42 =	vld.idx.msk [tilespmem:v44+s20+$0x0], $0xffff  }
0x2ce: {  	v44 =	vor.u32 $0x4280, v40;
	_ =	sdelay $0x4  }
0x2cf: {  	[tilespmem:v43+s21+$0x0] =	vst.idx.msk $0xffff, v42  }
0x2d0: {  	v43 =	vor.u32 s10, v27;
	v42 =	vld.idx.msk [tilespmem:v44+s20+$0x0], $0xffff  }
0x2d1: {  	v44 =	vor.u32 $0x4300, v40;
	_ =	sdelay $0x4  }
0x2d2: {  	[tilespmem:v43+s21+$0x0] =	vst.idx.msk $0xffff, v42  }
0x2d3: {  	v43 =	vor.u32 s10, v28;
	v42 =	vld.idx.msk [tilespmem:v44+s20+$0x0], $0xffff  }
0x2d4: {  	v44 =	vor.u32 $0x4380, v41;
	_ =	sdelay $0x4  }
0x2d5: {  	[tilespmem:v43+s21+$0x0] =	vst.idx.msk $0xffff, v42  }
0x2d6: {  	v43 =	vor.u32 s10, v29;
	v42 =	vld.idx.msk [tilespmem:v44+s20+$0x0], $0xffff  }
0x2d7: {  	v44 =	vor.u32 $0x6000, v40;
	_ =	sdelay $0x4  }
0x2d8: {  	[tilespmem:v43+s21+$0x0] =	vst.idx.msk $0xffff, v42  }
0x2d9: {  	v43 =	vor.u32 s10, v30;
	v42 =	vld.idx.msk [tilespmem:v44+s20+$0x0], $0xffff  }
0x2da: {  	v44 =	vor.u32 $0x6080, v40;
	_ =	sdelay $0x4  }
0x2db: {  	[tilespmem:v43+s21+$0x0] =	vst.idx.msk $0xffff, v42  }
0x2dc: {  	v43 =	vor.u32 s10, v31;
	v42 =	vld.idx.msk [tilespmem:v44+s20+$0x0], $0xffff  }
0x2dd: {  	v44 =	vor.u32 $0x6100, v40;
	_ =	sdelay $0x4  }
0x2de: {  	[tilespmem:v43+s21+$0x0] =	vst.idx.msk $0xffff, v42  }
0x2df: {  	v43 =	vor.u32 s10, v32;
	v42 =	vld.idx.msk [tilespmem:v44+s20+$0x0], $0xffff  }
0x2e0: {  	v44 =	vor.u32 $0x6180, v40;
	_ =	sdelay $0x4  }
0x2e1: {  	[tilespmem:v43+s21+$0x0] =	vst.idx.msk $0xffff, v42  }
0x2e2: {  	v43 =	vor.u32 s10, v33;
	v42 =	vld.idx.msk [tilespmem:v44+s20+$0x0], $0xffff  }
0x2e3: {  	v44 =	vor.u32 $0x6200, v40;
	_ =	sdelay $0x4  }
0x2e4: {  	[tilespmem:v43+s21+$0x0] =	vst.idx.msk $0xffff, v42  }
0x2e5: {  	v43 =	vor.u32 s10, v34;
	v42 =	vld.idx.msk [tilespmem:v44+s20+$0x0], $0xffff  }
0x2e6: {  	v44 =	vor.u32 $0x6280, v40;
	_ =	sdelay $0x4  }
0x2e7: {  	[tilespmem:v43+s21+$0x0] =	vst.idx.msk $0xffff, v42  }
0x2e8: {  	v43 =	vor.u32 s10, v35;
	v42 =	vld.idx.msk [tilespmem:v44+s20+$0x0], $0xffff  }
0x2e9: {  	v40 =	vor.u32 $0x6300, v40;
	_ =	sdelay $0x4  }
0x2ea: {  	[tilespmem:v43+s21+$0x0] =	vst.idx.msk $0xffff, v42  }
0x2eb: {  	v42 =	vor.u32 s10, v36;
	v40 =	vld.idx.msk [tilespmem:v40+s20+$0x0], $0xffff  }
0x2ec: {  	v41 =	vor.u32 $0x6380, v41;
	_ =	sdelay $0x1  }
0x2ed: {  	s13 =	smulhi.u32 $0x2AAAAAAB, s25;
	s14 =	sshra.s32 s25, $0x1F  }
0x2ee: {  	s14 =	smul.u32 $0x2AAAAAAB, s14;
	_ =	sdelay $0x1  }
0x2ef: {  	s13 =	sadd.s32 s14, s13;
	[tilespmem:v42+s21+$0x0] =	vst.idx.msk $0xffff, v40  }
0x2f0: {  	s14 =	sshrl.u32 s13, $0x1F;
	v40 =	vld.idx.msk [tilespmem:v41+s20+$0x0], $0xffff;
	v41 =	vor.u32 s10, v37  }
.Ltmp22:
0x2f1: {  	s10 =	sadd.s32 s14, s13;
	(pc) =	sbr.rel @p3 .LBB2_30-.Ltmp22, $3  }
0x2f2: {  	s10 =	smul.u32 $0x6, s10;
	_ =	sdelay $0x1  }
0x2f3: {  	s29 =	sadd.s32 $0x10, s29;
	s10 =	ssub.s32 s25, s10;
	s25 =	sadd.s32 $0x1, s25  }
0x2f4: {  	s13 =	sadd.s32 $0x1, s3;
	p4 =	slt.s32 s10, $0x0;
	s16 =	sadd.s32 $0x6, s10  }
.LBB2_31:
0x2f5: {  	_ =	sdelay $0x3  }
0x2f6: {  	s10 =	smov.u32 @p4 s16;
	[tilespmem:v41+s21+$0x0] =	vst.idx.msk @p2 $0xffff, v40  }
0x2f7: {  	s0 =	sadd.s32 @p2 $0x1F180, s6;
	s1 =	sadd.s32 @p2 $0x1C180, s1;
	s3 =	sadd.s32 @!p1 $0x1, s10;
	[tilespmem:s6+$0x1F180] =	vst @p2 v39  }
0x2f8: {  	[hbm4b:s8+s22] =	stream.indirect.scatter @p2 [tilespmem:s1], [sflag:s13], $0x80, s0, s22, $0xb8;
	[tilespmem:$0x1F580] =	vst v63  }
0x2f9: {  	_ =	swait.ge @!p1 [sflag:s3], $0x800  }
0x2fa: {  	[sflag:s3] =	ssyncset.done @!p1 $0x0  }
0x2fb: {  	[sflag:s3] =	ssyncadd.s32 @!p1 $0xFFFFF800  }
0x2fc: {  	v39 =	vld [tilespmem:s29+$0x0];
	_ =	sdelay $0x7  }
0x2fd: {  	v57 =	vld.idx.msk [tilespmem:v39+s7+$0x0], $0xffff;
	_ =	sdelay $0x4  }
0x2fe: {  	v38 =	vsub.s32 v57, v38  }
0x2ff: {  	vm0 =	vgt.s32 v38, $0x0  }
0x300: {  	v38 =	vnsel vm0, $0x0, v38  }
0x301: {  	v38 =	vmin.u32 v38, $0x3FF  }
0x302: {  	v58 =	vshll.u32 v38, $0x3  }
0x303: {  	v59 =	vand.u32 $0x7F, v38;
	v40 =	vand.u32 $0x1C00, v58  }
0x304: {  	v41 =	vor.u32 v59, v40;
	_ =	sdelay $0x3  }
0x305: {  	s16 =	sshll.u32 s10, $0xB  }
0x306: {  	v43 =	vor.u32 s16, v1;
	v42 =	vld.idx.msk [tilespmem:v41+s20+$0x0], $0xffff  }
0x307: {  	v44 =	vor.u32 $0x80, v41;
	_ =	sdelay $0x3  }
0x308: {  	[tilespmem:v43+s21+$0x0] =	vst.idx.msk $0xffff, v42  }
0x309: {  	v60 =	vor.u32 s16, v7;
	v42 =	vld.idx.msk [tilespmem:v44+s20+$0x0], $0xffff  }
0x30a: {  	v61 =	vor.u32 $0x100, v41;
	_ =	sdelay $0x3  }
0x30b: {  	[tilespmem:v60+s21+$0x0] =	vst.idx.msk $0xffff, v42  }
0x30c: {  	v62 =	vor.u32 s16, v8;
	v42 =	vld.idx.msk [tilespmem:v61+s20+$0x0], $0xffff  }
0x30d: {  	v63 =	vor.u32 $0x180, v41;
	_ =	sdelay $0x3  }
0x30e: {  	[tilespmem:v62+s21+$0x0] =	vst.idx.msk $0xffff, v42  }
0x30f: {  	v48 =	vor.u32 s16, v9;
	v42 =	vld.idx.msk [tilespmem:v63+s20+$0x0], $0xffff  }
0x310: {  	v49 =	vor.u32 $0x200, v41;
	_ =	sdelay $0x3  }
0x311: {  	[tilespmem:v48+s21+$0x0] =	vst.idx.msk $0xffff, v42  }
0x312: {  	v50 =	vor.u32 s16, v10;
	v42 =	vld.idx.msk [tilespmem:v49+s20+$0x0], $0xffff  }
0x313: {  	v51 =	vor.u32 $0x280, v41;
	_ =	sdelay $0x3  }
0x314: {  	[tilespmem:v50+s21+$0x0] =	vst.idx.msk $0xffff, v42  }
0x315: {  	v52 =	vor.u32 s16, v11;
	v42 =	vld.idx.msk [tilespmem:v51+s20+$0x0], $0xffff  }
0x316: {  	v53 =	vor.u32 $0x300, v41;
	_ =	sdelay $0x3  }
0x317: {  	[tilespmem:v52+s21+$0x0] =	vst.idx.msk $0xffff, v42  }
0x318: {  	v54 =	vor.u32 s16, v12;
	v38 =	vor.u32 v38, v40;
	v42 =	vld.idx.msk [tilespmem:v53+s20+$0x0], $0xffff  }
0x319: {  	v40 =	vor.u32 $0x380, v38;
	_ =	sdelay $0x3  }
0x31a: {  	[tilespmem:v54+s21+$0x0] =	vst.idx.msk $0xffff, v42  }
0x31b: {  	v55 =	vor.u32 s16, v13;
	v40 =	vld.idx.msk [tilespmem:v40+s20+$0x0], $0xffff  }
0x31c: {  	v56 =	vor.u32 $0x2000, v41;
	_ =	sdelay $0x3  }
0x31d: {  	[tilespmem:v55+s21+$0x0] =	vst.idx.msk $0xffff, v40  }
0x31e: {  	v57 =	vor.u32 s16, v14;
	v40 =	vld.idx.msk [tilespmem:v56+s20+$0x0], $0xffff  }
0x31f: {  	v58 =	vor.u32 $0x2080, v41;
	_ =	sdelay $0x3  }
0x320: {  	[tilespmem:v57+s21+$0x0] =	vst.idx.msk $0xffff, v40  }
0x321: {  	v59 =	vor.u32 s16, v15;
	v40 =	vld.idx.msk [tilespmem:v58+s20+$0x0], $0xffff  }
0x322: {  	v60 =	vor.u32 $0x2100, v41;
	_ =	sdelay $0x3  }
0x323: {  	[tilespmem:v59+s21+$0x0] =	vst.idx.msk $0xffff, v40  }
0x324: {  	v61 =	vor.u32 s16, v16;
	v40 =	vld.idx.msk [tilespmem:v60+s20+$0x0], $0xffff  }
0x325: {  	v62 =	vor.u32 $0x2180, v41;
	_ =	sdelay $0x3  }
0x326: {  	[tilespmem:v61+s21+$0x0] =	vst.idx.msk $0xffff, v40  }
0x327: {  	v63 =	vor.u32 s16, v17;
	v40 =	vld.idx.msk [tilespmem:v62+s20+$0x0], $0xffff  }
0x328: {  	v45 =	vor.u32 $0x2200, v41;
	_ =	sdelay $0x3  }
0x329: {  	[tilespmem:v63+s21+$0x0] =	vst.idx.msk $0xffff, v40  }
0x32a: {  	v46 =	vor.u32 s16, v18;
	v40 =	vld.idx.msk [tilespmem:v45+s20+$0x0], $0xffff  }
0x32b: {  	v47 =	vor.u32 $0x2280, v41;
	_ =	sdelay $0x3  }
0x32c: {  	[tilespmem:v46+s21+$0x0] =	vst.idx.msk $0xffff, v40  }
0x32d: {  	v48 =	vor.u32 s16, v19;
	v40 =	vld.idx.msk [tilespmem:v47+s20+$0x0], $0xffff  }
0x32e: {  	v49 =	vor.u32 $0x2300, v41;
	_ =	sdelay $0x3  }
0x32f: {  	[tilespmem:v48+s21+$0x0] =	vst.idx.msk $0xffff, v40  }
0x330: {  	v50 =	vor.u32 s16, v20;
	v40 =	vld.idx.msk [tilespmem:v49+s20+$0x0], $0xffff  }
0x331: {  	v51 =	vor.u32 $0x2380, v38;
	_ =	sdelay $0x3  }
0x332: {  	[tilespmem:v50+s21+$0x0] =	vst.idx.msk $0xffff, v40  }
0x333: {  	v52 =	vor.u32 s16, v21;
	v40 =	vld.idx.msk [tilespmem:v51+s20+$0x0], $0xffff  }
0x334: {  	v53 =	vor.u32 $0x4000, v41;
	_ =	sdelay $0x3  }
0x335: {  	[tilespmem:v52+s21+$0x0] =	vst.idx.msk $0xffff, v40  }
0x336: {  	v54 =	vor.u32 s16, v22;
	v40 =	vld.idx.msk [tilespmem:v53+s20+$0x0], $0xffff  }
0x337: {  	v55 =	vor.u32 $0x4080, v41;
	_ =	sdelay $0x3  }
0x338: {  	[tilespmem:v54+s21+$0x0] =	vst.idx.msk $0xffff, v40  }
0x339: {  	v56 =	vor.u32 s16, v23;
	v40 =	vld.idx.msk [tilespmem:v55+s20+$0x0], $0xffff  }
0x33a: {  	v57 =	vor.u32 $0x4100, v41;
	_ =	sdelay $0x3  }
0x33b: {  	[tilespmem:v56+s21+$0x0] =	vst.idx.msk $0xffff, v40  }
0x33c: {  	v58 =	vor.u32 s16, v24;
	v40 =	vld.idx.msk [tilespmem:v57+s20+$0x0], $0xffff  }
0x33d: {  	v59 =	vor.u32 $0x4180, v41;
	_ =	sdelay $0x3  }
0x33e: {  	[tilespmem:v58+s21+$0x0] =	vst.idx.msk $0xffff, v40  }
0x33f: {  	v60 =	vor.u32 s16, v25;
	v40 =	vld.idx.msk [tilespmem:v59+s20+$0x0], $0xffff  }
0x340: {  	v61 =	vor.u32 $0x4200, v41;
	_ =	sdelay $0x3  }
0x341: {  	[tilespmem:v60+s21+$0x0] =	vst.idx.msk $0xffff, v40  }
0x342: {  	v62 =	vor.u32 s16, v26;
	v40 =	vld.idx.msk [tilespmem:v61+s20+$0x0], $0xffff  }
0x343: {  	v63 =	vor.u32 $0x4280, v41;
	_ =	sdelay $0x3  }
0x344: {  	[tilespmem:v62+s21+$0x0] =	vst.idx.msk $0xffff, v40  }
0x345: {  	v45 =	vor.u32 s16, v27;
	v40 =	vld.idx.msk [tilespmem:v63+s20+$0x0], $0xffff  }
0x346: {  	v46 =	vor.u32 $0x4300, v41;
	_ =	sdelay $0x3  }
0x347: {  	[tilespmem:v45+s21+$0x0] =	vst.idx.msk $0xffff, v40  }
0x348: {  	v47 =	vor.u32 s16, v28;
	v40 =	vld.idx.msk [tilespmem:v46+s20+$0x0], $0xffff  }
0x349: {  	v48 =	vor.u32 $0x4380, v38;
	_ =	sdelay $0x3  }
0x34a: {  	[tilespmem:v47+s21+$0x0] =	vst.idx.msk $0xffff, v40  }
0x34b: {  	v49 =	vor.u32 s16, v29;
	v40 =	vld.idx.msk [tilespmem:v48+s20+$0x0], $0xffff  }
0x34c: {  	v50 =	vor.u32 $0x6000, v41;
	_ =	sdelay $0x3  }
0x34d: {  	[tilespmem:v49+s21+$0x0] =	vst.idx.msk $0xffff, v40  }
0x34e: {  	v51 =	vor.u32 s16, v30;
	v40 =	vld.idx.msk [tilespmem:v50+s20+$0x0], $0xffff  }
0x34f: {  	v52 =	vor.u32 $0x6080, v41;
	_ =	sdelay $0x3  }
0x350: {  	[tilespmem:v51+s21+$0x0] =	vst.idx.msk $0xffff, v40  }
0x351: {  	v53 =	vor.u32 s16, v31;
	v40 =	vld.idx.msk [tilespmem:v52+s20+$0x0], $0xffff  }
0x352: {  	v54 =	vor.u32 $0x6100, v41;
	_ =	sdelay $0x3  }
0x353: {  	[tilespmem:v53+s21+$0x0] =	vst.idx.msk $0xffff, v40  }
0x354: {  	v55 =	vor.u32 s16, v32;
	v40 =	vld.idx.msk [tilespmem:v54+s20+$0x0], $0xffff  }
0x355: {  	v56 =	vor.u32 $0x6180, v41;
	_ =	sdelay $0x3  }
0x356: {  	[tilespmem:v55+s21+$0x0] =	vst.idx.msk $0xffff, v40  }
0x357: {  	v57 =	vor.u32 s16, v33;
	v40 =	vld.idx.msk [tilespmem:v56+s20+$0x0], $0xffff  }
0x358: {  	v58 =	vor.u32 $0x6200, v41;
	_ =	sdelay $0x3  }
0x359: {  	[tilespmem:v57+s21+$0x0] =	vst.idx.msk $0xffff, v40  }
0x35a: {  	v59 =	vor.u32 s16, v34;
	v40 =	vld.idx.msk [tilespmem:v58+s20+$0x0], $0xffff  }
0x35b: {  	v60 =	vor.u32 $0x6280, v41;
	_ =	sdelay $0x3  }
0x35c: {  	[tilespmem:v59+s21+$0x0] =	vst.idx.msk $0xffff, v40  }
0x35d: {  	v61 =	vor.u32 s16, v35;
	v40 =	vld.idx.msk [tilespmem:v60+s20+$0x0], $0xffff  }
0x35e: {  	v41 =	vor.u32 $0x6300, v41;
	_ =	sdelay $0x3  }
0x35f: {  	[tilespmem:v61+s21+$0x0] =	vst.idx.msk $0xffff, v40  }
0x360: {  	v62 =	vor.u32 s16, v36;
	v40 =	vld.idx.msk [tilespmem:v41+s20+$0x0], $0xffff  }
0x361: {  	v38 =	vor.u32 $0x6380, v38;
	_ =	sdelay $0x3  }
0x362: {  	[tilespmem:v62+s21+$0x0] =	vst.idx.msk $0xffff, v40  }
0x363: {  	v63 =	vor.u32 s16, v37;
	v38 =	vld.idx.msk [tilespmem:v38+s20+$0x0], $0xffff;
	_ =	sdelay $0x2  }
.Ltmp23:
0x364: {  	_ = 	snop;
	(pc) =	sbr.rel .LBB2_32-.Ltmp23, $4  }
0x365: {  	s24 =	sshll.u32 s10, $0x9;
	s29 =	sshll.u32 s10, $0xD  }
0x366: {  	s0 =	sshra.s32 s24, $0x2;
	s1 =	sshra.s32 s29, $0x2;
	[tilespmem:v63+s21+$0x0] =	vst.idx.msk $0xffff, v38  }
0x367: {  	s30 =	sadd.s32 $0x1, s10;
	s31 =	sadd.s32 $0x1F180, s0;
	s1 =	sadd.s32 $0x1C180, s1;
	[tilespmem:s0+$0x1F180] =	vst v39  }
0x368: {  	[hbm4b:s8+s22] =	stream.indirect.scatter [tilespmem:s1], [sflag:s30], $0x80, s31, s22, $0xb8;
	[tilespmem:$0x1F580] =	vst v63  }
.LBB2_9:
.Ltmp24:
0x369: {  	(pc) =	sbr.rel .LBB2_13-.Ltmp24, $2  }
0x36a: {  	_ =	sdelay $0x2  }
0x36b: {  	s1 =	simm.s32 $0x0  }
.LBB2_22:
.Ltmp25:
0x36c: {  	(pc) =	sbr.rel .LBB2_26-.Ltmp25, $2  }
0x36d: {  	_ =	sdelay $0x2  }
0x36e: {  	s1 =	simm.s32 $0x0  }
.LBB2_11:
.Ltmp26:
0x36f: {  	(pc) =	sbr.rel .LBB2_13-.Ltmp26, $2  }
0x370: {  	_ =	sdelay $0x2  }
0x371: {  	s1 =	simm.s32 $0x0  }
.LBB2_24:
.Ltmp27:
0x372: {  	(pc) =	sbr.rel .LBB2_26-.Ltmp27, $2  }
0x373: {  	_ =	sdelay $0x2  }
0x374: {  	s1 =	simm.s32 $0x0  }
.LBB2_15:
.Ltmp28:
0x375: {  	(pc) =	sbr.rel .LBB2_18-.Ltmp28, $2  }
0x376: {  	_ =	sdelay $0x2  }
0x377: {  	_ = 	snop  }
.LBB2_28:
.Ltmp29:
0x378: {  	(pc) =	sbr.rel .LBB2_31-.Ltmp29, $2  }
0x379: {  	_ =	sdelay $0x2  }
0x37a: {  	_ = 	snop  }
.LBB2_33:
0x37b: {  	p0 =	slt.s32 s25, $0x1  }
.Ltmp30:
0x37c: {  	_ = 	snop;
	(pc) =	sbr.rel @p0 .LBB2_37-.Ltmp30, $1  }
0x37d: {  	_ =	sdelay $0x3  }
0x37e: {  	p0 =	slt.s32 s25, $0x6  }
0x37f: {  	s25 =	simm.s32 @!p0 $0x6  }
0x380: {  	p0 =	sne.s32 s25, $0x1  }
.Ltmp31:
0x381: {  	_ = 	snop;
	(pc) =	sbr.rel @!p0 .LBB2_36-.Ltmp31, $4  }
0x382: {  	_ = 	snop  }
0x383: {  	s0 =	simm.s32 $0x1  }
0x384: {  	_ =	swait.ge [sflag:s0], $0x800  }
0x385: {  	s1 =	sadd.s32 $0xFFFFFFFF, s25;
	[sflag:s0] =	ssyncset.done $0x0  }
.LBB2_35:
0x386: {  	p0 =	sne.s32 s1, $0x1;
	[sflag:s0] =	ssyncadd.s32 $0xFFFFF800;
	s0 =	sadd.s32 $0x1, s0  }
.Ltmp32:
0x387: {  	s1 =	sadd.s32 $0xFFFFFFFF, s1;
	(pc) =	sbr.rel @p0 .LBB2_35-.Ltmp32, $3  }
0x388: {  	_ =	sdelay $0x1  }
0x389: {  	_ =	swait.ge [sflag:s0], $0x800  }
0x38a: {  	[sflag:s0] =	ssyncset.done $0x0  }
.LBB2_36:
0x38b: {  	[sflag:s0] =	ssyncadd.s32 $0xFFFFF800  }
.LBB2_37:
0x38c: {  	s0 =	simm.s32 $0x0;
	s1 =	rddreg [dreg:$0x1];
	s31 =	simm.s32 $0x9  }
0x38d: {  	[tilespmem:s0], [sflag:$0x9] =	stream.linear.gather [hbm4b:s1+s0], $0x4000, $0x38;
	[tilespmem:$0x1F580] =	vst v63  }
0x38e: {  	_ =	swait.ge [sflag:s31], $0x4000  }
0x38f: {  	[sflag:s31] =	ssyncset.done $0x0  }
0x390: {  	[sflag:s31] =	ssyncadd.s32 $0xFFFFC000  }
0x391: {  	[tilespmem:$0x4000] =	vst v5  }
0x392: {  	v38 =	vld [tilespmem:s0+$0x0];
	_ =	sdelay $0x4  }
0x393: {  	vm0 =	vge.s32 v38, v2;
	vm1 =	vlt.s32 v38, v3  }
0x394: {  	vm0 =	vmand vm0, vm1  }
0x395: {  	v63 =	vmpcnt.ones.xlane vm0;
	_ =	sdelay $0x1  }
0x396: {  	(v2sf) =	vpush v63, $0x0;
	_ =	sdelay $0x4  }
0x397: {  	v39 =	vor.u32 s0, v0  }
0x398: {  	s1 =	simm.s32 $0x10;
	[tilespmem:s0+$0x4080] =	vst.msk vm0, v39  }
0x399: {  	s3 =	simm.s32 $0x20;
	s6 =	simm.s32 $0x10;
	v38 =	vld [tilespmem:s1+$0x0]  }
.LBB2_38:
0x39a: {  	p0 =	sne.s32 s3, $0x3FF0;
	_ =	sdelay $0x3  }
0x39b: {  	vm0 =	vge.s32 v38, v2;
	vm1 =	vlt.s32 v38, v3  }
0x39c: {  	vm0 =	vmand vm0, vm1  }
0x39d: {  	v38 =	vmpcnt.ones.xlane vm0  }
0x39e: {  	s10 =	spop (v2sf)  }
0x39f: {  	v39 =	vor.u32 s1, v0;
	s1 =	smov.u32 s3;
	(v2sf) =	vpush v38, $0x0;
	s0 =	sadd.s32 s0, s10  }
0x3a0: {  	[tilespmem:s0+$0x4080] =	vst.msk vm0, v39;
	_ =	sdelay $0x1  }
.Ltmp33:
0x3a1: {  	(pc) =	sbr.rel @p0 .LBB2_38-.Ltmp33, $3  }
0x3a2: {  	_ =	sdelay $0x1  }
0x3a3: {  	s6 =	sadd.s32 $0x10, s6  }
0x3a4: {  	s3 =	sadd.s32 $0x10, s3;
	v38 =	vld [tilespmem:s6+$0x0]  }
0x3a5: {  	_ =	sdelay $0x3  }
0x3a6: {  	vm0 =	vge.s32 v38, v2;
	vm1 =	vlt.s32 v38, v3  }
0x3a7: {  	vm0 =	vmand vm0, vm1  }
0x3a8: {  	v62 =	vmpcnt.ones.xlane vm0;
	_ =	sdelay $0x1  }
0x3a9: {  	(v2sf) =	vpush v62, $0x0;
	_ =	sdelay $0xd  }
0x3aa: {  	s3 =	spop (v2sf)  }
0x3ab: {  	v63 =	vor.u32 s1, v0;
	s0 =	sadd.s32 s0, s3;
	s30 =	spop (v2sf)  }
.Ltmp34:
0x3ac: {  	[tilespmem:s0+$0x4080] =	vst.msk vm0, v63;
	s0 =	sadd.s32 s0, s30;
	(pc) =	sbr.rel .LBB2_40-.Ltmp34, $4  }
0x3ad: {  	s31 =	rddreg [dreg:$0x7];
	[tilespmem:s0+$0x4080] =	vst v6;
	s0 =	sadd.s32 $0xF, s0  }
0x3ae: {  	[tilespmem:s18], [sflag:$0x7] =	stream.strided.gather [hbm4b:s31+s15], $0x8000, s17, s15, $0x38;
	[tilespmem:$0x1F580] =	vst v63  }
0x3af: {  	s26 =	sshra.s32 s0, $0x4  }
0x3b0: {  	s25 =	simm.s32 $0x0;
	s28 =	simm.s32 $0x0;
	p0 =	sgt.s32 s26, $0x0  }
.LBB2_54:
0x3b1: {  	[tilespmem:$0x8100] =	vst v6  }
.LBB2_66:
0x3b2: {  	s28 =	sadd.s32 $0x1, s28  }
0x3b3: {  	p1 =	sne.s32 s28, $0x10  }
.Ltmp35:
0x3b4: {  	_ = 	snop;
	(pc) =	sbr.rel @!p1 .LBB2_67-.Ltmp35, $1  }
0x3b5: {  	_ =	sdelay $0x3  }
.LBB2_40:
.Ltmp36:
0x3b6: {  	s30 =	sshll.u32 s28, $0xB;
	(pc) =	sbr.rel @!p0 .LBB2_41-.Ltmp36, $4  }
0x3b7: {  	_ =	swait.ge [sflag:s19], $0x8000;
	s0 =	sadd.s32 s11, s30  }
0x3b8: {  	[sflag:s19] =	ssyncset.done $0x0;
	s29 =	smin.u32 s0, $0xF3E80  }
0x3b9: {  	[sflag:s19] =	ssyncadd.s32 $0xFFFF8000;
	s0 =	sadd.s32 s5, s29  }
0x3ba: {  	[tilespmem:s20], [sflag:$0x8] =	stream.strided.gather [hbm4b:s0+s15], $0x8000, s17, s15, $0x38;
	[tilespmem:$0x1F580] =	vst v63  }
0x3bb: {  	p2 =	sne.s32 s26, $0x1  }
.Ltmp37:
0x3bc: {  	_ = 	snop;
	(pc) =	sbr.rel @!p2 .LBB2_43-.Ltmp37, $4  }
0x3bd: {  	s0 =	sor.u32 s2, s30  }
0x3be: {  	s0 =	smin.u32 s0, $0xF3E80  }
0x3bf: {  	s3 =	simm.s32 $0x4080;
	s1 =	sadd.s32 $0x400, s0  }
0x3c0: {  	p1 =	por $0x0, $0x0;
	v39 =	vld [tilespmem:s3+$0x0];
	v38 =	vmov s0;
	s0 =	simm.s32 $0x0;
	v40 =	vmov s1;
	s1 =	sadd.s32 $0xFFFFFFFF, s26  }
0x3c1: {  	_ =	sdelay $0x7  }
0x3c2: {  	v41 =	vld.idx.msk [tilespmem:v39+s7+$0x0], $0xffff;
	_ =	sdelay $0x3  }
0x3c3: {  	p2 =	sne.s32 s1, $0x1  }
.Ltmp38:
0x3c4: {  	vm0 =	vge.s32 v41, v38;
	vm1 =	vlt.s32 v41, v40;
	(pc) =	sbr.rel @!p2 .LBB2_45-.Ltmp38, $4  }
0x3c5: {  	vm0 =	vmand vm0, vm1  }
0x3c6: {  	v63 =	vmpcnt.ones.xlane vm0  }
0x3c7: {  	s3 =	simm.s32 $0x4090;
	[tilespmem:s0+$0x8100] =	vst.msk vm0, v39  }
0x3c8: {  	s6 =	sadd.s32 $0xFFFFFFFF, s1;
	p1 =	por $0x1, $0x1;
	s1 =	simm.s32 $0x0;
	v39 =	vld [tilespmem:s3+$0x0];
	(v2sf) =	vpush v63, $0x0  }
.LBB2_46:
0x3c9: {  	p2 =	sne.s32 s6, $0x1;
	_ =	sdelay $0x6  }
0x3ca: {  	v41 =	vld.idx.msk [tilespmem:v39+s7+$0x0], $0xffff;
	_ =	sdelay $0x5  }
.Ltmp39:
0x3cb: {  	vm0 =	vge.s32 v41, v38;
	vm1 =	vlt.s32 v41, v40;
	(pc) =	sbr.rel @p2 .LBB2_46-.Ltmp39, $4  }
0x3cc: {  	vm0 =	vmand vm0, vm1;
	s10 =	spop (v2sf)  }
0x3cd: {  	v41 =	vmpcnt.ones.xlane vm0;
	s1 =	sadd.s32 s1, s10  }
0x3ce: {  	s3 =	sadd.s32 $0x10, s3;
	[tilespmem:s1+$0x8100] =	vst.msk vm0, v39  }
0x3cf: {  	s6 =	sadd.s32 $0xFFFFFFFF, s6;
	v39 =	vld [tilespmem:s3+$0x0];
	(v2sf) =	vpush v41, $0x0  }
.LBB2_47:
0x3d0: {  	_ =	sdelay $0x7  }
0x3d1: {  	v41 =	vld.idx.msk [tilespmem:v39+s7+$0x0], $0xffff;
	_ =	sdelay $0x4  }
0x3d2: {  	vm0 =	vge.s32 v41, v38;
	vm1 =	vlt.s32 v41, v40  }
0x3d3: {  	vm0 =	vmand vm0, vm1  }
0x3d4: {  	v63 =	vmpcnt.ones.xlane vm0;
	_ =	sdelay $0x1  }
0x3d5: {  	(v2sf) =	vpush v63, $0x0;
	_ =	sdelay $0xc  }
0x3d6: {  	s3 =	spop @p1 (v2sf)  }
0x3d7: {  	s1 =	sadd.s32 @p1 s1, s3  }
0x3d8: {  	s0 =	smov.u32 @p1 s1;
	s16 =	spop (v2sf)  }
0x3d9: {  	s24 =	sadd.s32 s0, s16  }
0x3da: {  	s1 =	sadd.s32 $0xF, s24  }
0x3db: {  	s1 =	sshra.s32 s1, $0x4  }
0x3dc: {  	p1 =	slt.s32 s1, $0x1  }
.Ltmp40:
0x3dd: {  	_ = 	snop;
	(pc) =	sbr.rel @p1 .LBB2_53-.Ltmp40, $3  }
0x3de: {  	_ =	sdelay $0x1  }
0x3df: {  	[tilespmem:s0+$0x8100] =	vst.msk vm0, v39  }
0x3e0: {  	s31 =	simm.s32 $0x8100;
	[tilespmem:s24+$0x8100] =	vst v6  }
0x3e1: {  	s0 =	smulhi.u32 $0x2AAAAAAB, s25;
	s3 =	sshra.s32 s25, $0x1F  }
0x3e2: {  	s3 =	smul.u32 $0x2AAAAAAB, s3;
	_ =	sdelay $0x1  }
0x3e3: {  	s0 =	sadd.s32 s3, s0  }
0x3e4: {  	s3 =	sshrl.u32 s0, $0x1F  }
0x3e5: {  	s0 =	sadd.s32 s3, s0  }
0x3e6: {  	s3 =	smul.u32 $0x6, s0;
	s0 =	sadd.s32 $0xFFFFFFFF, s1  }
0x3e7: {  	p3 =	sne.s32 s0, $0x0  }
.Ltmp41:
0x3e8: {  	_ = 	snop;
	(pc) =	sbr.rel @!p3 .LBB2_49-.Ltmp41, $4  }
0x3e9: {  	_ = 	snop  }
0x3ea: {  	p1 =	slt.s32 s25, $0x6  }
0x3eb: {  	p2 =	por $0x0, $0x0;
	p1 =	por p1, p1;
	s10 =	ssub.s32 s25, s3  }
0x3ec: {  	s25 =	sadd.s32 $0x1, s25;
	p4 =	slt.s32 s10, $0x0;
	s16 =	sadd.s32 $0x6, s10  }
0x3ed: {  	s3 =	smov.u32 s10  }
0x3ee: {  	s3 =	smov.u32 @p4 s16  }
0x3ef: {  	s1 =	sadd.s32 @!p1 $0x1, s3  }
0x3f0: {  	_ =	swait.ge @!p1 [sflag:s1], $0x800  }
0x3f1: {  	[sflag:s1] =	ssyncset.done @!p1 $0x0  }
0x3f2: {  	[sflag:s1] =	ssyncadd.s32 @!p1 $0xFFFFF800  }
0x3f3: {  	v39 =	vld [tilespmem:s31+$0x0];
	_ =	sdelay $0x7  }
0x3f4: {  	v40 =	vld.idx.msk [tilespmem:v39+s7+$0x0], $0xffff;
	_ =	sdelay $0x4  }
0x3f5: {  	v40 =	vsub.s32 v40, v38  }
0x3f6: {  	vm0 =	vgt.s32 v40, $0x0  }
0x3f7: {  	v40 =	vnsel vm0, $0x0, v40  }
0x3f8: {  	v40 =	vmin.u32 v40, $0x3FF  }
0x3f9: {  	v41 =	vshll.u32 v40, $0x3  }
0x3fa: {  	v42 =	vand.u32 $0x7F, v40;
	v41 =	vand.u32 $0x1C00, v41  }
0x3fb: {  	v42 =	vor.u32 v42, v41;
	_ =	sdelay $0x3  }
0x3fc: {  	s13 =	sshll.u32 s3, $0xB  }
0x3fd: {  	v44 =	vor.u32 s13, v1;
	v43 =	vld.idx.msk [tilespmem:v42+s18+$0x0], $0xffff  }
0x3fe: {  	v45 =	vor.u32 $0x80, v42;
	_ =	sdelay $0x3  }
0x3ff: {  	[tilespmem:v44+s21+$0x0] =	vst.idx.msk $0xffff, v43  }
0x400: {  	v55 =	vor.u32 s13, v7;
	v43 =	vld.idx.msk [tilespmem:v45+s18+$0x0], $0xffff  }
0x401: {  	v56 =	vor.u32 $0x100, v42;
	_ =	sdelay $0x3  }
0x402: {  	[tilespmem:v55+s21+$0x0] =	vst.idx.msk $0xffff, v43  }
0x403: {  	v57 =	vor.u32 s13, v8;
	v43 =	vld.idx.msk [tilespmem:v56+s18+$0x0], $0xffff  }
0x404: {  	v58 =	vor.u32 $0x180, v42;
	_ =	sdelay $0x3  }
0x405: {  	[tilespmem:v57+s21+$0x0] =	vst.idx.msk $0xffff, v43  }
0x406: {  	v59 =	vor.u32 s13, v9;
	v43 =	vld.idx.msk [tilespmem:v58+s18+$0x0], $0xffff  }
0x407: {  	v60 =	vor.u32 $0x200, v42;
	_ =	sdelay $0x3  }
0x408: {  	[tilespmem:v59+s21+$0x0] =	vst.idx.msk $0xffff, v43  }
0x409: {  	v61 =	vor.u32 s13, v10;
	v43 =	vld.idx.msk [tilespmem:v60+s18+$0x0], $0xffff  }
0x40a: {  	v62 =	vor.u32 $0x280, v42;
	_ =	sdelay $0x3  }
0x40b: {  	[tilespmem:v61+s21+$0x0] =	vst.idx.msk $0xffff, v43  }
0x40c: {  	v63 =	vor.u32 s13, v11;
	v43 =	vld.idx.msk [tilespmem:v62+s18+$0x0], $0xffff  }
0x40d: {  	v48 =	vor.u32 $0x300, v42;
	_ =	sdelay $0x3  }
0x40e: {  	[tilespmem:v63+s21+$0x0] =	vst.idx.msk $0xffff, v43  }
0x40f: {  	v49 =	vor.u32 s13, v12;
	v40 =	vor.u32 v40, v41;
	v43 =	vld.idx.msk [tilespmem:v48+s18+$0x0], $0xffff  }
0x410: {  	v41 =	vor.u32 $0x380, v40;
	_ =	sdelay $0x3  }
0x411: {  	[tilespmem:v49+s21+$0x0] =	vst.idx.msk $0xffff, v43  }
0x412: {  	v50 =	vor.u32 s13, v13;
	v41 =	vld.idx.msk [tilespmem:v41+s18+$0x0], $0xffff  }
0x413: {  	v51 =	vor.u32 $0x2000, v42;
	_ =	sdelay $0x3  }
0x414: {  	[tilespmem:v50+s21+$0x0] =	vst.idx.msk $0xffff, v41  }
0x415: {  	v52 =	vor.u32 s13, v14;
	v41 =	vld.idx.msk [tilespmem:v51+s18+$0x0], $0xffff  }
0x416: {  	v53 =	vor.u32 $0x2080, v42;
	_ =	sdelay $0x3  }
0x417: {  	[tilespmem:v52+s21+$0x0] =	vst.idx.msk $0xffff, v41  }
0x418: {  	v54 =	vor.u32 s13, v15;
	v41 =	vld.idx.msk [tilespmem:v53+s18+$0x0], $0xffff  }
0x419: {  	v55 =	vor.u32 $0x2100, v42;
	_ =	sdelay $0x3  }
0x41a: {  	[tilespmem:v54+s21+$0x0] =	vst.idx.msk $0xffff, v41  }
0x41b: {  	v56 =	vor.u32 s13, v16;
	v41 =	vld.idx.msk [tilespmem:v55+s18+$0x0], $0xffff  }
0x41c: {  	v57 =	vor.u32 $0x2180, v42;
	_ =	sdelay $0x3  }
0x41d: {  	[tilespmem:v56+s21+$0x0] =	vst.idx.msk $0xffff, v41  }
0x41e: {  	v58 =	vor.u32 s13, v17;
	v41 =	vld.idx.msk [tilespmem:v57+s18+$0x0], $0xffff  }
0x41f: {  	v59 =	vor.u32 $0x2200, v42;
	_ =	sdelay $0x3  }
0x420: {  	[tilespmem:v58+s21+$0x0] =	vst.idx.msk $0xffff, v41  }
0x421: {  	v60 =	vor.u32 s13, v18;
	v41 =	vld.idx.msk [tilespmem:v59+s18+$0x0], $0xffff  }
0x422: {  	v61 =	vor.u32 $0x2280, v42;
	_ =	sdelay $0x3  }
0x423: {  	[tilespmem:v60+s21+$0x0] =	vst.idx.msk $0xffff, v41  }
0x424: {  	v62 =	vor.u32 s13, v19;
	v41 =	vld.idx.msk [tilespmem:v61+s18+$0x0], $0xffff  }
0x425: {  	v63 =	vor.u32 $0x2300, v42;
	_ =	sdelay $0x3  }
0x426: {  	[tilespmem:v62+s21+$0x0] =	vst.idx.msk $0xffff, v41  }
0x427: {  	v48 =	vor.u32 s13, v20;
	v41 =	vld.idx.msk [tilespmem:v63+s18+$0x0], $0xffff  }
0x428: {  	v49 =	vor.u32 $0x2380, v40;
	_ =	sdelay $0x3  }
0x429: {  	[tilespmem:v48+s21+$0x0] =	vst.idx.msk $0xffff, v41  }
0x42a: {  	v50 =	vor.u32 s13, v21;
	v41 =	vld.idx.msk [tilespmem:v49+s18+$0x0], $0xffff  }
0x42b: {  	v51 =	vor.u32 $0x4000, v42;
	_ =	sdelay $0x3  }
0x42c: {  	[tilespmem:v50+s21+$0x0] =	vst.idx.msk $0xffff, v41  }
0x42d: {  	v52 =	vor.u32 s13, v22;
	v41 =	vld.idx.msk [tilespmem:v51+s18+$0x0], $0xffff  }
0x42e: {  	v53 =	vor.u32 $0x4080, v42;
	_ =	sdelay $0x3  }
0x42f: {  	[tilespmem:v52+s21+$0x0] =	vst.idx.msk $0xffff, v41  }
0x430: {  	v54 =	vor.u32 s13, v23;
	v41 =	vld.idx.msk [tilespmem:v53+s18+$0x0], $0xffff  }
0x431: {  	v55 =	vor.u32 $0x4100, v42;
	_ =	sdelay $0x3  }
0x432: {  	[tilespmem:v54+s21+$0x0] =	vst.idx.msk $0xffff, v41  }
0x433: {  	v56 =	vor.u32 s13, v24;
	v41 =	vld.idx.msk [tilespmem:v55+s18+$0x0], $0xffff  }
0x434: {  	v57 =	vor.u32 $0x4180, v42;
	_ =	sdelay $0x3  }
0x435: {  	[tilespmem:v56+s21+$0x0] =	vst.idx.msk $0xffff, v41  }
0x436: {  	v58 =	vor.u32 s13, v25;
	v41 =	vld.idx.msk [tilespmem:v57+s18+$0x0], $0xffff  }
0x437: {  	v59 =	vor.u32 $0x4200, v42;
	_ =	sdelay $0x3  }
0x438: {  	[tilespmem:v58+s21+$0x0] =	vst.idx.msk $0xffff, v41  }
0x439: {  	v60 =	vor.u32 s13, v26;
	v41 =	vld.idx.msk [tilespmem:v59+s18+$0x0], $0xffff  }
0x43a: {  	v61 =	vor.u32 $0x4280, v42;
	_ =	sdelay $0x3  }
0x43b: {  	[tilespmem:v60+s21+$0x0] =	vst.idx.msk $0xffff, v41  }
0x43c: {  	v62 =	vor.u32 s13, v27;
	v41 =	vld.idx.msk [tilespmem:v61+s18+$0x0], $0xffff  }
0x43d: {  	v63 =	vor.u32 $0x4300, v42;
	_ =	sdelay $0x3  }
0x43e: {  	[tilespmem:v62+s21+$0x0] =	vst.idx.msk $0xffff, v41  }
0x43f: {  	v48 =	vor.u32 s13, v28;
	v41 =	vld.idx.msk [tilespmem:v63+s18+$0x0], $0xffff  }
0x440: {  	v49 =	vor.u32 $0x4380, v40;
	_ =	sdelay $0x3  }
0x441: {  	[tilespmem:v48+s21+$0x0] =	vst.idx.msk $0xffff, v41  }
0x442: {  	v50 =	vor.u32 s13, v29;
	v41 =	vld.idx.msk [tilespmem:v49+s18+$0x0], $0xffff  }
0x443: {  	v51 =	vor.u32 $0x6000, v42;
	_ =	sdelay $0x3  }
0x444: {  	[tilespmem:v50+s21+$0x0] =	vst.idx.msk $0xffff, v41  }
0x445: {  	v52 =	vor.u32 s13, v30;
	v41 =	vld.idx.msk [tilespmem:v51+s18+$0x0], $0xffff  }
0x446: {  	v53 =	vor.u32 $0x6080, v42;
	_ =	sdelay $0x3  }
0x447: {  	[tilespmem:v52+s21+$0x0] =	vst.idx.msk $0xffff, v41  }
0x448: {  	v54 =	vor.u32 s13, v31;
	v41 =	vld.idx.msk [tilespmem:v53+s18+$0x0], $0xffff  }
0x449: {  	v55 =	vor.u32 $0x6100, v42;
	_ =	sdelay $0x3  }
0x44a: {  	[tilespmem:v54+s21+$0x0] =	vst.idx.msk $0xffff, v41  }
0x44b: {  	v56 =	vor.u32 s13, v32;
	v41 =	vld.idx.msk [tilespmem:v55+s18+$0x0], $0xffff  }
0x44c: {  	v57 =	vor.u32 $0x6180, v42;
	_ =	sdelay $0x3  }
0x44d: {  	[tilespmem:v56+s21+$0x0] =	vst.idx.msk $0xffff, v41  }
0x44e: {  	v58 =	vor.u32 s13, v33;
	v41 =	vld.idx.msk [tilespmem:v57+s18+$0x0], $0xffff  }
0x44f: {  	v59 =	vor.u32 $0x6200, v42;
	_ =	sdelay $0x3  }
0x450: {  	[tilespmem:v58+s21+$0x0] =	vst.idx.msk $0xffff, v41  }
0x451: {  	v60 =	vor.u32 s13, v34;
	v41 =	vld.idx.msk [tilespmem:v59+s18+$0x0], $0xffff  }
0x452: {  	v61 =	vor.u32 $0x6280, v42;
	_ =	sdelay $0x3  }
0x453: {  	[tilespmem:v60+s21+$0x0] =	vst.idx.msk $0xffff, v41  }
0x454: {  	v62 =	vor.u32 s13, v35;
	v41 =	vld.idx.msk [tilespmem:v61+s18+$0x0], $0xffff  }
0x455: {  	v42 =	vor.u32 $0x6300, v42;
	_ =	sdelay $0x3  }
0x456: {  	[tilespmem:v62+s21+$0x0] =	vst.idx.msk $0xffff, v41  }
0x457: {  	s14 =	smulhi.u32 $0x2AAAAAAB, s25;
	s6 =	sshra.s32 s25, $0x1F;
	v63 =	vor.u32 s13, v36;
	v41 =	vld.idx.msk [tilespmem:v42+s18+$0x0], $0xffff  }
0x458: {  	s6 =	smul.u32 $0x2AAAAAAB, s6;
	v40 =	vor.u32 $0x6380, v40;
	_ =	sdelay $0x1  }
0x459: {  	s0 =	sadd.s32 $0xFFFFFFFF, s0;
	s1 =	sadd.s32 s6, s14  }
0x45a: {  	p6 =	slt.s32 s25, $0x6;
	p3 =	sne.s32 s0, $0x0;
	s6 =	sshrl.u32 s1, $0x1F  }
.Ltmp42:
0x45b: {  	p2 =	por $0x1, $0x1;
	s1 =	sadd.s32 s6, s1;
	[tilespmem:v63+s21+$0x0] =	vst.idx.msk $0xffff, v41;
	(pc) =	sbr.rel @!p3 .LBB2_52-.Ltmp42, $4  }
0x45c: {  	s16 =	sshll.u32 s3, $0x9;
	s14 =	sshll.u32 s3, $0xD;
	s24 =	smul.u32 $0x6, s1;
	v41 =	vor.u32 s13, v37;
	v40 =	vld.idx.msk [tilespmem:v40+s18+$0x0], $0xffff  }
0x45d: {  	p1 =	por p6, p6;
	s31 =	simm.s32 $0x8110;
	s6 =	sshra.s32 s16, $0x2  }
0x45e: {  	s1 =	sshra.s32 s14, $0x2;
	s10 =	ssub.s32 s25, s24;
	s25 =	sadd.s32 $0x1, s25  }
0x45f: {  	p4 =	slt.s32 s10, $0x0;
	s16 =	sadd.s32 $0x6, s10;
	s13 =	sadd.s32 $0x1, s3  }
.LBB2_51:
0x460: {  	s3 =	smov.u32 s10  }
0x461: {  	[tilespmem:v41+s21+$0x0] =	vst.idx.msk $0xffff, v40;
	s14 =	sadd.s32 $0x1F180, s6;
	s1 =	sadd.s32 $0x1C180, s1;
	s3 =	smov.u32 @p4 s16  }
0x462: {  	s16 =	sadd.s32 @!p1 $0x1, s3;
	s10 =	sshll.u32 s3, $0xB;
	s24 =	sshll.u32 s3, $0x9;
	[tilespmem:s6+$0x1F180] =	vst v39  }
0x463: {  	p4 =	slt.s32 s25, $0x6;
	s6 =	sshra.s32 s24, $0x2;
	s24 =	sshll.u32 s3, $0xD  }
0x464: {  	[hbm4b:s9+s22] =	stream.indirect.scatter [tilespmem:s1], [sflag:s13], $0x80, s14, s22, $0xb8;
	[tilespmem:$0x1F580] =	vst v63  }
0x465: {  	s0 =	sadd.s32 $0xFFFFFFFF, s0;
	s1 =	sshra.s32 s24, $0x2;
	_ =	swait.ge @!p1 [sflag:s16], $0x800  }
0x466: {  	p3 =	sne.s32 s0, $0x0;
	[sflag:s16] =	ssyncset.done @!p1 $0x0  }
0x467: {  	[sflag:s16] =	ssyncadd.s32 @!p1 $0xFFFFF800;
	p1 =	por p4, p4  }
0x468: {  	v39 =	vld [tilespmem:s31+$0x0];
	_ =	sdelay $0x7  }
0x469: {  	v40 =	vld.idx.msk [tilespmem:v39+s7+$0x0], $0xffff;
	_ =	sdelay $0x5  }
0x46a: {  	v40 =	vsub.s32 v40, v38  }
0x46b: {  	vm0 =	vgt.s32 v40, $0x0  }
0x46c: {  	v40 =	vnsel vm0, $0x0, v40  }
0x46d: {  	v41 =	vmin.u32 v40, $0x3FF  }
0x46e: {  	v40 =	vshll.u32 v41, $0x3  }
0x46f: {  	v42 =	vand.u32 $0x7F, v41;
	v43 =	vand.u32 $0x1C00, v40  }
0x470: {  	v40 =	vor.u32 v42, v43;
	_ =	sdelay $0x4  }
0x471: {  	v44 =	vor.u32 s10, v1;
	v42 =	vld.idx.msk [tilespmem:v40+s18+$0x0], $0xffff  }
0x472: {  	v45 =	vor.u32 $0x80, v40;
	_ =	sdelay $0x4  }
0x473: {  	[tilespmem:v44+s21+$0x0] =	vst.idx.msk $0xffff, v42  }
0x474: {  	v44 =	vor.u32 s10, v7;
	v42 =	vld.idx.msk [tilespmem:v45+s18+$0x0], $0xffff  }
0x475: {  	v45 =	vor.u32 $0x100, v40;
	_ =	sdelay $0x4  }
0x476: {  	[tilespmem:v44+s21+$0x0] =	vst.idx.msk $0xffff, v42  }
0x477: {  	v44 =	vor.u32 s10, v8;
	v42 =	vld.idx.msk [tilespmem:v45+s18+$0x0], $0xffff  }
0x478: {  	v45 =	vor.u32 $0x180, v40;
	_ =	sdelay $0x4  }
0x479: {  	[tilespmem:v44+s21+$0x0] =	vst.idx.msk $0xffff, v42  }
0x47a: {  	v44 =	vor.u32 s10, v9;
	v42 =	vld.idx.msk [tilespmem:v45+s18+$0x0], $0xffff  }
0x47b: {  	v45 =	vor.u32 $0x200, v40;
	_ =	sdelay $0x4  }
0x47c: {  	[tilespmem:v44+s21+$0x0] =	vst.idx.msk $0xffff, v42  }
0x47d: {  	v44 =	vor.u32 s10, v10;
	v42 =	vld.idx.msk [tilespmem:v45+s18+$0x0], $0xffff  }
0x47e: {  	v45 =	vor.u32 $0x280, v40;
	_ =	sdelay $0x4  }
0x47f: {  	[tilespmem:v44+s21+$0x0] =	vst.idx.msk $0xffff, v42  }
0x480: {  	v44 =	vor.u32 s10, v11;
	v42 =	vld.idx.msk [tilespmem:v45+s18+$0x0], $0xffff  }
0x481: {  	v45 =	vor.u32 $0x300, v40;
	_ =	sdelay $0x4  }
0x482: {  	[tilespmem:v44+s21+$0x0] =	vst.idx.msk $0xffff, v42  }
0x483: {  	v41 =	vor.u32 v41, v43;
	v44 =	vor.u32 s10, v12;
	v42 =	vld.idx.msk [tilespmem:v45+s18+$0x0], $0xffff  }
0x484: {  	v43 =	vor.u32 $0x380, v41;
	_ =	sdelay $0x4  }
0x485: {  	[tilespmem:v44+s21+$0x0] =	vst.idx.msk $0xffff, v42  }
0x486: {  	v42 =	vld.idx.msk [tilespmem:v43+s18+$0x0], $0xffff;
	v43 =	vor.u32 s10, v13  }
0x487: {  	v44 =	vor.u32 $0x2000, v40;
	_ =	sdelay $0x4  }
0x488: {  	[tilespmem:v43+s21+$0x0] =	vst.idx.msk $0xffff, v42  }
0x489: {  	v43 =	vor.u32 s10, v14;
	v42 =	vld.idx.msk [tilespmem:v44+s18+$0x0], $0xffff  }
0x48a: {  	v44 =	vor.u32 $0x2080, v40;
	_ =	sdelay $0x4  }
0x48b: {  	[tilespmem:v43+s21+$0x0] =	vst.idx.msk $0xffff, v42  }
0x48c: {  	v43 =	vor.u32 s10, v15;
	v42 =	vld.idx.msk [tilespmem:v44+s18+$0x0], $0xffff  }
0x48d: {  	v44 =	vor.u32 $0x2100, v40;
	_ =	sdelay $0x4  }
0x48e: {  	[tilespmem:v43+s21+$0x0] =	vst.idx.msk $0xffff, v42  }
0x48f: {  	v43 =	vor.u32 s10, v16;
	v42 =	vld.idx.msk [tilespmem:v44+s18+$0x0], $0xffff  }
0x490: {  	v44 =	vor.u32 $0x2180, v40;
	_ =	sdelay $0x4  }
0x491: {  	[tilespmem:v43+s21+$0x0] =	vst.idx.msk $0xffff, v42  }
0x492: {  	v43 =	vor.u32 s10, v17;
	v42 =	vld.idx.msk [tilespmem:v44+s18+$0x0], $0xffff  }
0x493: {  	v44 =	vor.u32 $0x2200, v40;
	_ =	sdelay $0x4  }
0x494: {  	[tilespmem:v43+s21+$0x0] =	vst.idx.msk $0xffff, v42  }
0x495: {  	v43 =	vor.u32 s10, v18;
	v42 =	vld.idx.msk [tilespmem:v44+s18+$0x0], $0xffff  }
0x496: {  	v44 =	vor.u32 $0x2280, v40;
	_ =	sdelay $0x4  }
0x497: {  	[tilespmem:v43+s21+$0x0] =	vst.idx.msk $0xffff, v42  }
0x498: {  	v43 =	vor.u32 s10, v19;
	v42 =	vld.idx.msk [tilespmem:v44+s18+$0x0], $0xffff  }
0x499: {  	v44 =	vor.u32 $0x2300, v40;
	_ =	sdelay $0x4  }
0x49a: {  	[tilespmem:v43+s21+$0x0] =	vst.idx.msk $0xffff, v42  }
0x49b: {  	v43 =	vor.u32 s10, v20;
	v42 =	vld.idx.msk [tilespmem:v44+s18+$0x0], $0xffff  }
0x49c: {  	v44 =	vor.u32 $0x2380, v41;
	_ =	sdelay $0x4  }
0x49d: {  	[tilespmem:v43+s21+$0x0] =	vst.idx.msk $0xffff, v42  }
0x49e: {  	v43 =	vor.u32 s10, v21;
	v42 =	vld.idx.msk [tilespmem:v44+s18+$0x0], $0xffff  }
0x49f: {  	v44 =	vor.u32 $0x4000, v40;
	_ =	sdelay $0x4  }
0x4a0: {  	[tilespmem:v43+s21+$0x0] =	vst.idx.msk $0xffff, v42  }
0x4a1: {  	v43 =	vor.u32 s10, v22;
	v42 =	vld.idx.msk [tilespmem:v44+s18+$0x0], $0xffff  }
0x4a2: {  	v44 =	vor.u32 $0x4080, v40;
	_ =	sdelay $0x4  }
0x4a3: {  	[tilespmem:v43+s21+$0x0] =	vst.idx.msk $0xffff, v42  }
0x4a4: {  	v43 =	vor.u32 s10, v23;
	v42 =	vld.idx.msk [tilespmem:v44+s18+$0x0], $0xffff  }
0x4a5: {  	v44 =	vor.u32 $0x4100, v40;
	_ =	sdelay $0x4  }
0x4a6: {  	[tilespmem:v43+s21+$0x0] =	vst.idx.msk $0xffff, v42  }
0x4a7: {  	v43 =	vor.u32 s10, v24;
	v42 =	vld.idx.msk [tilespmem:v44+s18+$0x0], $0xffff  }
0x4a8: {  	v44 =	vor.u32 $0x4180, v40;
	_ =	sdelay $0x4  }
0x4a9: {  	[tilespmem:v43+s21+$0x0] =	vst.idx.msk $0xffff, v42  }
0x4aa: {  	v43 =	vor.u32 s10, v25;
	v42 =	vld.idx.msk [tilespmem:v44+s18+$0x0], $0xffff  }
0x4ab: {  	v44 =	vor.u32 $0x4200, v40;
	_ =	sdelay $0x4  }
0x4ac: {  	[tilespmem:v43+s21+$0x0] =	vst.idx.msk $0xffff, v42  }
0x4ad: {  	v43 =	vor.u32 s10, v26;
	v42 =	vld.idx.msk [tilespmem:v44+s18+$0x0], $0xffff  }
0x4ae: {  	v44 =	vor.u32 $0x4280, v40;
	_ =	sdelay $0x4  }
0x4af: {  	[tilespmem:v43+s21+$0x0] =	vst.idx.msk $0xffff, v42  }
0x4b0: {  	v43 =	vor.u32 s10, v27;
	v42 =	vld.idx.msk [tilespmem:v44+s18+$0x0], $0xffff  }
0x4b1: {  	v44 =	vor.u32 $0x4300, v40;
	_ =	sdelay $0x4  }
0x4b2: {  	[tilespmem:v43+s21+$0x0] =	vst.idx.msk $0xffff, v42  }
0x4b3: {  	v43 =	vor.u32 s10, v28;
	v42 =	vld.idx.msk [tilespmem:v44+s18+$0x0], $0xffff  }
0x4b4: {  	v44 =	vor.u32 $0x4380, v41;
	_ =	sdelay $0x4  }
0x4b5: {  	[tilespmem:v43+s21+$0x0] =	vst.idx.msk $0xffff, v42  }
0x4b6: {  	v43 =	vor.u32 s10, v29;
	v42 =	vld.idx.msk [tilespmem:v44+s18+$0x0], $0xffff  }
0x4b7: {  	v44 =	vor.u32 $0x6000, v40;
	_ =	sdelay $0x4  }
0x4b8: {  	[tilespmem:v43+s21+$0x0] =	vst.idx.msk $0xffff, v42  }
0x4b9: {  	v43 =	vor.u32 s10, v30;
	v42 =	vld.idx.msk [tilespmem:v44+s18+$0x0], $0xffff  }
0x4ba: {  	v44 =	vor.u32 $0x6080, v40;
	_ =	sdelay $0x4  }
0x4bb: {  	[tilespmem:v43+s21+$0x0] =	vst.idx.msk $0xffff, v42  }
0x4bc: {  	v43 =	vor.u32 s10, v31;
	v42 =	vld.idx.msk [tilespmem:v44+s18+$0x0], $0xffff  }
0x4bd: {  	v44 =	vor.u32 $0x6100, v40;
	_ =	sdelay $0x4  }
0x4be: {  	[tilespmem:v43+s21+$0x0] =	vst.idx.msk $0xffff, v42  }
0x4bf: {  	v43 =	vor.u32 s10, v32;
	v42 =	vld.idx.msk [tilespmem:v44+s18+$0x0], $0xffff  }
0x4c0: {  	v44 =	vor.u32 $0x6180, v40;
	_ =	sdelay $0x4  }
0x4c1: {  	[tilespmem:v43+s21+$0x0] =	vst.idx.msk $0xffff, v42  }
0x4c2: {  	v43 =	vor.u32 s10, v33;
	v42 =	vld.idx.msk [tilespmem:v44+s18+$0x0], $0xffff  }
0x4c3: {  	v44 =	vor.u32 $0x6200, v40;
	_ =	sdelay $0x4  }
0x4c4: {  	[tilespmem:v43+s21+$0x0] =	vst.idx.msk $0xffff, v42  }
0x4c5: {  	v43 =	vor.u32 s10, v34;
	v42 =	vld.idx.msk [tilespmem:v44+s18+$0x0], $0xffff  }
0x4c6: {  	v44 =	vor.u32 $0x6280, v40;
	_ =	sdelay $0x4  }
0x4c7: {  	[tilespmem:v43+s21+$0x0] =	vst.idx.msk $0xffff, v42  }
0x4c8: {  	v43 =	vor.u32 s10, v35;
	v42 =	vld.idx.msk [tilespmem:v44+s18+$0x0], $0xffff  }
0x4c9: {  	v40 =	vor.u32 $0x6300, v40;
	_ =	sdelay $0x4  }
0x4ca: {  	[tilespmem:v43+s21+$0x0] =	vst.idx.msk $0xffff, v42  }
0x4cb: {  	v42 =	vor.u32 s10, v36;
	v40 =	vld.idx.msk [tilespmem:v40+s18+$0x0], $0xffff  }
0x4cc: {  	v41 =	vor.u32 $0x6380, v41;
	_ =	sdelay $0x1  }
0x4cd: {  	s13 =	smulhi.u32 $0x2AAAAAAB, s25;
	s14 =	sshra.s32 s25, $0x1F  }
0x4ce: {  	s14 =	smul.u32 $0x2AAAAAAB, s14;
	_ =	sdelay $0x1  }
0x4cf: {  	s13 =	sadd.s32 s14, s13;
	[tilespmem:v42+s21+$0x0] =	vst.idx.msk $0xffff, v40  }
0x4d0: {  	s14 =	sshrl.u32 s13, $0x1F;
	v40 =	vld.idx.msk [tilespmem:v41+s18+$0x0], $0xffff;
	v41 =	vor.u32 s10, v37  }
.Ltmp43:
0x4d1: {  	s10 =	sadd.s32 s14, s13;
	(pc) =	sbr.rel @p3 .LBB2_51-.Ltmp43, $3  }
0x4d2: {  	s10 =	smul.u32 $0x6, s10;
	_ =	sdelay $0x1  }
0x4d3: {  	s31 =	sadd.s32 $0x10, s31;
	s10 =	ssub.s32 s25, s10;
	s25 =	sadd.s32 $0x1, s25  }
0x4d4: {  	s13 =	sadd.s32 $0x1, s3;
	p4 =	slt.s32 s10, $0x0;
	s16 =	sadd.s32 $0x6, s10  }
.LBB2_52:
0x4d5: {  	_ =	sdelay $0x3  }
0x4d6: {  	s10 =	smov.u32 @p4 s16;
	[tilespmem:v41+s21+$0x0] =	vst.idx.msk @p2 $0xffff, v40  }
0x4d7: {  	s0 =	sadd.s32 @p2 $0x1F180, s6;
	s1 =	sadd.s32 @p2 $0x1C180, s1;
	s3 =	sadd.s32 @!p1 $0x1, s10;
	[tilespmem:s6+$0x1F180] =	vst @p2 v39  }
0x4d8: {  	[hbm4b:s9+s22] =	stream.indirect.scatter @p2 [tilespmem:s1], [sflag:s13], $0x80, s0, s22, $0xb8;
	[tilespmem:$0x1F580] =	vst v63  }
0x4d9: {  	_ =	swait.ge @!p1 [sflag:s3], $0x800  }
0x4da: {  	[sflag:s3] =	ssyncset.done @!p1 $0x0  }
0x4db: {  	[sflag:s3] =	ssyncadd.s32 @!p1 $0xFFFFF800  }
0x4dc: {  	v39 =	vld [tilespmem:s31+$0x0];
	_ =	sdelay $0x7  }
0x4dd: {  	v57 =	vld.idx.msk [tilespmem:v39+s7+$0x0], $0xffff;
	_ =	sdelay $0x4  }
0x4de: {  	v38 =	vsub.s32 v57, v38  }
0x4df: {  	vm0 =	vgt.s32 v38, $0x0  }
0x4e0: {  	v38 =	vnsel vm0, $0x0, v38  }
0x4e1: {  	v38 =	vmin.u32 v38, $0x3FF  }
0x4e2: {  	v58 =	vshll.u32 v38, $0x3  }
0x4e3: {  	v59 =	vand.u32 $0x7F, v38;
	v40 =	vand.u32 $0x1C00, v58  }
0x4e4: {  	v41 =	vor.u32 v59, v40;
	_ =	sdelay $0x3  }
0x4e5: {  	s13 =	sshll.u32 s10, $0xB  }
0x4e6: {  	v43 =	vor.u32 s13, v1;
	v42 =	vld.idx.msk [tilespmem:v41+s18+$0x0], $0xffff  }
0x4e7: {  	v44 =	vor.u32 $0x80, v41;
	_ =	sdelay $0x3  }
0x4e8: {  	[tilespmem:v43+s21+$0x0] =	vst.idx.msk $0xffff, v42  }
0x4e9: {  	v60 =	vor.u32 s13, v7;
	v42 =	vld.idx.msk [tilespmem:v44+s18+$0x0], $0xffff  }
0x4ea: {  	v61 =	vor.u32 $0x100, v41;
	_ =	sdelay $0x3  }
0x4eb: {  	[tilespmem:v60+s21+$0x0] =	vst.idx.msk $0xffff, v42  }
0x4ec: {  	v62 =	vor.u32 s13, v8;
	v42 =	vld.idx.msk [tilespmem:v61+s18+$0x0], $0xffff  }
0x4ed: {  	v63 =	vor.u32 $0x180, v41;
	_ =	sdelay $0x3  }
0x4ee: {  	[tilespmem:v62+s21+$0x0] =	vst.idx.msk $0xffff, v42  }
0x4ef: {  	v48 =	vor.u32 s13, v9;
	v42 =	vld.idx.msk [tilespmem:v63+s18+$0x0], $0xffff  }
0x4f0: {  	v49 =	vor.u32 $0x200, v41;
	_ =	sdelay $0x3  }
0x4f1: {  	[tilespmem:v48+s21+$0x0] =	vst.idx.msk $0xffff, v42  }
0x4f2: {  	v50 =	vor.u32 s13, v10;
	v42 =	vld.idx.msk [tilespmem:v49+s18+$0x0], $0xffff  }
0x4f3: {  	v51 =	vor.u32 $0x280, v41;
	_ =	sdelay $0x3  }
0x4f4: {  	[tilespmem:v50+s21+$0x0] =	vst.idx.msk $0xffff, v42  }
0x4f5: {  	v52 =	vor.u32 s13, v11;
	v42 =	vld.idx.msk [tilespmem:v51+s18+$0x0], $0xffff  }
0x4f6: {  	v53 =	vor.u32 $0x300, v41;
	_ =	sdelay $0x3  }
0x4f7: {  	[tilespmem:v52+s21+$0x0] =	vst.idx.msk $0xffff, v42  }
0x4f8: {  	v54 =	vor.u32 s13, v12;
	v38 =	vor.u32 v38, v40;
	v42 =	vld.idx.msk [tilespmem:v53+s18+$0x0], $0xffff  }
0x4f9: {  	v40 =	vor.u32 $0x380, v38;
	_ =	sdelay $0x3  }
0x4fa: {  	[tilespmem:v54+s21+$0x0] =	vst.idx.msk $0xffff, v42  }
0x4fb: {  	v55 =	vor.u32 s13, v13;
	v40 =	vld.idx.msk [tilespmem:v40+s18+$0x0], $0xffff  }
0x4fc: {  	v56 =	vor.u32 $0x2000, v41;
	_ =	sdelay $0x3  }
0x4fd: {  	[tilespmem:v55+s21+$0x0] =	vst.idx.msk $0xffff, v40  }
0x4fe: {  	v57 =	vor.u32 s13, v14;
	v40 =	vld.idx.msk [tilespmem:v56+s18+$0x0], $0xffff  }
0x4ff: {  	v58 =	vor.u32 $0x2080, v41;
	_ =	sdelay $0x3  }
0x500: {  	[tilespmem:v57+s21+$0x0] =	vst.idx.msk $0xffff, v40  }
0x501: {  	v59 =	vor.u32 s13, v15;
	v40 =	vld.idx.msk [tilespmem:v58+s18+$0x0], $0xffff  }
0x502: {  	v60 =	vor.u32 $0x2100, v41;
	_ =	sdelay $0x3  }
0x503: {  	[tilespmem:v59+s21+$0x0] =	vst.idx.msk $0xffff, v40  }
0x504: {  	v61 =	vor.u32 s13, v16;
	v40 =	vld.idx.msk [tilespmem:v60+s18+$0x0], $0xffff  }
0x505: {  	v62 =	vor.u32 $0x2180, v41;
	_ =	sdelay $0x3  }
0x506: {  	[tilespmem:v61+s21+$0x0] =	vst.idx.msk $0xffff, v40  }
0x507: {  	v63 =	vor.u32 s13, v17;
	v40 =	vld.idx.msk [tilespmem:v62+s18+$0x0], $0xffff  }
0x508: {  	v45 =	vor.u32 $0x2200, v41;
	_ =	sdelay $0x3  }
0x509: {  	[tilespmem:v63+s21+$0x0] =	vst.idx.msk $0xffff, v40  }
0x50a: {  	v46 =	vor.u32 s13, v18;
	v40 =	vld.idx.msk [tilespmem:v45+s18+$0x0], $0xffff  }
0x50b: {  	v47 =	vor.u32 $0x2280, v41;
	_ =	sdelay $0x3  }
0x50c: {  	[tilespmem:v46+s21+$0x0] =	vst.idx.msk $0xffff, v40  }
0x50d: {  	v48 =	vor.u32 s13, v19;
	v40 =	vld.idx.msk [tilespmem:v47+s18+$0x0], $0xffff  }
0x50e: {  	v49 =	vor.u32 $0x2300, v41;
	_ =	sdelay $0x3  }
0x50f: {  	[tilespmem:v48+s21+$0x0] =	vst.idx.msk $0xffff, v40  }
0x510: {  	v50 =	vor.u32 s13, v20;
	v40 =	vld.idx.msk [tilespmem:v49+s18+$0x0], $0xffff  }
0x511: {  	v51 =	vor.u32 $0x2380, v38;
	_ =	sdelay $0x3  }
0x512: {  	[tilespmem:v50+s21+$0x0] =	vst.idx.msk $0xffff, v40  }
0x513: {  	v52 =	vor.u32 s13, v21;
	v40 =	vld.idx.msk [tilespmem:v51+s18+$0x0], $0xffff  }
0x514: {  	v53 =	vor.u32 $0x4000, v41;
	_ =	sdelay $0x3  }
0x515: {  	[tilespmem:v52+s21+$0x0] =	vst.idx.msk $0xffff, v40  }
0x516: {  	v54 =	vor.u32 s13, v22;
	v40 =	vld.idx.msk [tilespmem:v53+s18+$0x0], $0xffff  }
0x517: {  	v55 =	vor.u32 $0x4080, v41;
	_ =	sdelay $0x3  }
0x518: {  	[tilespmem:v54+s21+$0x0] =	vst.idx.msk $0xffff, v40  }
0x519: {  	v56 =	vor.u32 s13, v23;
	v40 =	vld.idx.msk [tilespmem:v55+s18+$0x0], $0xffff  }
0x51a: {  	v57 =	vor.u32 $0x4100, v41;
	_ =	sdelay $0x3  }
0x51b: {  	[tilespmem:v56+s21+$0x0] =	vst.idx.msk $0xffff, v40  }
0x51c: {  	v58 =	vor.u32 s13, v24;
	v40 =	vld.idx.msk [tilespmem:v57+s18+$0x0], $0xffff  }
0x51d: {  	v59 =	vor.u32 $0x4180, v41;
	_ =	sdelay $0x3  }
0x51e: {  	[tilespmem:v58+s21+$0x0] =	vst.idx.msk $0xffff, v40  }
0x51f: {  	v60 =	vor.u32 s13, v25;
	v40 =	vld.idx.msk [tilespmem:v59+s18+$0x0], $0xffff  }
0x520: {  	v61 =	vor.u32 $0x4200, v41;
	_ =	sdelay $0x3  }
0x521: {  	[tilespmem:v60+s21+$0x0] =	vst.idx.msk $0xffff, v40  }
0x522: {  	v62 =	vor.u32 s13, v26;
	v40 =	vld.idx.msk [tilespmem:v61+s18+$0x0], $0xffff  }
0x523: {  	v63 =	vor.u32 $0x4280, v41;
	_ =	sdelay $0x3  }
0x524: {  	[tilespmem:v62+s21+$0x0] =	vst.idx.msk $0xffff, v40  }
0x525: {  	v45 =	vor.u32 s13, v27;
	v40 =	vld.idx.msk [tilespmem:v63+s18+$0x0], $0xffff  }
0x526: {  	v46 =	vor.u32 $0x4300, v41;
	_ =	sdelay $0x3  }
0x527: {  	[tilespmem:v45+s21+$0x0] =	vst.idx.msk $0xffff, v40  }
0x528: {  	v47 =	vor.u32 s13, v28;
	v40 =	vld.idx.msk [tilespmem:v46+s18+$0x0], $0xffff  }
0x529: {  	v48 =	vor.u32 $0x4380, v38;
	_ =	sdelay $0x3  }
0x52a: {  	[tilespmem:v47+s21+$0x0] =	vst.idx.msk $0xffff, v40  }
0x52b: {  	v49 =	vor.u32 s13, v29;
	v40 =	vld.idx.msk [tilespmem:v48+s18+$0x0], $0xffff  }
0x52c: {  	v50 =	vor.u32 $0x6000, v41;
	_ =	sdelay $0x3  }
0x52d: {  	[tilespmem:v49+s21+$0x0] =	vst.idx.msk $0xffff, v40  }
0x52e: {  	v51 =	vor.u32 s13, v30;
	v40 =	vld.idx.msk [tilespmem:v50+s18+$0x0], $0xffff  }
0x52f: {  	v52 =	vor.u32 $0x6080, v41;
	_ =	sdelay $0x3  }
0x530: {  	[tilespmem:v51+s21+$0x0] =	vst.idx.msk $0xffff, v40  }
0x531: {  	v53 =	vor.u32 s13, v31;
	v40 =	vld.idx.msk [tilespmem:v52+s18+$0x0], $0xffff  }
0x532: {  	v54 =	vor.u32 $0x6100, v41;
	_ =	sdelay $0x3  }
0x533: {  	[tilespmem:v53+s21+$0x0] =	vst.idx.msk $0xffff, v40  }
0x534: {  	v55 =	vor.u32 s13, v32;
	v40 =	vld.idx.msk [tilespmem:v54+s18+$0x0], $0xffff  }
0x535: {  	v56 =	vor.u32 $0x6180, v41;
	_ =	sdelay $0x3  }
0x536: {  	[tilespmem:v55+s21+$0x0] =	vst.idx.msk $0xffff, v40  }
0x537: {  	v57 =	vor.u32 s13, v33;
	v40 =	vld.idx.msk [tilespmem:v56+s18+$0x0], $0xffff  }
0x538: {  	v58 =	vor.u32 $0x6200, v41;
	_ =	sdelay $0x3  }
0x539: {  	[tilespmem:v57+s21+$0x0] =	vst.idx.msk $0xffff, v40  }
0x53a: {  	v59 =	vor.u32 s13, v34;
	v40 =	vld.idx.msk [tilespmem:v58+s18+$0x0], $0xffff  }
0x53b: {  	v60 =	vor.u32 $0x6280, v41;
	_ =	sdelay $0x3  }
0x53c: {  	[tilespmem:v59+s21+$0x0] =	vst.idx.msk $0xffff, v40  }
0x53d: {  	v61 =	vor.u32 s13, v35;
	v40 =	vld.idx.msk [tilespmem:v60+s18+$0x0], $0xffff  }
0x53e: {  	v41 =	vor.u32 $0x6300, v41;
	_ =	sdelay $0x3  }
0x53f: {  	[tilespmem:v61+s21+$0x0] =	vst.idx.msk $0xffff, v40  }
0x540: {  	v62 =	vor.u32 s13, v36;
	v40 =	vld.idx.msk [tilespmem:v41+s18+$0x0], $0xffff  }
0x541: {  	v38 =	vor.u32 $0x6380, v38;
	_ =	sdelay $0x3  }
0x542: {  	[tilespmem:v62+s21+$0x0] =	vst.idx.msk $0xffff, v40  }
0x543: {  	v63 =	vor.u32 s13, v37;
	v38 =	vld.idx.msk [tilespmem:v38+s18+$0x0], $0xffff;
	_ =	sdelay $0x2  }
.Ltmp44:
0x544: {  	_ = 	snop;
	(pc) =	sbr.rel .LBB2_53-.Ltmp44, $4  }
0x545: {  	s14 =	sshll.u32 s10, $0x9;
	s16 =	sshll.u32 s10, $0xD  }
0x546: {  	s0 =	sshra.s32 s14, $0x2;
	s1 =	sshra.s32 s16, $0x2;
	[tilespmem:v63+s21+$0x0] =	vst.idx.msk $0xffff, v38  }
0x547: {  	s24 =	sadd.s32 $0x1, s10;
	s1 =	sadd.s32 $0x1C180, s1;
	s31 =	sadd.s32 $0x1F180, s0;
	[tilespmem:s0+$0x1F180] =	vst v39  }
0x548: {  	[hbm4b:s9+s22] =	stream.indirect.scatter [tilespmem:s1], [sflag:s24], $0x80, s31, s22, $0xb8;
	[tilespmem:$0x1F580] =	vst v63  }
.LBB2_41:
0x549: {  	[tilespmem:$0x8100] =	vst v6  }
.LBB2_53:
.Ltmp45:
0x54a: {  	p1 =	seq.s32 s28, $0xF;
	_ =	swait.ge [sflag:s23], $0x8000;
	(pc) =	sbr.rel @!p0 .LBB2_54-.Ltmp45, $4  }
0x54b: {  	s0 =	sadd.s32 @!p1 s30, s12;
	[sflag:s23] =	ssyncset.done $0x0  }
0x54c: {  	s1 =	simm.s32 @!p1 $0x2000;
	s3 =	simm.s32 @!p1 $0x7A1400;
	s0 =	smin.u32 @!p1 s0, $0xF3E80  }
0x54d: {  	s6 =	simm.s32 @!p1 $0xC180;
	[sflag:s23] =	ssyncadd.s32 $0xFFFF8000;
	s0 =	sadd.s32 @!p1 s5, s0  }
0x54e: {  	[tilespmem:s6], [sflag:$0x7] =	stream.strided.gather @!p1 [hbm4b:s0+s1], $0x8000, s3, s1, $0x38;
	[tilespmem:$0x1F580] =	vst v63  }
0x54f: {  	p2 =	sne.s32 s26, $0x1  }
.Ltmp46:
0x550: {  	_ = 	snop;
	(pc) =	sbr.rel @!p2 .LBB2_56-.Ltmp46, $3  }
0x551: {  	_ =	sdelay $0x1  }
0x552: {  	s0 =	sadd.s32 $0x400, s29;
	s1 =	simm.s32 $0x4080  }
0x553: {  	v38 =	vmov s29;
	p1 =	por $0x0, $0x0;
	v40 =	vmov s0;
	s0 =	simm.s32 $0x0;
	v39 =	vld [tilespmem:s1+$0x0];
	s1 =	sadd.s32 $0xFFFFFFFF, s26  }
0x554: {  	_ =	sdelay $0x7  }
0x555: {  	v41 =	vld.idx.msk [tilespmem:v39+s7+$0x0], $0xffff;
	_ =	sdelay $0x3  }
0x556: {  	p2 =	sne.s32 s1, $0x1  }
.Ltmp47:
0x557: {  	vm0 =	vge.s32 v41, v38;
	vm1 =	vlt.s32 v41, v40;
	(pc) =	sbr.rel @!p2 .LBB2_58-.Ltmp47, $4  }
0x558: {  	vm0 =	vmand vm0, vm1  }
0x559: {  	v63 =	vmpcnt.ones.xlane vm0  }
0x55a: {  	s3 =	simm.s32 $0x4090;
	[tilespmem:s0+$0x8100] =	vst.msk vm0, v39  }
0x55b: {  	s6 =	sadd.s32 $0xFFFFFFFF, s1;
	p1 =	por $0x1, $0x1;
	s1 =	simm.s32 $0x0;
	v39 =	vld [tilespmem:s3+$0x0];
	(v2sf) =	vpush v63, $0x0  }
.LBB2_59:
0x55c: {  	p2 =	sne.s32 s6, $0x1;
	_ =	sdelay $0x6  }
0x55d: {  	v41 =	vld.idx.msk [tilespmem:v39+s7+$0x0], $0xffff;
	_ =	sdelay $0x5  }
.Ltmp48:
0x55e: {  	vm0 =	vge.s32 v41, v38;
	vm1 =	vlt.s32 v41, v40;
	(pc) =	sbr.rel @p2 .LBB2_59-.Ltmp48, $4  }
0x55f: {  	vm0 =	vmand vm0, vm1;
	s10 =	spop (v2sf)  }
0x560: {  	v41 =	vmpcnt.ones.xlane vm0;
	s1 =	sadd.s32 s1, s10  }
0x561: {  	s3 =	sadd.s32 $0x10, s3;
	[tilespmem:s1+$0x8100] =	vst.msk vm0, v39  }
0x562: {  	s6 =	sadd.s32 $0xFFFFFFFF, s6;
	v39 =	vld [tilespmem:s3+$0x0];
	(v2sf) =	vpush v41, $0x0  }
.LBB2_60:
0x563: {  	_ =	sdelay $0x7  }
0x564: {  	v41 =	vld.idx.msk [tilespmem:v39+s7+$0x0], $0xffff;
	_ =	sdelay $0x4  }
0x565: {  	vm0 =	vge.s32 v41, v38;
	vm1 =	vlt.s32 v41, v40  }
0x566: {  	vm0 =	vmand vm0, vm1  }
0x567: {  	v63 =	vmpcnt.ones.xlane vm0;
	_ =	sdelay $0x1  }
0x568: {  	(v2sf) =	vpush v63, $0x0;
	_ =	sdelay $0xc  }
0x569: {  	s3 =	spop @p1 (v2sf)  }
0x56a: {  	s1 =	sadd.s32 @p1 s1, s3  }
0x56b: {  	s0 =	smov.u32 @p1 s1;
	s30 =	spop (v2sf)  }
0x56c: {  	s31 =	sadd.s32 s0, s30  }
0x56d: {  	s1 =	sadd.s32 $0xF, s31  }
0x56e: {  	s1 =	sshra.s32 s1, $0x4  }
0x56f: {  	p1 =	slt.s32 s1, $0x1  }
.Ltmp49:
0x570: {  	_ = 	snop;
	(pc) =	sbr.rel @p1 .LBB2_66-.Ltmp49, $3  }
0x571: {  	_ =	sdelay $0x1  }
0x572: {  	[tilespmem:s0+$0x8100] =	vst.msk vm0, v39  }
0x573: {  	s29 =	simm.s32 $0x8100;
	[tilespmem:s31+$0x8100] =	vst v6  }
0x574: {  	s0 =	smulhi.u32 $0x2AAAAAAB, s25;
	s3 =	sshra.s32 s25, $0x1F  }
0x575: {  	s3 =	smul.u32 $0x2AAAAAAB, s3;
	_ =	sdelay $0x1  }
0x576: {  	s0 =	sadd.s32 s3, s0  }
0x577: {  	s3 =	sshrl.u32 s0, $0x1F  }
0x578: {  	s0 =	sadd.s32 s3, s0  }
0x579: {  	s3 =	smul.u32 $0x6, s0;
	s0 =	sadd.s32 $0xFFFFFFFF, s1  }
0x57a: {  	p3 =	sne.s32 s0, $0x0  }
.Ltmp50:
0x57b: {  	_ = 	snop;
	(pc) =	sbr.rel @!p3 .LBB2_62-.Ltmp50, $4  }
0x57c: {  	_ = 	snop  }
0x57d: {  	p1 =	slt.s32 s25, $0x6  }
0x57e: {  	p2 =	por $0x0, $0x0;
	p1 =	por p1, p1;
	s10 =	ssub.s32 s25, s3  }
0x57f: {  	s25 =	sadd.s32 $0x1, s25;
	p4 =	slt.s32 s10, $0x0;
	s16 =	sadd.s32 $0x6, s10  }
0x580: {  	s3 =	smov.u32 s10  }
0x581: {  	s3 =	smov.u32 @p4 s16  }
0x582: {  	s1 =	sadd.s32 @!p1 $0x1, s3  }
0x583: {  	_ =	swait.ge @!p1 [sflag:s1], $0x800  }
0x584: {  	[sflag:s1] =	ssyncset.done @!p1 $0x0  }
0x585: {  	[sflag:s1] =	ssyncadd.s32 @!p1 $0xFFFFF800  }
0x586: {  	v39 =	vld [tilespmem:s29+$0x0];
	_ =	sdelay $0x7  }
0x587: {  	v40 =	vld.idx.msk [tilespmem:v39+s7+$0x0], $0xffff;
	_ =	sdelay $0x4  }
0x588: {  	v40 =	vsub.s32 v40, v38  }
0x589: {  	vm0 =	vgt.s32 v40, $0x0  }
0x58a: {  	v40 =	vnsel vm0, $0x0, v40  }
0x58b: {  	v40 =	vmin.u32 v40, $0x3FF  }
0x58c: {  	v41 =	vshll.u32 v40, $0x3  }
0x58d: {  	v42 =	vand.u32 $0x7F, v40;
	v41 =	vand.u32 $0x1C00, v41  }
0x58e: {  	v42 =	vor.u32 v42, v41;
	_ =	sdelay $0x3  }
0x58f: {  	s13 =	sshll.u32 s3, $0xB  }
0x590: {  	v44 =	vor.u32 s13, v1;
	v43 =	vld.idx.msk [tilespmem:v42+s20+$0x0], $0xffff  }
0x591: {  	v45 =	vor.u32 $0x80, v42;
	_ =	sdelay $0x3  }
0x592: {  	[tilespmem:v44+s21+$0x0] =	vst.idx.msk $0xffff, v43  }
0x593: {  	v55 =	vor.u32 s13, v7;
	v43 =	vld.idx.msk [tilespmem:v45+s20+$0x0], $0xffff  }
0x594: {  	v56 =	vor.u32 $0x100, v42;
	_ =	sdelay $0x3  }
0x595: {  	[tilespmem:v55+s21+$0x0] =	vst.idx.msk $0xffff, v43  }
0x596: {  	v57 =	vor.u32 s13, v8;
	v43 =	vld.idx.msk [tilespmem:v56+s20+$0x0], $0xffff  }
0x597: {  	v58 =	vor.u32 $0x180, v42;
	_ =	sdelay $0x3  }
0x598: {  	[tilespmem:v57+s21+$0x0] =	vst.idx.msk $0xffff, v43  }
0x599: {  	v59 =	vor.u32 s13, v9;
	v43 =	vld.idx.msk [tilespmem:v58+s20+$0x0], $0xffff  }
0x59a: {  	v60 =	vor.u32 $0x200, v42;
	_ =	sdelay $0x3  }
0x59b: {  	[tilespmem:v59+s21+$0x0] =	vst.idx.msk $0xffff, v43  }
0x59c: {  	v61 =	vor.u32 s13, v10;
	v43 =	vld.idx.msk [tilespmem:v60+s20+$0x0], $0xffff  }
0x59d: {  	v62 =	vor.u32 $0x280, v42;
	_ =	sdelay $0x3  }
0x59e: {  	[tilespmem:v61+s21+$0x0] =	vst.idx.msk $0xffff, v43  }
0x59f: {  	v63 =	vor.u32 s13, v11;
	v43 =	vld.idx.msk [tilespmem:v62+s20+$0x0], $0xffff  }
0x5a0: {  	v48 =	vor.u32 $0x300, v42;
	_ =	sdelay $0x3  }
0x5a1: {  	[tilespmem:v63+s21+$0x0] =	vst.idx.msk $0xffff, v43  }
0x5a2: {  	v49 =	vor.u32 s13, v12;
	v40 =	vor.u32 v40, v41;
	v43 =	vld.idx.msk [tilespmem:v48+s20+$0x0], $0xffff  }
0x5a3: {  	v41 =	vor.u32 $0x380, v40;
	_ =	sdelay $0x3  }
0x5a4: {  	[tilespmem:v49+s21+$0x0] =	vst.idx.msk $0xffff, v43  }
0x5a5: {  	v50 =	vor.u32 s13, v13;
	v41 =	vld.idx.msk [tilespmem:v41+s20+$0x0], $0xffff  }
0x5a6: {  	v51 =	vor.u32 $0x2000, v42;
	_ =	sdelay $0x3  }
0x5a7: {  	[tilespmem:v50+s21+$0x0] =	vst.idx.msk $0xffff, v41  }
0x5a8: {  	v52 =	vor.u32 s13, v14;
	v41 =	vld.idx.msk [tilespmem:v51+s20+$0x0], $0xffff  }
0x5a9: {  	v53 =	vor.u32 $0x2080, v42;
	_ =	sdelay $0x3  }
0x5aa: {  	[tilespmem:v52+s21+$0x0] =	vst.idx.msk $0xffff, v41  }
0x5ab: {  	v54 =	vor.u32 s13, v15;
	v41 =	vld.idx.msk [tilespmem:v53+s20+$0x0], $0xffff  }
0x5ac: {  	v55 =	vor.u32 $0x2100, v42;
	_ =	sdelay $0x3  }
0x5ad: {  	[tilespmem:v54+s21+$0x0] =	vst.idx.msk $0xffff, v41  }
0x5ae: {  	v56 =	vor.u32 s13, v16;
	v41 =	vld.idx.msk [tilespmem:v55+s20+$0x0], $0xffff  }
0x5af: {  	v57 =	vor.u32 $0x2180, v42;
	_ =	sdelay $0x3  }
0x5b0: {  	[tilespmem:v56+s21+$0x0] =	vst.idx.msk $0xffff, v41  }
0x5b1: {  	v58 =	vor.u32 s13, v17;
	v41 =	vld.idx.msk [tilespmem:v57+s20+$0x0], $0xffff  }
0x5b2: {  	v59 =	vor.u32 $0x2200, v42;
	_ =	sdelay $0x3  }
0x5b3: {  	[tilespmem:v58+s21+$0x0] =	vst.idx.msk $0xffff, v41  }
0x5b4: {  	v60 =	vor.u32 s13, v18;
	v41 =	vld.idx.msk [tilespmem:v59+s20+$0x0], $0xffff  }
0x5b5: {  	v61 =	vor.u32 $0x2280, v42;
	_ =	sdelay $0x3  }
0x5b6: {  	[tilespmem:v60+s21+$0x0] =	vst.idx.msk $0xffff, v41  }
0x5b7: {  	v62 =	vor.u32 s13, v19;
	v41 =	vld.idx.msk [tilespmem:v61+s20+$0x0], $0xffff  }
0x5b8: {  	v63 =	vor.u32 $0x2300, v42;
	_ =	sdelay $0x3  }
0x5b9: {  	[tilespmem:v62+s21+$0x0] =	vst.idx.msk $0xffff, v41  }
0x5ba: {  	v48 =	vor.u32 s13, v20;
	v41 =	vld.idx.msk [tilespmem:v63+s20+$0x0], $0xffff  }
0x5bb: {  	v49 =	vor.u32 $0x2380, v40;
	_ =	sdelay $0x3  }
0x5bc: {  	[tilespmem:v48+s21+$0x0] =	vst.idx.msk $0xffff, v41  }
0x5bd: {  	v50 =	vor.u32 s13, v21;
	v41 =	vld.idx.msk [tilespmem:v49+s20+$0x0], $0xffff  }
0x5be: {  	v51 =	vor.u32 $0x4000, v42;
	_ =	sdelay $0x3  }
0x5bf: {  	[tilespmem:v50+s21+$0x0] =	vst.idx.msk $0xffff, v41  }
0x5c0: {  	v52 =	vor.u32 s13, v22;
	v41 =	vld.idx.msk [tilespmem:v51+s20+$0x0], $0xffff  }
0x5c1: {  	v53 =	vor.u32 $0x4080, v42;
	_ =	sdelay $0x3  }
0x5c2: {  	[tilespmem:v52+s21+$0x0] =	vst.idx.msk $0xffff, v41  }
0x5c3: {  	v54 =	vor.u32 s13, v23;
	v41 =	vld.idx.msk [tilespmem:v53+s20+$0x0], $0xffff  }
0x5c4: {  	v55 =	vor.u32 $0x4100, v42;
	_ =	sdelay $0x3  }
0x5c5: {  	[tilespmem:v54+s21+$0x0] =	vst.idx.msk $0xffff, v41  }
0x5c6: {  	v56 =	vor.u32 s13, v24;
	v41 =	vld.idx.msk [tilespmem:v55+s20+$0x0], $0xffff  }
0x5c7: {  	v57 =	vor.u32 $0x4180, v42;
	_ =	sdelay $0x3  }
0x5c8: {  	[tilespmem:v56+s21+$0x0] =	vst.idx.msk $0xffff, v41  }
0x5c9: {  	v58 =	vor.u32 s13, v25;
	v41 =	vld.idx.msk [tilespmem:v57+s20+$0x0], $0xffff  }
0x5ca: {  	v59 =	vor.u32 $0x4200, v42;
	_ =	sdelay $0x3  }
0x5cb: {  	[tilespmem:v58+s21+$0x0] =	vst.idx.msk $0xffff, v41  }
0x5cc: {  	v60 =	vor.u32 s13, v26;
	v41 =	vld.idx.msk [tilespmem:v59+s20+$0x0], $0xffff  }
0x5cd: {  	v61 =	vor.u32 $0x4280, v42;
	_ =	sdelay $0x3  }
0x5ce: {  	[tilespmem:v60+s21+$0x0] =	vst.idx.msk $0xffff, v41  }
0x5cf: {  	v62 =	vor.u32 s13, v27;
	v41 =	vld.idx.msk [tilespmem:v61+s20+$0x0], $0xffff  }
0x5d0: {  	v63 =	vor.u32 $0x4300, v42;
	_ =	sdelay $0x3  }
0x5d1: {  	[tilespmem:v62+s21+$0x0] =	vst.idx.msk $0xffff, v41  }
0x5d2: {  	v48 =	vor.u32 s13, v28;
	v41 =	vld.idx.msk [tilespmem:v63+s20+$0x0], $0xffff  }
0x5d3: {  	v49 =	vor.u32 $0x4380, v40;
	_ =	sdelay $0x3  }
0x5d4: {  	[tilespmem:v48+s21+$0x0] =	vst.idx.msk $0xffff, v41  }
0x5d5: {  	v50 =	vor.u32 s13, v29;
	v41 =	vld.idx.msk [tilespmem:v49+s20+$0x0], $0xffff  }
0x5d6: {  	v51 =	vor.u32 $0x6000, v42;
	_ =	sdelay $0x3  }
0x5d7: {  	[tilespmem:v50+s21+$0x0] =	vst.idx.msk $0xffff, v41  }
0x5d8: {  	v52 =	vor.u32 s13, v30;
	v41 =	vld.idx.msk [tilespmem:v51+s20+$0x0], $0xffff  }
0x5d9: {  	v53 =	vor.u32 $0x6080, v42;
	_ =	sdelay $0x3  }
0x5da: {  	[tilespmem:v52+s21+$0x0] =	vst.idx.msk $0xffff, v41  }
0x5db: {  	v54 =	vor.u32 s13, v31;
	v41 =	vld.idx.msk [tilespmem:v53+s20+$0x0], $0xffff  }
0x5dc: {  	v55 =	vor.u32 $0x6100, v42;
	_ =	sdelay $0x3  }
0x5dd: {  	[tilespmem:v54+s21+$0x0] =	vst.idx.msk $0xffff, v41  }
0x5de: {  	v56 =	vor.u32 s13, v32;
	v41 =	vld.idx.msk [tilespmem:v55+s20+$0x0], $0xffff  }
0x5df: {  	v57 =	vor.u32 $0x6180, v42;
	_ =	sdelay $0x3  }
0x5e0: {  	[tilespmem:v56+s21+$0x0] =	vst.idx.msk $0xffff, v41  }
0x5e1: {  	v58 =	vor.u32 s13, v33;
	v41 =	vld.idx.msk [tilespmem:v57+s20+$0x0], $0xffff  }
0x5e2: {  	v59 =	vor.u32 $0x6200, v42;
	_ =	sdelay $0x3  }
0x5e3: {  	[tilespmem:v58+s21+$0x0] =	vst.idx.msk $0xffff, v41  }
0x5e4: {  	v60 =	vor.u32 s13, v34;
	v41 =	vld.idx.msk [tilespmem:v59+s20+$0x0], $0xffff  }
0x5e5: {  	v61 =	vor.u32 $0x6280, v42;
	_ =	sdelay $0x3  }
0x5e6: {  	[tilespmem:v60+s21+$0x0] =	vst.idx.msk $0xffff, v41  }
0x5e7: {  	v62 =	vor.u32 s13, v35;
	v41 =	vld.idx.msk [tilespmem:v61+s20+$0x0], $0xffff  }
0x5e8: {  	v42 =	vor.u32 $0x6300, v42;
	_ =	sdelay $0x3  }
0x5e9: {  	[tilespmem:v62+s21+$0x0] =	vst.idx.msk $0xffff, v41  }
0x5ea: {  	s24 =	smulhi.u32 $0x2AAAAAAB, s25;
	s6 =	sshra.s32 s25, $0x1F;
	v63 =	vor.u32 s13, v36;
	v41 =	vld.idx.msk [tilespmem:v42+s20+$0x0], $0xffff  }
0x5eb: {  	s6 =	smul.u32 $0x2AAAAAAB, s6;
	v40 =	vor.u32 $0x6380, v40;
	_ =	sdelay $0x1  }
0x5ec: {  	s0 =	sadd.s32 $0xFFFFFFFF, s0;
	s1 =	sadd.s32 s6, s24  }
0x5ed: {  	p6 =	slt.s32 s25, $0x6;
	p3 =	sne.s32 s0, $0x0;
	s6 =	sshrl.u32 s1, $0x1F  }
.Ltmp51:
0x5ee: {  	p2 =	por $0x1, $0x1;
	s1 =	sadd.s32 s6, s1;
	[tilespmem:v63+s21+$0x0] =	vst.idx.msk $0xffff, v41;
	(pc) =	sbr.rel @!p3 .LBB2_65-.Ltmp51, $4  }
0x5ef: {  	s30 =	sshll.u32 s3, $0x9;
	s14 =	sshll.u32 s3, $0xD;
	s31 =	smul.u32 $0x6, s1;
	v41 =	vor.u32 s13, v37;
	v40 =	vld.idx.msk [tilespmem:v40+s20+$0x0], $0xffff  }
0x5f0: {  	p1 =	por p6, p6;
	s29 =	simm.s32 $0x8110;
	s6 =	sshra.s32 s30, $0x2  }
0x5f1: {  	s1 =	sshra.s32 s14, $0x2;
	s10 =	ssub.s32 s25, s31;
	s25 =	sadd.s32 $0x1, s25  }
0x5f2: {  	p4 =	slt.s32 s10, $0x0;
	s16 =	sadd.s32 $0x6, s10;
	s13 =	sadd.s32 $0x1, s3  }
.LBB2_64:
0x5f3: {  	s3 =	smov.u32 s10  }
0x5f4: {  	[tilespmem:v41+s21+$0x0] =	vst.idx.msk $0xffff, v40;
	s14 =	sadd.s32 $0x1F180, s6;
	s1 =	sadd.s32 $0x1C180, s1;
	s3 =	smov.u32 @p4 s16  }
0x5f5: {  	s16 =	sadd.s32 @!p1 $0x1, s3;
	s10 =	sshll.u32 s3, $0xB;
	s24 =	sshll.u32 s3, $0x9;
	[tilespmem:s6+$0x1F180] =	vst v39  }
0x5f6: {  	p4 =	slt.s32 s25, $0x6;
	s6 =	sshra.s32 s24, $0x2;
	s24 =	sshll.u32 s3, $0xD  }
0x5f7: {  	[hbm4b:s9+s22] =	stream.indirect.scatter [tilespmem:s1], [sflag:s13], $0x80, s14, s22, $0xb8;
	[tilespmem:$0x1F580] =	vst v63  }
0x5f8: {  	s0 =	sadd.s32 $0xFFFFFFFF, s0;
	s1 =	sshra.s32 s24, $0x2;
	_ =	swait.ge @!p1 [sflag:s16], $0x800  }
0x5f9: {  	p3 =	sne.s32 s0, $0x0;
	[sflag:s16] =	ssyncset.done @!p1 $0x0  }
0x5fa: {  	[sflag:s16] =	ssyncadd.s32 @!p1 $0xFFFFF800;
	p1 =	por p4, p4  }
0x5fb: {  	v39 =	vld [tilespmem:s29+$0x0];
	_ =	sdelay $0x7  }
0x5fc: {  	v40 =	vld.idx.msk [tilespmem:v39+s7+$0x0], $0xffff;
	_ =	sdelay $0x5  }
0x5fd: {  	v40 =	vsub.s32 v40, v38  }
0x5fe: {  	vm0 =	vgt.s32 v40, $0x0  }
0x5ff: {  	v40 =	vnsel vm0, $0x0, v40  }
0x600: {  	v41 =	vmin.u32 v40, $0x3FF  }
0x601: {  	v40 =	vshll.u32 v41, $0x3  }
0x602: {  	v42 =	vand.u32 $0x7F, v41;
	v43 =	vand.u32 $0x1C00, v40  }
0x603: {  	v40 =	vor.u32 v42, v43;
	_ =	sdelay $0x4  }
0x604: {  	v44 =	vor.u32 s10, v1;
	v42 =	vld.idx.msk [tilespmem:v40+s20+$0x0], $0xffff  }
0x605: {  	v45 =	vor.u32 $0x80, v40;
	_ =	sdelay $0x4  }
0x606: {  	[tilespmem:v44+s21+$0x0] =	vst.idx.msk $0xffff, v42  }
0x607: {  	v44 =	vor.u32 s10, v7;
	v42 =	vld.idx.msk [tilespmem:v45+s20+$0x0], $0xffff  }
0x608: {  	v45 =	vor.u32 $0x100, v40;
	_ =	sdelay $0x4  }
0x609: {  	[tilespmem:v44+s21+$0x0] =	vst.idx.msk $0xffff, v42  }
0x60a: {  	v44 =	vor.u32 s10, v8;
	v42 =	vld.idx.msk [tilespmem:v45+s20+$0x0], $0xffff  }
0x60b: {  	v45 =	vor.u32 $0x180, v40;
	_ =	sdelay $0x4  }
0x60c: {  	[tilespmem:v44+s21+$0x0] =	vst.idx.msk $0xffff, v42  }
0x60d: {  	v44 =	vor.u32 s10, v9;
	v42 =	vld.idx.msk [tilespmem:v45+s20+$0x0], $0xffff  }
0x60e: {  	v45 =	vor.u32 $0x200, v40;
	_ =	sdelay $0x4  }
0x60f: {  	[tilespmem:v44+s21+$0x0] =	vst.idx.msk $0xffff, v42  }
0x610: {  	v44 =	vor.u32 s10, v10;
	v42 =	vld.idx.msk [tilespmem:v45+s20+$0x0], $0xffff  }
0x611: {  	v45 =	vor.u32 $0x280, v40;
	_ =	sdelay $0x4  }
0x612: {  	[tilespmem:v44+s21+$0x0] =	vst.idx.msk $0xffff, v42  }
0x613: {  	v44 =	vor.u32 s10, v11;
	v42 =	vld.idx.msk [tilespmem:v45+s20+$0x0], $0xffff  }
0x614: {  	v45 =	vor.u32 $0x300, v40;
	_ =	sdelay $0x4  }
0x615: {  	[tilespmem:v44+s21+$0x0] =	vst.idx.msk $0xffff, v42  }
0x616: {  	v41 =	vor.u32 v41, v43;
	v44 =	vor.u32 s10, v12;
	v42 =	vld.idx.msk [tilespmem:v45+s20+$0x0], $0xffff  }
0x617: {  	v43 =	vor.u32 $0x380, v41;
	_ =	sdelay $0x4  }
0x618: {  	[tilespmem:v44+s21+$0x0] =	vst.idx.msk $0xffff, v42  }
0x619: {  	v42 =	vld.idx.msk [tilespmem:v43+s20+$0x0], $0xffff;
	v43 =	vor.u32 s10, v13  }
0x61a: {  	v44 =	vor.u32 $0x2000, v40;
	_ =	sdelay $0x4  }
0x61b: {  	[tilespmem:v43+s21+$0x0] =	vst.idx.msk $0xffff, v42  }
0x61c: {  	v43 =	vor.u32 s10, v14;
	v42 =	vld.idx.msk [tilespmem:v44+s20+$0x0], $0xffff  }
0x61d: {  	v44 =	vor.u32 $0x2080, v40;
	_ =	sdelay $0x4  }
0x61e: {  	[tilespmem:v43+s21+$0x0] =	vst.idx.msk $0xffff, v42  }
0x61f: {  	v43 =	vor.u32 s10, v15;
	v42 =	vld.idx.msk [tilespmem:v44+s20+$0x0], $0xffff  }
0x620: {  	v44 =	vor.u32 $0x2100, v40;
	_ =	sdelay $0x4  }
0x621: {  	[tilespmem:v43+s21+$0x0] =	vst.idx.msk $0xffff, v42  }
0x622: {  	v43 =	vor.u32 s10, v16;
	v42 =	vld.idx.msk [tilespmem:v44+s20+$0x0], $0xffff  }
0x623: {  	v44 =	vor.u32 $0x2180, v40;
	_ =	sdelay $0x4  }
0x624: {  	[tilespmem:v43+s21+$0x0] =	vst.idx.msk $0xffff, v42  }
0x625: {  	v43 =	vor.u32 s10, v17;
	v42 =	vld.idx.msk [tilespmem:v44+s20+$0x0], $0xffff  }
0x626: {  	v44 =	vor.u32 $0x2200, v40;
	_ =	sdelay $0x4  }
0x627: {  	[tilespmem:v43+s21+$0x0] =	vst.idx.msk $0xffff, v42  }
0x628: {  	v43 =	vor.u32 s10, v18;
	v42 =	vld.idx.msk [tilespmem:v44+s20+$0x0], $0xffff  }
0x629: {  	v44 =	vor.u32 $0x2280, v40;
	_ =	sdelay $0x4  }
0x62a: {  	[tilespmem:v43+s21+$0x0] =	vst.idx.msk $0xffff, v42  }
0x62b: {  	v43 =	vor.u32 s10, v19;
	v42 =	vld.idx.msk [tilespmem:v44+s20+$0x0], $0xffff  }
0x62c: {  	v44 =	vor.u32 $0x2300, v40;
	_ =	sdelay $0x4  }
0x62d: {  	[tilespmem:v43+s21+$0x0] =	vst.idx.msk $0xffff, v42  }
0x62e: {  	v43 =	vor.u32 s10, v20;
	v42 =	vld.idx.msk [tilespmem:v44+s20+$0x0], $0xffff  }
0x62f: {  	v44 =	vor.u32 $0x2380, v41;
	_ =	sdelay $0x4  }
0x630: {  	[tilespmem:v43+s21+$0x0] =	vst.idx.msk $0xffff, v42  }
0x631: {  	v43 =	vor.u32 s10, v21;
	v42 =	vld.idx.msk [tilespmem:v44+s20+$0x0], $0xffff  }
0x632: {  	v44 =	vor.u32 $0x4000, v40;
	_ =	sdelay $0x4  }
0x633: {  	[tilespmem:v43+s21+$0x0] =	vst.idx.msk $0xffff, v42  }
0x634: {  	v43 =	vor.u32 s10, v22;
	v42 =	vld.idx.msk [tilespmem:v44+s20+$0x0], $0xffff  }
0x635: {  	v44 =	vor.u32 $0x4080, v40;
	_ =	sdelay $0x4  }
0x636: {  	[tilespmem:v43+s21+$0x0] =	vst.idx.msk $0xffff, v42  }
0x637: {  	v43 =	vor.u32 s10, v23;
	v42 =	vld.idx.msk [tilespmem:v44+s20+$0x0], $0xffff  }
0x638: {  	v44 =	vor.u32 $0x4100, v40;
	_ =	sdelay $0x4  }
0x639: {  	[tilespmem:v43+s21+$0x0] =	vst.idx.msk $0xffff, v42  }
0x63a: {  	v43 =	vor.u32 s10, v24;
	v42 =	vld.idx.msk [tilespmem:v44+s20+$0x0], $0xffff  }
0x63b: {  	v44 =	vor.u32 $0x4180, v40;
	_ =	sdelay $0x4  }
0x63c: {  	[tilespmem:v43+s21+$0x0] =	vst.idx.msk $0xffff, v42  }
0x63d: {  	v43 =	vor.u32 s10, v25;
	v42 =	vld.idx.msk [tilespmem:v44+s20+$0x0], $0xffff  }
0x63e: {  	v44 =	vor.u32 $0x4200, v40;
	_ =	sdelay $0x4  }
0x63f: {  	[tilespmem:v43+s21+$0x0] =	vst.idx.msk $0xffff, v42  }
0x640: {  	v43 =	vor.u32 s10, v26;
	v42 =	vld.idx.msk [tilespmem:v44+s20+$0x0], $0xffff  }
0x641: {  	v44 =	vor.u32 $0x4280, v40;
	_ =	sdelay $0x4  }
0x642: {  	[tilespmem:v43+s21+$0x0] =	vst.idx.msk $0xffff, v42  }
0x643: {  	v43 =	vor.u32 s10, v27;
	v42 =	vld.idx.msk [tilespmem:v44+s20+$0x0], $0xffff  }
0x644: {  	v44 =	vor.u32 $0x4300, v40;
	_ =	sdelay $0x4  }
0x645: {  	[tilespmem:v43+s21+$0x0] =	vst.idx.msk $0xffff, v42  }
0x646: {  	v43 =	vor.u32 s10, v28;
	v42 =	vld.idx.msk [tilespmem:v44+s20+$0x0], $0xffff  }
0x647: {  	v44 =	vor.u32 $0x4380, v41;
	_ =	sdelay $0x4  }
0x648: {  	[tilespmem:v43+s21+$0x0] =	vst.idx.msk $0xffff, v42  }
0x649: {  	v43 =	vor.u32 s10, v29;
	v42 =	vld.idx.msk [tilespmem:v44+s20+$0x0], $0xffff  }
0x64a: {  	v44 =	vor.u32 $0x6000, v40;
	_ =	sdelay $0x4  }
0x64b: {  	[tilespmem:v43+s21+$0x0] =	vst.idx.msk $0xffff, v42  }
0x64c: {  	v43 =	vor.u32 s10, v30;
	v42 =	vld.idx.msk [tilespmem:v44+s20+$0x0], $0xffff  }
0x64d: {  	v44 =	vor.u32 $0x6080, v40;
	_ =	sdelay $0x4  }
0x64e: {  	[tilespmem:v43+s21+$0x0] =	vst.idx.msk $0xffff, v42  }
0x64f: {  	v43 =	vor.u32 s10, v31;
	v42 =	vld.idx.msk [tilespmem:v44+s20+$0x0], $0xffff  }
0x650: {  	v44 =	vor.u32 $0x6100, v40;
	_ =	sdelay $0x4  }
0x651: {  	[tilespmem:v43+s21+$0x0] =	vst.idx.msk $0xffff, v42  }
0x652: {  	v43 =	vor.u32 s10, v32;
	v42 =	vld.idx.msk [tilespmem:v44+s20+$0x0], $0xffff  }
0x653: {  	v44 =	vor.u32 $0x6180, v40;
	_ =	sdelay $0x4  }
0x654: {  	[tilespmem:v43+s21+$0x0] =	vst.idx.msk $0xffff, v42  }
0x655: {  	v43 =	vor.u32 s10, v33;
	v42 =	vld.idx.msk [tilespmem:v44+s20+$0x0], $0xffff  }
0x656: {  	v44 =	vor.u32 $0x6200, v40;
	_ =	sdelay $0x4  }
0x657: {  	[tilespmem:v43+s21+$0x0] =	vst.idx.msk $0xffff, v42  }
0x658: {  	v43 =	vor.u32 s10, v34;
	v42 =	vld.idx.msk [tilespmem:v44+s20+$0x0], $0xffff  }
0x659: {  	v44 =	vor.u32 $0x6280, v40;
	_ =	sdelay $0x4  }
0x65a: {  	[tilespmem:v43+s21+$0x0] =	vst.idx.msk $0xffff, v42  }
0x65b: {  	v43 =	vor.u32 s10, v35;
	v42 =	vld.idx.msk [tilespmem:v44+s20+$0x0], $0xffff  }
0x65c: {  	v40 =	vor.u32 $0x6300, v40;
	_ =	sdelay $0x4  }
0x65d: {  	[tilespmem:v43+s21+$0x0] =	vst.idx.msk $0xffff, v42  }
0x65e: {  	v42 =	vor.u32 s10, v36;
	v40 =	vld.idx.msk [tilespmem:v40+s20+$0x0], $0xffff  }
0x65f: {  	v41 =	vor.u32 $0x6380, v41;
	_ =	sdelay $0x1  }
0x660: {  	s13 =	smulhi.u32 $0x2AAAAAAB, s25;
	s14 =	sshra.s32 s25, $0x1F  }
0x661: {  	s14 =	smul.u32 $0x2AAAAAAB, s14;
	_ =	sdelay $0x1  }
0x662: {  	s13 =	sadd.s32 s14, s13;
	[tilespmem:v42+s21+$0x0] =	vst.idx.msk $0xffff, v40  }
0x663: {  	s14 =	sshrl.u32 s13, $0x1F;
	v40 =	vld.idx.msk [tilespmem:v41+s20+$0x0], $0xffff;
	v41 =	vor.u32 s10, v37  }
.Ltmp52:
0x664: {  	s10 =	sadd.s32 s14, s13;
	(pc) =	sbr.rel @p3 .LBB2_64-.Ltmp52, $3  }
0x665: {  	s10 =	smul.u32 $0x6, s10;
	_ =	sdelay $0x1  }
0x666: {  	s29 =	sadd.s32 $0x10, s29;
	s10 =	ssub.s32 s25, s10;
	s25 =	sadd.s32 $0x1, s25  }
0x667: {  	s13 =	sadd.s32 $0x1, s3;
	p4 =	slt.s32 s10, $0x0;
	s16 =	sadd.s32 $0x6, s10  }
.LBB2_65:
0x668: {  	_ =	sdelay $0x3  }
0x669: {  	s10 =	smov.u32 @p4 s16;
	[tilespmem:v41+s21+$0x0] =	vst.idx.msk @p2 $0xffff, v40  }
0x66a: {  	s0 =	sadd.s32 @p2 $0x1F180, s6;
	s1 =	sadd.s32 @p2 $0x1C180, s1;
	s3 =	sadd.s32 @!p1 $0x1, s10;
	[tilespmem:s6+$0x1F180] =	vst @p2 v39  }
0x66b: {  	[hbm4b:s9+s22] =	stream.indirect.scatter @p2 [tilespmem:s1], [sflag:s13], $0x80, s0, s22, $0xb8;
	[tilespmem:$0x1F580] =	vst v63  }
0x66c: {  	_ =	swait.ge @!p1 [sflag:s3], $0x800  }
0x66d: {  	[sflag:s3] =	ssyncset.done @!p1 $0x0  }
0x66e: {  	[sflag:s3] =	ssyncadd.s32 @!p1 $0xFFFFF800  }
0x66f: {  	v39 =	vld [tilespmem:s29+$0x0];
	_ =	sdelay $0x7  }
0x670: {  	v57 =	vld.idx.msk [tilespmem:v39+s7+$0x0], $0xffff;
	_ =	sdelay $0x4  }
0x671: {  	v38 =	vsub.s32 v57, v38  }
0x672: {  	vm0 =	vgt.s32 v38, $0x0  }
0x673: {  	v38 =	vnsel vm0, $0x0, v38  }
0x674: {  	v38 =	vmin.u32 v38, $0x3FF  }
0x675: {  	v58 =	vshll.u32 v38, $0x3  }
0x676: {  	v59 =	vand.u32 $0x7F, v38;
	v40 =	vand.u32 $0x1C00, v58  }
0x677: {  	v41 =	vor.u32 v59, v40;
	_ =	sdelay $0x3  }
0x678: {  	s16 =	sshll.u32 s10, $0xB  }
0x679: {  	v43 =	vor.u32 s16, v1;
	v42 =	vld.idx.msk [tilespmem:v41+s20+$0x0], $0xffff  }
0x67a: {  	v44 =	vor.u32 $0x80, v41;
	_ =	sdelay $0x3  }
0x67b: {  	[tilespmem:v43+s21+$0x0] =	vst.idx.msk $0xffff, v42  }
0x67c: {  	v60 =	vor.u32 s16, v7;
	v42 =	vld.idx.msk [tilespmem:v44+s20+$0x0], $0xffff  }
0x67d: {  	v61 =	vor.u32 $0x100, v41;
	_ =	sdelay $0x3  }
0x67e: {  	[tilespmem:v60+s21+$0x0] =	vst.idx.msk $0xffff, v42  }
0x67f: {  	v62 =	vor.u32 s16, v8;
	v42 =	vld.idx.msk [tilespmem:v61+s20+$0x0], $0xffff  }
0x680: {  	v63 =	vor.u32 $0x180, v41;
	_ =	sdelay $0x3  }
0x681: {  	[tilespmem:v62+s21+$0x0] =	vst.idx.msk $0xffff, v42  }
0x682: {  	v48 =	vor.u32 s16, v9;
	v42 =	vld.idx.msk [tilespmem:v63+s20+$0x0], $0xffff  }
0x683: {  	v49 =	vor.u32 $0x200, v41;
	_ =	sdelay $0x3  }
0x684: {  	[tilespmem:v48+s21+$0x0] =	vst.idx.msk $0xffff, v42  }
0x685: {  	v50 =	vor.u32 s16, v10;
	v42 =	vld.idx.msk [tilespmem:v49+s20+$0x0], $0xffff  }
0x686: {  	v51 =	vor.u32 $0x280, v41;
	_ =	sdelay $0x3  }
0x687: {  	[tilespmem:v50+s21+$0x0] =	vst.idx.msk $0xffff, v42  }
0x688: {  	v52 =	vor.u32 s16, v11;
	v42 =	vld.idx.msk [tilespmem:v51+s20+$0x0], $0xffff  }
0x689: {  	v53 =	vor.u32 $0x300, v41;
	_ =	sdelay $0x3  }
0x68a: {  	[tilespmem:v52+s21+$0x0] =	vst.idx.msk $0xffff, v42  }
0x68b: {  	v54 =	vor.u32 s16, v12;
	v38 =	vor.u32 v38, v40;
	v42 =	vld.idx.msk [tilespmem:v53+s20+$0x0], $0xffff  }
0x68c: {  	v40 =	vor.u32 $0x380, v38;
	_ =	sdelay $0x3  }
0x68d: {  	[tilespmem:v54+s21+$0x0] =	vst.idx.msk $0xffff, v42  }
0x68e: {  	v55 =	vor.u32 s16, v13;
	v40 =	vld.idx.msk [tilespmem:v40+s20+$0x0], $0xffff  }
0x68f: {  	v56 =	vor.u32 $0x2000, v41;
	_ =	sdelay $0x3  }
0x690: {  	[tilespmem:v55+s21+$0x0] =	vst.idx.msk $0xffff, v40  }
0x691: {  	v57 =	vor.u32 s16, v14;
	v40 =	vld.idx.msk [tilespmem:v56+s20+$0x0], $0xffff  }
0x692: {  	v58 =	vor.u32 $0x2080, v41;
	_ =	sdelay $0x3  }
0x693: {  	[tilespmem:v57+s21+$0x0] =	vst.idx.msk $0xffff, v40  }
0x694: {  	v59 =	vor.u32 s16, v15;
	v40 =	vld.idx.msk [tilespmem:v58+s20+$0x0], $0xffff  }
0x695: {  	v60 =	vor.u32 $0x2100, v41;
	_ =	sdelay $0x3  }
0x696: {  	[tilespmem:v59+s21+$0x0] =	vst.idx.msk $0xffff, v40  }
0x697: {  	v61 =	vor.u32 s16, v16;
	v40 =	vld.idx.msk [tilespmem:v60+s20+$0x0], $0xffff  }
0x698: {  	v62 =	vor.u32 $0x2180, v41;
	_ =	sdelay $0x3  }
0x699: {  	[tilespmem:v61+s21+$0x0] =	vst.idx.msk $0xffff, v40  }
0x69a: {  	v63 =	vor.u32 s16, v17;
	v40 =	vld.idx.msk [tilespmem:v62+s20+$0x0], $0xffff  }
0x69b: {  	v45 =	vor.u32 $0x2200, v41;
	_ =	sdelay $0x3  }
0x69c: {  	[tilespmem:v63+s21+$0x0] =	vst.idx.msk $0xffff, v40  }
0x69d: {  	v46 =	vor.u32 s16, v18;
	v40 =	vld.idx.msk [tilespmem:v45+s20+$0x0], $0xffff  }
0x69e: {  	v47 =	vor.u32 $0x2280, v41;
	_ =	sdelay $0x3  }
0x69f: {  	[tilespmem:v46+s21+$0x0] =	vst.idx.msk $0xffff, v40  }
0x6a0: {  	v48 =	vor.u32 s16, v19;
	v40 =	vld.idx.msk [tilespmem:v47+s20+$0x0], $0xffff  }
0x6a1: {  	v49 =	vor.u32 $0x2300, v41;
	_ =	sdelay $0x3  }
0x6a2: {  	[tilespmem:v48+s21+$0x0] =	vst.idx.msk $0xffff, v40  }
0x6a3: {  	v50 =	vor.u32 s16, v20;
	v40 =	vld.idx.msk [tilespmem:v49+s20+$0x0], $0xffff  }
0x6a4: {  	v51 =	vor.u32 $0x2380, v38;
	_ =	sdelay $0x3  }
0x6a5: {  	[tilespmem:v50+s21+$0x0] =	vst.idx.msk $0xffff, v40  }
0x6a6: {  	v52 =	vor.u32 s16, v21;
	v40 =	vld.idx.msk [tilespmem:v51+s20+$0x0], $0xffff  }
0x6a7: {  	v53 =	vor.u32 $0x4000, v41;
	_ =	sdelay $0x3  }
0x6a8: {  	[tilespmem:v52+s21+$0x0] =	vst.idx.msk $0xffff, v40  }
0x6a9: {  	v54 =	vor.u32 s16, v22;
	v40 =	vld.idx.msk [tilespmem:v53+s20+$0x0], $0xffff  }
0x6aa: {  	v55 =	vor.u32 $0x4080, v41;
	_ =	sdelay $0x3  }
0x6ab: {  	[tilespmem:v54+s21+$0x0] =	vst.idx.msk $0xffff, v40  }
0x6ac: {  	v56 =	vor.u32 s16, v23;
	v40 =	vld.idx.msk [tilespmem:v55+s20+$0x0], $0xffff  }
0x6ad: {  	v57 =	vor.u32 $0x4100, v41;
	_ =	sdelay $0x3  }
0x6ae: {  	[tilespmem:v56+s21+$0x0] =	vst.idx.msk $0xffff, v40  }
0x6af: {  	v58 =	vor.u32 s16, v24;
	v40 =	vld.idx.msk [tilespmem:v57+s20+$0x0], $0xffff  }
0x6b0: {  	v59 =	vor.u32 $0x4180, v41;
	_ =	sdelay $0x3  }
0x6b1: {  	[tilespmem:v58+s21+$0x0] =	vst.idx.msk $0xffff, v40  }
0x6b2: {  	v60 =	vor.u32 s16, v25;
	v40 =	vld.idx.msk [tilespmem:v59+s20+$0x0], $0xffff  }
0x6b3: {  	v61 =	vor.u32 $0x4200, v41;
	_ =	sdelay $0x3  }
0x6b4: {  	[tilespmem:v60+s21+$0x0] =	vst.idx.msk $0xffff, v40  }
0x6b5: {  	v62 =	vor.u32 s16, v26;
	v40 =	vld.idx.msk [tilespmem:v61+s20+$0x0], $0xffff  }
0x6b6: {  	v63 =	vor.u32 $0x4280, v41;
	_ =	sdelay $0x3  }
0x6b7: {  	[tilespmem:v62+s21+$0x0] =	vst.idx.msk $0xffff, v40  }
0x6b8: {  	v45 =	vor.u32 s16, v27;
	v40 =	vld.idx.msk [tilespmem:v63+s20+$0x0], $0xffff  }
0x6b9: {  	v46 =	vor.u32 $0x4300, v41;
	_ =	sdelay $0x3  }
0x6ba: {  	[tilespmem:v45+s21+$0x0] =	vst.idx.msk $0xffff, v40  }
0x6bb: {  	v47 =	vor.u32 s16, v28;
	v40 =	vld.idx.msk [tilespmem:v46+s20+$0x0], $0xffff  }
0x6bc: {  	v48 =	vor.u32 $0x4380, v38;
	_ =	sdelay $0x3  }
0x6bd: {  	[tilespmem:v47+s21+$0x0] =	vst.idx.msk $0xffff, v40  }
0x6be: {  	v49 =	vor.u32 s16, v29;
	v40 =	vld.idx.msk [tilespmem:v48+s20+$0x0], $0xffff  }
0x6bf: {  	v50 =	vor.u32 $0x6000, v41;
	_ =	sdelay $0x3  }
0x6c0: {  	[tilespmem:v49+s21+$0x0] =	vst.idx.msk $0xffff, v40  }
0x6c1: {  	v51 =	vor.u32 s16, v30;
	v40 =	vld.idx.msk [tilespmem:v50+s20+$0x0], $0xffff  }
0x6c2: {  	v52 =	vor.u32 $0x6080, v41;
	_ =	sdelay $0x3  }
0x6c3: {  	[tilespmem:v51+s21+$0x0] =	vst.idx.msk $0xffff, v40  }
0x6c4: {  	v53 =	vor.u32 s16, v31;
	v40 =	vld.idx.msk [tilespmem:v52+s20+$0x0], $0xffff  }
0x6c5: {  	v54 =	vor.u32 $0x6100, v41;
	_ =	sdelay $0x3  }
0x6c6: {  	[tilespmem:v53+s21+$0x0] =	vst.idx.msk $0xffff, v40  }
0x6c7: {  	v55 =	vor.u32 s16, v32;
	v40 =	vld.idx.msk [tilespmem:v54+s20+$0x0], $0xffff  }
0x6c8: {  	v56 =	vor.u32 $0x6180, v41;
	_ =	sdelay $0x3  }
0x6c9: {  	[tilespmem:v55+s21+$0x0] =	vst.idx.msk $0xffff, v40  }
0x6ca: {  	v57 =	vor.u32 s16, v33;
	v40 =	vld.idx.msk [tilespmem:v56+s20+$0x0], $0xffff  }
0x6cb: {  	v58 =	vor.u32 $0x6200, v41;
	_ =	sdelay $0x3  }
0x6cc: {  	[tilespmem:v57+s21+$0x0] =	vst.idx.msk $0xffff, v40  }
0x6cd: {  	v59 =	vor.u32 s16, v34;
	v40 =	vld.idx.msk [tilespmem:v58+s20+$0x0], $0xffff  }
0x6ce: {  	v60 =	vor.u32 $0x6280, v41;
	_ =	sdelay $0x3  }
0x6cf: {  	[tilespmem:v59+s21+$0x0] =	vst.idx.msk $0xffff, v40  }
0x6d0: {  	v61 =	vor.u32 s16, v35;
	v40 =	vld.idx.msk [tilespmem:v60+s20+$0x0], $0xffff  }
0x6d1: {  	v41 =	vor.u32 $0x6300, v41;
	_ =	sdelay $0x3  }
0x6d2: {  	[tilespmem:v61+s21+$0x0] =	vst.idx.msk $0xffff, v40  }
0x6d3: {  	v62 =	vor.u32 s16, v36;
	v40 =	vld.idx.msk [tilespmem:v41+s20+$0x0], $0xffff  }
0x6d4: {  	v38 =	vor.u32 $0x6380, v38;
	_ =	sdelay $0x3  }
0x6d5: {  	[tilespmem:v62+s21+$0x0] =	vst.idx.msk $0xffff, v40  }
0x6d6: {  	v63 =	vor.u32 s16, v37;
	v38 =	vld.idx.msk [tilespmem:v38+s20+$0x0], $0xffff;
	_ =	sdelay $0x2  }
.Ltmp53:
0x6d7: {  	_ = 	snop;
	(pc) =	sbr.rel .LBB2_66-.Ltmp53, $4  }
0x6d8: {  	s24 =	sshll.u32 s10, $0x9;
	s29 =	sshll.u32 s10, $0xD  }
0x6d9: {  	s0 =	sshra.s32 s24, $0x2;
	s1 =	sshra.s32 s29, $0x2;
	[tilespmem:v63+s21+$0x0] =	vst.idx.msk $0xffff, v38  }
0x6da: {  	s30 =	sadd.s32 $0x1, s10;
	s31 =	sadd.s32 $0x1F180, s0;
	s1 =	sadd.s32 $0x1C180, s1;
	[tilespmem:s0+$0x1F180] =	vst v39  }
0x6db: {  	[hbm4b:s9+s22] =	stream.indirect.scatter [tilespmem:s1], [sflag:s30], $0x80, s31, s22, $0xb8;
	[tilespmem:$0x1F580] =	vst v63  }
.LBB2_43:
.Ltmp54:
0x6dc: {  	(pc) =	sbr.rel .LBB2_47-.Ltmp54, $2  }
0x6dd: {  	_ =	sdelay $0x2  }
0x6de: {  	s1 =	simm.s32 $0x0  }
.LBB2_56:
.Ltmp55:
0x6df: {  	(pc) =	sbr.rel .LBB2_60-.Ltmp55, $2  }
0x6e0: {  	_ =	sdelay $0x2  }
0x6e1: {  	s1 =	simm.s32 $0x0  }
.LBB2_45:
.Ltmp56:
0x6e2: {  	(pc) =	sbr.rel .LBB2_47-.Ltmp56, $2  }
0x6e3: {  	_ =	sdelay $0x2  }
0x6e4: {  	s1 =	simm.s32 $0x0  }
.LBB2_58:
.Ltmp57:
0x6e5: {  	(pc) =	sbr.rel .LBB2_60-.Ltmp57, $2  }
0x6e6: {  	_ =	sdelay $0x2  }
0x6e7: {  	s1 =	simm.s32 $0x0  }
.LBB2_49:
.Ltmp58:
0x6e8: {  	(pc) =	sbr.rel .LBB2_52-.Ltmp58, $2  }
0x6e9: {  	_ =	sdelay $0x2  }
0x6ea: {  	_ = 	snop  }
.LBB2_62:
.Ltmp59:
0x6eb: {  	(pc) =	sbr.rel .LBB2_65-.Ltmp59, $2  }
0x6ec: {  	_ =	sdelay $0x2  }
0x6ed: {  	_ = 	snop  }
.LBB2_67:
0x6ee: {  	p0 =	slt.s32 s25, $0x1  }
.Ltmp60:
0x6ef: {  	_ = 	snop;
	(pc) =	sbr.rel @p0 .LBB2_71-.Ltmp60, $2  }
0x6f0: {  	_ =	sdelay $0x2  }
0x6f1: {  	s1 =	rddreg [dreg:$0x9]  }
0x6f2: {  	p0 =	slt.s32 s25, $0x6  }
0x6f3: {  	s25 =	simm.s32 @!p0 $0x6  }
0x6f4: {  	p0 =	sne.s32 s25, $0x1  }
.Ltmp61:
0x6f5: {  	_ = 	snop;
	(pc) =	sbr.rel @!p0 .LBB2_70-.Ltmp61, $4  }
0x6f6: {  	_ = 	snop  }
0x6f7: {  	s0 =	simm.s32 $0x1  }
0x6f8: {  	_ =	swait.ge [sflag:s0], $0x800  }
0x6f9: {  	s1 =	sadd.s32 $0xFFFFFFFF, s25;
	[sflag:s0] =	ssyncset.done $0x0  }
.LBB2_69:
0x6fa: {  	p0 =	sne.s32 s1, $0x1;
	[sflag:s0] =	ssyncadd.s32 $0xFFFFF800;
	s0 =	sadd.s32 $0x1, s0  }
.Ltmp62:
0x6fb: {  	s1 =	sadd.s32 $0xFFFFFFFF, s1;
	(pc) =	sbr.rel @p0 .LBB2_69-.Ltmp62, $3  }
0x6fc: {  	_ =	sdelay $0x1  }
0x6fd: {  	_ =	swait.ge [sflag:s0], $0x800  }
0x6fe: {  	[sflag:s0] =	ssyncset.done $0x0  }
.Ltmp63:
0x6ff: {  	_ = 	snop;
	(pc) =	sbr.rel .LBB2_70-.Ltmp63, $1  }
0x700: {  	_ =	sdelay $0x3  }
.LBB2_72:
0x701: {  	_ =	sfence.sel $0x180000  }
0x702: {  	[bflag:$0x0] =	sbarrier.arrive $0xFFFF  }
0x703: {  	_ =	strace $0x90000047  }
0x704: {  	s0 =	stileid.u32;
	[bflag:$0x2] =	sbarrier.arrive $0xFFFF  }
0x705: {  	p0 =	sne.s32 s0, $0x0;
	s0 =	rddreg [dreg:$0x5]  }
0x706: {  	s0 =	sadd.s32 @!p0 $0x100000, s0  }
0x707: {  	[sflag:s0] =	ssyncadd.tile.s32 @!p0 $0x1;
	_ =	shalt  }
.Lfunc_end2:
_tile_overlayer_lowered:
.L_overlay_start_2:
0x708: {  	(tag) =	ssettag $0x2  }
0x709: {  	s0 =	rddreg [dreg:$0x0];
	s2 =	stileid.u32  }
0x70a: {  	s1 =	rddreg [dreg:$0x1];
	p0 =	sne.s32 s2, $0x0  }
0x70b: {  	s3 =	rddreg [dreg:$0x2];
	[bflag:$0x3] =	sbarrier.arrive $0xFFFF;
	s2 =	simm.s32 @!p0 $0x1C09  }
0x70c: {  	[timem:s3], [sflag:s2] =	dma.local @!p0 [hbm:s0], s1  }
0x70d: {  	s0 =	simm.s32 @!p0 $0x9  }
0x70e: {  	_ =	swait.ge @!p0 [sflag:s0], s1  }
0x70f: {  	s1 =	ssub.s32 @!p0 $0x0, s1;
	[sflag:s0] =	ssyncset.done @!p0 $0x0  }
0x710: {  	[sflag:s0] =	ssyncadd.s32 @!p0 s1  }
0x711: {  	[bflag:$0x3] =	sbarrier.arrive $0xFFFF  }
0x712: {  	_ =	shalt  }

</sc_bundles>
